<compile_context>
chip_gen: v7x
topology: tpu7x:2x2x1
jax: 0.10.2.dev20260603
libtpu: 0.0.44.dev20260713+nightly
codegen_flags: <defaults>
</compile_context>

<pallas_src>
import functools

import jax
import jax.numpy as jnp
from jax import lax
from jax.experimental import pallas as pl
from jax.experimental.pallas import tpu as pltpu
from jax.experimental.pallas import tpu_sc as plsc

N = 10000
E = 320000
F = 8
P = 16
EP = E // P
NP = N // P
NC, NS = 2, 16
NW = NC * NS
EPW = E // NW
NPS = N // NS

_f32 = jnp.float32


def _sc_mesh():
    return plsc.VectorSubcoreMesh(
        core_axis_name="c", subcore_axis_name="s",
        num_cores=NC, num_subcores=NS)



def _gather_common(x_hbm, ei_hbm, hd_out, hs_out, idx_v, rows_v, nbuf_v,
                   x_sh, sem):
    c = lax.axis_index("c")
    s = lax.axis_index("s")
    wid = s * NC + c
    base = wid * EPW
    pltpu.sync_copy(x_hbm.at[pl.ds(s * NPS, NPS)], nbuf_v)
    pltpu.sync_copy(nbuf_v, x_sh.at[pl.ds(s * NPS, NPS)])
    plsc.subcore_barrier()
    pltpu.sync_copy(ei_hbm.at[pl.ds(E + base, EPW)], idx_v)
    pltpu.async_copy(x_sh.at[idx_v], rows_v, sem).wait()
    pltpu.sync_copy(rows_v, hd_out.at[pl.ds(base, EPW)])
    pltpu.sync_copy(ei_hbm.at[pl.ds(base, EPW)], idx_v)
    pltpu.async_copy(x_sh.at[idx_v], rows_v, sem).wait()
    pltpu.sync_copy(rows_v, hs_out.at[pl.ds(base, EPW)])


def _gather_body(x_hbm, ei_hbm, hd_out, hs_out, idx_v, rows_v, nbuf_v,
                 x_sh, sem):
    _gather_common(x_hbm, ei_hbm, hd_out, hs_out, idx_v, rows_v, nbuf_v,
                   x_sh, sem)


_GATHER_SCRATCH = [
    pltpu.VMEM((EPW,), jnp.int32),
    pltpu.VMEM((EPW, F), _f32),
    pltpu.VMEM((NPS, F), _f32),
    pltpu.VMEM_SHARED((N, F), _f32),
    pltpu.SemaphoreType.DMA,
]


def _sc_gather(x8, ei_flat):
    return pl.kernel(
        _gather_body,
        out_type=(jax.ShapeDtypeStruct((E, F), _f32),
                  jax.ShapeDtypeStruct((E, F), _f32)),
        mesh=_sc_mesh(),
        scratch_types=_GATHER_SCRATCH,
        compiler_params=pltpu.CompilerParams(use_tc_tiling_on_sc=False),
    )(x8, ei_flat)


def _scatter_body(m_hbm, ei_hbm, zeros_hbm, out_hbm,
                  idx_v, vals_v, zbuf_v, agg_sh):
    c = lax.axis_index("c")
    s = lax.axis_index("s")
    wid = s * NC + c
    pltpu.sync_copy(zeros_hbm.at[pl.ds(s * NPS, NPS)], zbuf_v)
    pltpu.sync_copy(zbuf_v, agg_sh.at[pl.ds(s * NPS, NPS)])
    plsc.subcore_barrier()
    base = wid * EPW
    pltpu.sync_copy(ei_hbm.at[pl.ds(E + base, EPW)], idx_v)
    pltpu.sync_copy(m_hbm.at[pl.ds(base, EPW)], vals_v)
    pltpu.sync_copy(vals_v, agg_sh.at[idx_v], add=True)
    plsc.subcore_barrier()
    pltpu.sync_copy(agg_sh.at[pl.ds(s * NPS, NPS)],
                    out_hbm.at[c, pl.ds(s * NPS, NPS)])


def _sc_scatter(m, ei_flat, zeros_n):
    return pl.kernel(
        _scatter_body,
        out_type=jax.ShapeDtypeStruct((NC, N, F), _f32),
        mesh=_sc_mesh(),
        scratch_types=[
            pltpu.VMEM((EPW,), jnp.int32),
            pltpu.VMEM((EPW, F), _f32),
            pltpu.VMEM((NPS, F), _f32),
            pltpu.VMEM_SHARED((N, F), _f32),
        ],
        compiler_params=pltpu.CompilerParams(use_tc_tiling_on_sc=False),
    )(m, ei_flat, zeros_n)



def _mlp_body(nin, sigmoid_out, *refs):
    ins = refs[:nin]
    w1, b1, w2, b2, out = refs[nin:nin + 5]
    bf = jnp.bfloat16
    xcat = jnp.concatenate([r[...].astype(bf) for r in ins], axis=1)
    acc = jnp.dot(xcat, w1[...], preferred_element_type=_f32).astype(bf)
    h = jnp.maximum(acc + b1[...].astype(bf), jnp.array(0.0, bf))
    o = jnp.dot(h, w2[...], preferred_element_type=_f32) + b2[...]
    out[...] = jax.nn.sigmoid(o) if sigmoid_out else o


def _packed_mlp(ins, w1s, b1, w2, b2, sigmoid_out=False, block=2000):
    nrows = ins[0].shape[0]
    nin = len(ins)
    w1 = jnp.concatenate(w1s, axis=0).astype(jnp.bfloat16)
    w2 = w2.astype(jnp.bfloat16)
    in_specs = [pl.BlockSpec((block, a.shape[1]), lambda i: (i, 0))
                for a in ins]
    in_specs += [pl.BlockSpec(w.shape, lambda i: (0, 0))
                 for w in (w1, b1, w2, b2)]
    dout = w2.shape[1]
    return pl.pallas_call(
        functools.partial(_mlp_body, nin, sigmoid_out),
        grid=(nrows // block,),
        in_specs=in_specs,
        out_specs=pl.BlockSpec((block, dout), lambda i: (i, 0)),
        out_shape=jax.ShapeDtypeStruct((nrows, dout), _f32),
    )(*ins, w1, b1, w2, b2)


def _enc_body(x_ref, w_ref, b_ref, out_ref):
    out_ref[...] = (jnp.dot(x_ref[...], w_ref[...],
                            preferred_element_type=_f32) + b_ref[...])


def _encoder(x_g, w, b, block=NP):
    return pl.pallas_call(
        _enc_body,
        grid=(NP // block,),
        in_specs=[
            pl.BlockSpec((block, x_g.shape[1]), lambda i: (i, 0)),
            pl.BlockSpec(w.shape, lambda i: (0, 0)),
            pl.BlockSpec(b.shape, lambda i: (0, 0)),
        ],
        out_specs=pl.BlockSpec((block, 128), lambda i: (i, 0)),
        out_shape=jax.ShapeDtypeStruct((NP, 128), _f32),
    )(x_g, w, b)


def _node_mlp_body(x_ref, agg_ref, hb_ref, w1x, w1a, b1, w2, b2, out_ref):
    a = agg_ref[0] + agg_ref[1]
    acc = jnp.dot(x_ref[...], w1x[...], preferred_element_type=_f32)
    acc = acc + jnp.dot(a, w1a[...], preferred_element_type=_f32)
    h = jnp.maximum(acc + b1[...], 0.0)
    out_ref[...] = (hb_ref[...]
                    + jnp.dot(h, w2[...], preferred_element_type=_f32)
                    + b2[...])


def _node_mlp(xk_p, agg_p, h_p, w1x, w1a, b1, w2, b2):
    in_specs = [
        pl.BlockSpec((NP, 128), lambda i: (i, 0)),
        pl.BlockSpec((NC, NP, 128), lambda i: (0, i, 0)),
        pl.BlockSpec((NP, 128), lambda i: (i, 0)),
    ]
    in_specs += [pl.BlockSpec(w.shape, lambda i: (0, 0))
                 for w in (w1x, w1a, b1, w2, b2)]
    return pl.pallas_call(
        _node_mlp_body,
        grid=(1,),
        in_specs=in_specs,
        out_specs=pl.BlockSpec((NP, 128), lambda i: (i, 0)),
        out_shape=jax.ShapeDtypeStruct((NP, 128), _f32),
    )(xk_p, agg_p, h_p, w1x, w1a, b1, w2, b2)


def _final_body(x_ref, bw1, bb1, bw2, bb2, xw1, xb1, xw2, xb2,
                beta_ref, hc_ref):
    xv = x_ref[...]
    hb = jnp.maximum(jnp.dot(xv, bw1[...], preferred_element_type=_f32)
                     + bb1[...], 0.0)
    beta_ref[...] = jax.nn.sigmoid(
        jnp.dot(hb, bw2[...], preferred_element_type=_f32) + bb2[...])
    hx = jnp.maximum(jnp.dot(xv, xw1[...], preferred_element_type=_f32)
                     + xb1[...], 0.0)
    hc_ref[...] = jnp.dot(hx, xw2[...], preferred_element_type=_f32) + xb2[...]


def _final(x7_p, weights, dout_hc):
    in_specs = [pl.BlockSpec((NP, 128), lambda i: (i, 0))]
    in_specs += [pl.BlockSpec(w.shape, lambda i: (0, 0)) for w in weights]
    return pl.pallas_call(
        _final_body,
        grid=(1,),
        in_specs=in_specs,
        out_specs=[pl.BlockSpec((NP, P), lambda i: (i, 0)),
                   pl.BlockSpec((NP, dout_hc * P), lambda i: (i, 0))],
        out_shape=[jax.ShapeDtypeStruct((NP, P), _f32),
                   jax.ShapeDtypeStruct((NP, dout_hc * P), _f32)],
    )(x7_p, *weights)



def _pad_rows(w, rows):
    return jnp.pad(w, ((0, rows - w.shape[0]), (0, 0)))


def _bd(w):
    return jnp.kron(jnp.eye(P, dtype=w.dtype), w)


def _btile(b):
    return jnp.tile(b, P)[None, :]


def kernel(x, edge_index, edge_attr, params):
    ei_flat = edge_index.reshape(2 * E)
    zeros_n = jnp.zeros((N, F), _f32)

    x_g = x.reshape(NP, P * x.shape[1])
    enc_w = _bd(jnp.pad(params["enc_W"], ((0, 0), (0, 1))))
    enc_b = _btile(jnp.pad(params["enc_b"], (0, 1)))
    h_p = _encoder(x_g, enc_w, enc_b)

    def layer(p, xk_p, attrs, gathered=None):
        if gathered is None:
            gathered = _sc_gather(xk_p.reshape(N, F), ei_flat)
        hd, hs = gathered
        e_w1 = p["edge"]["W1"]
        ins = [hd.reshape(EP, 128), hs.reshape(EP, 128)]
        segs = [_bd(_pad_rows(e_w1[0:7], F)), _bd(_pad_rows(e_w1[7:14], F))]
        r = 14
        for arr, w in attrs:
            ins.append(arr)
            segs.append(_bd(_pad_rows(e_w1[r:r + w], arr.shape[1] // P)))
            r += w
        m_p = _packed_mlp(ins, segs, _btile(p["edge"]["b1"]),
                          _bd(jnp.pad(p["edge"]["W2"],
                                      ((0, 0), (0, F - p["edge"]["W2"].shape[1])))),
                          _btile(jnp.pad(p["edge"]["b2"],
                                         (0, F - p["edge"]["b2"].shape[0]))))
        agg2 = _sc_scatter(m_p.reshape(E, F), ei_flat, zeros_n)
        n_w1 = p["node"]["W1"]
        eout = p["edge"]["W2"].shape[1]
        xn_p = _node_mlp(
            xk_p, agg2.reshape(NC, NP, 128), h_p,
            _bd(_pad_rows(n_w1[0:7], F)),
            _bd(_pad_rows(n_w1[7:7 + eout], F)),
            _btile(p["node"]["b1"]),
            _bd(jnp.pad(p["node"]["W2"], ((0, 0), (0, 1)))),
            _btile(jnp.pad(p["node"]["b2"], (0, 1))))
        return xn_p, m_p

    attr_planes = [(edge_attr[:, f].reshape(EP, P), 1) for f in range(4)]
    x2_p, e1 = layer(params["in_w1"], h_p, attr_planes)
    x3_p, e2 = layer(params["in_w2"], x2_p, [(e1, 4)])
    x4_p, e3 = layer(params["in_w3"], x3_p, [(e2, 4)])

    w_w1 = params["W"]["W1"]
    ew_p = _packed_mlp(
        [a for a, _ in attr_planes] + [e1, e2, e3],
        [_bd(w_w1[f:f + 1]) for f in range(4)]
        + [_bd(_pad_rows(w_w1[4:8], F)),
           _bd(_pad_rows(w_w1[8:12], F)), _bd(_pad_rows(w_w1[12:16], F))],
        _btile(params["W"]["b1"]), _bd(params["W"]["W2"]),
        _btile(params["W"]["b2"]), sigmoid_out=True)

    x5_p, ec1 = layer(params["in_c1"], x4_p,
                      [(ew_p, 1)] + attr_planes
                      + [(e1, 4), (e2, 4), (e3, 4)])
    x6_p, ec2 = layer(params["in_c2"], x5_p, [(ec1, 8)])
    x7_p, _ec3 = layer(params["in_c3"], x6_p, [(ec2, 8)])

    p_b, p_x = params["B"], params["X"]
    dout_hc = p_x["W2"].shape[1]
    beta_p, hc_p = _final(
        x7_p,
        [_bd(_pad_rows(p_b["W1"], F)), _btile(p_b["b1"]),
         _bd(p_b["W2"]), _btile(p_b["b2"]),
         _bd(_pad_rows(p_x["W1"], F)), _btile(p_x["b1"]),
         _bd(p_x["W2"]), _btile(p_x["b2"])],
        dout_hc)
    return (ew_p.reshape(E, 1), hc_p.reshape(N, dout_hc), beta_p.reshape(N, 1))

# --- scband reference (transcript-rebuilt; emitter-appended) ---
"""Pipeline reference for scband-point-cloud-tcn-5068061409832 (READ-ONLY COPY).

The authoritative reference and input builder live on the scoring server;
editing this copy changes nothing except your own understanding.
"""

import jax, jax.numpy as jnp
import numpy as np

H_DIM = 7

def _mlp_params(key, din, dh, dout):
    k1, k2 = jax.random.split(key)
    s1 = 1.0 / np.sqrt(din)
    s2 = 1.0 / np.sqrt(dh)
    return {
        "W1": jax.random.uniform(k1, (din, dh), minval=-s1, maxval=s1, dtype=jnp.float32),
        "b1": jnp.zeros((dh,), jnp.float32),
        "W2": jax.random.uniform(k2, (dh, dout), minval=-s2, maxval=s2, dtype=jnp.float32),
        "b2": jnp.zeros((dout,), jnp.float32),
    }

def _mlp_apply(p, x):
    return jax.nn.relu(x @ p["W1"] + p["b1"]) @ p["W2"] + p["b2"]

def _in_params(key, node_in, edge_in, node_out, edge_out, node_hidden, edge_hidden):
    k1, k2 = jax.random.split(key)
    return {
        "edge": _mlp_params(k1, 2 * node_in + edge_in, edge_hidden, edge_out),
        "node": _mlp_params(k2, node_in + edge_out, node_hidden, node_out),
    }

def _in_apply(p, x, edge_index, edge_attr):
    src = edge_index[0]
    dst = edge_index[1]
    m = _mlp_apply(p["edge"], jnp.concatenate([x[dst], x[src], edge_attr], axis=1))
    agg = jnp.zeros((x.shape[0], m.shape[1]), x.dtype).at[dst].add(m)
    out = _mlp_apply(p["node"], jnp.concatenate([x, agg], axis=1))
    return out, m

def _make_params(key, node_indim, edge_indim, hc_outdim, hidden_dim):
    ks = jax.random.split(key, 10)
    s = 1.0 / np.sqrt(node_indim)
    return {
        "enc_W": jax.random.uniform(ks[0], (node_indim, H_DIM), minval=-s, maxval=s, dtype=jnp.float32),
        "enc_b": jnp.zeros((H_DIM,), jnp.float32),
        "in_w1": _in_params(ks[1], H_DIM, edge_indim, H_DIM, 4, hidden_dim, hidden_dim),
        "in_w2": _in_params(ks[2], H_DIM, 4, H_DIM, 4, hidden_dim, hidden_dim),
        "in_w3": _in_params(ks[3], H_DIM, 4, H_DIM, 4, hidden_dim, hidden_dim),
        "in_c1": _in_params(ks[4], H_DIM, 17, H_DIM, 8, hidden_dim, hidden_dim),
        "in_c2": _in_params(ks[5], H_DIM, 8, H_DIM, 8, hidden_dim, hidden_dim),
        "in_c3": _in_params(ks[6], H_DIM, 8, H_DIM, 8, hidden_dim, hidden_dim),
        "W": _mlp_params(ks[7], 16, 40, 1),
        "B": _mlp_params(ks[8], H_DIM, 60, 1),
        "X": _mlp_params(ks[9], H_DIM, 80, hc_outdim),
    }

def _forward(x, edge_index, edge_attr, params):
    h = x @ params["enc_W"] + params["enc_b"]
    h1, e1 = _in_apply(params["in_w1"], h, edge_index, edge_attr)
    h2, e2 = _in_apply(params["in_w2"], h + h1, edge_index, e1)
    h3, e3 = _in_apply(params["in_w3"], h + h2, edge_index, e2)
    initial_edge_attr = jnp.concatenate([edge_attr, e1, e2, e3], axis=1)
    edge_weights = jax.nn.sigmoid(_mlp_apply(params["W"], initial_edge_attr))
    edge_attr_w = jnp.concatenate([edge_weights, initial_edge_attr], axis=1)
    hc1, ec1 = _in_apply(params["in_c1"], h + h3, edge_index, edge_attr_w)
    hc2, ec2 = _in_apply(params["in_c2"], h + hc1, edge_index, ec1)
    hc3, ec3 = _in_apply(params["in_c3"], h + hc2, edge_index, ec2)
    hc3 = hc3 + h
    beta = jax.nn.sigmoid(_mlp_apply(params["B"], hc3))
    hc = _mlp_apply(params["X"], hc3)
    return (edge_weights, hc, beta)

def setup_inputs(seed: int = 0):
    key = jax.random.key(seed)
    N = 10000
    E = 320000
    D = 128
    k1, k2, k3, k4 = jax.random.split(key, 4)
    x = jax.random.normal(k1, (N, D), dtype=jnp.float32)
    edge_index = jax.random.randint(k2, (2, E), 0, N, dtype=jnp.int32)
    edge_attr = jax.random.normal(k3, (E, 4), dtype=jnp.float32)
    params = _make_params(k4, D, 4, 3, 64)
    return {"x": x, "edge_index": edge_index, "edge_attr": edge_attr, "params": params}

def reference(x, edge_index, edge_attr, params):
    return _forward(x, edge_index, edge_attr, params)

if __name__ == "__main__":
    import jax
    _d = setup_inputs()
    print(jax.jit(kernel)(*tuple(_d.values())))

</pallas_src>

<mosaic_0001>
#map = affine_map<(d0, d1) -> (0, 0)>
#map1 = affine_map<(d0, d1) -> (0)>
#map2 = affine_map<(d0, d1) -> (0, 0, 0)>
module attributes {stable_mosaic.version = 14 : i64} {
  func.func @_scatter_body(%arg0: i32, %arg1: i32, %arg2: memref<320000x8xf32, #tpu.memory_space<hbm>>, %arg3: memref<640000xi32, #tpu.memory_space<hbm>>, %arg4: memref<10000x8xf32, #tpu.memory_space<hbm>>, %arg5: memref<2x10000x8xf32, #tpu.memory_space<hbm>>, %arg6: memref<10000xi32, #tpu.memory_space<vmem>>, %arg7: memref<10000x8xf32, #tpu.memory_space<vmem>>, %arg8: memref<625x8xf32, #tpu.memory_space<vmem>>, %arg9: memref<10000x8xf32, #tpu.memory_space<vmem_shared>>) attributes {dimension_semantics = [#tpu.dimension_semantics<core_parallel>, #tpu.dimension_semantics<subcore_parallel>], iteration_bounds = array<i64: 2, 16>, scalar_prefetch = 0 : i64, scratch_operands = 4 : i64, tpu.core_type = #tpu.core_type<sc_vector_subcore>, window_params = [{transform_indices = #map}, {transform_indices = #map1}, {transform_indices = #map}, {transform_indices = #map2}]} {
    %mul3A = arith.constant 2 : i32
    %mul3A_0 = arith.muli %arg1, %mul3A : i32
    %add3A = arith.addi %mul3A_0, %arg0 : i32
    %mul3A_1 = arith.constant 625 : i32
    %mul3A_2 = arith.muli %arg1, %mul3A_1 : i32
    "tpu.region"() ({
      %run_scoped3A = tpu.sem_alloc : memref<!tpu.dma_semaphore, #tpu.memory_space<semaphore_mem>>
      %dma_start3A = arith.constant 0 : i32
      %dma_start3A_14 = tpu.memref_slice %arg4[%mul3A_2, %dma_start3A] : memref<10000x8xf32, #tpu.memory_space<hbm>> -> memref<625x8xf32, #tpu.memory_space<hbm>>
      %dma_start3A_15 = arith.constant 0 : i32
      %dma_start3A_16 = tpu.memref_slice %arg4[%mul3A_2, %dma_start3A_15] : memref<10000x8xf32, #tpu.memory_space<hbm>> -> memref<625x8xf32, #tpu.memory_space<hbm>>
      tpu.enqueue_dma source(%dma_start3A_16 : memref<625x8xf32, #tpu.memory_space<hbm>>) target(%arg8 : memref<625x8xf32, #tpu.memory_space<vmem>>) target_semaphore(%run_scoped3A : memref<!tpu.dma_semaphore, #tpu.memory_space<semaphore_mem>>)
      %dma_wait3A = arith.constant 0 : i32
      %dma_wait3A_17 = tpu.memref_slice %arg4[%mul3A_2, %dma_wait3A] : memref<10000x8xf32, #tpu.memory_space<hbm>> -> memref<625x8xf32, #tpu.memory_space<hbm>>
      %dma_wait3A_18 = arith.constant 0 : i32
      %dma_wait3A_19 = tpu.memref_slice %arg4[%mul3A_2, %dma_wait3A_18] : memref<10000x8xf32, #tpu.memory_space<hbm>> -> memref<625x8xf32, #tpu.memory_space<hbm>>
      tpu.wait_dma2 semaphore(%run_scoped3A : memref<!tpu.dma_semaphore, #tpu.memory_space<semaphore_mem>>) src(%dma_wait3A_19 : memref<625x8xf32, #tpu.memory_space<hbm>>) dst(%arg8 : memref<625x8xf32, #tpu.memory_space<vmem>>)
      tpu.yield
    }) : () -> ()
    %mul3A_3 = arith.constant 625 : i32
    %mul3A_4 = arith.muli %arg1, %mul3A_3 : i32
    "tpu.region"() ({
      %run_scoped3A = tpu.sem_alloc : memref<!tpu.dma_semaphore, #tpu.memory_space<semaphore_mem>>
      %dma_start3A = arith.constant 0 : i32
      %dma_start3A_14 = tpu.memref_slice %arg9[%mul3A_4, %dma_start3A] : memref<10000x8xf32, #tpu.memory_space<vmem_shared>> -> memref<625x8xf32, #tpu.memory_space<vmem_shared>>
      %dma_start3A_15 = arith.constant 0 : i32
      %dma_start3A_16 = tpu.memref_slice %arg9[%mul3A_4, %dma_start3A_15] : memref<10000x8xf32, #tpu.memory_space<vmem_shared>> -> memref<625x8xf32, #tpu.memory_space<vmem_shared>>
      tpu.enqueue_dma source(%arg8 : memref<625x8xf32, #tpu.memory_space<vmem>>) target(%dma_start3A_16 : memref<625x8xf32, #tpu.memory_space<vmem_shared>>) target_semaphore(%run_scoped3A : memref<!tpu.dma_semaphore, #tpu.memory_space<semaphore_mem>>)
      %dma_wait3A = arith.constant 0 : i32
      %dma_wait3A_17 = tpu.memref_slice %arg9[%mul3A_4, %dma_wait3A] : memref<10000x8xf32, #tpu.memory_space<vmem_shared>> -> memref<625x8xf32, #tpu.memory_space<vmem_shared>>
      %dma_wait3A_18 = arith.constant 0 : i32
      %dma_wait3A_19 = tpu.memref_slice %arg9[%mul3A_4, %dma_wait3A_18] : memref<10000x8xf32, #tpu.memory_space<vmem_shared>> -> memref<625x8xf32, #tpu.memory_space<vmem_shared>>
      tpu.wait_dma2 semaphore(%run_scoped3A : memref<!tpu.dma_semaphore, #tpu.memory_space<semaphore_mem>>) src(%arg8 : memref<625x8xf32, #tpu.memory_space<vmem>>) dst(%dma_wait3A_19 : memref<625x8xf32, #tpu.memory_space<vmem_shared>>)
      tpu.yield
    }) : () -> ()
    %barrier3A = arith.constant 0 : index
    tpu.barrier barrier_id(%barrier3A)
    %mul3A_5 = arith.constant 10000 : i32
    %mul3A_6 = arith.muli %add3A, %mul3A_5 : i32
    %add3A_7 = arith.constant 320000 : i32
    %add3A_8 = arith.addi %add3A_7, %mul3A_6 : i32
    "tpu.region"() ({
      %run_scoped3A = tpu.sem_alloc : memref<!tpu.dma_semaphore, #tpu.memory_space<semaphore_mem>>
      %dma_start3A = tpu.memref_slice %arg3[%add3A_8] : memref<640000xi32, #tpu.memory_space<hbm>> -> memref<10000xi32, #tpu.memory_space<hbm>>
      %dma_start3A_14 = tpu.memref_slice %arg3[%add3A_8] : memref<640000xi32, #tpu.memory_space<hbm>> -> memref<10000xi32, #tpu.memory_space<hbm>>
      tpu.enqueue_dma source(%dma_start3A_14 : memref<10000xi32, #tpu.memory_space<hbm>>) target(%arg6 : memref<10000xi32, #tpu.memory_space<vmem>>) target_semaphore(%run_scoped3A : memref<!tpu.dma_semaphore, #tpu.memory_space<semaphore_mem>>)
      %dma_wait3A = tpu.memref_slice %arg3[%add3A_8] : memref<640000xi32, #tpu.memory_space<hbm>> -> memref<10000xi32, #tpu.memory_space<hbm>>
      %dma_wait3A_15 = tpu.memref_slice %arg3[%add3A_8] : memref<640000xi32, #tpu.memory_space<hbm>> -> memref<10000xi32, #tpu.memory_space<hbm>>
      tpu.wait_dma2 semaphore(%run_scoped3A : memref<!tpu.dma_semaphore, #tpu.memory_space<semaphore_mem>>) src(%dma_wait3A_15 : memref<10000xi32, #tpu.memory_space<hbm>>) dst(%arg6 : memref<10000xi32, #tpu.memory_space<vmem>>)
      tpu.yield
    }) : () -> ()
    "tpu.region"() ({
      %run_scoped3A = tpu.sem_alloc : memref<!tpu.dma_semaphore, #tpu.memory_space<semaphore_mem>>
      %dma_start3A = arith.constant 0 : i32
      %dma_start3A_14 = tpu.memref_slice %arg2[%mul3A_6, %dma_start3A] : memref<320000x8xf32, #tpu.memory_space<hbm>> -> memref<10000x8xf32, #tpu.memory_space<hbm>>
      %dma_start3A_15 = arith.constant 0 : i32
      %dma_start3A_16 = tpu.memref_slice %arg2[%mul3A_6, %dma_start3A_15] : memref<320000x8xf32, #tpu.memory_space<hbm>> -> memref<10000x8xf32, #tpu.memory_space<hbm>>
      tpu.enqueue_dma source(%dma_start3A_16 : memref<10000x8xf32, #tpu.memory_space<hbm>>) target(%arg7 : memref<10000x8xf32, #tpu.memory_space<vmem>>) target_semaphore(%run_scoped3A : memref<!tpu.dma_semaphore, #tpu.memory_space<semaphore_mem>>)
      %dma_wait3A = arith.constant 0 : i32
      %dma_wait3A_17 = tpu.memref_slice %arg2[%mul3A_6, %dma_wait3A] : memref<320000x8xf32, #tpu.memory_space<hbm>> -> memref<10000x8xf32, #tpu.memory_space<hbm>>
      %dma_wait3A_18 = arith.constant 0 : i32
      %dma_wait3A_19 = tpu.memref_slice %arg2[%mul3A_6, %dma_wait3A_18] : memref<320000x8xf32, #tpu.memory_space<hbm>> -> memref<10000x8xf32, #tpu.memory_space<hbm>>
      tpu.wait_dma2 semaphore(%run_scoped3A : memref<!tpu.dma_semaphore, #tpu.memory_space<semaphore_mem>>) src(%dma_wait3A_19 : memref<10000x8xf32, #tpu.memory_space<hbm>>) dst(%arg7 : memref<10000x8xf32, #tpu.memory_space<vmem>>)
      tpu.yield
    }) : () -> ()
    "tpu.region"() ({
      %run_scoped3A = tpu.sem_alloc : memref<!tpu.dma_semaphore, #tpu.memory_space<semaphore_mem>>
      %dma_start3A = arith.constant 0 : i32
      %dma_start3A_14 = arith.constant 0 : i32
      %dma_start3A_15 = tpu.memref_slice %arg9[%dma_start3A, %dma_start3A_14] : memref<10000x8xf32, #tpu.memory_space<vmem_shared>> -> memref<10000x8xf32, #tpu.memory_space<vmem_shared>>
      tpu.enqueue_indirect_dma source(%arg7 : memref<10000x8xf32, #tpu.memory_space<vmem>>) target(%dma_start3A_15 : memref<10000x8xf32, #tpu.memory_space<vmem_shared>>) offsets(%arg6 : memref<10000xi32, #tpu.memory_space<vmem>>) semaphore(%run_scoped3A : memref<!tpu.dma_semaphore, #tpu.memory_space<semaphore_mem>>) {add = true}
      %dma_wait3A = arith.constant 0 : i32
      %dma_wait3A_16 = arith.constant 0 : i32
      %dma_wait3A_17 = tpu.memref_slice %arg9[%dma_wait3A, %dma_wait3A_16] : memref<10000x8xf32, #tpu.memory_space<vmem_shared>> -> memref<10000x8xf32, #tpu.memory_space<vmem_shared>>
      tpu.wait_indirect_dma semaphore(%run_scoped3A : memref<!tpu.dma_semaphore, #tpu.memory_space<semaphore_mem>>) src(%arg7 : memref<10000x8xf32, #tpu.memory_space<vmem>>) dst(%dma_wait3A_17 : memref<10000x8xf32, #tpu.memory_space<vmem_shared>>)
      tpu.yield
    }) : () -> ()
    %barrier3A_9 = arith.constant 0 : index
    tpu.barrier barrier_id(%barrier3A_9)
    %mul3A_10 = arith.constant 625 : i32
    %mul3A_11 = arith.muli %arg1, %mul3A_10 : i32
    %mul3A_12 = arith.constant 625 : i32
    %mul3A_13 = arith.muli %arg1, %mul3A_12 : i32
    "tpu.region"() ({
      %run_scoped3A = tpu.sem_alloc : memref<!tpu.dma_semaphore, #tpu.memory_space<semaphore_mem>>
      %dma_start3A = arith.constant 0 : i32
      %dma_start3A_14 = tpu.memref_slice %arg5[%arg0, %mul3A_13, %dma_start3A] : memref<2x10000x8xf32, #tpu.memory_space<hbm>> -> memref<1x625x8xf32, #tpu.memory_space<hbm>>
      %dma_start3A_15 = tpu.memref_squeeze %dma_start3A_14 : memref<1x625x8xf32, #tpu.memory_space<hbm>> -> memref<625x8xf32, #tpu.memory_space<hbm>>
      %dma_start3A_16 = arith.constant 0 : i32
      %dma_start3A_17 = tpu.memref_slice %arg9[%mul3A_11, %dma_start3A_16] : memref<10000x8xf32, #tpu.memory_space<vmem_shared>> -> memref<625x8xf32, #tpu.memory_space<vmem_shared>>
      tpu.enqueue_dma source(%dma_start3A_17 : memref<625x8xf32, #tpu.memory_space<vmem_shared>>) target(%dma_start3A_15 : memref<625x8xf32, #tpu.memory_space<hbm>>) target_semaphore(%run_scoped3A : memref<!tpu.dma_semaphore, #tpu.memory_space<semaphore_mem>>)
      %dma_wait3A = arith.constant 0 : i32
      %dma_wait3A_18 = tpu.memref_slice %arg5[%arg0, %mul3A_13, %dma_wait3A] : memref<2x10000x8xf32, #tpu.memory_space<hbm>> -> memref<1x625x8xf32, #tpu.memory_space<hbm>>
      %dma_wait3A_19 = tpu.memref_squeeze %dma_wait3A_18 : memref<1x625x8xf32, #tpu.memory_space<hbm>> -> memref<625x8xf32, #tpu.memory_space<hbm>>
      %dma_wait3A_20 = arith.constant 0 : i32
      %dma_wait3A_21 = tpu.memref_slice %arg9[%mul3A_11, %dma_wait3A_20] : memref<10000x8xf32, #tpu.memory_space<vmem_shared>> -> memref<625x8xf32, #tpu.memory_space<vmem_shared>>
      tpu.wait_dma2 semaphore(%run_scoped3A : memref<!tpu.dma_semaphore, #tpu.memory_space<semaphore_mem>>) src(%dma_wait3A_21 : memref<625x8xf32, #tpu.memory_space<vmem_shared>>) dst(%dma_wait3A_19 : memref<625x8xf32, #tpu.memory_space<hbm>>)
      tpu.yield
    }) : () -> ()
    return
  }
}

#map = affine_map<(d0, d1) -> (0, 0)>
#map1 = affine_map<(d0, d1) -> (0)>
module attributes {stable_mosaic.version = 14 : i64} {
  func.func @_gather_body(%arg0: i32, %arg1: i32, %arg2: memref<10000x8xf32, #tpu.memory_space<hbm>>, %arg3: memref<640000xi32, #tpu.memory_space<hbm>>, %arg4: memref<320000x8xf32, #tpu.memory_space<hbm>>, %arg5: memref<320000x8xf32, #tpu.memory_space<hbm>>, %arg6: memref<10000xi32, #tpu.memory_space<vmem>>, %arg7: memref<10000x8xf32, #tpu.memory_space<vmem>>, %arg8: memref<625x8xf32, #tpu.memory_space<vmem>>, %arg9: memref<10000x8xf32, #tpu.memory_space<vmem_shared>>, %arg10: memref<!tpu.dma_semaphore, #tpu.memory_space<semaphore_mem>>) attributes {dimension_semantics = [#tpu.dimension_semantics<core_parallel>, #tpu.dimension_semantics<subcore_parallel>], iteration_bounds = array<i64: 2, 16>, scalar_prefetch = 0 : i64, scratch_operands = 5 : i64, tpu.core_type = #tpu.core_type<sc_vector_subcore>, window_params = [{transform_indices = #map}, {transform_indices = #map1}, {transform_indices = #map}, {transform_indices = #map}]} {
    %mul3A = arith.constant 2 : i32
    %mul3A_0 = arith.muli %arg1, %mul3A : i32
    %add3A = arith.addi %mul3A_0, %arg0 : i32
    %mul3A_1 = arith.constant 10000 : i32
    %mul3A_2 = arith.muli %add3A, %mul3A_1 : i32
    %mul3A_3 = arith.constant 625 : i32
    %mul3A_4 = arith.muli %arg1, %mul3A_3 : i32
    "tpu.region"() ({
      %run_scoped3A = tpu.sem_alloc : memref<!tpu.dma_semaphore, #tpu.memory_space<semaphore_mem>>
      %dma_start3A_19 = arith.constant 0 : i32
      %dma_start3A_20 = tpu.memref_slice %arg2[%mul3A_4, %dma_start3A_19] : memref<10000x8xf32, #tpu.memory_space<hbm>> -> memref<625x8xf32, #tpu.memory_space<hbm>>
      %dma_start3A_21 = arith.constant 0 : i32
      %dma_start3A_22 = tpu.memref_slice %arg2[%mul3A_4, %dma_start3A_21] : memref<10000x8xf32, #tpu.memory_space<hbm>> -> memref<625x8xf32, #tpu.memory_space<hbm>>
      tpu.enqueue_dma source(%dma_start3A_22 : memref<625x8xf32, #tpu.memory_space<hbm>>) target(%arg8 : memref<625x8xf32, #tpu.memory_space<vmem>>) target_semaphore(%run_scoped3A : memref<!tpu.dma_semaphore, #tpu.memory_space<semaphore_mem>>)
      %dma_wait3A_23 = arith.constant 0 : i32
      %dma_wait3A_24 = tpu.memref_slice %arg2[%mul3A_4, %dma_wait3A_23] : memref<10000x8xf32, #tpu.memory_space<hbm>> -> memref<625x8xf32, #tpu.memory_space<hbm>>
      %dma_wait3A_25 = arith.constant 0 : i32
      %dma_wait3A_26 = tpu.memref_slice %arg2[%mul3A_4, %dma_wait3A_25] : memref<10000x8xf32, #tpu.memory_space<hbm>> -> memref<625x8xf32, #tpu.memory_space<hbm>>
      tpu.wait_dma2 semaphore(%run_scoped3A : memref<!tpu.dma_semaphore, #tpu.memory_space<semaphore_mem>>) src(%dma_wait3A_26 : memref<625x8xf32, #tpu.memory_space<hbm>>) dst(%arg8 : memref<625x8xf32, #tpu.memory_space<vmem>>)
      tpu.yield
    }) : () -> ()
    %mul3A_5 = arith.constant 625 : i32
    %mul3A_6 = arith.muli %arg1, %mul3A_5 : i32
    "tpu.region"() ({
      %run_scoped3A = tpu.sem_alloc : memref<!tpu.dma_semaphore, #tpu.memory_space<semaphore_mem>>
      %dma_start3A_19 = arith.constant 0 : i32
      %dma_start3A_20 = tpu.memref_slice %arg9[%mul3A_6, %dma_start3A_19] : memref<10000x8xf32, #tpu.memory_space<vmem_shared>> -> memref<625x8xf32, #tpu.memory_space<vmem_shared>>
      %dma_start3A_21 = arith.constant 0 : i32
      %dma_start3A_22 = tpu.memref_slice %arg9[%mul3A_6, %dma_start3A_21] : memref<10000x8xf32, #tpu.memory_space<vmem_shared>> -> memref<625x8xf32, #tpu.memory_space<vmem_shared>>
      tpu.enqueue_dma source(%arg8 : memref<625x8xf32, #tpu.memory_space<vmem>>) target(%dma_start3A_22 : memref<625x8xf32, #tpu.memory_space<vmem_shared>>) target_semaphore(%run_scoped3A : memref<!tpu.dma_semaphore, #tpu.memory_space<semaphore_mem>>)
      %dma_wait3A_23 = arith.constant 0 : i32
      %dma_wait3A_24 = tpu.memref_slice %arg9[%mul3A_6, %dma_wait3A_23] : memref<10000x8xf32, #tpu.memory_space<vmem_shared>> -> memref<625x8xf32, #tpu.memory_space<vmem_shared>>
      %dma_wait3A_25 = arith.constant 0 : i32
      %dma_wait3A_26 = tpu.memref_slice %arg9[%mul3A_6, %dma_wait3A_25] : memref<10000x8xf32, #tpu.memory_space<vmem_shared>> -> memref<625x8xf32, #tpu.memory_space<vmem_shared>>
      tpu.wait_dma2 semaphore(%run_scoped3A : memref<!tpu.dma_semaphore, #tpu.memory_space<semaphore_mem>>) src(%arg8 : memref<625x8xf32, #tpu.memory_space<vmem>>) dst(%dma_wait3A_26 : memref<625x8xf32, #tpu.memory_space<vmem_shared>>)
      tpu.yield
    }) : () -> ()
    %barrier3A = arith.constant 0 : index
    tpu.barrier barrier_id(%barrier3A)
    %add3A_7 = arith.constant 320000 : i32
    %add3A_8 = arith.addi %add3A_7, %mul3A_2 : i32
    "tpu.region"() ({
      %run_scoped3A = tpu.sem_alloc : memref<!tpu.dma_semaphore, #tpu.memory_space<semaphore_mem>>
      %dma_start3A_19 = tpu.memref_slice %arg3[%add3A_8] : memref<640000xi32, #tpu.memory_space<hbm>> -> memref<10000xi32, #tpu.memory_space<hbm>>
      %dma_start3A_20 = tpu.memref_slice %arg3[%add3A_8] : memref<640000xi32, #tpu.memory_space<hbm>> -> memref<10000xi32, #tpu.memory_space<hbm>>
      tpu.enqueue_dma source(%dma_start3A_20 : memref<10000xi32, #tpu.memory_space<hbm>>) target(%arg6 : memref<10000xi32, #tpu.memory_space<vmem>>) target_semaphore(%run_scoped3A : memref<!tpu.dma_semaphore, #tpu.memory_space<semaphore_mem>>)
      %dma_wait3A_21 = tpu.memref_slice %arg3[%add3A_8] : memref<640000xi32, #tpu.memory_space<hbm>> -> memref<10000xi32, #tpu.memory_space<hbm>>
      %dma_wait3A_22 = tpu.memref_slice %arg3[%add3A_8] : memref<640000xi32, #tpu.memory_space<hbm>> -> memref<10000xi32, #tpu.memory_space<hbm>>
      tpu.wait_dma2 semaphore(%run_scoped3A : memref<!tpu.dma_semaphore, #tpu.memory_space<semaphore_mem>>) src(%dma_wait3A_22 : memref<10000xi32, #tpu.memory_space<hbm>>) dst(%arg6 : memref<10000xi32, #tpu.memory_space<vmem>>)
      tpu.yield
    }) : () -> ()
    %dma_start3A = arith.constant 0 : i32
    %dma_start3A_9 = arith.constant 0 : i32
    %dma_start3A_10 = tpu.memref_slice %arg9[%dma_start3A, %dma_start3A_9] : memref<10000x8xf32, #tpu.memory_space<vmem_shared>> -> memref<10000x8xf32, #tpu.memory_space<vmem_shared>>
    tpu.enqueue_indirect_dma source(%dma_start3A_10 : memref<10000x8xf32, #tpu.memory_space<vmem_shared>>) target(%arg7 : memref<10000x8xf32, #tpu.memory_space<vmem>>) offsets(%arg6 : memref<10000xi32, #tpu.memory_space<vmem>>) semaphore(%arg10 : memref<!tpu.dma_semaphore, #tpu.memory_space<semaphore_mem>>)
    %dma_wait3A = arith.constant 0 : i32
    %dma_wait3A_11 = arith.constant 0 : i32
    %dma_wait3A_12 = tpu.memref_slice %arg9[%dma_wait3A, %dma_wait3A_11] : memref<10000x8xf32, #tpu.memory_space<vmem_shared>> -> memref<10000x8xf32, #tpu.memory_space<vmem_shared>>
    tpu.wait_indirect_dma semaphore(%arg10 : memref<!tpu.dma_semaphore, #tpu.memory_space<semaphore_mem>>) src(%dma_wait3A_12 : memref<10000x8xf32, #tpu.memory_space<vmem_shared>>) dst(%arg7 : memref<10000x8xf32, #tpu.memory_space<vmem>>)
    "tpu.region"() ({
      %run_scoped3A = tpu.sem_alloc : memref<!tpu.dma_semaphore, #tpu.memory_space<semaphore_mem>>
      %dma_start3A_19 = arith.constant 0 : i32
      %dma_start3A_20 = tpu.memref_slice %arg4[%mul3A_2, %dma_start3A_19] : memref<320000x8xf32, #tpu.memory_space<hbm>> -> memref<10000x8xf32, #tpu.memory_space<hbm>>
      %dma_start3A_21 = arith.constant 0 : i32
      %dma_start3A_22 = tpu.memref_slice %arg4[%mul3A_2, %dma_start3A_21] : memref<320000x8xf32, #tpu.memory_space<hbm>> -> memref<10000x8xf32, #tpu.memory_space<hbm>>
      tpu.enqueue_dma source(%arg7 : memref<10000x8xf32, #tpu.memory_space<vmem>>) target(%dma_start3A_22 : memref<10000x8xf32, #tpu.memory_space<hbm>>) target_semaphore(%run_scoped3A : memref<!tpu.dma_semaphore, #tpu.memory_space<semaphore_mem>>)
      %dma_wait3A_23 = arith.constant 0 : i32
      %dma_wait3A_24 = tpu.memref_slice %arg4[%mul3A_2, %dma_wait3A_23] : memref<320000x8xf32, #tpu.memory_space<hbm>> -> memref<10000x8xf32, #tpu.memory_space<hbm>>
      %dma_wait3A_25 = arith.constant 0 : i32
      %dma_wait3A_26 = tpu.memref_slice %arg4[%mul3A_2, %dma_wait3A_25] : memref<320000x8xf32, #tpu.memory_space<hbm>> -> memref<10000x8xf32, #tpu.memory_space<hbm>>
      tpu.wait_dma2 semaphore(%run_scoped3A : memref<!tpu.dma_semaphore, #tpu.memory_space<semaphore_mem>>) src(%arg7 : memref<10000x8xf32, #tpu.memory_space<vmem>>) dst(%dma_wait3A_26 : memref<10000x8xf32, #tpu.memory_space<hbm>>)
      tpu.yield
    }) : () -> ()
    "tpu.region"() ({
      %run_scoped3A = tpu.sem_alloc : memref<!tpu.dma_semaphore, #tpu.memory_space<semaphore_mem>>
      %dma_start3A_19 = tpu.memref_slice %arg3[%mul3A_2] : memref<640000xi32, #tpu.memory_space<hbm>> -> memref<10000xi32, #tpu.memory_space<hbm>>
      %dma_start3A_20 = tpu.memref_slice %arg3[%mul3A_2] : memref<640000xi32, #tpu.memory_space<hbm>> -> memref<10000xi32, #tpu.memory_space<hbm>>
      tpu.enqueue_dma source(%dma_start3A_20 : memref<10000xi32, #tpu.memory_space<hbm>>) target(%arg6 : memref<10000xi32, #tpu.memory_space<vmem>>) target_semaphore(%run_scoped3A : memref<!tpu.dma_semaphore, #tpu.memory_space<semaphore_mem>>)
      %dma_wait3A_21 = tpu.memref_slice %arg3[%mul3A_2] : memref<640000xi32, #tpu.memory_space<hbm>> -> memref<10000xi32, #tpu.memory_space<hbm>>
      %dma_wait3A_22 = tpu.memref_slice %arg3[%mul3A_2] : memref<640000xi32, #tpu.memory_space<hbm>> -> memref<10000xi32, #tpu.memory_space<hbm>>
      tpu.wait_dma2 semaphore(%run_scoped3A : memref<!tpu.dma_semaphore, #tpu.memory_space<semaphore_mem>>) src(%dma_wait3A_22 : memref<10000xi32, #tpu.memory_space<hbm>>) dst(%arg6 : memref<10000xi32, #tpu.memory_space<vmem>>)
      tpu.yield
    }) : () -> ()
    %dma_start3A_13 = arith.constant 0 : i32
    %dma_start3A_14 = arith.constant 0 : i32
    %dma_start3A_15 = tpu.memref_slice %arg9[%dma_start3A_13, %dma_start3A_14] : memref<10000x8xf32, #tpu.memory_space<vmem_shared>> -> memref<10000x8xf32, #tpu.memory_space<vmem_shared>>
    tpu.enqueue_indirect_dma source(%dma_start3A_15 : memref<10000x8xf32, #tpu.memory_space<vmem_shared>>) target(%arg7 : memref<10000x8xf32, #tpu.memory_space<vmem>>) offsets(%arg6 : memref<10000xi32, #tpu.memory_space<vmem>>) semaphore(%arg10 : memref<!tpu.dma_semaphore, #tpu.memory_space<semaphore_mem>>)
    %dma_wait3A_16 = arith.constant 0 : i32
    %dma_wait3A_17 = arith.constant 0 : i32
    %dma_wait3A_18 = tpu.memref_slice %arg9[%dma_wait3A_16, %dma_wait3A_17] : memref<10000x8xf32, #tpu.memory_space<vmem_shared>> -> memref<10000x8xf32, #tpu.memory_space<vmem_shared>>
    tpu.wait_indirect_dma semaphore(%arg10 : memref<!tpu.dma_semaphore, #tpu.memory_space<semaphore_mem>>) src(%dma_wait3A_18 : memref<10000x8xf32, #tpu.memory_space<vmem_shared>>) dst(%arg7 : memref<10000x8xf32, #tpu.memory_space<vmem>>)
    "tpu.region"() ({
      %run_scoped3A = tpu.sem_alloc : memref<!tpu.dma_semaphore, #tpu.memory_space<semaphore_mem>>
      %dma_start3A_19 = arith.constant 0 : i32
      %dma_start3A_20 = tpu.memref_slice %arg5[%mul3A_2, %dma_start3A_19] : memref<320000x8xf32, #tpu.memory_space<hbm>> -> memref<10000x8xf32, #tpu.memory_space<hbm>>
      %dma_start3A_21 = arith.constant 0 : i32
      %dma_start3A_22 = tpu.memref_slice %arg5[%mul3A_2, %dma_start3A_21] : memref<320000x8xf32, #tpu.memory_space<hbm>> -> memref<10000x8xf32, #tpu.memory_space<hbm>>
      tpu.enqueue_dma source(%arg7 : memref<10000x8xf32, #tpu.memory_space<vmem>>) target(%dma_start3A_22 : memref<10000x8xf32, #tpu.memory_space<hbm>>) target_semaphore(%run_scoped3A : memref<!tpu.dma_semaphore, #tpu.memory_space<semaphore_mem>>)
      %dma_wait3A_23 = arith.constant 0 : i32
      %dma_wait3A_24 = tpu.memref_slice %arg5[%mul3A_2, %dma_wait3A_23] : memref<320000x8xf32, #tpu.memory_space<hbm>> -> memref<10000x8xf32, #tpu.memory_space<hbm>>
      %dma_wait3A_25 = arith.constant 0 : i32
      %dma_wait3A_26 = tpu.memref_slice %arg5[%mul3A_2, %dma_wait3A_25] : memref<320000x8xf32, #tpu.memory_space<hbm>> -> memref<10000x8xf32, #tpu.memory_space<hbm>>
      tpu.wait_dma2 semaphore(%run_scoped3A : memref<!tpu.dma_semaphore, #tpu.memory_space<semaphore_mem>>) src(%arg7 : memref<10000x8xf32, #tpu.memory_space<vmem>>) dst(%dma_wait3A_26 : memref<10000x8xf32, #tpu.memory_space<hbm>>)
      tpu.yield
    }) : () -> ()
    return
  }
}

#map = affine_map<(d0, d1) -> (0, 0)>
#map1 = affine_map<(d0, d1) -> (0)>
#map2 = affine_map<(d0, d1) -> (0, 0, 0)>
module attributes {stable_mosaic.version = 14 : i64} {
  func.func @_scatter_body(%arg0: i32, %arg1: i32, %arg2: memref<320000x8xf32, #tpu.memory_space<hbm>>, %arg3: memref<640000xi32, #tpu.memory_space<hbm>>, %arg4: memref<10000x8xf32, #tpu.memory_space<hbm>>, %arg5: memref<2x10000x8xf32, #tpu.memory_space<hbm>>, %arg6: memref<10000xi32, #tpu.memory_space<vmem>>, %arg7: memref<10000x8xf32, #tpu.memory_space<vmem>>, %arg8: memref<625x8xf32, #tpu.memory_space<vmem>>, %arg9: memref<10000x8xf32, #tpu.memory_space<vmem_shared>>) attributes {dimension_semantics = [#tpu.dimension_semantics<core_parallel>, #tpu.dimension_semantics<subcore_parallel>], iteration_bounds = array<i64: 2, 16>, scalar_prefetch = 0 : i64, scratch_operands = 4 : i64, tpu.core_type = #tpu.core_type<sc_vector_subcore>, window_params = [{transform_indices = #map}, {transform_indices = #map1}, {transform_indices = #map}, {transform_indices = #map2}]} {
    %mul3A = arith.constant 2 : i32
    %mul3A_0 = arith.muli %arg1, %mul3A : i32
    %add3A = arith.addi %mul3A_0, %arg0 : i32
    %mul3A_1 = arith.constant 625 : i32
    %mul3A_2 = arith.muli %arg1, %mul3A_1 : i32
    "tpu.region"() ({
      %run_scoped3A = tpu.sem_alloc : memref<!tpu.dma_semaphore, #tpu.memory_space<semaphore_mem>>
      %dma_start3A = arith.constant 0 : i32
      %dma_start3A_14 = tpu.memref_slice %arg4[%mul3A_2, %dma_start3A] : memref<10000x8xf32, #tpu.memory_space<hbm>> -> memref<625x8xf32, #tpu.memory_space<hbm>>
      %dma_start3A_15 = arith.constant 0 : i32
      %dma_start3A_16 = tpu.memref_slice %arg4[%mul3A_2, %dma_start3A_15] : memref<10000x8xf32, #tpu.memory_space<hbm>> -> memref<625x8xf32, #tpu.memory_space<hbm>>
      tpu.enqueue_dma source(%dma_start3A_16 : memref<625x8xf32, #tpu.memory_space<hbm>>) target(%arg8 : memref<625x8xf32, #tpu.memory_space<vmem>>) target_semaphore(%run_scoped3A : memref<!tpu.dma_semaphore, #tpu.memory_space<semaphore_mem>>)
      %dma_wait3A = arith.constant 0 : i32
      %dma_wait3A_17 = tpu.memref_slice %arg4[%mul3A_2, %dma_wait3A] : memref<10000x8xf32, #tpu.memory_space<hbm>> -> memref<625x8xf32, #tpu.memory_space<hbm>>
      %dma_wait3A_18 = arith.constant 0 : i32
      %dma_wait3A_19 = tpu.memref_slice %arg4[%mul3A_2, %dma_wait3A_18] : memref<10000x8xf32, #tpu.memory_space<hbm>> -> memref<625x8xf32, #tpu.memory_space<hbm>>
      tpu.wait_dma2 semaphore(%run_scoped3A : memref<!tpu.dma_semaphore, #tpu.memory_space<semaphore_mem>>) src(%dma_wait3A_19 : memref<625x8xf32, #tpu.memory_space<hbm>>) dst(%arg8 : memref<625x8xf32, #tpu.memory_space<vmem>>)
      tpu.yield
    }) : () -> ()
    %mul3A_3 = arith.constant 625 : i32
    %mul3A_4 = arith.muli %arg1, %mul3A_3 : i32
    "tpu.region"() ({
      %run_scoped3A = tpu.sem_alloc : memref<!tpu.dma_semaphore, #tpu.memory_space<semaphore_mem>>
      %dma_start3A = arith.constant 0 : i32
      %dma_start3A_14 = tpu.memref_slice %arg9[%mul3A_4, %dma_start3A] : memref<10000x8xf32, #tpu.memory_space<vmem_shared>> -> memref<625x8xf32, #tpu.memory_space<vmem_shared>>
      %dma_start3A_15 = arith.constant 0 : i32
      %dma_start3A_16 = tpu.memref_slice %arg9[%mul3A_4, %dma_start3A_15] : memref<10000x8xf32, #tpu.memory_space<vmem_shared>> -> memref<625x8xf32, #tpu.memory_space<vmem_shared>>
      tpu.enqueue_dma source(%arg8 : memref<625x8xf32, #tpu.memory_space<vmem>>) target(%dma_start3A_16 : memref<625x8xf32, #tpu.memory_space<vmem_shared>>) target_semaphore(%run_scoped3A : memref<!tpu.dma_semaphore, #tpu.memory_space<semaphore_mem>>)
      %dma_wait3A = arith.constant 0 : i32
      %dma_wait3A_17 = tpu.memref_slice %arg9[%mul3A_4, %dma_wait3A] : memref<10000x8xf32, #tpu.memory_space<vmem_shared>> -> memref<625x8xf32, #tpu.memory_space<vmem_shared>>
      %dma_wait3A_18 = arith.constant 0 : i32
      %dma_wait3A_19 = tpu.memref_slice %arg9[%mul3A_4, %dma_wait3A_18] : memref<10000x8xf32, #tpu.memory_space<vmem_shared>> -> memref<625x8xf32, #tpu.memory_space<vmem_shared>>
      tpu.wait_dma2 semaphore(%run_scoped3A : memref<!tpu.dma_semaphore, #tpu.memory_space<semaphore_mem>>) src(%arg8 : memref<625x8xf32, #tpu.memory_space<vmem>>) dst(%dma_wait3A_19 : memref<625x8xf32, #tpu.memory_space<vmem_shared>>)
      tpu.yield
    }) : () -> ()
    %barrier3A = arith.constant 0 : index
    tpu.barrier barrier_id(%barrier3A)
    %mul3A_5 = arith.constant 10000 : i32
    %mul3A_6 = arith.muli %add3A, %mul3A_5 : i32
    %add3A_7 = arith.constant 320000 : i32
    %add3A_8 = arith.addi %add3A_7, %mul3A_6 : i32
    "tpu.region"() ({
      %run_scoped3A = tpu.sem_alloc : memref<!tpu.dma_semaphore, #tpu.memory_space<semaphore_mem>>
      %dma_start3A = tpu.memref_slice %arg3[%add3A_8] : memref<640000xi32, #tpu.memory_space<hbm>> -> memref<10000xi32, #tpu.memory_space<hbm>>
      %dma_start3A_14 = tpu.memref_slice %arg3[%add3A_8] : memref<640000xi32, #tpu.memory_space<hbm>> -> memref<10000xi32, #tpu.memory_space<hbm>>
      tpu.enqueue_dma source(%dma_start3A_14 : memref<10000xi32, #tpu.memory_space<hbm>>) target(%arg6 : memref<10000xi32, #tpu.memory_space<vmem>>) target_semaphore(%run_scoped3A : memref<!tpu.dma_semaphore, #tpu.memory_space<semaphore_mem>>)
      %dma_wait3A = tpu.memref_slice %arg3[%add3A_8] : memref<640000xi32, #tpu.memory_space<hbm>> -> memref<10000xi32, #tpu.memory_space<hbm>>
      %dma_wait3A_15 = tpu.memref_slice %arg3[%add3A_8] : memref<640000xi32, #tpu.memory_space<hbm>> -> memref<10000xi32, #tpu.memory_space<hbm>>
      tpu.wait_dma2 semaphore(%run_scoped3A : memref<!tpu.dma_semaphore, #tpu.memory_space<semaphore_mem>>) src(%dma_wait3A_15 : memref<10000xi32, #tpu.memory_space<hbm>>) dst(%arg6 : memref<10000xi32, #tpu.memory_space<vmem>>)
      tpu.yield
    }) : () -> ()
    "tpu.region"() ({
      %run_scoped3A = tpu.sem_alloc : memref<!tpu.dma_semaphore, #tpu.memory_space<semaphore_mem>>
      %dma_start3A = arith.constant 0 : i32
      %dma_start3A_14 = tpu.memref_slice %arg2[%mul3A_6, %dma_start3A] : memref<320000x8xf32, #tpu.memory_space<hbm>> -> memref<10000x8xf32, #tpu.memory_space<hbm>>
      %dma_start3A_15 = arith.constant 0 : i32
      %dma_start3A_16 = tpu.memref_slice %arg2[%mul3A_6, %dma_start3A_15] : memref<320000x8xf32, #tpu.memory_space<hbm>> -> memref<10000x8xf32, #tpu.memory_space<hbm>>
      tpu.enqueue_dma source(%dma_start3A_16 : memref<10000x8xf32, #tpu.memory_space<hbm>>) target(%arg7 : memref<10000x8xf32, #tpu.memory_space<vmem>>) target_semaphore(%run_scoped3A : memref<!tpu.dma_semaphore, #tpu.memory_space<semaphore_mem>>)
      %dma_wait3A = arith.constant 0 : i32
      %dma_wait3A_17 = tpu.memref_slice %arg2[%mul3A_6, %dma_wait3A] : memref<320000x8xf32, #tpu.memory_space<hbm>> -> memref<10000x8xf32, #tpu.memory_space<hbm>>
      %dma_wait3A_18 = arith.constant 0 : i32
      %dma_wait3A_19 = tpu.memref_slice %arg2[%mul3A_6, %dma_wait3A_18] : memref<320000x8xf32, #tpu.memory_space<hbm>> -> memref<10000x8xf32, #tpu.memory_space<hbm>>
      tpu.wait_dma2 semaphore(%run_scoped3A : memref<!tpu.dma_semaphore, #tpu.memory_space<semaphore_mem>>) src(%dma_wait3A_19 : memref<10000x8xf32, #tpu.memory_space<hbm>>) dst(%arg7 : memref<10000x8xf32, #tpu.memory_space<vmem>>)
      tpu.yield
    }) : () -> ()
    "tpu.region"() ({
      %run_scoped3A = tpu.sem_alloc : memref<!tpu.dma_semaphore, #tpu.memory_space<semaphore_mem>>
      %dma_start3A = arith.constant 0 : i32
      %dma_start3A_14 = arith.constant 0 : i32
      %dma_start3A_15 = tpu.memref_slice %arg9[%dma_start3A, %dma_start3A_14] : memref<10000x8xf32, #tpu.memory_space<vmem_shared>> -> memref<10000x8xf32, #tpu.memory_space<vmem_shared>>
      tpu.enqueue_indirect_dma source(%arg7 : memref<10000x8xf32, #tpu.memory_space<vmem>>) target(%dma_start3A_15 : memref<10000x8xf32, #tpu.memory_space<vmem_shared>>) offsets(%arg6 : memref<10000xi32, #tpu.memory_space<vmem>>) semaphore(%run_scoped3A : memref<!tpu.dma_semaphore, #tpu.memory_space<semaphore_mem>>) {add = true}
      %dma_wait3A = arith.constant 0 : i32
      %dma_wait3A_16 = arith.constant 0 : i32
      %dma_wait3A_17 = tpu.memref_slice %arg9[%dma_wait3A, %dma_wait3A_16] : memref<10000x8xf32, #tpu.memory_space<vmem_shared>> -> memref<10000x8xf32, #tpu.memory_space<vmem_shared>>
      tpu.wait_indirect_dma semaphore(%run_scoped3A : memref<!tpu.dma_semaphore, #tpu.memory_space<semaphore_mem>>) src(%arg7 : memref<10000x8xf32, #tpu.memory_space<vmem>>) dst(%dma_wait3A_17 : memref<10000x8xf32, #tpu.memory_space<vmem_shared>>)
      tpu.yield
    }) : () -> ()
    %barrier3A_9 = arith.constant 0 : index
    tpu.barrier barrier_id(%barrier3A_9)
    %mul3A_10 = arith.constant 625 : i32
    %mul3A_11 = arith.muli %arg1, %mul3A_10 : i32
    %mul3A_12 = arith.constant 625 : i32
    %mul3A_13 = arith.muli %arg1, %mul3A_12 : i32
    "tpu.region"() ({
      %run_scoped3A = tpu.sem_alloc : memref<!tpu.dma_semaphore, #tpu.memory_space<semaphore_mem>>
      %dma_start3A = arith.constant 0 : i32
      %dma_start3A_14 = tpu.memref_slice %arg5[%arg0, %mul3A_13, %dma_start3A] : memref<2x10000x8xf32, #tpu.memory_space<hbm>> -> memref<1x625x8xf32, #tpu.memory_space<hbm>>
      %dma_start3A_15 = tpu.memref_squeeze %dma_start3A_14 : memref<1x625x8xf32, #tpu.memory_space<hbm>> -> memref<625x8xf32, #tpu.memory_space<hbm>>
      %dma_start3A_16 = arith.constant 0 : i32
      %dma_start3A_17 = tpu.memref_slice %arg9[%mul3A_11, %dma_start3A_16] : memref<10000x8xf32, #tpu.memory_space<vmem_shared>> -> memref<625x8xf32, #tpu.memory_space<vmem_shared>>
      tpu.enqueue_dma source(%dma_start3A_17 : memref<625x8xf32, #tpu.memory_space<vmem_shared>>) target(%dma_start3A_15 : memref<625x8xf32, #tpu.memory_space<hbm>>) target_semaphore(%run_scoped3A : memref<!tpu.dma_semaphore, #tpu.memory_space<semaphore_mem>>)
      %dma_wait3A = arith.constant 0 : i32
      %dma_wait3A_18 = tpu.memref_slice %arg5[%arg0, %mul3A_13, %dma_wait3A] : memref<2x10000x8xf32, #tpu.memory_space<hbm>> -> memref<1x625x8xf32, #tpu.memory_space<hbm>>
      %dma_wait3A_19 = tpu.memref_squeeze %dma_wait3A_18 : memref<1x625x8xf32, #tpu.memory_space<hbm>> -> memref<625x8xf32, #tpu.memory_space<hbm>>
      %dma_wait3A_20 = arith.constant 0 : i32
      %dma_wait3A_21 = tpu.memref_slice %arg9[%mul3A_11, %dma_wait3A_20] : memref<10000x8xf32, #tpu.memory_space<vmem_shared>> -> memref<625x8xf32, #tpu.memory_space<vmem_shared>>
      tpu.wait_dma2 semaphore(%run_scoped3A : memref<!tpu.dma_semaphore, #tpu.memory_space<semaphore_mem>>) src(%dma_wait3A_21 : memref<625x8xf32, #tpu.memory_space<vmem_shared>>) dst(%dma_wait3A_19 : memref<625x8xf32, #tpu.memory_space<hbm>>)
      tpu.yield
    }) : () -> ()
    return
  }
}

#map = affine_map<(d0, d1) -> (0, 0)>
#map1 = affine_map<(d0, d1) -> (0)>
module attributes {stable_mosaic.version = 14 : i64} {
  func.func @_gather_body(%arg0: i32, %arg1: i32, %arg2: memref<10000x8xf32, #tpu.memory_space<hbm>>, %arg3: memref<640000xi32, #tpu.memory_space<hbm>>, %arg4: memref<320000x8xf32, #tpu.memory_space<hbm>>, %arg5: memref<320000x8xf32, #tpu.memory_space<hbm>>, %arg6: memref<10000xi32, #tpu.memory_space<vmem>>, %arg7: memref<10000x8xf32, #tpu.memory_space<vmem>>, %arg8: memref<625x8xf32, #tpu.memory_space<vmem>>, %arg9: memref<10000x8xf32, #tpu.memory_space<vmem_shared>>, %arg10: memref<!tpu.dma_semaphore, #tpu.memory_space<semaphore_mem>>) attributes {dimension_semantics = [#tpu.dimension_semantics<core_parallel>, #tpu.dimension_semantics<subcore_parallel>], iteration_bounds = array<i64: 2, 16>, scalar_prefetch = 0 : i64, scratch_operands = 5 : i64, tpu.core_type = #tpu.core_type<sc_vector_subcore>, window_params = [{transform_indices = #map}, {transform_indices = #map1}, {transform_indices = #map}, {transform_indices = #map}]} {
    %mul3A = arith.constant 2 : i32
    %mul3A_0 = arith.muli %arg1, %mul3A : i32
    %add3A = arith.addi %mul3A_0, %arg0 : i32
    %mul3A_1 = arith.constant 10000 : i32
    %mul3A_2 = arith.muli %add3A, %mul3A_1 : i32
    %mul3A_3 = arith.constant 625 : i32
    %mul3A_4 = arith.muli %arg1, %mul3A_3 : i32
    "tpu.region"() ({
      %run_scoped3A = tpu.sem_alloc : memref<!tpu.dma_semaphore, #tpu.memory_space<semaphore_mem>>
      %dma_start3A_19 = arith.constant 0 : i32
      %dma_start3A_20 = tpu.memref_slice %arg2[%mul3A_4, %dma_start3A_19] : memref<10000x8xf32, #tpu.memory_space<hbm>> -> memref<625x8xf32, #tpu.memory_space<hbm>>
      %dma_start3A_21 = arith.constant 0 : i32
      %dma_start3A_22 = tpu.memref_slice %arg2[%mul3A_4, %dma_start3A_21] : memref<10000x8xf32, #tpu.memory_space<hbm>> -> memref<625x8xf32, #tpu.memory_space<hbm>>
      tpu.enqueue_dma source(%dma_start3A_22 : memref<625x8xf32, #tpu.memory_space<hbm>>) target(%arg8 : memref<625x8xf32, #tpu.memory_space<vmem>>) target_semaphore(%run_scoped3A : memref<!tpu.dma_semaphore, #tpu.memory_space<semaphore_mem>>)
      %dma_wait3A_23 = arith.constant 0 : i32
      %dma_wait3A_24 = tpu.memref_slice %arg2[%mul3A_4, %dma_wait3A_23] : memref<10000x8xf32, #tpu.memory_space<hbm>> -> memref<625x8xf32, #tpu.memory_space<hbm>>
      %dma_wait3A_25 = arith.constant 0 : i32
      %dma_wait3A_26 = tpu.memref_slice %arg2[%mul3A_4, %dma_wait3A_25] : memref<10000x8xf32, #tpu.memory_space<hbm>> -> memref<625x8xf32, #tpu.memory_space<hbm>>
      tpu.wait_dma2 semaphore(%run_scoped3A : memref<!tpu.dma_semaphore, #tpu.memory_space<semaphore_mem>>) src(%dma_wait3A_26 : memref<625x8xf32, #tpu.memory_space<hbm>>) dst(%arg8 : memref<625x8xf32, #tpu.memory_space<vmem>>)
      tpu.yield
    }) : () -> ()
    %mul3A_5 = arith.constant 625 : i32
    %mul3A_6 = arith.muli %arg1, %mul3A_5 : i32
    "tpu.region"() ({
      %run_scoped3A = tpu.sem_alloc : memref<!tpu.dma_semaphore, #tpu.memory_space<semaphore_mem>>
      %dma_start3A_19 = arith.constant 0 : i32
      %dma_start3A_20 = tpu.memref_slice %arg9[%mul3A_6, %dma_start3A_19] : memref<10000x8xf32, #tpu.memory_space<vmem_shared>> -> memref<625x8xf32, #tpu.memory_space<vmem_shared>>
      %dma_start3A_21 = arith.constant 0 : i32
      %dma_start3A_22 = tpu.memref_slice %arg9[%mul3A_6, %dma_start3A_21] : memref<10000x8xf32, #tpu.memory_space<vmem_shared>> -> memref<625x8xf32, #tpu.memory_space<vmem_shared>>
      tpu.enqueue_dma source(%arg8 : memref<625x8xf32, #tpu.memory_space<vmem>>) target(%dma_start3A_22 : memref<625x8xf32, #tpu.memory_space<vmem_shared>>) target_semaphore(%run_scoped3A : memref<!tpu.dma_semaphore, #tpu.memory_space<semaphore_mem>>)
      %dma_wait3A_23 = arith.constant 0 : i32
      %dma_wait3A_24 = tpu.memref_slice %arg9[%mul3A_6, %dma_wait3A_23] : memref<10000x8xf32, #tpu.memory_space<vmem_shared>> -> memref<625x8xf32, #tpu.memory_space<vmem_shared>>
      %dma_wait3A_25 = arith.constant 0 : i32
      %dma_wait3A_26 = tpu.memref_slice %arg9[%mul3A_6, %dma_wait3A_25] : memref<10000x8xf32, #tpu.memory_space<vmem_shared>> -> memref<625x8xf32, #tpu.memory_space<vmem_shared>>
      tpu.wait_dma2 semaphore(%run_scoped3A : memref<!tpu.dma_semaphore, #tpu.memory_space<semaphore_mem>>) src(%arg8 : memref<625x8xf32, #tpu.memory_space<vmem>>) dst(%dma_wait3A_26 : memref<625x8xf32, #tpu.memory_space<vmem_shared>>)
      tpu.yield
    }) : () -> ()
    %barrier3A = arith.constant 0 : index
    tpu.barrier barrier_id(%barrier3A)
    %add3A_7 = arith.constant 320000 : i32
    %add3A_8 = arith.addi %add3A_7, %mul3A_2 : i32
    "tpu.region"() ({
      %run_scoped3A = tpu.sem_alloc : memref<!tpu.dma_semaphore, #tpu.memory_space<semaphore_mem>>
      %dma_start3A_19 = tpu.memref_slice %arg3[%add3A_8] : memref<640000xi32, #tpu.memory_space<hbm>> -> memref<10000xi32, #tpu.memory_space<hbm>>
      %dma_start3A_20 = tpu.memref_slice %arg3[%add3A_8] : memref<640000xi32, #tpu.memory_space<hbm>> -> memref<10000xi32, #tpu.memory_space<hbm>>
      tpu.enqueue_dma source(%dma_start3A_20 : memref<10000xi32, #tpu.memory_space<hbm>>) target(%arg6 : memref<10000xi32, #tpu.memory_space<vmem>>) target_semaphore(%run_scoped3A : memref<!tpu.dma_semaphore, #tpu.memory_space<semaphore_mem>>)
      %dma_wait3A_21 = tpu.memref_slice %arg3[%add3A_8] : memref<640000xi32, #tpu.memory_space<hbm>> -> memref<10000xi32, #tpu.memory_space<hbm>>
      %dma_wait3A_22 = tpu.memref_slice %arg3[%add3A_8] : memref<640000xi32, #tpu.memory_space<hbm>> -> memref<10000xi32, #tpu.memory_space<hbm>>
      tpu.wait_dma2 semaphore(%run_scoped3A : memref<!tpu.dma_semaphore, #tpu.memory_space<semaphore_mem>>) src(%dma_wait3A_22 : memref<10000xi32, #tpu.memory_space<hbm>>) dst(%arg6 : memref<10000xi32, #tpu.memory_space<vmem>>)
      tpu.yield
    }) : () -> ()
    %dma_start3A = arith.constant 0 : i32
    %dma_start3A_9 = arith.constant 0 : i32
    %dma_start3A_10 = tpu.memref_slice %arg9[%dma_start3A, %dma_start3A_9] : memref<10000x8xf32, #tpu.memory_space<vmem_shared>> -> memref<10000x8xf32, #tpu.memory_space<vmem_shared>>
    tpu.enqueue_indirect_dma source(%dma_start3A_10 : memref<10000x8xf32, #tpu.memory_space<vmem_shared>>) target(%arg7 : memref<10000x8xf32, #tpu.memory_space<vmem>>) offsets(%arg6 : memref<10000xi32, #tpu.memory_space<vmem>>) semaphore(%arg10 : memref<!tpu.dma_semaphore, #tpu.memory_space<semaphore_mem>>)
    %dma_wait3A = arith.constant 0 : i32
    %dma_wait3A_11 = arith.constant 0 : i32
    %dma_wait3A_12 = tpu.memref_slice %arg9[%dma_wait3A, %dma_wait3A_11] : memref<10000x8xf32, #tpu.memory_space<vmem_shared>> -> memref<10000x8xf32, #tpu.memory_space<vmem_shared>>
    tpu.wait_indirect_dma semaphore(%arg10 : memref<!tpu.dma_semaphore, #tpu.memory_space<semaphore_mem>>) src(%dma_wait3A_12 : memref<10000x8xf32, #tpu.memory_space<vmem_shared>>) dst(%arg7 : memref<10000x8xf32, #tpu.memory_space<vmem>>)
    "tpu.region"() ({
      %run_scoped3A = tpu.sem_alloc : memref<!tpu.dma_semaphore, #tpu.memory_space<semaphore_mem>>
      %dma_start3A_19 = arith.constant 0 : i32
      %dma_start3A_20 = tpu.memref_slice %arg4[%mul3A_2, %dma_start3A_19] : memref<320000x8xf32, #tpu.memory_space<hbm>> -> memref<10000x8xf32, #tpu.memory_space<hbm>>
      %dma_start3A_21 = arith.constant 0 : i32
      %dma_start3A_22 = tpu.memref_slice %arg4[%mul3A_2, %dma_start3A_21] : memref<320000x8xf32, #tpu.memory_space<hbm>> -> memref<10000x8xf32, #tpu.memory_space<hbm>>
      tpu.enqueue_dma source(%arg7 : memref<10000x8xf32, #tpu.memory_space<vmem>>) target(%dma_start3A_22 : memref<10000x8xf32, #tpu.memory_space<hbm>>) target_semaphore(%run_scoped3A : memref<!tpu.dma_semaphore, #tpu.memory_space<semaphore_mem>>)
      %dma_wait3A_23 = arith.constant 0 : i32
      %dma_wait3A_24 = tpu.memref_slice %arg4[%mul3A_2, %dma_wait3A_23] : memref<320000x8xf32, #tpu.memory_space<hbm>> -> memref<10000x8xf32, #tpu.memory_space<hbm>>
      %dma_wait3A_25 = arith.constant 0 : i32
      %dma_wait3A_26 = tpu.memref_slice %arg4[%mul3A_2, %dma_wait3A_25] : memref<320000x8xf32, #tpu.memory_space<hbm>> -> memref<10000x8xf32, #tpu.memory_space<hbm>>
      tpu.wait_dma2 semaphore(%run_scoped3A : memref<!tpu.dma_semaphore, #tpu.memory_space<semaphore_mem>>) src(%arg7 : memref<10000x8xf32, #tpu.memory_space<vmem>>) dst(%dma_wait3A_26 : memref<10000x8xf32, #tpu.memory_space<hbm>>)
      tpu.yield
    }) : () -> ()
    "tpu.region"() ({
      %run_scoped3A = tpu.sem_alloc : memref<!tpu.dma_semaphore, #tpu.memory_space<semaphore_mem>>
      %dma_start3A_19 = tpu.memref_slice %arg3[%mul3A_2] : memref<640000xi32, #tpu.memory_space<hbm>> -> memref<10000xi32, #tpu.memory_space<hbm>>
      %dma_start3A_20 = tpu.memref_slice %arg3[%mul3A_2] : memref<640000xi32, #tpu.memory_space<hbm>> -> memref<10000xi32, #tpu.memory_space<hbm>>
      tpu.enqueue_dma source(%dma_start3A_20 : memref<10000xi32, #tpu.memory_space<hbm>>) target(%arg6 : memref<10000xi32, #tpu.memory_space<vmem>>) target_semaphore(%run_scoped3A : memref<!tpu.dma_semaphore, #tpu.memory_space<semaphore_mem>>)
      %dma_wait3A_21 = tpu.memref_slice %arg3[%mul3A_2] : memref<640000xi32, #tpu.memory_space<hbm>> -> memref<10000xi32, #tpu.memory_space<hbm>>
      %dma_wait3A_22 = tpu.memref_slice %arg3[%mul3A_2] : memref<640000xi32, #tpu.memory_space<hbm>> -> memref<10000xi32, #tpu.memory_space<hbm>>
      tpu.wait_dma2 semaphore(%run_scoped3A : memref<!tpu.dma_semaphore, #tpu.memory_space<semaphore_mem>>) src(%dma_wait3A_22 : memref<10000xi32, #tpu.memory_space<hbm>>) dst(%arg6 : memref<10000xi32, #tpu.memory_space<vmem>>)
      tpu.yield
    }) : () -> ()
    %dma_start3A_13 = arith.constant 0 : i32
    %dma_start3A_14 = arith.constant 0 : i32
    %dma_start3A_15 = tpu.memref_slice %arg9[%dma_start3A_13, %dma_start3A_14] : memref<10000x8xf32, #tpu.memory_space<vmem_shared>> -> memref<10000x8xf32, #tpu.memory_space<vmem_shared>>
    tpu.enqueue_indirect_dma source(%dma_start3A_15 : memref<10000x8xf32, #tpu.memory_space<vmem_shared>>) target(%arg7 : memref<10000x8xf32, #tpu.memory_space<vmem>>) offsets(%arg6 : memref<10000xi32, #tpu.memory_space<vmem>>) semaphore(%arg10 : memref<!tpu.dma_semaphore, #tpu.memory_space<semaphore_mem>>)
    %dma_wait3A_16 = arith.constant 0 : i32
    %dma_wait3A_17 = arith.constant 0 : i32
    %dma_wait3A_18 = tpu.memref_slice %arg9[%dma_wait3A_16, %dma_wait3A_17] : memref<10000x8xf32, #tpu.memory_space<vmem_shared>> -> memref<10000x8xf32, #tpu.memory_space<vmem_shared>>
    tpu.wait_indirect_dma semaphore(%arg10 : memref<!tpu.dma_semaphore, #tpu.memory_space<semaphore_mem>>) src(%dma_wait3A_18 : memref<10000x8xf32, #tpu.memory_space<vmem_shared>>) dst(%arg7 : memref<10000x8xf32, #tpu.memory_space<vmem>>)
    "tpu.region"() ({
      %run_scoped3A = tpu.sem_alloc : memref<!tpu.dma_semaphore, #tpu.memory_space<semaphore_mem>>
      %dma_start3A_19 = arith.constant 0 : i32
      %dma_start3A_20 = tpu.memref_slice %arg5[%mul3A_2, %dma_start3A_19] : memref<320000x8xf32, #tpu.memory_space<hbm>> -> memref<10000x8xf32, #tpu.memory_space<hbm>>
      %dma_start3A_21 = arith.constant 0 : i32
      %dma_start3A_22 = tpu.memref_slice %arg5[%mul3A_2, %dma_start3A_21] : memref<320000x8xf32, #tpu.memory_space<hbm>> -> memref<10000x8xf32, #tpu.memory_space<hbm>>
      tpu.enqueue_dma source(%arg7 : memref<10000x8xf32, #tpu.memory_space<vmem>>) target(%dma_start3A_22 : memref<10000x8xf32, #tpu.memory_space<hbm>>) target_semaphore(%run_scoped3A : memref<!tpu.dma_semaphore, #tpu.memory_space<semaphore_mem>>)
      %dma_wait3A_23 = arith.constant 0 : i32
      %dma_wait3A_24 = tpu.memref_slice %arg5[%mul3A_2, %dma_wait3A_23] : memref<320000x8xf32, #tpu.memory_space<hbm>> -> memref<10000x8xf32, #tpu.memory_space<hbm>>
      %dma_wait3A_25 = arith.constant 0 : i32
      %dma_wait3A_26 = tpu.memref_slice %arg5[%mul3A_2, %dma_wait3A_25] : memref<320000x8xf32, #tpu.memory_space<hbm>> -> memref<10000x8xf32, #tpu.memory_space<hbm>>
      tpu.wait_dma2 semaphore(%run_scoped3A : memref<!tpu.dma_semaphore, #tpu.memory_space<semaphore_mem>>) src(%arg7 : memref<10000x8xf32, #tpu.memory_space<vmem>>) dst(%dma_wait3A_26 : memref<10000x8xf32, #tpu.memory_space<hbm>>)
      tpu.yield
    }) : () -> ()
    return
  }
}

#map = affine_map<(d0, d1) -> (0, 0)>
#map1 = affine_map<(d0, d1) -> (0)>
module attributes {stable_mosaic.version = 14 : i64} {
  func.func @_gather_body(%arg0: i32, %arg1: i32, %arg2: memref<10000x8xf32, #tpu.memory_space<hbm>>, %arg3: memref<640000xi32, #tpu.memory_space<hbm>>, %arg4: memref<320000x8xf32, #tpu.memory_space<hbm>>, %arg5: memref<320000x8xf32, #tpu.memory_space<hbm>>, %arg6: memref<10000xi32, #tpu.memory_space<vmem>>, %arg7: memref<10000x8xf32, #tpu.memory_space<vmem>>, %arg8: memref<625x8xf32, #tpu.memory_space<vmem>>, %arg9: memref<10000x8xf32, #tpu.memory_space<vmem_shared>>, %arg10: memref<!tpu.dma_semaphore, #tpu.memory_space<semaphore_mem>>) attributes {dimension_semantics = [#tpu.dimension_semantics<core_parallel>, #tpu.dimension_semantics<subcore_parallel>], iteration_bounds = array<i64: 2, 16>, scalar_prefetch = 0 : i64, scratch_operands = 5 : i64, tpu.core_type = #tpu.core_type<sc_vector_subcore>, window_params = [{transform_indices = #map}, {transform_indices = #map1}, {transform_indices = #map}, {transform_indices = #map}]} {
    %mul3A = arith.constant 2 : i32
    %mul3A_0 = arith.muli %arg1, %mul3A : i32
    %add3A = arith.addi %mul3A_0, %arg0 : i32
    %mul3A_1 = arith.constant 10000 : i32
    %mul3A_2 = arith.muli %add3A, %mul3A_1 : i32
    %mul3A_3 = arith.constant 625 : i32
    %mul3A_4 = arith.muli %arg1, %mul3A_3 : i32
    "tpu.region"() ({
      %run_scoped3A = tpu.sem_alloc : memref<!tpu.dma_semaphore, #tpu.memory_space<semaphore_mem>>
      %dma_start3A_19 = arith.constant 0 : i32
      %dma_start3A_20 = tpu.memref_slice %arg2[%mul3A_4, %dma_start3A_19] : memref<10000x8xf32, #tpu.memory_space<hbm>> -> memref<625x8xf32, #tpu.memory_space<hbm>>
      %dma_start3A_21 = arith.constant 0 : i32
      %dma_start3A_22 = tpu.memref_slice %arg2[%mul3A_4, %dma_start3A_21] : memref<10000x8xf32, #tpu.memory_space<hbm>> -> memref<625x8xf32, #tpu.memory_space<hbm>>
      tpu.enqueue_dma source(%dma_start3A_22 : memref<625x8xf32, #tpu.memory_space<hbm>>) target(%arg8 : memref<625x8xf32, #tpu.memory_space<vmem>>) target_semaphore(%run_scoped3A : memref<!tpu.dma_semaphore, #tpu.memory_space<semaphore_mem>>)
      %dma_wait3A_23 = arith.constant 0 : i32
      %dma_wait3A_24 = tpu.memref_slice %arg2[%mul3A_4, %dma_wait3A_23] : memref<10000x8xf32, #tpu.memory_space<hbm>> -> memref<625x8xf32, #tpu.memory_space<hbm>>
      %dma_wait3A_25 = arith.constant 0 : i32
      %dma_wait3A_26 = tpu.memref_slice %arg2[%mul3A_4, %dma_wait3A_25] : memref<10000x8xf32, #tpu.memory_space<hbm>> -> memref<625x8xf32, #tpu.memory_space<hbm>>
      tpu.wait_dma2 semaphore(%run_scoped3A : memref<!tpu.dma_semaphore, #tpu.memory_space<semaphore_mem>>) src(%dma_wait3A_26 : memref<625x8xf32, #tpu.memory_space<hbm>>) dst(%arg8 : memref<625x8xf32, #tpu.memory_space<vmem>>)
      tpu.yield
    }) : () -> ()
    %mul3A_5 = arith.constant 625 : i32
    %mul3A_6 = arith.muli %arg1, %mul3A_5 : i32
    "tpu.region"() ({
      %run_scoped3A = tpu.sem_alloc : memref<!tpu.dma_semaphore, #tpu.memory_space<semaphore_mem>>
      %dma_start3A_19 = arith.constant 0 : i32
      %dma_start3A_20 = tpu.memref_slice %arg9[%mul3A_6, %dma_start3A_19] : memref<10000x8xf32, #tpu.memory_space<vmem_shared>> -> memref<625x8xf32, #tpu.memory_space<vmem_shared>>
      %dma_start3A_21 = arith.constant 0 : i32
      %dma_start3A_22 = tpu.memref_slice %arg9[%mul3A_6, %dma_start3A_21] : memref<10000x8xf32, #tpu.memory_space<vmem_shared>> -> memref<625x8xf32, #tpu.memory_space<vmem_shared>>
      tpu.enqueue_dma source(%arg8 : memref<625x8xf32, #tpu.memory_space<vmem>>) target(%dma_start3A_22 : memref<625x8xf32, #tpu.memory_space<vmem_shared>>) target_semaphore(%run_scoped3A : memref<!tpu.dma_semaphore, #tpu.memory_space<semaphore_mem>>)
      %dma_wait3A_23 = arith.constant 0 : i32
      %dma_wait3A_24 = tpu.memref_slice %arg9[%mul3A_6, %dma_wait3A_23] : memref<10000x8xf32, #tpu.memory_space<vmem_shared>> -> memref<625x8xf32, #tpu.memory_space<vmem_shared>>
      %dma_wait3A_25 = arith.constant 0 : i32
      %dma_wait3A_26 = tpu.memref_slice %arg9[%mul3A_6, %dma_wait3A_25] : memref<10000x8xf32, #tpu.memory_space<vmem_shared>> -> memref<625x8xf32, #tpu.memory_space<vmem_shared>>
      tpu.wait_dma2 semaphore(%run_scoped3A : memref<!tpu.dma_semaphore, #tpu.memory_space<semaphore_mem>>) src(%arg8 : memref<625x8xf32, #tpu.memory_space<vmem>>) dst(%dma_wait3A_26 : memref<625x8xf32, #tpu.memory_space<vmem_shared>>)
      tpu.yield
    }) : () -> ()
    %barrier3A = arith.constant 0 : index
    tpu.barrier barrier_id(%barrier3A)
    %add3A_7 = arith.constant 320000 : i32
    %add3A_8 = arith.addi %add3A_7, %mul3A_2 : i32
    "tpu.region"() ({
      %run_scoped3A = tpu.sem_alloc : memref<!tpu.dma_semaphore, #tpu.memory_space<semaphore_mem>>
      %dma_start3A_19 = tpu.memref_slice %arg3[%add3A_8] : memref<640000xi32, #tpu.memory_space<hbm>> -> memref<10000xi32, #tpu.memory_space<hbm>>
      %dma_start3A_20 = tpu.memref_slice %arg3[%add3A_8] : memref<640000xi32, #tpu.memory_space<hbm>> -> memref<10000xi32, #tpu.memory_space<hbm>>
      tpu.enqueue_dma source(%dma_start3A_20 : memref<10000xi32, #tpu.memory_space<hbm>>) target(%arg6 : memref<10000xi32, #tpu.memory_space<vmem>>) target_semaphore(%run_scoped3A : memref<!tpu.dma_semaphore, #tpu.memory_space<semaphore_mem>>)
      %dma_wait3A_21 = tpu.memref_slice %arg3[%add3A_8] : memref<640000xi32, #tpu.memory_space<hbm>> -> memref<10000xi32, #tpu.memory_space<hbm>>
      %dma_wait3A_22 = tpu.memref_slice %arg3[%add3A_8] : memref<640000xi32, #tpu.memory_space<hbm>> -> memref<10000xi32, #tpu.memory_space<hbm>>
      tpu.wait_dma2 semaphore(%run_scoped3A : memref<!tpu.dma_semaphore, #tpu.memory_space<semaphore_mem>>) src(%dma_wait3A_22 : memref<10000xi32, #tpu.memory_space<hbm>>) dst(%arg6 : memref<10000xi32, #tpu.memory_space<vmem>>)
      tpu.yield
    }) : () -> ()
    %dma_start3A = arith.constant 0 : i32
    %dma_start3A_9 = arith.constant 0 : i32
    %dma_start3A_10 = tpu.memref_slice %arg9[%dma_start3A, %dma_start3A_9] : memref<10000x8xf32, #tpu.memory_space<vmem_shared>> -> memref<10000x8xf32, #tpu.memory_space<vmem_shared>>
    tpu.enqueue_indirect_dma source(%dma_start3A_10 : memref<10000x8xf32, #tpu.memory_space<vmem_shared>>) target(%arg7 : memref<10000x8xf32, #tpu.memory_space<vmem>>) offsets(%arg6 : memref<10000xi32, #tpu.memory_space<vmem>>) semaphore(%arg10 : memref<!tpu.dma_semaphore, #tpu.memory_space<semaphore_mem>>)
    %dma_wait3A = arith.constant 0 : i32
    %dma_wait3A_11 = arith.constant 0 : i32
    %dma_wait3A_12 = tpu.memref_slice %arg9[%dma_wait3A, %dma_wait3A_11] : memref<10000x8xf32, #tpu.memory_space<vmem_shared>> -> memref<10000x8xf32, #tpu.memory_space<vmem_shared>>
    tpu.wait_indirect_dma semaphore(%arg10 : memref<!tpu.dma_semaphore, #tpu.memory_space<semaphore_mem>>) src(%dma_wait3A_12 : memref<10000x8xf32, #tpu.memory_space<vmem_shared>>) dst(%arg7 : memref<10000x8xf32, #tpu.memory_space<vmem>>)
    "tpu.region"() ({
      %run_scoped3A = tpu.sem_alloc : memref<!tpu.dma_semaphore, #tpu.memory_space<semaphore_mem>>
      %dma_start3A_19 = arith.constant 0 : i32
      %dma_start3A_20 = tpu.memref_slice %arg4[%mul3A_2, %dma_start3A_19] : memref<320000x8xf32, #tpu.memory_space<hbm>> -> memref<10000x8xf32, #tpu.memory_space<hbm>>
      %dma_start3A_21 = arith.constant 0 : i32
      %dma_start3A_22 = tpu.memref_slice %arg4[%mul3A_2, %dma_start3A_21] : memref<320000x8xf32, #tpu.memory_space<hbm>> -> memref<10000x8xf32, #tpu.memory_space<hbm>>
      tpu.enqueue_dma source(%arg7 : memref<10000x8xf32, #tpu.memory_space<vmem>>) target(%dma_start3A_22 : memref<10000x8xf32, #tpu.memory_space<hbm>>) target_semaphore(%run_scoped3A : memref<!tpu.dma_semaphore, #tpu.memory_space<semaphore_mem>>)
      %dma_wait3A_23 = arith.constant 0 : i32
      %dma_wait3A_24 = tpu.memref_slice %arg4[%mul3A_2, %dma_wait3A_23] : memref<320000x8xf32, #tpu.memory_space<hbm>> -> memref<10000x8xf32, #tpu.memory_space<hbm>>
      %dma_wait3A_25 = arith.constant 0 : i32
      %dma_wait3A_26 = tpu.memref_slice %arg4[%mul3A_2, %dma_wait3A_25] : memref<320000x8xf32, #tpu.memory_space<hbm>> -> memref<10000x8xf32, #tpu.memory_space<hbm>>
      tpu.wait_dma2 semaphore(%run_scoped3A : memref<!tpu.dma_semaphore, #tpu.memory_space<semaphore_mem>>) src(%arg7 : memref<10000x8xf32, #tpu.memory_space<vmem>>) dst(%dma_wait3A_26 : memref<10000x8xf32, #tpu.memory_space<hbm>>)
      tpu.yield
    }) : () -> ()
    "tpu.region"() ({
      %run_scoped3A = tpu.sem_alloc : memref<!tpu.dma_semaphore, #tpu.memory_space<semaphore_mem>>
      %dma_start3A_19 = tpu.memref_slice %arg3[%mul3A_2] : memref<640000xi32, #tpu.memory_space<hbm>> -> memref<10000xi32, #tpu.memory_space<hbm>>
      %dma_start3A_20 = tpu.memref_slice %arg3[%mul3A_2] : memref<640000xi32, #tpu.memory_space<hbm>> -> memref<10000xi32, #tpu.memory_space<hbm>>
      tpu.enqueue_dma source(%dma_start3A_20 : memref<10000xi32, #tpu.memory_space<hbm>>) target(%arg6 : memref<10000xi32, #tpu.memory_space<vmem>>) target_semaphore(%run_scoped3A : memref<!tpu.dma_semaphore, #tpu.memory_space<semaphore_mem>>)
      %dma_wait3A_21 = tpu.memref_slice %arg3[%mul3A_2] : memref<640000xi32, #tpu.memory_space<hbm>> -> memref<10000xi32, #tpu.memory_space<hbm>>
      %dma_wait3A_22 = tpu.memref_slice %arg3[%mul3A_2] : memref<640000xi32, #tpu.memory_space<hbm>> -> memref<10000xi32, #tpu.memory_space<hbm>>
      tpu.wait_dma2 semaphore(%run_scoped3A : memref<!tpu.dma_semaphore, #tpu.memory_space<semaphore_mem>>) src(%dma_wait3A_22 : memref<10000xi32, #tpu.memory_space<hbm>>) dst(%arg6 : memref<10000xi32, #tpu.memory_space<vmem>>)
      tpu.yield
    }) : () -> ()
    %dma_start3A_13 = arith.constant 0 : i32
    %dma_start3A_14 = arith.constant 0 : i32
    %dma_start3A_15 = tpu.memref_slice %arg9[%dma_start3A_13, %dma_start3A_14] : memref<10000x8xf32, #tpu.memory_space<vmem_shared>> -> memref<10000x8xf32, #tpu.memory_space<vmem_shared>>
    tpu.enqueue_indirect_dma source(%dma_start3A_15 : memref<10000x8xf32, #tpu.memory_space<vmem_shared>>) target(%arg7 : memref<10000x8xf32, #tpu.memory_space<vmem>>) offsets(%arg6 : memref<10000xi32, #tpu.memory_space<vmem>>) semaphore(%arg10 : memref<!tpu.dma_semaphore, #tpu.memory_space<semaphore_mem>>)
    %dma_wait3A_16 = arith.constant 0 : i32
    %dma_wait3A_17 = arith.constant 0 : i32
    %dma_wait3A_18 = tpu.memref_slice %arg9[%dma_wait3A_16, %dma_wait3A_17] : memref<10000x8xf32, #tpu.memory_space<vmem_shared>> -> memref<10000x8xf32, #tpu.memory_space<vmem_shared>>
    tpu.wait_indirect_dma semaphore(%arg10 : memref<!tpu.dma_semaphore, #tpu.memory_space<semaphore_mem>>) src(%dma_wait3A_18 : memref<10000x8xf32, #tpu.memory_space<vmem_shared>>) dst(%arg7 : memref<10000x8xf32, #tpu.memory_space<vmem>>)
    "tpu.region"() ({
      %run_scoped3A = tpu.sem_alloc : memref<!tpu.dma_semaphore, #tpu.memory_space<semaphore_mem>>
      %dma_start3A_19 = arith.constant 0 : i32
      %dma_start3A_20 = tpu.memref_slice %arg5[%mul3A_2, %dma_start3A_19] : memref<320000x8xf32, #tpu.memory_space<hbm>> -> memref<10000x8xf32, #tpu.memory_space<hbm>>
      %dma_start3A_21 = arith.constant 0 : i32
      %dma_start3A_22 = tpu.memref_slice %arg5[%mul3A_2, %dma_start3A_21] : memref<320000x8xf32, #tpu.memory_space<hbm>> -> memref<10000x8xf32, #tpu.memory_space<hbm>>
      tpu.enqueue_dma source(%arg7 : memref<10000x8xf32, #tpu.memory_space<vmem>>) target(%dma_start3A_22 : memref<10000x8xf32, #tpu.memory_space<hbm>>) target_semaphore(%run_scoped3A : memref<!tpu.dma_semaphore, #tpu.memory_space<semaphore_mem>>)
      %dma_wait3A_23 = arith.constant 0 : i32
      %dma_wait3A_24 = tpu.memref_slice %arg5[%mul3A_2, %dma_wait3A_23] : memref<320000x8xf32, #tpu.memory_space<hbm>> -> memref<10000x8xf32, #tpu.memory_space<hbm>>
      %dma_wait3A_25 = arith.constant 0 : i32
      %dma_wait3A_26 = tpu.memref_slice %arg5[%mul3A_2, %dma_wait3A_25] : memref<320000x8xf32, #tpu.memory_space<hbm>> -> memref<10000x8xf32, #tpu.memory_space<hbm>>
      tpu.wait_dma2 semaphore(%run_scoped3A : memref<!tpu.dma_semaphore, #tpu.memory_space<semaphore_mem>>) src(%arg7 : memref<10000x8xf32, #tpu.memory_space<vmem>>) dst(%dma_wait3A_26 : memref<10000x8xf32, #tpu.memory_space<hbm>>)
      tpu.yield
    }) : () -> ()
    return
  }
}

#map = affine_map<(d0, d1) -> (0, 0)>
#map1 = affine_map<(d0, d1) -> (0)>
#map2 = affine_map<(d0, d1) -> (0, 0, 0)>
module attributes {stable_mosaic.version = 14 : i64} {
  func.func @_scatter_body(%arg0: i32, %arg1: i32, %arg2: memref<320000x8xf32, #tpu.memory_space<hbm>>, %arg3: memref<640000xi32, #tpu.memory_space<hbm>>, %arg4: memref<10000x8xf32, #tpu.memory_space<hbm>>, %arg5: memref<2x10000x8xf32, #tpu.memory_space<hbm>>, %arg6: memref<10000xi32, #tpu.memory_space<vmem>>, %arg7: memref<10000x8xf32, #tpu.memory_space<vmem>>, %arg8: memref<625x8xf32, #tpu.memory_space<vmem>>, %arg9: memref<10000x8xf32, #tpu.memory_space<vmem_shared>>) attributes {dimension_semantics = [#tpu.dimension_semantics<core_parallel>, #tpu.dimension_semantics<subcore_parallel>], iteration_bounds = array<i64: 2, 16>, scalar_prefetch = 0 : i64, scratch_operands = 4 : i64, tpu.core_type = #tpu.core_type<sc_vector_subcore>, window_params = [{transform_indices = #map}, {transform_indices = #map1}, {transform_indices = #map}, {transform_indices = #map2}]} {
    %mul3A = arith.constant 2 : i32
    %mul3A_0 = arith.muli %arg1, %mul3A : i32
    %add3A = arith.addi %mul3A_0, %arg0 : i32
    %mul3A_1 = arith.constant 625 : i32
    %mul3A_2 = arith.muli %arg1, %mul3A_1 : i32
    "tpu.region"() ({
      %run_scoped3A = tpu.sem_alloc : memref<!tpu.dma_semaphore, #tpu.memory_space<semaphore_mem>>
      %dma_start3A = arith.constant 0 : i32
      %dma_start3A_14 = tpu.memref_slice %arg4[%mul3A_2, %dma_start3A] : memref<10000x8xf32, #tpu.memory_space<hbm>> -> memref<625x8xf32, #tpu.memory_space<hbm>>
      %dma_start3A_15 = arith.constant 0 : i32
      %dma_start3A_16 = tpu.memref_slice %arg4[%mul3A_2, %dma_start3A_15] : memref<10000x8xf32, #tpu.memory_space<hbm>> -> memref<625x8xf32, #tpu.memory_space<hbm>>
      tpu.enqueue_dma source(%dma_start3A_16 : memref<625x8xf32, #tpu.memory_space<hbm>>) target(%arg8 : memref<625x8xf32, #tpu.memory_space<vmem>>) target_semaphore(%run_scoped3A : memref<!tpu.dma_semaphore, #tpu.memory_space<semaphore_mem>>)
      %dma_wait3A = arith.constant 0 : i32
      %dma_wait3A_17 = tpu.memref_slice %arg4[%mul3A_2, %dma_wait3A] : memref<10000x8xf32, #tpu.memory_space<hbm>> -> memref<625x8xf32, #tpu.memory_space<hbm>>
      %dma_wait3A_18 = arith.constant 0 : i32
      %dma_wait3A_19 = tpu.memref_slice %arg4[%mul3A_2, %dma_wait3A_18] : memref<10000x8xf32, #tpu.memory_space<hbm>> -> memref<625x8xf32, #tpu.memory_space<hbm>>
      tpu.wait_dma2 semaphore(%run_scoped3A : memref<!tpu.dma_semaphore, #tpu.memory_space<semaphore_mem>>) src(%dma_wait3A_19 : memref<625x8xf32, #tpu.memory_space<hbm>>) dst(%arg8 : memref<625x8xf32, #tpu.memory_space<vmem>>)
      tpu.yield
    }) : () -> ()
    %mul3A_3 = arith.constant 625 : i32
    %mul3A_4 = arith.muli %arg1, %mul3A_3 : i32
    "tpu.region"() ({
      %run_scoped3A = tpu.sem_alloc : memref<!tpu.dma_semaphore, #tpu.memory_space<semaphore_mem>>
      %dma_start3A = arith.constant 0 : i32
      %dma_start3A_14 = tpu.memref_slice %arg9[%mul3A_4, %dma_start3A] : memref<10000x8xf32, #tpu.memory_space<vmem_shared>> -> memref<625x8xf32, #tpu.memory_space<vmem_shared>>
      %dma_start3A_15 = arith.constant 0 : i32
      %dma_start3A_16 = tpu.memref_slice %arg9[%mul3A_4, %dma_start3A_15] : memref<10000x8xf32, #tpu.memory_space<vmem_shared>> -> memref<625x8xf32, #tpu.memory_space<vmem_shared>>
      tpu.enqueue_dma source(%arg8 : memref<625x8xf32, #tpu.memory_space<vmem>>) target(%dma_start3A_16 : memref<625x8xf32, #tpu.memory_space<vmem_shared>>) target_semaphore(%run_scoped3A : memref<!tpu.dma_semaphore, #tpu.memory_space<semaphore_mem>>)
      %dma_wait3A = arith.constant 0 : i32
      %dma_wait3A_17 = tpu.memref_slice %arg9[%mul3A_4, %dma_wait3A] : memref<10000x8xf32, #tpu.memory_space<vmem_shared>> -> memref<625x8xf32, #tpu.memory_space<vmem_shared>>
      %dma_wait3A_18 = arith.constant 0 : i32
      %dma_wait3A_19 = tpu.memref_slice %arg9[%mul3A_4, %dma_wait3A_18] : memref<10000x8xf32, #tpu.memory_space<vmem_shared>> -> memref<625x8xf32, #tpu.memory_space<vmem_shared>>
      tpu.wait_dma2 semaphore(%run_scoped3A : memref<!tpu.dma_semaphore, #tpu.memory_space<semaphore_mem>>) src(%arg8 : memref<625x8xf32, #tpu.memory_space<vmem>>) dst(%dma_wait3A_19 : memref<625x8xf32, #tpu.memory_space<vmem_shared>>)
      tpu.yield
    }) : () -> ()
    %barrier3A = arith.constant 0 : index
    tpu.barrier barrier_id(%barrier3A)
    %mul3A_5 = arith.constant 10000 : i32
    %mul3A_6 = arith.muli %add3A, %mul3A_5 : i32
    %add3A_7 = arith.constant 320000 : i32
    %add3A_8 = arith.addi %add3A_7, %mul3A_6 : i32
    "tpu.region"() ({
      %run_scoped3A = tpu.sem_alloc : memref<!tpu.dma_semaphore, #tpu.memory_space<semaphore_mem>>
      %dma_start3A = tpu.memref_slice %arg3[%add3A_8] : memref<640000xi32, #tpu.memory_space<hbm>> -> memref<10000xi32, #tpu.memory_space<hbm>>
      %dma_start3A_14 = tpu.memref_slice %arg3[%add3A_8] : memref<640000xi32, #tpu.memory_space<hbm>> -> memref<10000xi32, #tpu.memory_space<hbm>>
      tpu.enqueue_dma source(%dma_start3A_14 : memref<10000xi32, #tpu.memory_space<hbm>>) target(%arg6 : memref<10000xi32, #tpu.memory_space<vmem>>) target_semaphore(%run_scoped3A : memref<!tpu.dma_semaphore, #tpu.memory_space<semaphore_mem>>)
      %dma_wait3A = tpu.memref_slice %arg3[%add3A_8] : memref<640000xi32, #tpu.memory_space<hbm>> -> memref<10000xi32, #tpu.memory_space<hbm>>
      %dma_wait3A_15 = tpu.memref_slice %arg3[%add3A_8] : memref<640000xi32, #tpu.memory_space<hbm>> -> memref<10000xi32, #tpu.memory_space<hbm>>
      tpu.wait_dma2 semaphore(%run_scoped3A : memref<!tpu.dma_semaphore, #tpu.memory_space<semaphore_mem>>) src(%dma_wait3A_15 : memref<10000xi32, #tpu.memory_space<hbm>>) dst(%arg6 : memref<10000xi32, #tpu.memory_space<vmem>>)
      tpu.yield
    }) : () -> ()
    "tpu.region"() ({
      %run_scoped3A = tpu.sem_alloc : memref<!tpu.dma_semaphore, #tpu.memory_space<semaphore_mem>>
      %dma_start3A = arith.constant 0 : i32
      %dma_start3A_14 = tpu.memref_slice %arg2[%mul3A_6, %dma_start3A] : memref<320000x8xf32, #tpu.memory_space<hbm>> -> memref<10000x8xf32, #tpu.memory_space<hbm>>
      %dma_start3A_15 = arith.constant 0 : i32
      %dma_start3A_16 = tpu.memref_slice %arg2[%mul3A_6, %dma_start3A_15] : memref<320000x8xf32, #tpu.memory_space<hbm>> -> memref<10000x8xf32, #tpu.memory_space<hbm>>
      tpu.enqueue_dma source(%dma_start3A_16 : memref<10000x8xf32, #tpu.memory_space<hbm>>) target(%arg7 : memref<10000x8xf32, #tpu.memory_space<vmem>>) target_semaphore(%run_scoped3A : memref<!tpu.dma_semaphore, #tpu.memory_space<semaphore_mem>>)
      %dma_wait3A = arith.constant 0 : i32
      %dma_wait3A_17 = tpu.memref_slice %arg2[%mul3A_6, %dma_wait3A] : memref<320000x8xf32, #tpu.memory_space<hbm>> -> memref<10000x8xf32, #tpu.memory_space<hbm>>
      %dma_wait3A_18 = arith.constant 0 : i32
      %dma_wait3A_19 = tpu.memref_slice %arg2[%mul3A_6, %dma_wait3A_18] : memref<320000x8xf32, #tpu.memory_space<hbm>> -> memref<10000x8xf32, #tpu.memory_space<hbm>>
      tpu.wait_dma2 semaphore(%run_scoped3A : memref<!tpu.dma_semaphore, #tpu.memory_space<semaphore_mem>>) src(%dma_wait3A_19 : memref<10000x8xf32, #tpu.memory_space<hbm>>) dst(%arg7 : memref<10000x8xf32, #tpu.memory_space<vmem>>)
      tpu.yield
    }) : () -> ()
    "tpu.region"() ({
      %run_scoped3A = tpu.sem_alloc : memref<!tpu.dma_semaphore, #tpu.memory_space<semaphore_mem>>
      %dma_start3A = arith.constant 0 : i32
      %dma_start3A_14 = arith.constant 0 : i32
      %dma_start3A_15 = tpu.memref_slice %arg9[%dma_start3A, %dma_start3A_14] : memref<10000x8xf32, #tpu.memory_space<vmem_shared>> -> memref<10000x8xf32, #tpu.memory_space<vmem_shared>>
      tpu.enqueue_indirect_dma source(%arg7 : memref<10000x8xf32, #tpu.memory_space<vmem>>) target(%dma_start3A_15 : memref<10000x8xf32, #tpu.memory_space<vmem_shared>>) offsets(%arg6 : memref<10000xi32, #tpu.memory_space<vmem>>) semaphore(%run_scoped3A : memref<!tpu.dma_semaphore, #tpu.memory_space<semaphore_mem>>) {add = true}
      %dma_wait3A = arith.constant 0 : i32
      %dma_wait3A_16 = arith.constant 0 : i32
      %dma_wait3A_17 = tpu.memref_slice %arg9[%dma_wait3A, %dma_wait3A_16] : memref<10000x8xf32, #tpu.memory_space<vmem_shared>> -> memref<10000x8xf32, #tpu.memory_space<vmem_shared>>
      tpu.wait_indirect_dma semaphore(%run_scoped3A : memref<!tpu.dma_semaphore, #tpu.memory_space<semaphore_mem>>) src(%arg7 : memref<10000x8xf32, #tpu.memory_space<vmem>>) dst(%dma_wait3A_17 : memref<10000x8xf32, #tpu.memory_space<vmem_shared>>)
      tpu.yield
    }) : () -> ()
    %barrier3A_9 = arith.constant 0 : index
    tpu.barrier barrier_id(%barrier3A_9)
    %mul3A_10 = arith.constant 625 : i32
    %mul3A_11 = arith.muli %arg1, %mul3A_10 : i32
    %mul3A_12 = arith.constant 625 : i32
    %mul3A_13 = arith.muli %arg1, %mul3A_12 : i32
    "tpu.region"() ({
      %run_scoped3A = tpu.sem_alloc : memref<!tpu.dma_semaphore, #tpu.memory_space<semaphore_mem>>
      %dma_start3A = arith.constant 0 : i32
      %dma_start3A_14 = tpu.memref_slice %arg5[%arg0, %mul3A_13, %dma_start3A] : memref<2x10000x8xf32, #tpu.memory_space<hbm>> -> memref<1x625x8xf32, #tpu.memory_space<hbm>>
      %dma_start3A_15 = tpu.memref_squeeze %dma_start3A_14 : memref<1x625x8xf32, #tpu.memory_space<hbm>> -> memref<625x8xf32, #tpu.memory_space<hbm>>
      %dma_start3A_16 = arith.constant 0 : i32
      %dma_start3A_17 = tpu.memref_slice %arg9[%mul3A_11, %dma_start3A_16] : memref<10000x8xf32, #tpu.memory_space<vmem_shared>> -> memref<625x8xf32, #tpu.memory_space<vmem_shared>>
      tpu.enqueue_dma source(%dma_start3A_17 : memref<625x8xf32, #tpu.memory_space<vmem_shared>>) target(%dma_start3A_15 : memref<625x8xf32, #tpu.memory_space<hbm>>) target_semaphore(%run_scoped3A : memref<!tpu.dma_semaphore, #tpu.memory_space<semaphore_mem>>)
      %dma_wait3A = arith.constant 0 : i32
      %dma_wait3A_18 = tpu.memref_slice %arg5[%arg0, %mul3A_13, %dma_wait3A] : memref<2x10000x8xf32, #tpu.memory_space<hbm>> -> memref<1x625x8xf32, #tpu.memory_space<hbm>>
      %dma_wait3A_19 = tpu.memref_squeeze %dma_wait3A_18 : memref<1x625x8xf32, #tpu.memory_space<hbm>> -> memref<625x8xf32, #tpu.memory_space<hbm>>
      %dma_wait3A_20 = arith.constant 0 : i32
      %dma_wait3A_21 = tpu.memref_slice %arg9[%mul3A_11, %dma_wait3A_20] : memref<10000x8xf32, #tpu.memory_space<vmem_shared>> -> memref<625x8xf32, #tpu.memory_space<vmem_shared>>
      tpu.wait_dma2 semaphore(%run_scoped3A : memref<!tpu.dma_semaphore, #tpu.memory_space<semaphore_mem>>) src(%dma_wait3A_21 : memref<625x8xf32, #tpu.memory_space<vmem_shared>>) dst(%dma_wait3A_19 : memref<625x8xf32, #tpu.memory_space<hbm>>)
      tpu.yield
    }) : () -> ()
    return
  }
}

#map = affine_map<(d0, d1) -> (0, 0)>
#map1 = affine_map<(d0, d1) -> (0)>
module attributes {stable_mosaic.version = 14 : i64} {
  func.func @_gather_body(%arg0: i32, %arg1: i32, %arg2: memref<10000x8xf32, #tpu.memory_space<hbm>>, %arg3: memref<640000xi32, #tpu.memory_space<hbm>>, %arg4: memref<320000x8xf32, #tpu.memory_space<hbm>>, %arg5: memref<320000x8xf32, #tpu.memory_space<hbm>>, %arg6: memref<10000xi32, #tpu.memory_space<vmem>>, %arg7: memref<10000x8xf32, #tpu.memory_space<vmem>>, %arg8: memref<625x8xf32, #tpu.memory_space<vmem>>, %arg9: memref<10000x8xf32, #tpu.memory_space<vmem_shared>>, %arg10: memref<!tpu.dma_semaphore, #tpu.memory_space<semaphore_mem>>) attributes {dimension_semantics = [#tpu.dimension_semantics<core_parallel>, #tpu.dimension_semantics<subcore_parallel>], iteration_bounds = array<i64: 2, 16>, scalar_prefetch = 0 : i64, scratch_operands = 5 : i64, tpu.core_type = #tpu.core_type<sc_vector_subcore>, window_params = [{transform_indices = #map}, {transform_indices = #map1}, {transform_indices = #map}, {transform_indices = #map}]} {
    %mul3A = arith.constant 2 : i32
    %mul3A_0 = arith.muli %arg1, %mul3A : i32
    %add3A = arith.addi %mul3A_0, %arg0 : i32
    %mul3A_1 = arith.constant 10000 : i32
    %mul3A_2 = arith.muli %add3A, %mul3A_1 : i32
    %mul3A_3 = arith.constant 625 : i32
    %mul3A_4 = arith.muli %arg1, %mul3A_3 : i32
    "tpu.region"() ({
      %run_scoped3A = tpu.sem_alloc : memref<!tpu.dma_semaphore, #tpu.memory_space<semaphore_mem>>
      %dma_start3A_19 = arith.constant 0 : i32
      %dma_start3A_20 = tpu.memref_slice %arg2[%mul3A_4, %dma_start3A_19] : memref<10000x8xf32, #tpu.memory_space<hbm>> -> memref<625x8xf32, #tpu.memory_space<hbm>>
      %dma_start3A_21 = arith.constant 0 : i32
      %dma_start3A_22 = tpu.memref_slice %arg2[%mul3A_4, %dma_start3A_21] : memref<10000x8xf32, #tpu.memory_space<hbm>> -> memref<625x8xf32, #tpu.memory_space<hbm>>
      tpu.enqueue_dma source(%dma_start3A_22 : memref<625x8xf32, #tpu.memory_space<hbm>>) target(%arg8 : memref<625x8xf32, #tpu.memory_space<vmem>>) target_semaphore(%run_scoped3A : memref<!tpu.dma_semaphore, #tpu.memory_space<semaphore_mem>>)
      %dma_wait3A_23 = arith.constant 0 : i32
      %dma_wait3A_24 = tpu.memref_slice %arg2[%mul3A_4, %dma_wait3A_23] : memref<10000x8xf32, #tpu.memory_space<hbm>> -> memref<625x8xf32, #tpu.memory_space<hbm>>
      %dma_wait3A_25 = arith.constant 0 : i32
      %dma_wait3A_26 = tpu.memref_slice %arg2[%mul3A_4, %dma_wait3A_25] : memref<10000x8xf32, #tpu.memory_space<hbm>> -> memref<625x8xf32, #tpu.memory_space<hbm>>
      tpu.wait_dma2 semaphore(%run_scoped3A : memref<!tpu.dma_semaphore, #tpu.memory_space<semaphore_mem>>) src(%dma_wait3A_26 : memref<625x8xf32, #tpu.memory_space<hbm>>) dst(%arg8 : memref<625x8xf32, #tpu.memory_space<vmem>>)
      tpu.yield
    }) : () -> ()
    %mul3A_5 = arith.constant 625 : i32
    %mul3A_6 = arith.muli %arg1, %mul3A_5 : i32
    "tpu.region"() ({
      %run_scoped3A = tpu.sem_alloc : memref<!tpu.dma_semaphore, #tpu.memory_space<semaphore_mem>>
      %dma_start3A_19 = arith.constant 0 : i32
      %dma_start3A_20 = tpu.memref_slice %arg9[%mul3A_6, %dma_start3A_19] : memref<10000x8xf32, #tpu.memory_space<vmem_shared>> -> memref<625x8xf32, #tpu.memory_space<vmem_shared>>
      %dma_start3A_21 = arith.constant 0 : i32
      %dma_start3A_22 = tpu.memref_slice %arg9[%mul3A_6, %dma_start3A_21] : memref<10000x8xf32, #tpu.memory_space<vmem_shared>> -> memref<625x8xf32, #tpu.memory_space<vmem_shared>>
      tpu.enqueue_dma source(%arg8 : memref<625x8xf32, #tpu.memory_space<vmem>>) target(%dma_start3A_22 : memref<625x8xf32, #tpu.memory_space<vmem_shared>>) target_semaphore(%run_scoped3A : memref<!tpu.dma_semaphore, #tpu.memory_space<semaphore_mem>>)
      %dma_wait3A_23 = arith.constant 0 : i32
      %dma_wait3A_24 = tpu.memref_slice %arg9[%mul3A_6, %dma_wait3A_23] : memref<10000x8xf32, #tpu.memory_space<vmem_shared>> -> memref<625x8xf32, #tpu.memory_space<vmem_shared>>
      %dma_wait3A_25 = arith.constant 0 : i32
      %dma_wait3A_26 = tpu.memref_slice %arg9[%mul3A_6, %dma_wait3A_25] : memref<10000x8xf32, #tpu.memory_space<vmem_shared>> -> memref<625x8xf32, #tpu.memory_space<vmem_shared>>
      tpu.wait_dma2 semaphore(%run_scoped3A : memref<!tpu.dma_semaphore, #tpu.memory_space<semaphore_mem>>) src(%arg8 : memref<625x8xf32, #tpu.memory_space<vmem>>) dst(%dma_wait3A_26 : memref<625x8xf32, #tpu.memory_space<vmem_shared>>)
      tpu.yield
    }) : () -> ()
    %barrier3A = arith.constant 0 : index
    tpu.barrier barrier_id(%barrier3A)
    %add3A_7 = arith.constant 320000 : i32
    %add3A_8 = arith.addi %add3A_7, %mul3A_2 : i32
    "tpu.region"() ({
      %run_scoped3A = tpu.sem_alloc : memref<!tpu.dma_semaphore, #tpu.memory_space<semaphore_mem>>
      %dma_start3A_19 = tpu.memref_slice %arg3[%add3A_8] : memref<640000xi32, #tpu.memory_space<hbm>> -> memref<10000xi32, #tpu.memory_space<hbm>>
      %dma_start3A_20 = tpu.memref_slice %arg3[%add3A_8] : memref<640000xi32, #tpu.memory_space<hbm>> -> memref<10000xi32, #tpu.memory_space<hbm>>
      tpu.enqueue_dma source(%dma_start3A_20 : memref<10000xi32, #tpu.memory_space<hbm>>) target(%arg6 : memref<10000xi32, #tpu.memory_space<vmem>>) target_semaphore(%run_scoped3A : memref<!tpu.dma_semaphore, #tpu.memory_space<semaphore_mem>>)
      %dma_wait3A_21 = tpu.memref_slice %arg3[%add3A_8] : memref<640000xi32, #tpu.memory_space<hbm>> -> memref<10000xi32, #tpu.memory_space<hbm>>
      %dma_wait3A_22 = tpu.memref_slice %arg3[%add3A_8] : memref<640000xi32, #tpu.memory_space<hbm>> -> memref<10000xi32, #tpu.memory_space<hbm>>
      tpu.wait_dma2 semaphore(%run_scoped3A : memref<!tpu.dma_semaphore, #tpu.memory_space<semaphore_mem>>) src(%dma_wait3A_22 : memref<10000xi32, #tpu.memory_space<hbm>>) dst(%arg6 : memref<10000xi32, #tpu.memory_space<vmem>>)
      tpu.yield
    }) : () -> ()
    %dma_start3A = arith.constant 0 : i32
    %dma_start3A_9 = arith.constant 0 : i32
    %dma_start3A_10 = tpu.memref_slice %arg9[%dma_start3A, %dma_start3A_9] : memref<10000x8xf32, #tpu.memory_space<vmem_shared>> -> memref<10000x8xf32, #tpu.memory_space<vmem_shared>>
    tpu.enqueue_indirect_dma source(%dma_start3A_10 : memref<10000x8xf32, #tpu.memory_space<vmem_shared>>) target(%arg7 : memref<10000x8xf32, #tpu.memory_space<vmem>>) offsets(%arg6 : memref<10000xi32, #tpu.memory_space<vmem>>) semaphore(%arg10 : memref<!tpu.dma_semaphore, #tpu.memory_space<semaphore_mem>>)
    %dma_wait3A = arith.constant 0 : i32
    %dma_wait3A_11 = arith.constant 0 : i32
    %dma_wait3A_12 = tpu.memref_slice %arg9[%dma_wait3A, %dma_wait3A_11] : memref<10000x8xf32, #tpu.memory_space<vmem_shared>> -> memref<10000x8xf32, #tpu.memory_space<vmem_shared>>
    tpu.wait_indirect_dma semaphore(%arg10 : memref<!tpu.dma_semaphore, #tpu.memory_space<semaphore_mem>>) src(%dma_wait3A_12 : memref<10000x8xf32, #tpu.memory_space<vmem_shared>>) dst(%arg7 : memref<10000x8xf32, #tpu.memory_space<vmem>>)
    "tpu.region"() ({
      %run_scoped3A = tpu.sem_alloc : memref<!tpu.dma_semaphore, #tpu.memory_space<semaphore_mem>>
      %dma_start3A_19 = arith.constant 0 : i32
      %dma_start3A_20 = tpu.memref_slice %arg4[%mul3A_2, %dma_start3A_19] : memref<320000x8xf32, #tpu.memory_space<hbm>> -> memref<10000x8xf32, #tpu.memory_space<hbm>>
      %dma_start3A_21 = arith.constant 0 : i32
      %dma_start3A_22 = tpu.memref_slice %arg4[%mul3A_2, %dma_start3A_21] : memref<320000x8xf32, #tpu.memory_space<hbm>> -> memref<10000x8xf32, #tpu.memory_space<hbm>>
      tpu.enqueue_dma source(%arg7 : memref<10000x8xf32, #tpu.memory_space<vmem>>) target(%dma_start3A_22 : memref<10000x8xf32, #tpu.memory_space<hbm>>) target_semaphore(%run_scoped3A : memref<!tpu.dma_semaphore, #tpu.memory_space<semaphore_mem>>)
      %dma_wait3A_23 = arith.constant 0 : i32
      %dma_wait3A_24 = tpu.memref_slice %arg4[%mul3A_2, %dma_wait3A_23] : memref<320000x8xf32, #tpu.memory_space<hbm>> -> memref<10000x8xf32, #tpu.memory_space<hbm>>
      %dma_wait3A_25 = arith.constant 0 : i32
      %dma_wait3A_26 = tpu.memref_slice %arg4[%mul3A_2, %dma_wait3A_25] : memref<320000x8xf32, #tpu.memory_space<hbm>> -> memref<10000x8xf32, #tpu.memory_space<hbm>>
      tpu.wait_dma2 semaphore(%run_scoped3A : memref<!tpu.dma_semaphore, #tpu.memory_space<semaphore_mem>>) src(%arg7 : memref<10000x8xf32, #tpu.memory_space<vmem>>) dst(%dma_wait3A_26 : memref<10000x8xf32, #tpu.memory_space<hbm>>)
      tpu.yield
    }) : () -> ()
    "tpu.region"() ({
      %run_scoped3A = tpu.sem_alloc : memref<!tpu.dma_semaphore, #tpu.memory_space<semaphore_mem>>
      %dma_start3A_19 = tpu.memref_slice %arg3[%mul3A_2] : memref<640000xi32, #tpu.memory_space<hbm>> -> memref<10000xi32, #tpu.memory_space<hbm>>
      %dma_start3A_20 = tpu.memref_slice %arg3[%mul3A_2] : memref<640000xi32, #tpu.memory_space<hbm>> -> memref<10000xi32, #tpu.memory_space<hbm>>
      tpu.enqueue_dma source(%dma_start3A_20 : memref<10000xi32, #tpu.memory_space<hbm>>) target(%arg6 : memref<10000xi32, #tpu.memory_space<vmem>>) target_semaphore(%run_scoped3A : memref<!tpu.dma_semaphore, #tpu.memory_space<semaphore_mem>>)
      %dma_wait3A_21 = tpu.memref_slice %arg3[%mul3A_2] : memref<640000xi32, #tpu.memory_space<hbm>> -> memref<10000xi32, #tpu.memory_space<hbm>>
      %dma_wait3A_22 = tpu.memref_slice %arg3[%mul3A_2] : memref<640000xi32, #tpu.memory_space<hbm>> -> memref<10000xi32, #tpu.memory_space<hbm>>
      tpu.wait_dma2 semaphore(%run_scoped3A : memref<!tpu.dma_semaphore, #tpu.memory_space<semaphore_mem>>) src(%dma_wait3A_22 : memref<10000xi32, #tpu.memory_space<hbm>>) dst(%arg6 : memref<10000xi32, #tpu.memory_space<vmem>>)
      tpu.yield
    }) : () -> ()
    %dma_start3A_13 = arith.constant 0 : i32
    %dma_start3A_14 = arith.constant 0 : i32
    %dma_start3A_15 = tpu.memref_slice %arg9[%dma_start3A_13, %dma_start3A_14] : memref<10000x8xf32, #tpu.memory_space<vmem_shared>> -> memref<10000x8xf32, #tpu.memory_space<vmem_shared>>
    tpu.enqueue_indirect_dma source(%dma_start3A_15 : memref<10000x8xf32, #tpu.memory_space<vmem_shared>>) target(%arg7 : memref<10000x8xf32, #tpu.memory_space<vmem>>) offsets(%arg6 : memref<10000xi32, #tpu.memory_space<vmem>>) semaphore(%arg10 : memref<!tpu.dma_semaphore, #tpu.memory_space<semaphore_mem>>)
    %dma_wait3A_16 = arith.constant 0 : i32
    %dma_wait3A_17 = arith.constant 0 : i32
    %dma_wait3A_18 = tpu.memref_slice %arg9[%dma_wait3A_16, %dma_wait3A_17] : memref<10000x8xf32, #tpu.memory_space<vmem_shared>> -> memref<10000x8xf32, #tpu.memory_space<vmem_shared>>
    tpu.wait_indirect_dma semaphore(%arg10 : memref<!tpu.dma_semaphore, #tpu.memory_space<semaphore_mem>>) src(%dma_wait3A_18 : memref<10000x8xf32, #tpu.memory_space<vmem_shared>>) dst(%arg7 : memref<10000x8xf32, #tpu.memory_space<vmem>>)
    "tpu.region"() ({
      %run_scoped3A = tpu.sem_alloc : memref<!tpu.dma_semaphore, #tpu.memory_space<semaphore_mem>>
      %dma_start3A_19 = arith.constant 0 : i32
      %dma_start3A_20 = tpu.memref_slice %arg5[%mul3A_2, %dma_start3A_19] : memref<320000x8xf32, #tpu.memory_space<hbm>> -> memref<10000x8xf32, #tpu.memory_space<hbm>>
      %dma_start3A_21 = arith.constant 0 : i32
      %dma_start3A_22 = tpu.memref_slice %arg5[%mul3A_2, %dma_start3A_21] : memref<320000x8xf32, #tpu.memory_space<hbm>> -> memref<10000x8xf32, #tpu.memory_space<hbm>>
      tpu.enqueue_dma source(%arg7 : memref<10000x8xf32, #tpu.memory_space<vmem>>) target(%dma_start3A_22 : memref<10000x8xf32, #tpu.memory_space<hbm>>) target_semaphore(%run_scoped3A : memref<!tpu.dma_semaphore, #tpu.memory_space<semaphore_mem>>)
      %dma_wait3A_23 = arith.constant 0 : i32
      %dma_wait3A_24 = tpu.memref_slice %arg5[%mul3A_2, %dma_wait3A_23] : memref<320000x8xf32, #tpu.memory_space<hbm>> -> memref<10000x8xf32, #tpu.memory_space<hbm>>
      %dma_wait3A_25 = arith.constant 0 : i32
      %dma_wait3A_26 = tpu.memref_slice %arg5[%mul3A_2, %dma_wait3A_25] : memref<320000x8xf32, #tpu.memory_space<hbm>> -> memref<10000x8xf32, #tpu.memory_space<hbm>>
      tpu.wait_dma2 semaphore(%run_scoped3A : memref<!tpu.dma_semaphore, #tpu.memory_space<semaphore_mem>>) src(%arg7 : memref<10000x8xf32, #tpu.memory_space<vmem>>) dst(%dma_wait3A_26 : memref<10000x8xf32, #tpu.memory_space<hbm>>)
      tpu.yield
    }) : () -> ()
    return
  }
}

#map = affine_map<(d0, d1) -> (0, 0)>
#map1 = affine_map<(d0, d1) -> (0)>
#map2 = affine_map<(d0, d1) -> (0, 0, 0)>
module attributes {stable_mosaic.version = 14 : i64} {
  func.func @_scatter_body(%arg0: i32, %arg1: i32, %arg2: memref<320000x8xf32, #tpu.memory_space<hbm>>, %arg3: memref<640000xi32, #tpu.memory_space<hbm>>, %arg4: memref<10000x8xf32, #tpu.memory_space<hbm>>, %arg5: memref<2x10000x8xf32, #tpu.memory_space<hbm>>, %arg6: memref<10000xi32, #tpu.memory_space<vmem>>, %arg7: memref<10000x8xf32, #tpu.memory_space<vmem>>, %arg8: memref<625x8xf32, #tpu.memory_space<vmem>>, %arg9: memref<10000x8xf32, #tpu.memory_space<vmem_shared>>) attributes {dimension_semantics = [#tpu.dimension_semantics<core_parallel>, #tpu.dimension_semantics<subcore_parallel>], iteration_bounds = array<i64: 2, 16>, scalar_prefetch = 0 : i64, scratch_operands = 4 : i64, tpu.core_type = #tpu.core_type<sc_vector_subcore>, window_params = [{transform_indices = #map}, {transform_indices = #map1}, {transform_indices = #map}, {transform_indices = #map2}]} {
    %mul3A = arith.constant 2 : i32
    %mul3A_0 = arith.muli %arg1, %mul3A : i32
    %add3A = arith.addi %mul3A_0, %arg0 : i32
    %mul3A_1 = arith.constant 625 : i32
    %mul3A_2 = arith.muli %arg1, %mul3A_1 : i32
    "tpu.region"() ({
      %run_scoped3A = tpu.sem_alloc : memref<!tpu.dma_semaphore, #tpu.memory_space<semaphore_mem>>
      %dma_start3A = arith.constant 0 : i32
      %dma_start3A_14 = tpu.memref_slice %arg4[%mul3A_2, %dma_start3A] : memref<10000x8xf32, #tpu.memory_space<hbm>> -> memref<625x8xf32, #tpu.memory_space<hbm>>
      %dma_start3A_15 = arith.constant 0 : i32
      %dma_start3A_16 = tpu.memref_slice %arg4[%mul3A_2, %dma_start3A_15] : memref<10000x8xf32, #tpu.memory_space<hbm>> -> memref<625x8xf32, #tpu.memory_space<hbm>>
      tpu.enqueue_dma source(%dma_start3A_16 : memref<625x8xf32, #tpu.memory_space<hbm>>) target(%arg8 : memref<625x8xf32, #tpu.memory_space<vmem>>) target_semaphore(%run_scoped3A : memref<!tpu.dma_semaphore, #tpu.memory_space<semaphore_mem>>)
      %dma_wait3A = arith.constant 0 : i32
      %dma_wait3A_17 = tpu.memref_slice %arg4[%mul3A_2, %dma_wait3A] : memref<10000x8xf32, #tpu.memory_space<hbm>> -> memref<625x8xf32, #tpu.memory_space<hbm>>
      %dma_wait3A_18 = arith.constant 0 : i32
      %dma_wait3A_19 = tpu.memref_slice %arg4[%mul3A_2, %dma_wait3A_18] : memref<10000x8xf32, #tpu.memory_space<hbm>> -> memref<625x8xf32, #tpu.memory_space<hbm>>
      tpu.wait_dma2 semaphore(%run_scoped3A : memref<!tpu.dma_semaphore, #tpu.memory_space<semaphore_mem>>) src(%dma_wait3A_19 : memref<625x8xf32, #tpu.memory_space<hbm>>) dst(%arg8 : memref<625x8xf32, #tpu.memory_space<vmem>>)
      tpu.yield
    }) : () -> ()
    %mul3A_3 = arith.constant 625 : i32
    %mul3A_4 = arith.muli %arg1, %mul3A_3 : i32
    "tpu.region"() ({
      %run_scoped3A = tpu.sem_alloc : memref<!tpu.dma_semaphore, #tpu.memory_space<semaphore_mem>>
      %dma_start3A = arith.constant 0 : i32
      %dma_start3A_14 = tpu.memref_slice %arg9[%mul3A_4, %dma_start3A] : memref<10000x8xf32, #tpu.memory_space<vmem_shared>> -> memref<625x8xf32, #tpu.memory_space<vmem_shared>>
      %dma_start3A_15 = arith.constant 0 : i32
      %dma_start3A_16 = tpu.memref_slice %arg9[%mul3A_4, %dma_start3A_15] : memref<10000x8xf32, #tpu.memory_space<vmem_shared>> -> memref<625x8xf32, #tpu.memory_space<vmem_shared>>
      tpu.enqueue_dma source(%arg8 : memref<625x8xf32, #tpu.memory_space<vmem>>) target(%dma_start3A_16 : memref<625x8xf32, #tpu.memory_space<vmem_shared>>) target_semaphore(%run_scoped3A : memref<!tpu.dma_semaphore, #tpu.memory_space<semaphore_mem>>)
      %dma_wait3A = arith.constant 0 : i32
      %dma_wait3A_17 = tpu.memref_slice %arg9[%mul3A_4, %dma_wait3A] : memref<10000x8xf32, #tpu.memory_space<vmem_shared>> -> memref<625x8xf32, #tpu.memory_space<vmem_shared>>
      %dma_wait3A_18 = arith.constant 0 : i32
      %dma_wait3A_19 = tpu.memref_slice %arg9[%mul3A_4, %dma_wait3A_18] : memref<10000x8xf32, #tpu.memory_space<vmem_shared>> -> memref<625x8xf32, #tpu.memory_space<vmem_shared>>
      tpu.wait_dma2 semaphore(%run_scoped3A : memref<!tpu.dma_semaphore, #tpu.memory_space<semaphore_mem>>) src(%arg8 : memref<625x8xf32, #tpu.memory_space<vmem>>) dst(%dma_wait3A_19 : memref<625x8xf32, #tpu.memory_space<vmem_shared>>)
      tpu.yield
    }) : () -> ()
    %barrier3A = arith.constant 0 : index
    tpu.barrier barrier_id(%barrier3A)
    %mul3A_5 = arith.constant 10000 : i32
    %mul3A_6 = arith.muli %add3A, %mul3A_5 : i32
    %add3A_7 = arith.constant 320000 : i32
    %add3A_8 = arith.addi %add3A_7, %mul3A_6 : i32
    "tpu.region"() ({
      %run_scoped3A = tpu.sem_alloc : memref<!tpu.dma_semaphore, #tpu.memory_space<semaphore_mem>>
      %dma_start3A = tpu.memref_slice %arg3[%add3A_8] : memref<640000xi32, #tpu.memory_space<hbm>> -> memref<10000xi32, #tpu.memory_space<hbm>>
      %dma_start3A_14 = tpu.memref_slice %arg3[%add3A_8] : memref<640000xi32, #tpu.memory_space<hbm>> -> memref<10000xi32, #tpu.memory_space<hbm>>
      tpu.enqueue_dma source(%dma_start3A_14 : memref<10000xi32, #tpu.memory_space<hbm>>) target(%arg6 : memref<10000xi32, #tpu.memory_space<vmem>>) target_semaphore(%run_scoped3A : memref<!tpu.dma_semaphore, #tpu.memory_space<semaphore_mem>>)
      %dma_wait3A = tpu.memref_slice %arg3[%add3A_8] : memref<640000xi32, #tpu.memory_space<hbm>> -> memref<10000xi32, #tpu.memory_space<hbm>>
      %dma_wait3A_15 = tpu.memref_slice %arg3[%add3A_8] : memref<640000xi32, #tpu.memory_space<hbm>> -> memref<10000xi32, #tpu.memory_space<hbm>>
      tpu.wait_dma2 semaphore(%run_scoped3A : memref<!tpu.dma_semaphore, #tpu.memory_space<semaphore_mem>>) src(%dma_wait3A_15 : memref<10000xi32, #tpu.memory_space<hbm>>) dst(%arg6 : memref<10000xi32, #tpu.memory_space<vmem>>)
      tpu.yield
    }) : () -> ()
    "tpu.region"() ({
      %run_scoped3A = tpu.sem_alloc : memref<!tpu.dma_semaphore, #tpu.memory_space<semaphore_mem>>
      %dma_start3A = arith.constant 0 : i32
      %dma_start3A_14 = tpu.memref_slice %arg2[%mul3A_6, %dma_start3A] : memref<320000x8xf32, #tpu.memory_space<hbm>> -> memref<10000x8xf32, #tpu.memory_space<hbm>>
      %dma_start3A_15 = arith.constant 0 : i32
      %dma_start3A_16 = tpu.memref_slice %arg2[%mul3A_6, %dma_start3A_15] : memref<320000x8xf32, #tpu.memory_space<hbm>> -> memref<10000x8xf32, #tpu.memory_space<hbm>>
      tpu.enqueue_dma source(%dma_start3A_16 : memref<10000x8xf32, #tpu.memory_space<hbm>>) target(%arg7 : memref<10000x8xf32, #tpu.memory_space<vmem>>) target_semaphore(%run_scoped3A : memref<!tpu.dma_semaphore, #tpu.memory_space<semaphore_mem>>)
      %dma_wait3A = arith.constant 0 : i32
      %dma_wait3A_17 = tpu.memref_slice %arg2[%mul3A_6, %dma_wait3A] : memref<320000x8xf32, #tpu.memory_space<hbm>> -> memref<10000x8xf32, #tpu.memory_space<hbm>>
      %dma_wait3A_18 = arith.constant 0 : i32
      %dma_wait3A_19 = tpu.memref_slice %arg2[%mul3A_6, %dma_wait3A_18] : memref<320000x8xf32, #tpu.memory_space<hbm>> -> memref<10000x8xf32, #tpu.memory_space<hbm>>
      tpu.wait_dma2 semaphore(%run_scoped3A : memref<!tpu.dma_semaphore, #tpu.memory_space<semaphore_mem>>) src(%dma_wait3A_19 : memref<10000x8xf32, #tpu.memory_space<hbm>>) dst(%arg7 : memref<10000x8xf32, #tpu.memory_space<vmem>>)
      tpu.yield
    }) : () -> ()
    "tpu.region"() ({
      %run_scoped3A = tpu.sem_alloc : memref<!tpu.dma_semaphore, #tpu.memory_space<semaphore_mem>>
      %dma_start3A = arith.constant 0 : i32
      %dma_start3A_14 = arith.constant 0 : i32
      %dma_start3A_15 = tpu.memref_slice %arg9[%dma_start3A, %dma_start3A_14] : memref<10000x8xf32, #tpu.memory_space<vmem_shared>> -> memref<10000x8xf32, #tpu.memory_space<vmem_shared>>
      tpu.enqueue_indirect_dma source(%arg7 : memref<10000x8xf32, #tpu.memory_space<vmem>>) target(%dma_start3A_15 : memref<10000x8xf32, #tpu.memory_space<vmem_shared>>) offsets(%arg6 : memref<10000xi32, #tpu.memory_space<vmem>>) semaphore(%run_scoped3A : memref<!tpu.dma_semaphore, #tpu.memory_space<semaphore_mem>>) {add = true}
      %dma_wait3A = arith.constant 0 : i32
      %dma_wait3A_16 = arith.constant 0 : i32
      %dma_wait3A_17 = tpu.memref_slice %arg9[%dma_wait3A, %dma_wait3A_16] : memref<10000x8xf32, #tpu.memory_space<vmem_shared>> -> memref<10000x8xf32, #tpu.memory_space<vmem_shared>>
      tpu.wait_indirect_dma semaphore(%run_scoped3A : memref<!tpu.dma_semaphore, #tpu.memory_space<semaphore_mem>>) src(%arg7 : memref<10000x8xf32, #tpu.memory_space<vmem>>) dst(%dma_wait3A_17 : memref<10000x8xf32, #tpu.memory_space<vmem_shared>>)
      tpu.yield
    }) : () -> ()
    %barrier3A_9 = arith.constant 0 : index
    tpu.barrier barrier_id(%barrier3A_9)
    %mul3A_10 = arith.constant 625 : i32
    %mul3A_11 = arith.muli %arg1, %mul3A_10 : i32
    %mul3A_12 = arith.constant 625 : i32
    %mul3A_13 = arith.muli %arg1, %mul3A_12 : i32
    "tpu.region"() ({
      %run_scoped3A = tpu.sem_alloc : memref<!tpu.dma_semaphore, #tpu.memory_space<semaphore_mem>>
      %dma_start3A = arith.constant 0 : i32
      %dma_start3A_14 = tpu.memref_slice %arg5[%arg0, %mul3A_13, %dma_start3A] : memref<2x10000x8xf32, #tpu.memory_space<hbm>> -> memref<1x625x8xf32, #tpu.memory_space<hbm>>
      %dma_start3A_15 = tpu.memref_squeeze %dma_start3A_14 : memref<1x625x8xf32, #tpu.memory_space<hbm>> -> memref<625x8xf32, #tpu.memory_space<hbm>>
      %dma_start3A_16 = arith.constant 0 : i32
      %dma_start3A_17 = tpu.memref_slice %arg9[%mul3A_11, %dma_start3A_16] : memref<10000x8xf32, #tpu.memory_space<vmem_shared>> -> memref<625x8xf32, #tpu.memory_space<vmem_shared>>
      tpu.enqueue_dma source(%dma_start3A_17 : memref<625x8xf32, #tpu.memory_space<vmem_shared>>) target(%dma_start3A_15 : memref<625x8xf32, #tpu.memory_space<hbm>>) target_semaphore(%run_scoped3A : memref<!tpu.dma_semaphore, #tpu.memory_space<semaphore_mem>>)
      %dma_wait3A = arith.constant 0 : i32
      %dma_wait3A_18 = tpu.memref_slice %arg5[%arg0, %mul3A_13, %dma_wait3A] : memref<2x10000x8xf32, #tpu.memory_space<hbm>> -> memref<1x625x8xf32, #tpu.memory_space<hbm>>
      %dma_wait3A_19 = tpu.memref_squeeze %dma_wait3A_18 : memref<1x625x8xf32, #tpu.memory_space<hbm>> -> memref<625x8xf32, #tpu.memory_space<hbm>>
      %dma_wait3A_20 = arith.constant 0 : i32
      %dma_wait3A_21 = tpu.memref_slice %arg9[%mul3A_11, %dma_wait3A_20] : memref<10000x8xf32, #tpu.memory_space<vmem_shared>> -> memref<625x8xf32, #tpu.memory_space<vmem_shared>>
      tpu.wait_dma2 semaphore(%run_scoped3A : memref<!tpu.dma_semaphore, #tpu.memory_space<semaphore_mem>>) src(%dma_wait3A_21 : memref<625x8xf32, #tpu.memory_space<vmem_shared>>) dst(%dma_wait3A_19 : memref<625x8xf32, #tpu.memory_space<hbm>>)
      tpu.yield
    }) : () -> ()
    return
  }
}

#map = affine_map<(d0, d1) -> (0, 0)>
#map1 = affine_map<(d0, d1) -> (0)>
module attributes {stable_mosaic.version = 14 : i64} {
  func.func @_gather_body(%arg0: i32, %arg1: i32, %arg2: memref<10000x8xf32, #tpu.memory_space<hbm>>, %arg3: memref<640000xi32, #tpu.memory_space<hbm>>, %arg4: memref<320000x8xf32, #tpu.memory_space<hbm>>, %arg5: memref<320000x8xf32, #tpu.memory_space<hbm>>, %arg6: memref<10000xi32, #tpu.memory_space<vmem>>, %arg7: memref<10000x8xf32, #tpu.memory_space<vmem>>, %arg8: memref<625x8xf32, #tpu.memory_space<vmem>>, %arg9: memref<10000x8xf32, #tpu.memory_space<vmem_shared>>, %arg10: memref<!tpu.dma_semaphore, #tpu.memory_space<semaphore_mem>>) attributes {dimension_semantics = [#tpu.dimension_semantics<core_parallel>, #tpu.dimension_semantics<subcore_parallel>], iteration_bounds = array<i64: 2, 16>, scalar_prefetch = 0 : i64, scratch_operands = 5 : i64, tpu.core_type = #tpu.core_type<sc_vector_subcore>, window_params = [{transform_indices = #map}, {transform_indices = #map1}, {transform_indices = #map}, {transform_indices = #map}]} {
    %mul3A = arith.constant 2 : i32
    %mul3A_0 = arith.muli %arg1, %mul3A : i32
    %add3A = arith.addi %mul3A_0, %arg0 : i32
    %mul3A_1 = arith.constant 10000 : i32
    %mul3A_2 = arith.muli %add3A, %mul3A_1 : i32
    %mul3A_3 = arith.constant 625 : i32
    %mul3A_4 = arith.muli %arg1, %mul3A_3 : i32
    "tpu.region"() ({
      %run_scoped3A = tpu.sem_alloc : memref<!tpu.dma_semaphore, #tpu.memory_space<semaphore_mem>>
      %dma_start3A_19 = arith.constant 0 : i32
      %dma_start3A_20 = tpu.memref_slice %arg2[%mul3A_4, %dma_start3A_19] : memref<10000x8xf32, #tpu.memory_space<hbm>> -> memref<625x8xf32, #tpu.memory_space<hbm>>
      %dma_start3A_21 = arith.constant 0 : i32
      %dma_start3A_22 = tpu.memref_slice %arg2[%mul3A_4, %dma_start3A_21] : memref<10000x8xf32, #tpu.memory_space<hbm>> -> memref<625x8xf32, #tpu.memory_space<hbm>>
      tpu.enqueue_dma source(%dma_start3A_22 : memref<625x8xf32, #tpu.memory_space<hbm>>) target(%arg8 : memref<625x8xf32, #tpu.memory_space<vmem>>) target_semaphore(%run_scoped3A : memref<!tpu.dma_semaphore, #tpu.memory_space<semaphore_mem>>)
      %dma_wait3A_23 = arith.constant 0 : i32
      %dma_wait3A_24 = tpu.memref_slice %arg2[%mul3A_4, %dma_wait3A_23] : memref<10000x8xf32, #tpu.memory_space<hbm>> -> memref<625x8xf32, #tpu.memory_space<hbm>>
      %dma_wait3A_25 = arith.constant 0 : i32
      %dma_wait3A_26 = tpu.memref_slice %arg2[%mul3A_4, %dma_wait3A_25] : memref<10000x8xf32, #tpu.memory_space<hbm>> -> memref<625x8xf32, #tpu.memory_space<hbm>>
      tpu.wait_dma2 semaphore(%run_scoped3A : memref<!tpu.dma_semaphore, #tpu.memory_space<semaphore_mem>>) src(%dma_wait3A_26 : memref<625x8xf32, #tpu.memory_space<hbm>>) dst(%arg8 : memref<625x8xf32, #tpu.memory_space<vmem>>)
      tpu.yield
    }) : () -> ()
    %mul3A_5 = arith.constant 625 : i32
    %mul3A_6 = arith.muli %arg1, %mul3A_5 : i32
    "tpu.region"() ({
      %run_scoped3A = tpu.sem_alloc : memref<!tpu.dma_semaphore, #tpu.memory_space<semaphore_mem>>
      %dma_start3A_19 = arith.constant 0 : i32
      %dma_start3A_20 = tpu.memref_slice %arg9[%mul3A_6, %dma_start3A_19] : memref<10000x8xf32, #tpu.memory_space<vmem_shared>> -> memref<625x8xf32, #tpu.memory_space<vmem_shared>>
      %dma_start3A_21 = arith.constant 0 : i32
      %dma_start3A_22 = tpu.memref_slice %arg9[%mul3A_6, %dma_start3A_21] : memref<10000x8xf32, #tpu.memory_space<vmem_shared>> -> memref<625x8xf32, #tpu.memory_space<vmem_shared>>
      tpu.enqueue_dma source(%arg8 : memref<625x8xf32, #tpu.memory_space<vmem>>) target(%dma_start3A_22 : memref<625x8xf32, #tpu.memory_space<vmem_shared>>) target_semaphore(%run_scoped3A : memref<!tpu.dma_semaphore, #tpu.memory_space<semaphore_mem>>)
      %dma_wait3A_23 = arith.constant 0 : i32
      %dma_wait3A_24 = tpu.memref_slice %arg9[%mul3A_6, %dma_wait3A_23] : memref<10000x8xf32, #tpu.memory_space<vmem_shared>> -> memref<625x8xf32, #tpu.memory_space<vmem_shared>>
      %dma_wait3A_25 = arith.constant 0 : i32
      %dma_wait3A_26 = tpu.memref_slice %arg9[%mul3A_6, %dma_wait3A_25] : memref<10000x8xf32, #tpu.memory_space<vmem_shared>> -> memref<625x8xf32, #tpu.memory_space<vmem_shared>>
      tpu.wait_dma2 semaphore(%run_scoped3A : memref<!tpu.dma_semaphore, #tpu.memory_space<semaphore_mem>>) src(%arg8 : memref<625x8xf32, #tpu.memory_space<vmem>>) dst(%dma_wait3A_26 : memref<625x8xf32, #tpu.memory_space<vmem_shared>>)
      tpu.yield
    }) : () -> ()
    %barrier3A = arith.constant 0 : index
    tpu.barrier barrier_id(%barrier3A)
    %add3A_7 = arith.constant 320000 : i32
    %add3A_8 = arith.addi %add3A_7, %mul3A_2 : i32
    "tpu.region"() ({
      %run_scoped3A = tpu.sem_alloc : memref<!tpu.dma_semaphore, #tpu.memory_space<semaphore_mem>>
      %dma_start3A_19 = tpu.memref_slice %arg3[%add3A_8] : memref<640000xi32, #tpu.memory_space<hbm>> -> memref<10000xi32, #tpu.memory_space<hbm>>
      %dma_start3A_20 = tpu.memref_slice %arg3[%add3A_8] : memref<640000xi32, #tpu.memory_space<hbm>> -> memref<10000xi32, #tpu.memory_space<hbm>>
      tpu.enqueue_dma source(%dma_start3A_20 : memref<10000xi32, #tpu.memory_space<hbm>>) target(%arg6 : memref<10000xi32, #tpu.memory_space<vmem>>) target_semaphore(%run_scoped3A : memref<!tpu.dma_semaphore, #tpu.memory_space<semaphore_mem>>)
      %dma_wait3A_21 = tpu.memref_slice %arg3[%add3A_8] : memref<640000xi32, #tpu.memory_space<hbm>> -> memref<10000xi32, #tpu.memory_space<hbm>>
      %dma_wait3A_22 = tpu.memref_slice %arg3[%add3A_8] : memref<640000xi32, #tpu.memory_space<hbm>> -> memref<10000xi32, #tpu.memory_space<hbm>>
      tpu.wait_dma2 semaphore(%run_scoped3A : memref<!tpu.dma_semaphore, #tpu.memory_space<semaphore_mem>>) src(%dma_wait3A_22 : memref<10000xi32, #tpu.memory_space<hbm>>) dst(%arg6 : memref<10000xi32, #tpu.memory_space<vmem>>)
      tpu.yield
    }) : () -> ()
    %dma_start3A = arith.constant 0 : i32
    %dma_start3A_9 = arith.constant 0 : i32
    %dma_start3A_10 = tpu.memref_slice %arg9[%dma_start3A, %dma_start3A_9] : memref<10000x8xf32, #tpu.memory_space<vmem_shared>> -> memref<10000x8xf32, #tpu.memory_space<vmem_shared>>
    tpu.enqueue_indirect_dma source(%dma_start3A_10 : memref<10000x8xf32, #tpu.memory_space<vmem_shared>>) target(%arg7 : memref<10000x8xf32, #tpu.memory_space<vmem>>) offsets(%arg6 : memref<10000xi32, #tpu.memory_space<vmem>>) semaphore(%arg10 : memref<!tpu.dma_semaphore, #tpu.memory_space<semaphore_mem>>)
    %dma_wait3A = arith.constant 0 : i32
    %dma_wait3A_11 = arith.constant 0 : i32
    %dma_wait3A_12 = tpu.memref_slice %arg9[%dma_wait3A, %dma_wait3A_11] : memref<10000x8xf32, #tpu.memory_space<vmem_shared>> -> memref<10000x8xf32, #tpu.memory_space<vmem_shared>>
    tpu.wait_indirect_dma semaphore(%arg10 : memref<!tpu.dma_semaphore, #tpu.memory_space<semaphore_mem>>) src(%dma_wait3A_12 : memref<10000x8xf32, #tpu.memory_space<vmem_shared>>) dst(%arg7 : memref<10000x8xf32, #tpu.memory_space<vmem>>)
    "tpu.region"() ({
      %run_scoped3A = tpu.sem_alloc : memref<!tpu.dma_semaphore, #tpu.memory_space<semaphore_mem>>
      %dma_start3A_19 = arith.constant 0 : i32
      %dma_start3A_20 = tpu.memref_slice %arg4[%mul3A_2, %dma_start3A_19] : memref<320000x8xf32, #tpu.memory_space<hbm>> -> memref<10000x8xf32, #tpu.memory_space<hbm>>
      %dma_start3A_21 = arith.constant 0 : i32
      %dma_start3A_22 = tpu.memref_slice %arg4[%mul3A_2, %dma_start3A_21] : memref<320000x8xf32, #tpu.memory_space<hbm>> -> memref<10000x8xf32, #tpu.memory_space<hbm>>
      tpu.enqueue_dma source(%arg7 : memref<10000x8xf32, #tpu.memory_space<vmem>>) target(%dma_start3A_22 : memref<10000x8xf32, #tpu.memory_space<hbm>>) target_semaphore(%run_scoped3A : memref<!tpu.dma_semaphore, #tpu.memory_space<semaphore_mem>>)
      %dma_wait3A_23 = arith.constant 0 : i32
      %dma_wait3A_24 = tpu.memref_slice %arg4[%mul3A_2, %dma_wait3A_23] : memref<320000x8xf32, #tpu.memory_space<hbm>> -> memref<10000x8xf32, #tpu.memory_space<hbm>>
      %dma_wait3A_25 = arith.constant 0 : i32
      %dma_wait3A_26 = tpu.memref_slice %arg4[%mul3A_2, %dma_wait3A_25] : memref<320000x8xf32, #tpu.memory_space<hbm>> -> memref<10000x8xf32, #tpu.memory_space<hbm>>
      tpu.wait_dma2 semaphore(%run_scoped3A : memref<!tpu.dma_semaphore, #tpu.memory_space<semaphore_mem>>) src(%arg7 : memref<10000x8xf32, #tpu.memory_space<vmem>>) dst(%dma_wait3A_26 : memref<10000x8xf32, #tpu.memory_space<hbm>>)
      tpu.yield
    }) : () -> ()
    "tpu.region"() ({
      %run_scoped3A = tpu.sem_alloc : memref<!tpu.dma_semaphore, #tpu.memory_space<semaphore_mem>>
      %dma_start3A_19 = tpu.memref_slice %arg3[%mul3A_2] : memref<640000xi32, #tpu.memory_space<hbm>> -> memref<10000xi32, #tpu.memory_space<hbm>>
      %dma_start3A_20 = tpu.memref_slice %arg3[%mul3A_2] : memref<640000xi32, #tpu.memory_space<hbm>> -> memref<10000xi32, #tpu.memory_space<hbm>>
      tpu.enqueue_dma source(%dma_start3A_20 : memref<10000xi32, #tpu.memory_space<hbm>>) target(%arg6 : memref<10000xi32, #tpu.memory_space<vmem>>) target_semaphore(%run_scoped3A : memref<!tpu.dma_semaphore, #tpu.memory_space<semaphore_mem>>)
      %dma_wait3A_21 = tpu.memref_slice %arg3[%mul3A_2] : memref<640000xi32, #tpu.memory_space<hbm>> -> memref<10000xi32, #tpu.memory_space<hbm>>
      %dma_wait3A_22 = tpu.memref_slice %arg3[%mul3A_2] : memref<640000xi32, #tpu.memory_space<hbm>> -> memref<10000xi32, #tpu.memory_space<hbm>>
      tpu.wait_dma2 semaphore(%run_scoped3A : memref<!tpu.dma_semaphore, #tpu.memory_space<semaphore_mem>>) src(%dma_wait3A_22 : memref<10000xi32, #tpu.memory_space<hbm>>) dst(%arg6 : memref<10000xi32, #tpu.memory_space<vmem>>)
      tpu.yield
    }) : () -> ()
    %dma_start3A_13 = arith.constant 0 : i32
    %dma_start3A_14 = arith.constant 0 : i32
    %dma_start3A_15 = tpu.memref_slice %arg9[%dma_start3A_13, %dma_start3A_14] : memref<10000x8xf32, #tpu.memory_space<vmem_shared>> -> memref<10000x8xf32, #tpu.memory_space<vmem_shared>>
    tpu.enqueue_indirect_dma source(%dma_start3A_15 : memref<10000x8xf32, #tpu.memory_space<vmem_shared>>) target(%arg7 : memref<10000x8xf32, #tpu.memory_space<vmem>>) offsets(%arg6 : memref<10000xi32, #tpu.memory_space<vmem>>) semaphore(%arg10 : memref<!tpu.dma_semaphore, #tpu.memory_space<semaphore_mem>>)
    %dma_wait3A_16 = arith.constant 0 : i32
    %dma_wait3A_17 = arith.constant 0 : i32
    %dma_wait3A_18 = tpu.memref_slice %arg9[%dma_wait3A_16, %dma_wait3A_17] : memref<10000x8xf32, #tpu.memory_space<vmem_shared>> -> memref<10000x8xf32, #tpu.memory_space<vmem_shared>>
    tpu.wait_indirect_dma semaphore(%arg10 : memref<!tpu.dma_semaphore, #tpu.memory_space<semaphore_mem>>) src(%dma_wait3A_18 : memref<10000x8xf32, #tpu.memory_space<vmem_shared>>) dst(%arg7 : memref<10000x8xf32, #tpu.memory_space<vmem>>)
    "tpu.region"() ({
      %run_scoped3A = tpu.sem_alloc : memref<!tpu.dma_semaphore, #tpu.memory_space<semaphore_mem>>
      %dma_start3A_19 = arith.constant 0 : i32
      %dma_start3A_20 = tpu.memref_slice %arg5[%mul3A_2, %dma_start3A_19] : memref<320000x8xf32, #tpu.memory_space<hbm>> -> memref<10000x8xf32, #tpu.memory_space<hbm>>
      %dma_start3A_21 = arith.constant 0 : i32
      %dma_start3A_22 = tpu.memref_slice %arg5[%mul3A_2, %dma_start3A_21] : memref<320000x8xf32, #tpu.memory_space<hbm>> -> memref<10000x8xf32, #tpu.memory_space<hbm>>
      tpu.enqueue_dma source(%arg7 : memref<10000x8xf32, #tpu.memory_space<vmem>>) target(%dma_start3A_22 : memref<10000x8xf32, #tpu.memory_space<hbm>>) target_semaphore(%run_scoped3A : memref<!tpu.dma_semaphore, #tpu.memory_space<semaphore_mem>>)
      %dma_wait3A_23 = arith.constant 0 : i32
      %dma_wait3A_24 = tpu.memref_slice %arg5[%mul3A_2, %dma_wait3A_23] : memref<320000x8xf32, #tpu.memory_space<hbm>> -> memref<10000x8xf32, #tpu.memory_space<hbm>>
      %dma_wait3A_25 = arith.constant 0 : i32
      %dma_wait3A_26 = tpu.memref_slice %arg5[%mul3A_2, %dma_wait3A_25] : memref<320000x8xf32, #tpu.memory_space<hbm>> -> memref<10000x8xf32, #tpu.memory_space<hbm>>
      tpu.wait_dma2 semaphore(%run_scoped3A : memref<!tpu.dma_semaphore, #tpu.memory_space<semaphore_mem>>) src(%arg7 : memref<10000x8xf32, #tpu.memory_space<vmem>>) dst(%dma_wait3A_26 : memref<10000x8xf32, #tpu.memory_space<hbm>>)
      tpu.yield
    }) : () -> ()
    return
  }
}

#map = affine_map<(d0, d1) -> (0, 0)>
#map1 = affine_map<(d0, d1) -> (0)>
#map2 = affine_map<(d0, d1) -> (0, 0, 0)>
module attributes {stable_mosaic.version = 14 : i64} {
  func.func @_scatter_body(%arg0: i32, %arg1: i32, %arg2: memref<320000x8xf32, #tpu.memory_space<hbm>>, %arg3: memref<640000xi32, #tpu.memory_space<hbm>>, %arg4: memref<10000x8xf32, #tpu.memory_space<hbm>>, %arg5: memref<2x10000x8xf32, #tpu.memory_space<hbm>>, %arg6: memref<10000xi32, #tpu.memory_space<vmem>>, %arg7: memref<10000x8xf32, #tpu.memory_space<vmem>>, %arg8: memref<625x8xf32, #tpu.memory_space<vmem>>, %arg9: memref<10000x8xf32, #tpu.memory_space<vmem_shared>>) attributes {dimension_semantics = [#tpu.dimension_semantics<core_parallel>, #tpu.dimension_semantics<subcore_parallel>], iteration_bounds = array<i64: 2, 16>, scalar_prefetch = 0 : i64, scratch_operands = 4 : i64, tpu.core_type = #tpu.core_type<sc_vector_subcore>, window_params = [{transform_indices = #map}, {transform_indices = #map1}, {transform_indices = #map}, {transform_indices = #map2}]} {
    %mul3A = arith.constant 2 : i32
    %mul3A_0 = arith.muli %arg1, %mul3A : i32
    %add3A = arith.addi %mul3A_0, %arg0 : i32
    %mul3A_1 = arith.constant 625 : i32
    %mul3A_2 = arith.muli %arg1, %mul3A_1 : i32
    "tpu.region"() ({
      %run_scoped3A = tpu.sem_alloc : memref<!tpu.dma_semaphore, #tpu.memory_space<semaphore_mem>>
      %dma_start3A = arith.constant 0 : i32
      %dma_start3A_14 = tpu.memref_slice %arg4[%mul3A_2, %dma_start3A] : memref<10000x8xf32, #tpu.memory_space<hbm>> -> memref<625x8xf32, #tpu.memory_space<hbm>>
      %dma_start3A_15 = arith.constant 0 : i32
      %dma_start3A_16 = tpu.memref_slice %arg4[%mul3A_2, %dma_start3A_15] : memref<10000x8xf32, #tpu.memory_space<hbm>> -> memref<625x8xf32, #tpu.memory_space<hbm>>
      tpu.enqueue_dma source(%dma_start3A_16 : memref<625x8xf32, #tpu.memory_space<hbm>>) target(%arg8 : memref<625x8xf32, #tpu.memory_space<vmem>>) target_semaphore(%run_scoped3A : memref<!tpu.dma_semaphore, #tpu.memory_space<semaphore_mem>>)
      %dma_wait3A = arith.constant 0 : i32
      %dma_wait3A_17 = tpu.memref_slice %arg4[%mul3A_2, %dma_wait3A] : memref<10000x8xf32, #tpu.memory_space<hbm>> -> memref<625x8xf32, #tpu.memory_space<hbm>>
      %dma_wait3A_18 = arith.constant 0 : i32
      %dma_wait3A_19 = tpu.memref_slice %arg4[%mul3A_2, %dma_wait3A_18] : memref<10000x8xf32, #tpu.memory_space<hbm>> -> memref<625x8xf32, #tpu.memory_space<hbm>>
      tpu.wait_dma2 semaphore(%run_scoped3A : memref<!tpu.dma_semaphore, #tpu.memory_space<semaphore_mem>>) src(%dma_wait3A_19 : memref<625x8xf32, #tpu.memory_space<hbm>>) dst(%arg8 : memref<625x8xf32, #tpu.memory_space<vmem>>)
      tpu.yield
    }) : () -> ()
    %mul3A_3 = arith.constant 625 : i32
    %mul3A_4 = arith.muli %arg1, %mul3A_3 : i32
    "tpu.region"() ({
      %run_scoped3A = tpu.sem_alloc : memref<!tpu.dma_semaphore, #tpu.memory_space<semaphore_mem>>
      %dma_start3A = arith.constant 0 : i32
      %dma_start3A_14 = tpu.memref_slice %arg9[%mul3A_4, %dma_start3A] : memref<10000x8xf32, #tpu.memory_space<vmem_shared>> -> memref<625x8xf32, #tpu.memory_space<vmem_shared>>
      %dma_start3A_15 = arith.constant 0 : i32
      %dma_start3A_16 = tpu.memref_slice %arg9[%mul3A_4, %dma_start3A_15] : memref<10000x8xf32, #tpu.memory_space<vmem_shared>> -> memref<625x8xf32, #tpu.memory_space<vmem_shared>>
      tpu.enqueue_dma source(%arg8 : memref<625x8xf32, #tpu.memory_space<vmem>>) target(%dma_start3A_16 : memref<625x8xf32, #tpu.memory_space<vmem_shared>>) target_semaphore(%run_scoped3A : memref<!tpu.dma_semaphore, #tpu.memory_space<semaphore_mem>>)
      %dma_wait3A = arith.constant 0 : i32
      %dma_wait3A_17 = tpu.memref_slice %arg9[%mul3A_4, %dma_wait3A] : memref<10000x8xf32, #tpu.memory_space<vmem_shared>> -> memref<625x8xf32, #tpu.memory_space<vmem_shared>>
      %dma_wait3A_18 = arith.constant 0 : i32
      %dma_wait3A_19 = tpu.memref_slice %arg9[%mul3A_4, %dma_wait3A_18] : memref<10000x8xf32, #tpu.memory_space<vmem_shared>> -> memref<625x8xf32, #tpu.memory_space<vmem_shared>>
      tpu.wait_dma2 semaphore(%run_scoped3A : memref<!tpu.dma_semaphore, #tpu.memory_space<semaphore_mem>>) src(%arg8 : memref<625x8xf32, #tpu.memory_space<vmem>>) dst(%dma_wait3A_19 : memref<625x8xf32, #tpu.memory_space<vmem_shared>>)
      tpu.yield
    }) : () -> ()
    %barrier3A = arith.constant 0 : index
    tpu.barrier barrier_id(%barrier3A)
    %mul3A_5 = arith.constant 10000 : i32
    %mul3A_6 = arith.muli %add3A, %mul3A_5 : i32
    %add3A_7 = arith.constant 320000 : i32
    %add3A_8 = arith.addi %add3A_7, %mul3A_6 : i32
    "tpu.region"() ({
      %run_scoped3A = tpu.sem_alloc : memref<!tpu.dma_semaphore, #tpu.memory_space<semaphore_mem>>
      %dma_start3A = tpu.memref_slice %arg3[%add3A_8] : memref<640000xi32, #tpu.memory_space<hbm>> -> memref<10000xi32, #tpu.memory_space<hbm>>
      %dma_start3A_14 = tpu.memref_slice %arg3[%add3A_8] : memref<640000xi32, #tpu.memory_space<hbm>> -> memref<10000xi32, #tpu.memory_space<hbm>>
      tpu.enqueue_dma source(%dma_start3A_14 : memref<10000xi32, #tpu.memory_space<hbm>>) target(%arg6 : memref<10000xi32, #tpu.memory_space<vmem>>) target_semaphore(%run_scoped3A : memref<!tpu.dma_semaphore, #tpu.memory_space<semaphore_mem>>)
      %dma_wait3A = tpu.memref_slice %arg3[%add3A_8] : memref<640000xi32, #tpu.memory_space<hbm>> -> memref<10000xi32, #tpu.memory_space<hbm>>
      %dma_wait3A_15 = tpu.memref_slice %arg3[%add3A_8] : memref<640000xi32, #tpu.memory_space<hbm>> -> memref<10000xi32, #tpu.memory_space<hbm>>
      tpu.wait_dma2 semaphore(%run_scoped3A : memref<!tpu.dma_semaphore, #tpu.memory_space<semaphore_mem>>) src(%dma_wait3A_15 : memref<10000xi32, #tpu.memory_space<hbm>>) dst(%arg6 : memref<10000xi32, #tpu.memory_space<vmem>>)
      tpu.yield
    }) : () -> ()
    "tpu.region"() ({
      %run_scoped3A = tpu.sem_alloc : memref<!tpu.dma_semaphore, #tpu.memory_space<semaphore_mem>>
      %dma_start3A = arith.constant 0 : i32
      %dma_start3A_14 = tpu.memref_slice %arg2[%mul3A_6, %dma_start3A] : memref<320000x8xf32, #tpu.memory_space<hbm>> -> memref<10000x8xf32, #tpu.memory_space<hbm>>
      %dma_start3A_15 = arith.constant 0 : i32
      %dma_start3A_16 = tpu.memref_slice %arg2[%mul3A_6, %dma_start3A_15] : memref<320000x8xf32, #tpu.memory_space<hbm>> -> memref<10000x8xf32, #tpu.memory_space<hbm>>
      tpu.enqueue_dma source(%dma_start3A_16 : memref<10000x8xf32, #tpu.memory_space<hbm>>) target(%arg7 : memref<10000x8xf32, #tpu.memory_space<vmem>>) target_semaphore(%run_scoped3A : memref<!tpu.dma_semaphore, #tpu.memory_space<semaphore_mem>>)
      %dma_wait3A = arith.constant 0 : i32
      %dma_wait3A_17 = tpu.memref_slice %arg2[%mul3A_6, %dma_wait3A] : memref<320000x8xf32, #tpu.memory_space<hbm>> -> memref<10000x8xf32, #tpu.memory_space<hbm>>
      %dma_wait3A_18 = arith.constant 0 : i32
      %dma_wait3A_19 = tpu.memref_slice %arg2[%mul3A_6, %dma_wait3A_18] : memref<320000x8xf32, #tpu.memory_space<hbm>> -> memref<10000x8xf32, #tpu.memory_space<hbm>>
      tpu.wait_dma2 semaphore(%run_scoped3A : memref<!tpu.dma_semaphore, #tpu.memory_space<semaphore_mem>>) src(%dma_wait3A_19 : memref<10000x8xf32, #tpu.memory_space<hbm>>) dst(%arg7 : memref<10000x8xf32, #tpu.memory_space<vmem>>)
      tpu.yield
    }) : () -> ()
    "tpu.region"() ({
      %run_scoped3A = tpu.sem_alloc : memref<!tpu.dma_semaphore, #tpu.memory_space<semaphore_mem>>
      %dma_start3A = arith.constant 0 : i32
      %dma_start3A_14 = arith.constant 0 : i32
      %dma_start3A_15 = tpu.memref_slice %arg9[%dma_start3A, %dma_start3A_14] : memref<10000x8xf32, #tpu.memory_space<vmem_shared>> -> memref<10000x8xf32, #tpu.memory_space<vmem_shared>>
      tpu.enqueue_indirect_dma source(%arg7 : memref<10000x8xf32, #tpu.memory_space<vmem>>) target(%dma_start3A_15 : memref<10000x8xf32, #tpu.memory_space<vmem_shared>>) offsets(%arg6 : memref<10000xi32, #tpu.memory_space<vmem>>) semaphore(%run_scoped3A : memref<!tpu.dma_semaphore, #tpu.memory_space<semaphore_mem>>) {add = true}
      %dma_wait3A = arith.constant 0 : i32
      %dma_wait3A_16 = arith.constant 0 : i32
      %dma_wait3A_17 = tpu.memref_slice %arg9[%dma_wait3A, %dma_wait3A_16] : memref<10000x8xf32, #tpu.memory_space<vmem_shared>> -> memref<10000x8xf32, #tpu.memory_space<vmem_shared>>
      tpu.wait_indirect_dma semaphore(%run_scoped3A : memref<!tpu.dma_semaphore, #tpu.memory_space<semaphore_mem>>) src(%arg7 : memref<10000x8xf32, #tpu.memory_space<vmem>>) dst(%dma_wait3A_17 : memref<10000x8xf32, #tpu.memory_space<vmem_shared>>)
      tpu.yield
    }) : () -> ()
    %barrier3A_9 = arith.constant 0 : index
    tpu.barrier barrier_id(%barrier3A_9)
    %mul3A_10 = arith.constant 625 : i32
    %mul3A_11 = arith.muli %arg1, %mul3A_10 : i32
    %mul3A_12 = arith.constant 625 : i32
    %mul3A_13 = arith.muli %arg1, %mul3A_12 : i32
    "tpu.region"() ({
      %run_scoped3A = tpu.sem_alloc : memref<!tpu.dma_semaphore, #tpu.memory_space<semaphore_mem>>
      %dma_start3A = arith.constant 0 : i32
      %dma_start3A_14 = tpu.memref_slice %arg5[%arg0, %mul3A_13, %dma_start3A] : memref<2x10000x8xf32, #tpu.memory_space<hbm>> -> memref<1x625x8xf32, #tpu.memory_space<hbm>>
      %dma_start3A_15 = tpu.memref_squeeze %dma_start3A_14 : memref<1x625x8xf32, #tpu.memory_space<hbm>> -> memref<625x8xf32, #tpu.memory_space<hbm>>
      %dma_start3A_16 = arith.constant 0 : i32
      %dma_start3A_17 = tpu.memref_slice %arg9[%mul3A_11, %dma_start3A_16] : memref<10000x8xf32, #tpu.memory_space<vmem_shared>> -> memref<625x8xf32, #tpu.memory_space<vmem_shared>>
      tpu.enqueue_dma source(%dma_start3A_17 : memref<625x8xf32, #tpu.memory_space<vmem_shared>>) target(%dma_start3A_15 : memref<625x8xf32, #tpu.memory_space<hbm>>) target_semaphore(%run_scoped3A : memref<!tpu.dma_semaphore, #tpu.memory_space<semaphore_mem>>)
      %dma_wait3A = arith.constant 0 : i32
      %dma_wait3A_18 = tpu.memref_slice %arg5[%arg0, %mul3A_13, %dma_wait3A] : memref<2x10000x8xf32, #tpu.memory_space<hbm>> -> memref<1x625x8xf32, #tpu.memory_space<hbm>>
      %dma_wait3A_19 = tpu.memref_squeeze %dma_wait3A_18 : memref<1x625x8xf32, #tpu.memory_space<hbm>> -> memref<625x8xf32, #tpu.memory_space<hbm>>
      %dma_wait3A_20 = arith.constant 0 : i32
      %dma_wait3A_21 = tpu.memref_slice %arg9[%mul3A_11, %dma_wait3A_20] : memref<10000x8xf32, #tpu.memory_space<vmem_shared>> -> memref<625x8xf32, #tpu.memory_space<vmem_shared>>
      tpu.wait_dma2 semaphore(%run_scoped3A : memref<!tpu.dma_semaphore, #tpu.memory_space<semaphore_mem>>) src(%dma_wait3A_21 : memref<625x8xf32, #tpu.memory_space<vmem_shared>>) dst(%dma_wait3A_19 : memref<625x8xf32, #tpu.memory_space<hbm>>)
      tpu.yield
    }) : () -> ()
    return
  }
}

#map = affine_map<(d0, d1) -> (0, 0)>
#map1 = affine_map<(d0, d1) -> (0)>
module attributes {stable_mosaic.version = 14 : i64} {
  func.func @_gather_body(%arg0: i32, %arg1: i32, %arg2: memref<10000x8xf32, #tpu.memory_space<hbm>>, %arg3: memref<640000xi32, #tpu.memory_space<hbm>>, %arg4: memref<320000x8xf32, #tpu.memory_space<hbm>>, %arg5: memref<320000x8xf32, #tpu.memory_space<hbm>>, %arg6: memref<10000xi32, #tpu.memory_space<vmem>>, %arg7: memref<10000x8xf32, #tpu.memory_space<vmem>>, %arg8: memref<625x8xf32, #tpu.memory_space<vmem>>, %arg9: memref<10000x8xf32, #tpu.memory_space<vmem_shared>>, %arg10: memref<!tpu.dma_semaphore, #tpu.memory_space<semaphore_mem>>) attributes {dimension_semantics = [#tpu.dimension_semantics<core_parallel>, #tpu.dimension_semantics<subcore_parallel>], iteration_bounds = array<i64: 2, 16>, scalar_prefetch = 0 : i64, scratch_operands = 5 : i64, tpu.core_type = #tpu.core_type<sc_vector_subcore>, window_params = [{transform_indices = #map}, {transform_indices = #map1}, {transform_indices = #map}, {transform_indices = #map}]} {
    %mul3A = arith.constant 2 : i32
    %mul3A_0 = arith.muli %arg1, %mul3A : i32
    %add3A = arith.addi %mul3A_0, %arg0 : i32
    %mul3A_1 = arith.constant 10000 : i32
    %mul3A_2 = arith.muli %add3A, %mul3A_1 : i32
    %mul3A_3 = arith.constant 625 : i32
    %mul3A_4 = arith.muli %arg1, %mul3A_3 : i32
    "tpu.region"() ({
      %run_scoped3A = tpu.sem_alloc : memref<!tpu.dma_semaphore, #tpu.memory_space<semaphore_mem>>
      %dma_start3A_19 = arith.constant 0 : i32
      %dma_start3A_20 = tpu.memref_slice %arg2[%mul3A_4, %dma_start3A_19] : memref<10000x8xf32, #tpu.memory_space<hbm>> -> memref<625x8xf32, #tpu.memory_space<hbm>>
      %dma_start3A_21 = arith.constant 0 : i32
      %dma_start3A_22 = tpu.memref_slice %arg2[%mul3A_4, %dma_start3A_21] : memref<10000x8xf32, #tpu.memory_space<hbm>> -> memref<625x8xf32, #tpu.memory_space<hbm>>
      tpu.enqueue_dma source(%dma_start3A_22 : memref<625x8xf32, #tpu.memory_space<hbm>>) target(%arg8 : memref<625x8xf32, #tpu.memory_space<vmem>>) target_semaphore(%run_scoped3A : memref<!tpu.dma_semaphore, #tpu.memory_space<semaphore_mem>>)
      %dma_wait3A_23 = arith.constant 0 : i32
      %dma_wait3A_24 = tpu.memref_slice %arg2[%mul3A_4, %dma_wait3A_23] : memref<10000x8xf32, #tpu.memory_space<hbm>> -> memref<625x8xf32, #tpu.memory_space<hbm>>
      %dma_wait3A_25 = arith.constant 0 : i32
      %dma_wait3A_26 = tpu.memref_slice %arg2[%mul3A_4, %dma_wait3A_25] : memref<10000x8xf32, #tpu.memory_space<hbm>> -> memref<625x8xf32, #tpu.memory_space<hbm>>
      tpu.wait_dma2 semaphore(%run_scoped3A : memref<!tpu.dma_semaphore, #tpu.memory_space<semaphore_mem>>) src(%dma_wait3A_26 : memref<625x8xf32, #tpu.memory_space<hbm>>) dst(%arg8 : memref<625x8xf32, #tpu.memory_space<vmem>>)
      tpu.yield
    }) : () -> ()
    %mul3A_5 = arith.constant 625 : i32
    %mul3A_6 = arith.muli %arg1, %mul3A_5 : i32
    "tpu.region"() ({
      %run_scoped3A = tpu.sem_alloc : memref<!tpu.dma_semaphore, #tpu.memory_space<semaphore_mem>>
      %dma_start3A_19 = arith.constant 0 : i32
      %dma_start3A_20 = tpu.memref_slice %arg9[%mul3A_6, %dma_start3A_19] : memref<10000x8xf32, #tpu.memory_space<vmem_shared>> -> memref<625x8xf32, #tpu.memory_space<vmem_shared>>
      %dma_start3A_21 = arith.constant 0 : i32
      %dma_start3A_22 = tpu.memref_slice %arg9[%mul3A_6, %dma_start3A_21] : memref<10000x8xf32, #tpu.memory_space<vmem_shared>> -> memref<625x8xf32, #tpu.memory_space<vmem_shared>>
      tpu.enqueue_dma source(%arg8 : memref<625x8xf32, #tpu.memory_space<vmem>>) target(%dma_start3A_22 : memref<625x8xf32, #tpu.memory_space<vmem_shared>>) target_semaphore(%run_scoped3A : memref<!tpu.dma_semaphore, #tpu.memory_space<semaphore_mem>>)
      %dma_wait3A_23 = arith.constant 0 : i32
      %dma_wait3A_24 = tpu.memref_slice %arg9[%mul3A_6, %dma_wait3A_23] : memref<10000x8xf32, #tpu.memory_space<vmem_shared>> -> memref<625x8xf32, #tpu.memory_space<vmem_shared>>
      %dma_wait3A_25 = arith.constant 0 : i32
      %dma_wait3A_26 = tpu.memref_slice %arg9[%mul3A_6, %dma_wait3A_25] : memref<10000x8xf32, #tpu.memory_space<vmem_shared>> -> memref<625x8xf32, #tpu.memory_space<vmem_shared>>
      tpu.wait_dma2 semaphore(%run_scoped3A : memref<!tpu.dma_semaphore, #tpu.memory_space<semaphore_mem>>) src(%arg8 : memref<625x8xf32, #tpu.memory_space<vmem>>) dst(%dma_wait3A_26 : memref<625x8xf32, #tpu.memory_space<vmem_shared>>)
      tpu.yield
    }) : () -> ()
    %barrier3A = arith.constant 0 : index
    tpu.barrier barrier_id(%barrier3A)
    %add3A_7 = arith.constant 320000 : i32
    %add3A_8 = arith.addi %add3A_7, %mul3A_2 : i32
    "tpu.region"() ({
      %run_scoped3A = tpu.sem_alloc : memref<!tpu.dma_semaphore, #tpu.memory_space<semaphore_mem>>
      %dma_start3A_19 = tpu.memref_slice %arg3[%add3A_8] : memref<640000xi32, #tpu.memory_space<hbm>> -> memref<10000xi32, #tpu.memory_space<hbm>>
      %dma_start3A_20 = tpu.memref_slice %arg3[%add3A_8] : memref<640000xi32, #tpu.memory_space<hbm>> -> memref<10000xi32, #tpu.memory_space<hbm>>
      tpu.enqueue_dma source(%dma_start3A_20 : memref<10000xi32, #tpu.memory_space<hbm>>) target(%arg6 : memref<10000xi32, #tpu.memory_space<vmem>>) target_semaphore(%run_scoped3A : memref<!tpu.dma_semaphore, #tpu.memory_space<semaphore_mem>>)
      %dma_wait3A_21 = tpu.memref_slice %arg3[%add3A_8] : memref<640000xi32, #tpu.memory_space<hbm>> -> memref<10000xi32, #tpu.memory_space<hbm>>
      %dma_wait3A_22 = tpu.memref_slice %arg3[%add3A_8] : memref<640000xi32, #tpu.memory_space<hbm>> -> memref<10000xi32, #tpu.memory_space<hbm>>
      tpu.wait_dma2 semaphore(%run_scoped3A : memref<!tpu.dma_semaphore, #tpu.memory_space<semaphore_mem>>) src(%dma_wait3A_22 : memref<10000xi32, #tpu.memory_space<hbm>>) dst(%arg6 : memref<10000xi32, #tpu.memory_space<vmem>>)
      tpu.yield
    }) : () -> ()
    %dma_start3A = arith.constant 0 : i32
    %dma_start3A_9 = arith.constant 0 : i32
    %dma_start3A_10 = tpu.memref_slice %arg9[%dma_start3A, %dma_start3A_9] : memref<10000x8xf32, #tpu.memory_space<vmem_shared>> -> memref<10000x8xf32, #tpu.memory_space<vmem_shared>>
    tpu.enqueue_indirect_dma source(%dma_start3A_10 : memref<10000x8xf32, #tpu.memory_space<vmem_shared>>) target(%arg7 : memref<10000x8xf32, #tpu.memory_space<vmem>>) offsets(%arg6 : memref<10000xi32, #tpu.memory_space<vmem>>) semaphore(%arg10 : memref<!tpu.dma_semaphore, #tpu.memory_space<semaphore_mem>>)
    %dma_wait3A = arith.constant 0 : i32
    %dma_wait3A_11 = arith.constant 0 : i32
    %dma_wait3A_12 = tpu.memref_slice %arg9[%dma_wait3A, %dma_wait3A_11] : memref<10000x8xf32, #tpu.memory_space<vmem_shared>> -> memref<10000x8xf32, #tpu.memory_space<vmem_shared>>
    tpu.wait_indirect_dma semaphore(%arg10 : memref<!tpu.dma_semaphore, #tpu.memory_space<semaphore_mem>>) src(%dma_wait3A_12 : memref<10000x8xf32, #tpu.memory_space<vmem_shared>>) dst(%arg7 : memref<10000x8xf32, #tpu.memory_space<vmem>>)
    "tpu.region"() ({
      %run_scoped3A = tpu.sem_alloc : memref<!tpu.dma_semaphore, #tpu.memory_space<semaphore_mem>>
      %dma_start3A_19 = arith.constant 0 : i32
      %dma_start3A_20 = tpu.memref_slice %arg4[%mul3A_2, %dma_start3A_19] : memref<320000x8xf32, #tpu.memory_space<hbm>> -> memref<10000x8xf32, #tpu.memory_space<hbm>>
      %dma_start3A_21 = arith.constant 0 : i32
      %dma_start3A_22 = tpu.memref_slice %arg4[%mul3A_2, %dma_start3A_21] : memref<320000x8xf32, #tpu.memory_space<hbm>> -> memref<10000x8xf32, #tpu.memory_space<hbm>>
      tpu.enqueue_dma source(%arg7 : memref<10000x8xf32, #tpu.memory_space<vmem>>) target(%dma_start3A_22 : memref<10000x8xf32, #tpu.memory_space<hbm>>) target_semaphore(%run_scoped3A : memref<!tpu.dma_semaphore, #tpu.memory_space<semaphore_mem>>)
      %dma_wait3A_23 = arith.constant 0 : i32
      %dma_wait3A_24 = tpu.memref_slice %arg4[%mul3A_2, %dma_wait3A_23] : memref<320000x8xf32, #tpu.memory_space<hbm>> -> memref<10000x8xf32, #tpu.memory_space<hbm>>
      %dma_wait3A_25 = arith.constant 0 : i32
      %dma_wait3A_26 = tpu.memref_slice %arg4[%mul3A_2, %dma_wait3A_25] : memref<320000x8xf32, #tpu.memory_space<hbm>> -> memref<10000x8xf32, #tpu.memory_space<hbm>>
      tpu.wait_dma2 semaphore(%run_scoped3A : memref<!tpu.dma_semaphore, #tpu.memory_space<semaphore_mem>>) src(%arg7 : memref<10000x8xf32, #tpu.memory_space<vmem>>) dst(%dma_wait3A_26 : memref<10000x8xf32, #tpu.memory_space<hbm>>)
      tpu.yield
    }) : () -> ()
    "tpu.region"() ({
      %run_scoped3A = tpu.sem_alloc : memref<!tpu.dma_semaphore, #tpu.memory_space<semaphore_mem>>
      %dma_start3A_19 = tpu.memref_slice %arg3[%mul3A_2] : memref<640000xi32, #tpu.memory_space<hbm>> -> memref<10000xi32, #tpu.memory_space<hbm>>
      %dma_start3A_20 = tpu.memref_slice %arg3[%mul3A_2] : memref<640000xi32, #tpu.memory_space<hbm>> -> memref<10000xi32, #tpu.memory_space<hbm>>
      tpu.enqueue_dma source(%dma_start3A_20 : memref<10000xi32, #tpu.memory_space<hbm>>) target(%arg6 : memref<10000xi32, #tpu.memory_space<vmem>>) target_semaphore(%run_scoped3A : memref<!tpu.dma_semaphore, #tpu.memory_space<semaphore_mem>>)
      %dma_wait3A_21 = tpu.memref_slice %arg3[%mul3A_2] : memref<640000xi32, #tpu.memory_space<hbm>> -> memref<10000xi32, #tpu.memory_space<hbm>>
      %dma_wait3A_22 = tpu.memref_slice %arg3[%mul3A_2] : memref<640000xi32, #tpu.memory_space<hbm>> -> memref<10000xi32, #tpu.memory_space<hbm>>
      tpu.wait_dma2 semaphore(%run_scoped3A : memref<!tpu.dma_semaphore, #tpu.memory_space<semaphore_mem>>) src(%dma_wait3A_22 : memref<10000xi32, #tpu.memory_space<hbm>>) dst(%arg6 : memref<10000xi32, #tpu.memory_space<vmem>>)
      tpu.yield
    }) : () -> ()
    %dma_start3A_13 = arith.constant 0 : i32
    %dma_start3A_14 = arith.constant 0 : i32
    %dma_start3A_15 = tpu.memref_slice %arg9[%dma_start3A_13, %dma_start3A_14] : memref<10000x8xf32, #tpu.memory_space<vmem_shared>> -> memref<10000x8xf32, #tpu.memory_space<vmem_shared>>
    tpu.enqueue_indirect_dma source(%dma_start3A_15 : memref<10000x8xf32, #tpu.memory_space<vmem_shared>>) target(%arg7 : memref<10000x8xf32, #tpu.memory_space<vmem>>) offsets(%arg6 : memref<10000xi32, #tpu.memory_space<vmem>>) semaphore(%arg10 : memref<!tpu.dma_semaphore, #tpu.memory_space<semaphore_mem>>)
    %dma_wait3A_16 = arith.constant 0 : i32
    %dma_wait3A_17 = arith.constant 0 : i32
    %dma_wait3A_18 = tpu.memref_slice %arg9[%dma_wait3A_16, %dma_wait3A_17] : memref<10000x8xf32, #tpu.memory_space<vmem_shared>> -> memref<10000x8xf32, #tpu.memory_space<vmem_shared>>
    tpu.wait_indirect_dma semaphore(%arg10 : memref<!tpu.dma_semaphore, #tpu.memory_space<semaphore_mem>>) src(%dma_wait3A_18 : memref<10000x8xf32, #tpu.memory_space<vmem_shared>>) dst(%arg7 : memref<10000x8xf32, #tpu.memory_space<vmem>>)
    "tpu.region"() ({
      %run_scoped3A = tpu.sem_alloc : memref<!tpu.dma_semaphore, #tpu.memory_space<semaphore_mem>>
      %dma_start3A_19 = arith.constant 0 : i32
      %dma_start3A_20 = tpu.memref_slice %arg5[%mul3A_2, %dma_start3A_19] : memref<320000x8xf32, #tpu.memory_space<hbm>> -> memref<10000x8xf32, #tpu.memory_space<hbm>>
      %dma_start3A_21 = arith.constant 0 : i32
      %dma_start3A_22 = tpu.memref_slice %arg5[%mul3A_2, %dma_start3A_21] : memref<320000x8xf32, #tpu.memory_space<hbm>> -> memref<10000x8xf32, #tpu.memory_space<hbm>>
      tpu.enqueue_dma source(%arg7 : memref<10000x8xf32, #tpu.memory_space<vmem>>) target(%dma_start3A_22 : memref<10000x8xf32, #tpu.memory_space<hbm>>) target_semaphore(%run_scoped3A : memref<!tpu.dma_semaphore, #tpu.memory_space<semaphore_mem>>)
      %dma_wait3A_23 = arith.constant 0 : i32
      %dma_wait3A_24 = tpu.memref_slice %arg5[%mul3A_2, %dma_wait3A_23] : memref<320000x8xf32, #tpu.memory_space<hbm>> -> memref<10000x8xf32, #tpu.memory_space<hbm>>
      %dma_wait3A_25 = arith.constant 0 : i32
      %dma_wait3A_26 = tpu.memref_slice %arg5[%mul3A_2, %dma_wait3A_25] : memref<320000x8xf32, #tpu.memory_space<hbm>> -> memref<10000x8xf32, #tpu.memory_space<hbm>>
      tpu.wait_dma2 semaphore(%run_scoped3A : memref<!tpu.dma_semaphore, #tpu.memory_space<semaphore_mem>>) src(%arg7 : memref<10000x8xf32, #tpu.memory_space<vmem>>) dst(%dma_wait3A_26 : memref<10000x8xf32, #tpu.memory_space<hbm>>)
      tpu.yield
    }) : () -> ()
    return
  }
}

#map = affine_map<(d0, d1) -> (0, 0)>
#map1 = affine_map<(d0, d1) -> (0)>
#map2 = affine_map<(d0, d1) -> (0, 0, 0)>
module attributes {stable_mosaic.version = 14 : i64} {
  func.func @_scatter_body(%arg0: i32, %arg1: i32, %arg2: memref<320000x8xf32, #tpu.memory_space<hbm>>, %arg3: memref<640000xi32, #tpu.memory_space<hbm>>, %arg4: memref<10000x8xf32, #tpu.memory_space<hbm>>, %arg5: memref<2x10000x8xf32, #tpu.memory_space<hbm>>, %arg6: memref<10000xi32, #tpu.memory_space<vmem>>, %arg7: memref<10000x8xf32, #tpu.memory_space<vmem>>, %arg8: memref<625x8xf32, #tpu.memory_space<vmem>>, %arg9: memref<10000x8xf32, #tpu.memory_space<vmem_shared>>) attributes {dimension_semantics = [#tpu.dimension_semantics<core_parallel>, #tpu.dimension_semantics<subcore_parallel>], iteration_bounds = array<i64: 2, 16>, scalar_prefetch = 0 : i64, scratch_operands = 4 : i64, tpu.core_type = #tpu.core_type<sc_vector_subcore>, window_params = [{transform_indices = #map}, {transform_indices = #map1}, {transform_indices = #map}, {transform_indices = #map2}]} {
    %mul3A = arith.constant 2 : i32
    %mul3A_0 = arith.muli %arg1, %mul3A : i32
    %add3A = arith.addi %mul3A_0, %arg0 : i32
    %mul3A_1 = arith.constant 625 : i32
    %mul3A_2 = arith.muli %arg1, %mul3A_1 : i32
    "tpu.region"() ({
      %run_scoped3A = tpu.sem_alloc : memref<!tpu.dma_semaphore, #tpu.memory_space<semaphore_mem>>
      %dma_start3A = arith.constant 0 : i32
      %dma_start3A_14 = tpu.memref_slice %arg4[%mul3A_2, %dma_start3A] : memref<10000x8xf32, #tpu.memory_space<hbm>> -> memref<625x8xf32, #tpu.memory_space<hbm>>
      %dma_start3A_15 = arith.constant 0 : i32
      %dma_start3A_16 = tpu.memref_slice %arg4[%mul3A_2, %dma_start3A_15] : memref<10000x8xf32, #tpu.memory_space<hbm>> -> memref<625x8xf32, #tpu.memory_space<hbm>>
      tpu.enqueue_dma source(%dma_start3A_16 : memref<625x8xf32, #tpu.memory_space<hbm>>) target(%arg8 : memref<625x8xf32, #tpu.memory_space<vmem>>) target_semaphore(%run_scoped3A : memref<!tpu.dma_semaphore, #tpu.memory_space<semaphore_mem>>)
      %dma_wait3A = arith.constant 0 : i32
      %dma_wait3A_17 = tpu.memref_slice %arg4[%mul3A_2, %dma_wait3A] : memref<10000x8xf32, #tpu.memory_space<hbm>> -> memref<625x8xf32, #tpu.memory_space<hbm>>
      %dma_wait3A_18 = arith.constant 0 : i32
      %dma_wait3A_19 = tpu.memref_slice %arg4[%mul3A_2, %dma_wait3A_18] : memref<10000x8xf32, #tpu.memory_space<hbm>> -> memref<625x8xf32, #tpu.memory_space<hbm>>
      tpu.wait_dma2 semaphore(%run_scoped3A : memref<!tpu.dma_semaphore, #tpu.memory_space<semaphore_mem>>) src(%dma_wait3A_19 : memref<625x8xf32, #tpu.memory_space<hbm>>) dst(%arg8 : memref<625x8xf32, #tpu.memory_space<vmem>>)
      tpu.yield
    }) : () -> ()
    %mul3A_3 = arith.constant 625 : i32
    %mul3A_4 = arith.muli %arg1, %mul3A_3 : i32
    "tpu.region"() ({
      %run_scoped3A = tpu.sem_alloc : memref<!tpu.dma_semaphore, #tpu.memory_space<semaphore_mem>>
      %dma_start3A = arith.constant 0 : i32
      %dma_start3A_14 = tpu.memref_slice %arg9[%mul3A_4, %dma_start3A] : memref<10000x8xf32, #tpu.memory_space<vmem_shared>> -> memref<625x8xf32, #tpu.memory_space<vmem_shared>>
      %dma_start3A_15 = arith.constant 0 : i32
      %dma_start3A_16 = tpu.memref_slice %arg9[%mul3A_4, %dma_start3A_15] : memref<10000x8xf32, #tpu.memory_space<vmem_shared>> -> memref<625x8xf32, #tpu.memory_space<vmem_shared>>
      tpu.enqueue_dma source(%arg8 : memref<625x8xf32, #tpu.memory_space<vmem>>) target(%dma_start3A_16 : memref<625x8xf32, #tpu.memory_space<vmem_shared>>) target_semaphore(%run_scoped3A : memref<!tpu.dma_semaphore, #tpu.memory_space<semaphore_mem>>)
      %dma_wait3A = arith.constant 0 : i32
      %dma_wait3A_17 = tpu.memref_slice %arg9[%mul3A_4, %dma_wait3A] : memref<10000x8xf32, #tpu.memory_space<vmem_shared>> -> memref<625x8xf32, #tpu.memory_space<vmem_shared>>
      %dma_wait3A_18 = arith.constant 0 : i32
      %dma_wait3A_19 = tpu.memref_slice %arg9[%mul3A_4, %dma_wait3A_18] : memref<10000x8xf32, #tpu.memory_space<vmem_shared>> -> memref<625x8xf32, #tpu.memory_space<vmem_shared>>
      tpu.wait_dma2 semaphore(%run_scoped3A : memref<!tpu.dma_semaphore, #tpu.memory_space<semaphore_mem>>) src(%arg8 : memref<625x8xf32, #tpu.memory_space<vmem>>) dst(%dma_wait3A_19 : memref<625x8xf32, #tpu.memory_space<vmem_shared>>)
      tpu.yield
    }) : () -> ()
    %barrier3A = arith.constant 0 : index
    tpu.barrier barrier_id(%barrier3A)
    %mul3A_5 = arith.constant 10000 : i32
    %mul3A_6 = arith.muli %add3A, %mul3A_5 : i32
    %add3A_7 = arith.constant 320000 : i32
    %add3A_8 = arith.addi %add3A_7, %mul3A_6 : i32
    "tpu.region"() ({
      %run_scoped3A = tpu.sem_alloc : memref<!tpu.dma_semaphore, #tpu.memory_space<semaphore_mem>>
      %dma_start3A = tpu.memref_slice %arg3[%add3A_8] : memref<640000xi32, #tpu.memory_space<hbm>> -> memref<10000xi32, #tpu.memory_space<hbm>>
      %dma_start3A_14 = tpu.memref_slice %arg3[%add3A_8] : memref<640000xi32, #tpu.memory_space<hbm>> -> memref<10000xi32, #tpu.memory_space<hbm>>
      tpu.enqueue_dma source(%dma_start3A_14 : memref<10000xi32, #tpu.memory_space<hbm>>) target(%arg6 : memref<10000xi32, #tpu.memory_space<vmem>>) target_semaphore(%run_scoped3A : memref<!tpu.dma_semaphore, #tpu.memory_space<semaphore_mem>>)
      %dma_wait3A = tpu.memref_slice %arg3[%add3A_8] : memref<640000xi32, #tpu.memory_space<hbm>> -> memref<10000xi32, #tpu.memory_space<hbm>>
      %dma_wait3A_15 = tpu.memref_slice %arg3[%add3A_8] : memref<640000xi32, #tpu.memory_space<hbm>> -> memref<10000xi32, #tpu.memory_space<hbm>>
      tpu.wait_dma2 semaphore(%run_scoped3A : memref<!tpu.dma_semaphore, #tpu.memory_space<semaphore_mem>>) src(%dma_wait3A_15 : memref<10000xi32, #tpu.memory_space<hbm>>) dst(%arg6 : memref<10000xi32, #tpu.memory_space<vmem>>)
      tpu.yield
    }) : () -> ()
    "tpu.region"() ({
      %run_scoped3A = tpu.sem_alloc : memref<!tpu.dma_semaphore, #tpu.memory_space<semaphore_mem>>
      %dma_start3A = arith.constant 0 : i32
      %dma_start3A_14 = tpu.memref_slice %arg2[%mul3A_6, %dma_start3A] : memref<320000x8xf32, #tpu.memory_space<hbm>> -> memref<10000x8xf32, #tpu.memory_space<hbm>>
      %dma_start3A_15 = arith.constant 0 : i32
      %dma_start3A_16 = tpu.memref_slice %arg2[%mul3A_6, %dma_start3A_15] : memref<320000x8xf32, #tpu.memory_space<hbm>> -> memref<10000x8xf32, #tpu.memory_space<hbm>>
      tpu.enqueue_dma source(%dma_start3A_16 : memref<10000x8xf32, #tpu.memory_space<hbm>>) target(%arg7 : memref<10000x8xf32, #tpu.memory_space<vmem>>) target_semaphore(%run_scoped3A : memref<!tpu.dma_semaphore, #tpu.memory_space<semaphore_mem>>)
      %dma_wait3A = arith.constant 0 : i32
      %dma_wait3A_17 = tpu.memref_slice %arg2[%mul3A_6, %dma_wait3A] : memref<320000x8xf32, #tpu.memory_space<hbm>> -> memref<10000x8xf32, #tpu.memory_space<hbm>>
      %dma_wait3A_18 = arith.constant 0 : i32
      %dma_wait3A_19 = tpu.memref_slice %arg2[%mul3A_6, %dma_wait3A_18] : memref<320000x8xf32, #tpu.memory_space<hbm>> -> memref<10000x8xf32, #tpu.memory_space<hbm>>
      tpu.wait_dma2 semaphore(%run_scoped3A : memref<!tpu.dma_semaphore, #tpu.memory_space<semaphore_mem>>) src(%dma_wait3A_19 : memref<10000x8xf32, #tpu.memory_space<hbm>>) dst(%arg7 : memref<10000x8xf32, #tpu.memory_space<vmem>>)
      tpu.yield
    }) : () -> ()
    "tpu.region"() ({
      %run_scoped3A = tpu.sem_alloc : memref<!tpu.dma_semaphore, #tpu.memory_space<semaphore_mem>>
      %dma_start3A = arith.constant 0 : i32
      %dma_start3A_14 = arith.constant 0 : i32
      %dma_start3A_15 = tpu.memref_slice %arg9[%dma_start3A, %dma_start3A_14] : memref<10000x8xf32, #tpu.memory_space<vmem_shared>> -> memref<10000x8xf32, #tpu.memory_space<vmem_shared>>
      tpu.enqueue_indirect_dma source(%arg7 : memref<10000x8xf32, #tpu.memory_space<vmem>>) target(%dma_start3A_15 : memref<10000x8xf32, #tpu.memory_space<vmem_shared>>) offsets(%arg6 : memref<10000xi32, #tpu.memory_space<vmem>>) semaphore(%run_scoped3A : memref<!tpu.dma_semaphore, #tpu.memory_space<semaphore_mem>>) {add = true}
      %dma_wait3A = arith.constant 0 : i32
      %dma_wait3A_16 = arith.constant 0 : i32
      %dma_wait3A_17 = tpu.memref_slice %arg9[%dma_wait3A, %dma_wait3A_16] : memref<10000x8xf32, #tpu.memory_space<vmem_shared>> -> memref<10000x8xf32, #tpu.memory_space<vmem_shared>>
      tpu.wait_indirect_dma semaphore(%run_scoped3A : memref<!tpu.dma_semaphore, #tpu.memory_space<semaphore_mem>>) src(%arg7 : memref<10000x8xf32, #tpu.memory_space<vmem>>) dst(%dma_wait3A_17 : memref<10000x8xf32, #tpu.memory_space<vmem_shared>>)
      tpu.yield
    }) : () -> ()
    %barrier3A_9 = arith.constant 0 : index
    tpu.barrier barrier_id(%barrier3A_9)
    %mul3A_10 = arith.constant 625 : i32
    %mul3A_11 = arith.muli %arg1, %mul3A_10 : i32
    %mul3A_12 = arith.constant 625 : i32
    %mul3A_13 = arith.muli %arg1, %mul3A_12 : i32
    "tpu.region"() ({
      %run_scoped3A = tpu.sem_alloc : memref<!tpu.dma_semaphore, #tpu.memory_space<semaphore_mem>>
      %dma_start3A = arith.constant 0 : i32
      %dma_start3A_14 = tpu.memref_slice %arg5[%arg0, %mul3A_13, %dma_start3A] : memref<2x10000x8xf32, #tpu.memory_space<hbm>> -> memref<1x625x8xf32, #tpu.memory_space<hbm>>
      %dma_start3A_15 = tpu.memref_squeeze %dma_start3A_14 : memref<1x625x8xf32, #tpu.memory_space<hbm>> -> memref<625x8xf32, #tpu.memory_space<hbm>>
      %dma_start3A_16 = arith.constant 0 : i32
      %dma_start3A_17 = tpu.memref_slice %arg9[%mul3A_11, %dma_start3A_16] : memref<10000x8xf32, #tpu.memory_space<vmem_shared>> -> memref<625x8xf32, #tpu.memory_space<vmem_shared>>
      tpu.enqueue_dma source(%dma_start3A_17 : memref<625x8xf32, #tpu.memory_space<vmem_shared>>) target(%dma_start3A_15 : memref<625x8xf32, #tpu.memory_space<hbm>>) target_semaphore(%run_scoped3A : memref<!tpu.dma_semaphore, #tpu.memory_space<semaphore_mem>>)
      %dma_wait3A = arith.constant 0 : i32
      %dma_wait3A_18 = tpu.memref_slice %arg5[%arg0, %mul3A_13, %dma_wait3A] : memref<2x10000x8xf32, #tpu.memory_space<hbm>> -> memref<1x625x8xf32, #tpu.memory_space<hbm>>
      %dma_wait3A_19 = tpu.memref_squeeze %dma_wait3A_18 : memref<1x625x8xf32, #tpu.memory_space<hbm>> -> memref<625x8xf32, #tpu.memory_space<hbm>>
      %dma_wait3A_20 = arith.constant 0 : i32
      %dma_wait3A_21 = tpu.memref_slice %arg9[%mul3A_11, %dma_wait3A_20] : memref<10000x8xf32, #tpu.memory_space<vmem_shared>> -> memref<625x8xf32, #tpu.memory_space<vmem_shared>>
      tpu.wait_dma2 semaphore(%run_scoped3A : memref<!tpu.dma_semaphore, #tpu.memory_space<semaphore_mem>>) src(%dma_wait3A_21 : memref<625x8xf32, #tpu.memory_space<vmem_shared>>) dst(%dma_wait3A_19 : memref<625x8xf32, #tpu.memory_space<hbm>>)
      tpu.yield
    }) : () -> ()
    return
  }
}

module attributes {stable_mosaic.version = 14 : i64} {
  func.func @_enc_body(%arg0: i32, %arg1: memref<625x2048xf32, #tpu.memory_space<vmem>>, %arg2: memref<2048x128xf32, #tpu.memory_space<vmem>>, %arg3: memref<1x128xf32, #tpu.memory_space<vmem>>, %arg4: memref<625x128xf32, #tpu.memory_space<vmem>>) attributes {dimension_semantics = [#tpu.dimension_semantics<arbitrary>], iteration_bounds = array<i64: 1>, scalar_prefetch = 0 : i64, scratch_operands = 0 : i64, tpu.core_type = #tpu.core_type<tc>, window_params = [{transform_indices = @transform_0, window_bounds = array<i64: 625, 2048>}, {pipeline_mode = #tpu.pipeline_mode<synchronous>, transform_indices = @transform_1, window_bounds = array<i64: 2048, 128>}, {pipeline_mode = #tpu.pipeline_mode<synchronous>, transform_indices = @transform_2, window_bounds = array<i64: 1, 128>}, {transform_indices = @transform_3, window_bounds = array<i64: 625, 128>}]} {
    %get3A = arith.constant 0 : index
    %get3A_0 = arith.constant 0 : index
    %get3A_1 = vector.load %arg1[%get3A, %get3A_0] : memref<625x2048xf32, #tpu.memory_space<vmem>>, vector<625x2048xf32>
    %get3A_2 = arith.constant 0 : index
    %get3A_3 = arith.constant 0 : index
    %get3A_4 = vector.load %arg2[%get3A_2, %get3A_3] : memref<2048x128xf32, #tpu.memory_space<vmem>>, vector<2048x128xf32>
    %dot_general3A = arith.constant dense<0.000000e+00> : vector<625x128xf32>
    %dot_general3A_5 = tpu.matmul %get3A_1, %get3A_4, %dot_general3A {dimension_numbers = #tpu.dot_dimension_numbers<[1], [0], [0], [1], [0, 0, 1, 1], [], []>, transpose_lhs_hint = false} : vector<625x2048xf32>, vector<2048x128xf32>, vector<625x128xf32> -> vector<625x128xf32>
    %get3A_6 = arith.constant 0 : index
    %get3A_7 = arith.constant 0 : index
    %get3A_8 = vector.load %arg3[%get3A_6, %get3A_7] : memref<1x128xf32, #tpu.memory_space<vmem>>, vector<1x128xf32>
    %add3A = vector.broadcast %get3A_8 : vector<1x128xf32> to vector<625x128xf32>
    %add3A_9 = arith.addf %dot_general3A_5, %add3A : vector<625x128xf32>
    %swap3A = arith.constant 0 : index
    %swap3A_10 = arith.constant 0 : index
    %swap3A_11 = vector.load %arg4[%swap3A, %swap3A_10] : memref<625x128xf32, #tpu.memory_space<vmem>>, vector<625x128xf32>
    tpu.vector_store %arg4[%swap3A, %swap3A_10], %add3A_9 {strides = array<i32>} : memref<625x128xf32, #tpu.memory_space<vmem>>, vector<625x128xf32>,
    return
  }
  func.func @transform_0(%arg0: i32) -> (i32, i32) {
    %c0_i32 = arith.constant 0 : i32
    %c0_i32_0 = arith.constant 0 : i32
    return %arg0, %c0_i32 : i32, i32
  }
  func.func @transform_1(%arg0: i32) -> (i32, i32) {
    %c0_i32 = arith.constant 0 : i32
    %c0_i32_0 = arith.constant 0 : i32
    %c0_i32_1 = arith.constant 0 : i32
    return %c0_i32, %c0_i32_0 : i32, i32
  }
  func.func @transform_2(%arg0: i32) -> (i32, i32) {
    %c0_i32 = arith.constant 0 : i32
    %c0_i32_0 = arith.constant 0 : i32
    %c0_i32_1 = arith.constant 0 : i32
    return %c0_i32, %c0_i32_0 : i32, i32
  }
  func.func @transform_3(%arg0: i32) -> (i32, i32) {
    %c0_i32 = arith.constant 0 : i32
    %c0_i32_0 = arith.constant 0 : i32
    return %arg0, %c0_i32 : i32, i32
  }
}

module attributes {stable_mosaic.version = 14 : i64} {
  func.func @_mlp_body(%arg0: i32, %arg1: memref<2000x128xf32, #tpu.memory_space<vmem>>, %arg2: memref<2000x128xf32, #tpu.memory_space<vmem>>, %arg3: memref<2000x16xf32, #tpu.memory_space<vmem>>, %arg4: memref<2000x16xf32, #tpu.memory_space<vmem>>, %arg5: memref<2000x16xf32, #tpu.memory_space<vmem>>, %arg6: memref<2000x16xf32, #tpu.memory_space<vmem>>, %arg7: memref<320x1024xbf16, #tpu.memory_space<vmem>>, %arg8: memref<1x1024xf32, #tpu.memory_space<vmem>>, %arg9: memref<1024x128xbf16, #tpu.memory_space<vmem>>, %arg10: memref<1x128xf32, #tpu.memory_space<vmem>>, %arg11: memref<2000x128xf32, #tpu.memory_space<vmem>>) attributes {dimension_semantics = [#tpu.dimension_semantics<arbitrary>], iteration_bounds = array<i64: 10>, scalar_prefetch = 0 : i64, scratch_operands = 0 : i64, tpu.core_type = #tpu.core_type<tc>, window_params = [{transform_indices = @transform_0, window_bounds = array<i64: 2000, 128>}, {transform_indices = @transform_1, window_bounds = array<i64: 2000, 128>}, {transform_indices = @transform_2, window_bounds = array<i64: 2000, 16>}, {transform_indices = @transform_3, window_bounds = array<i64: 2000, 16>}, {transform_indices = @transform_4, window_bounds = array<i64: 2000, 16>}, {transform_indices = @transform_5, window_bounds = array<i64: 2000, 16>}, {pipeline_mode = #tpu.pipeline_mode<synchronous>, transform_indices = @transform_6, window_bounds = array<i64: 320, 1024>}, {pipeline_mode = #tpu.pipeline_mode<synchronous>, transform_indices = @transform_7, window_bounds = array<i64: 1, 1024>}, {pipeline_mode = #tpu.pipeline_mode<synchronous>, transform_indices = @transform_8, window_bounds = array<i64: 1024, 128>}, {pipeline_mode = #tpu.pipeline_mode<synchronous>, transform_indices = @transform_9, window_bounds = array<i64: 1, 128>}, {transform_indices = @transform_10, window_bounds = array<i64: 2000, 128>}]} {
    %get3A = arith.constant 0 : index
    %get3A_0 = arith.constant 0 : index
    %get3A_1 = vector.load %arg1[%get3A, %get3A_0] : memref<2000x128xf32, #tpu.memory_space<vmem>>, vector<2000x128xf32>
    %convert_element_type3A = arith.truncf %get3A_1 : vector<2000x128xf32> to vector<2000x128xbf16>
    %get3A_2 = arith.constant 0 : index
    %get3A_3 = arith.constant 0 : index
    %get3A_4 = vector.load %arg2[%get3A_2, %get3A_3] : memref<2000x128xf32, #tpu.memory_space<vmem>>, vector<2000x128xf32>
    %convert_element_type3A_5 = arith.truncf %get3A_4 : vector<2000x128xf32> to vector<2000x128xbf16>
    %get3A_6 = arith.constant 0 : index
    %get3A_7 = arith.constant 0 : index
    %get3A_8 = vector.load %arg3[%get3A_6, %get3A_7] : memref<2000x16xf32, #tpu.memory_space<vmem>>, vector<2000x16xf32>
    %convert_element_type3A_9 = arith.truncf %get3A_8 : vector<2000x16xf32> to vector<2000x16xbf16>
    %get3A_10 = arith.constant 0 : index
    %get3A_11 = arith.constant 0 : index
    %get3A_12 = vector.load %arg4[%get3A_10, %get3A_11] : memref<2000x16xf32, #tpu.memory_space<vmem>>, vector<2000x16xf32>
    %convert_element_type3A_13 = arith.truncf %get3A_12 : vector<2000x16xf32> to vector<2000x16xbf16>
    %get3A_14 = arith.constant 0 : index
    %get3A_15 = arith.constant 0 : index
    %get3A_16 = vector.load %arg5[%get3A_14, %get3A_15] : memref<2000x16xf32, #tpu.memory_space<vmem>>, vector<2000x16xf32>
    %convert_element_type3A_17 = arith.truncf %get3A_16 : vector<2000x16xf32> to vector<2000x16xbf16>
    %get3A_18 = arith.constant 0 : index
    %get3A_19 = arith.constant 0 : index
    %get3A_20 = vector.load %arg6[%get3A_18, %get3A_19] : memref<2000x16xf32, #tpu.memory_space<vmem>>, vector<2000x16xf32>
    %convert_element_type3A_21 = arith.truncf %get3A_20 : vector<2000x16xf32> to vector<2000x16xbf16>
    %concatenate3A = tpu.concatenate %convert_element_type3A, %convert_element_type3A_5, %convert_element_type3A_9, %convert_element_type3A_13, %convert_element_type3A_17, %convert_element_type3A_21 in 1 : vector<2000x128xbf16>, vector<2000x128xbf16>, vector<2000x16xbf16>, vector<2000x16xbf16>, vector<2000x16xbf16>, vector<2000x16xbf16> -> vector<2000x320xbf16>
    %get3A_22 = arith.constant 0 : index
    %get3A_23 = arith.constant 0 : index
    %get3A_24 = vector.load %arg7[%get3A_22, %get3A_23] : memref<320x1024xbf16, #tpu.memory_space<vmem>>, vector<320x1024xbf16>
    %dot_general3A = arith.constant dense<0.000000e+00> : vector<2000x1024xf32>
    %dot_general3A_25 = tpu.matmul %concatenate3A, %get3A_24, %dot_general3A {dimension_numbers = #tpu.dot_dimension_numbers<[1], [0], [0], [1], [0, 0, 1, 1], [], []>, transpose_lhs_hint = false} : vector<2000x320xbf16>, vector<320x1024xbf16>, vector<2000x1024xf32> -> vector<2000x1024xf32>
    %convert_element_type3A_26 = arith.truncf %dot_general3A_25 : vector<2000x1024xf32> to vector<2000x1024xbf16>
    %get3A_27 = arith.constant 0 : index
    %get3A_28 = arith.constant 0 : index
    %get3A_29 = vector.load %arg8[%get3A_27, %get3A_28] : memref<1x1024xf32, #tpu.memory_space<vmem>>, vector<1x1024xf32>
    %convert_element_type3A_30 = arith.truncf %get3A_29 : vector<1x1024xf32> to vector<1x1024xbf16>
    %add3A = vector.broadcast %convert_element_type3A_30 : vector<1x1024xbf16> to vector<2000x1024xbf16>
    %add3A_31 = arith.addf %convert_element_type3A_26, %add3A : vector<2000x1024xbf16>
    %max3A = arith.constant 0.000000e+00 : bf16
    %max3A_32 = vector.broadcast %max3A : bf16 to vector<2000x1024xbf16>
    %max3A_33 = arith.maximumf %add3A_31, %max3A_32 : vector<2000x1024xbf16>
    %get3A_34 = arith.constant 0 : index
    %get3A_35 = arith.constant 0 : index
    %get3A_36 = vector.load %arg9[%get3A_34, %get3A_35] : memref<1024x128xbf16, #tpu.memory_space<vmem>>, vector<1024x128xbf16>
    %dot_general3A_37 = arith.constant dense<0.000000e+00> : vector<2000x128xf32>
    %dot_general3A_38 = tpu.matmul %max3A_33, %get3A_36, %dot_general3A_37 {dimension_numbers = #tpu.dot_dimension_numbers<[1], [0], [0], [1], [0, 0, 1, 1], [], []>, transpose_lhs_hint = false} : vector<2000x1024xbf16>, vector<1024x128xbf16>, vector<2000x128xf32> -> vector<2000x128xf32>
    %get3A_39 = arith.constant 0 : index
    %get3A_40 = arith.constant 0 : index
    %get3A_41 = vector.load %arg10[%get3A_39, %get3A_40] : memref<1x128xf32, #tpu.memory_space<vmem>>, vector<1x128xf32>
    %add3A_42 = vector.broadcast %get3A_41 : vector<1x128xf32> to vector<2000x128xf32>
    %add3A_43 = arith.addf %dot_general3A_38, %add3A_42 : vector<2000x128xf32>
    %swap3A = arith.constant 0 : index
    %swap3A_44 = arith.constant 0 : index
    %swap3A_45 = vector.load %arg11[%swap3A, %swap3A_44] : memref<2000x128xf32, #tpu.memory_space<vmem>>, vector<2000x128xf32>
    tpu.vector_store %arg11[%swap3A, %swap3A_44], %add3A_43 {strides = array<i32>} : memref<2000x128xf32, #tpu.memory_space<vmem>>, vector<2000x128xf32>,
    return
  }
  func.func @transform_0(%arg0: i32) -> (i32, i32) {
    %c0_i32 = arith.constant 0 : i32
    %c0_i32_0 = arith.constant 0 : i32
    return %arg0, %c0_i32 : i32, i32
  }
  func.func @transform_1(%arg0: i32) -> (i32, i32) {
    %c0_i32 = arith.constant 0 : i32
    %c0_i32_0 = arith.constant 0 : i32
    return %arg0, %c0_i32 : i32, i32
  }
  func.func @transform_2(%arg0: i32) -> (i32, i32) {
    %c0_i32 = arith.constant 0 : i32
    %c0_i32_0 = arith.constant 0 : i32
    return %arg0, %c0_i32 : i32, i32
  }
  func.func @transform_3(%arg0: i32) -> (i32, i32) {
    %c0_i32 = arith.constant 0 : i32
    %c0_i32_0 = arith.constant 0 : i32
    return %arg0, %c0_i32 : i32, i32
  }
  func.func @transform_4(%arg0: i32) -> (i32, i32) {
    %c0_i32 = arith.constant 0 : i32
    %c0_i32_0 = arith.constant 0 : i32
    return %arg0, %c0_i32 : i32, i32
  }
  func.func @transform_5(%arg0: i32) -> (i32, i32) {
    %c0_i32 = arith.constant 0 : i32
    %c0_i32_0 = arith.constant 0 : i32
    return %arg0, %c0_i32 : i32, i32
  }
  func.func @transform_6(%arg0: i32) -> (i32, i32) {
    %c0_i32 = arith.constant 0 : i32
    %c0_i32_0 = arith.constant 0 : i32
    %c0_i32_1 = arith.constant 0 : i32
    return %c0_i32, %c0_i32_0 : i32, i32
  }
  func.func @transform_7(%arg0: i32) -> (i32, i32) {
    %c0_i32 = arith.constant 0 : i32
    %c0_i32_0 = arith.constant 0 : i32
    %c0_i32_1 = arith.constant 0 : i32
    return %c0_i32, %c0_i32_0 : i32, i32
  }
  func.func @transform_8(%arg0: i32) -> (i32, i32) {
    %c0_i32 = arith.constant 0 : i32
    %c0_i32_0 = arith.constant 0 : i32
    %c0_i32_1 = arith.constant 0 : i32
    return %c0_i32, %c0_i32_0 : i32, i32
  }
  func.func @transform_9(%arg0: i32) -> (i32, i32) {
    %c0_i32 = arith.constant 0 : i32
    %c0_i32_0 = arith.constant 0 : i32
    %c0_i32_1 = arith.constant 0 : i32
    return %c0_i32, %c0_i32_0 : i32, i32
  }
  func.func @transform_10(%arg0: i32) -> (i32, i32) {
    %c0_i32 = arith.constant 0 : i32
    %c0_i32_0 = arith.constant 0 : i32
    return %arg0, %c0_i32 : i32, i32
  }
}

module attributes {stable_mosaic.version = 14 : i64} {
  func.func @_node_mlp_body(%arg0: i32, %arg1: memref<625x128xf32, #tpu.memory_space<vmem>>, %arg2: memref<2x625x128xf32, #tpu.memory_space<vmem>>, %arg3: memref<625x128xf32, #tpu.memory_space<vmem>>, %arg4: memref<128x1024xf32, #tpu.memory_space<vmem>>, %arg5: memref<128x1024xf32, #tpu.memory_space<vmem>>, %arg6: memref<1x1024xf32, #tpu.memory_space<vmem>>, %arg7: memref<1024x128xf32, #tpu.memory_space<vmem>>, %arg8: memref<1x128xf32, #tpu.memory_space<vmem>>, %arg9: memref<625x128xf32, #tpu.memory_space<vmem>>) attributes {dimension_semantics = [#tpu.dimension_semantics<arbitrary>], iteration_bounds = array<i64: 1>, scalar_prefetch = 0 : i64, scratch_operands = 0 : i64, tpu.core_type = #tpu.core_type<tc>, window_params = [{transform_indices = @transform_0, window_bounds = array<i64: 625, 128>}, {transform_indices = @transform_1, window_bounds = array<i64: 2, 625, 128>}, {transform_indices = @transform_2, window_bounds = array<i64: 625, 128>}, {pipeline_mode = #tpu.pipeline_mode<synchronous>, transform_indices = @transform_3, window_bounds = array<i64: 128, 1024>}, {pipeline_mode = #tpu.pipeline_mode<synchronous>, transform_indices = @transform_4, window_bounds = array<i64: 128, 1024>}, {pipeline_mode = #tpu.pipeline_mode<synchronous>, transform_indices = @transform_5, window_bounds = array<i64: 1, 1024>}, {pipeline_mode = #tpu.pipeline_mode<synchronous>, transform_indices = @transform_6, window_bounds = array<i64: 1024, 128>}, {pipeline_mode = #tpu.pipeline_mode<synchronous>, transform_indices = @transform_7, window_bounds = array<i64: 1, 128>}, {transform_indices = @transform_8, window_bounds = array<i64: 625, 128>}]} {
    %get3A = arith.constant 0 : index
    %get3A_0 = arith.constant 0 : index
    %get3A_1 = arith.constant 0 : index
    %get3A_2 = vector.load %arg2[%get3A, %get3A_0, %get3A_1] : memref<2x625x128xf32, #tpu.memory_space<vmem>>, vector<1x625x128xf32>
    %get3A_3 = vector.shape_cast %get3A_2 : vector<1x625x128xf32> to vector<625x128xf32>
    %get3A_4 = arith.constant 1 : index
    %get3A_5 = arith.constant 0 : index
    %get3A_6 = arith.constant 0 : index
    %get3A_7 = vector.load %arg2[%get3A_4, %get3A_5, %get3A_6] : memref<2x625x128xf32, #tpu.memory_space<vmem>>, vector<1x625x128xf32>
    %get3A_8 = vector.shape_cast %get3A_7 : vector<1x625x128xf32> to vector<625x128xf32>
    %add3A = arith.addf %get3A_3, %get3A_8 : vector<625x128xf32>
    %get3A_9 = arith.constant 0 : index
    %get3A_10 = arith.constant 0 : index
    %get3A_11 = vector.load %arg1[%get3A_9, %get3A_10] : memref<625x128xf32, #tpu.memory_space<vmem>>, vector<625x128xf32>
    %get3A_12 = arith.constant 0 : index
    %get3A_13 = arith.constant 0 : index
    %get3A_14 = vector.load %arg4[%get3A_12, %get3A_13] : memref<128x1024xf32, #tpu.memory_space<vmem>>, vector<128x1024xf32>
    %dot_general3A = arith.constant dense<0.000000e+00> : vector<625x1024xf32>
    %dot_general3A_15 = tpu.matmul %get3A_11, %get3A_14, %dot_general3A {dimension_numbers = #tpu.dot_dimension_numbers<[1], [0], [0], [1], [0, 0, 1, 1], [], []>, transpose_lhs_hint = false} : vector<625x128xf32>, vector<128x1024xf32>, vector<625x1024xf32> -> vector<625x1024xf32>
    %get3A_16 = arith.constant 0 : index
    %get3A_17 = arith.constant 0 : index
    %get3A_18 = vector.load %arg5[%get3A_16, %get3A_17] : memref<128x1024xf32, #tpu.memory_space<vmem>>, vector<128x1024xf32>
    %dot_general3A_19 = arith.constant dense<0.000000e+00> : vector<625x1024xf32>
    %dot_general3A_20 = tpu.matmul %add3A, %get3A_18, %dot_general3A_19 {dimension_numbers = #tpu.dot_dimension_numbers<[1], [0], [0], [1], [0, 0, 1, 1], [], []>, transpose_lhs_hint = false} : vector<625x128xf32>, vector<128x1024xf32>, vector<625x1024xf32> -> vector<625x1024xf32>
    %add3A_21 = arith.addf %dot_general3A_15, %dot_general3A_20 : vector<625x1024xf32>
    %get3A_22 = arith.constant 0 : index
    %get3A_23 = arith.constant 0 : index
    %get3A_24 = vector.load %arg6[%get3A_22, %get3A_23] : memref<1x1024xf32, #tpu.memory_space<vmem>>, vector<1x1024xf32>
    %add3A_25 = vector.broadcast %get3A_24 : vector<1x1024xf32> to vector<625x1024xf32>
    %add3A_26 = arith.addf %add3A_21, %add3A_25 : vector<625x1024xf32>
    %max3A = arith.constant 0.000000e+00 : f32
    %max3A_27 = vector.broadcast %max3A : f32 to vector<625x1024xf32>
    %max3A_28 = arith.maximumf %add3A_26, %max3A_27 : vector<625x1024xf32>
    %get3A_29 = arith.constant 0 : index
    %get3A_30 = arith.constant 0 : index
    %get3A_31 = vector.load %arg3[%get3A_29, %get3A_30] : memref<625x128xf32, #tpu.memory_space<vmem>>, vector<625x128xf32>
    %get3A_32 = arith.constant 0 : index
    %get3A_33 = arith.constant 0 : index
    %get3A_34 = vector.load %arg7[%get3A_32, %get3A_33] : memref<1024x128xf32, #tpu.memory_space<vmem>>, vector<1024x128xf32>
    %dot_general3A_35 = arith.constant dense<0.000000e+00> : vector<625x128xf32>
    %dot_general3A_36 = tpu.matmul %max3A_28, %get3A_34, %dot_general3A_35 {dimension_numbers = #tpu.dot_dimension_numbers<[1], [0], [0], [1], [0, 0, 1, 1], [], []>, transpose_lhs_hint = false} : vector<625x1024xf32>, vector<1024x128xf32>, vector<625x128xf32> -> vector<625x128xf32>
    %add3A_37 = arith.addf %get3A_31, %dot_general3A_36 : vector<625x128xf32>
    %get3A_38 = arith.constant 0 : index
    %get3A_39 = arith.constant 0 : index
    %get3A_40 = vector.load %arg8[%get3A_38, %get3A_39] : memref<1x128xf32, #tpu.memory_space<vmem>>, vector<1x128xf32>
    %add3A_41 = vector.broadcast %get3A_40 : vector<1x128xf32> to vector<625x128xf32>
    %add3A_42 = arith.addf %add3A_37, %add3A_41 : vector<625x128xf32>
    %swap3A = arith.constant 0 : index
    %swap3A_43 = arith.constant 0 : index
    %swap3A_44 = vector.load %arg9[%swap3A, %swap3A_43] : memref<625x128xf32, #tpu.memory_space<vmem>>, vector<625x128xf32>
    tpu.vector_store %arg9[%swap3A, %swap3A_43], %add3A_42 {strides = array<i32>} : memref<625x128xf32, #tpu.memory_space<vmem>>, vector<625x128xf32>,
    return
  }
  func.func @transform_0(%arg0: i32) -> (i32, i32) {
    %c0_i32 = arith.constant 0 : i32
    %c0_i32_0 = arith.constant 0 : i32
    return %arg0, %c0_i32 : i32, i32
  }
  func.func @transform_1(%arg0: i32) -> (i32, i32, i32) {
    %c0_i32 = arith.constant 0 : i32
    %c0_i32_0 = arith.constant 0 : i32
    %c0_i32_1 = arith.constant 0 : i32
    return %c0_i32, %arg0, %c0_i32_0 : i32, i32, i32
  }
  func.func @transform_2(%arg0: i32) -> (i32, i32) {
    %c0_i32 = arith.constant 0 : i32
    %c0_i32_0 = arith.constant 0 : i32
    return %arg0, %c0_i32 : i32, i32
  }
  func.func @transform_3(%arg0: i32) -> (i32, i32) {
    %c0_i32 = arith.constant 0 : i32
    %c0_i32_0 = arith.constant 0 : i32
    %c0_i32_1 = arith.constant 0 : i32
    return %c0_i32, %c0_i32_0 : i32, i32
  }
  func.func @transform_4(%arg0: i32) -> (i32, i32) {
    %c0_i32 = arith.constant 0 : i32
    %c0_i32_0 = arith.constant 0 : i32
    %c0_i32_1 = arith.constant 0 : i32
    return %c0_i32, %c0_i32_0 : i32, i32
  }
  func.func @transform_5(%arg0: i32) -> (i32, i32) {
    %c0_i32 = arith.constant 0 : i32
    %c0_i32_0 = arith.constant 0 : i32
    %c0_i32_1 = arith.constant 0 : i32
    return %c0_i32, %c0_i32_0 : i32, i32
  }
  func.func @transform_6(%arg0: i32) -> (i32, i32) {
    %c0_i32 = arith.constant 0 : i32
    %c0_i32_0 = arith.constant 0 : i32
    %c0_i32_1 = arith.constant 0 : i32
    return %c0_i32, %c0_i32_0 : i32, i32
  }
  func.func @transform_7(%arg0: i32) -> (i32, i32) {
    %c0_i32 = arith.constant 0 : i32
    %c0_i32_0 = arith.constant 0 : i32
    %c0_i32_1 = arith.constant 0 : i32
    return %c0_i32, %c0_i32_0 : i32, i32
  }
  func.func @transform_8(%arg0: i32) -> (i32, i32) {
    %c0_i32 = arith.constant 0 : i32
    %c0_i32_0 = arith.constant 0 : i32
    return %arg0, %c0_i32 : i32, i32
  }
}

module attributes {stable_mosaic.version = 14 : i64} {
  func.func @_mlp_body(%arg0: i32, %arg1: memref<2000x128xf32, #tpu.memory_space<vmem>>, %arg2: memref<2000x128xf32, #tpu.memory_space<vmem>>, %arg3: memref<2000x128xf32, #tpu.memory_space<vmem>>, %arg4: memref<384x1024xbf16, #tpu.memory_space<vmem>>, %arg5: memref<1x1024xf32, #tpu.memory_space<vmem>>, %arg6: memref<1024x128xbf16, #tpu.memory_space<vmem>>, %arg7: memref<1x128xf32, #tpu.memory_space<vmem>>, %arg8: memref<2000x128xf32, #tpu.memory_space<vmem>>) attributes {dimension_semantics = [#tpu.dimension_semantics<arbitrary>], iteration_bounds = array<i64: 10>, scalar_prefetch = 0 : i64, scratch_operands = 0 : i64, tpu.core_type = #tpu.core_type<tc>, window_params = [{transform_indices = @transform_0, window_bounds = array<i64: 2000, 128>}, {transform_indices = @transform_1, window_bounds = array<i64: 2000, 128>}, {transform_indices = @transform_2, window_bounds = array<i64: 2000, 128>}, {pipeline_mode = #tpu.pipeline_mode<synchronous>, transform_indices = @transform_3, window_bounds = array<i64: 384, 1024>}, {pipeline_mode = #tpu.pipeline_mode<synchronous>, transform_indices = @transform_4, window_bounds = array<i64: 1, 1024>}, {pipeline_mode = #tpu.pipeline_mode<synchronous>, transform_indices = @transform_5, window_bounds = array<i64: 1024, 128>}, {pipeline_mode = #tpu.pipeline_mode<synchronous>, transform_indices = @transform_6, window_bounds = array<i64: 1, 128>}, {transform_indices = @transform_7, window_bounds = array<i64: 2000, 128>}]} {
    %get3A = arith.constant 0 : index
    %get3A_0 = arith.constant 0 : index
    %get3A_1 = vector.load %arg1[%get3A, %get3A_0] : memref<2000x128xf32, #tpu.memory_space<vmem>>, vector<2000x128xf32>
    %convert_element_type3A = arith.truncf %get3A_1 : vector<2000x128xf32> to vector<2000x128xbf16>
    %get3A_2 = arith.constant 0 : index
    %get3A_3 = arith.constant 0 : index
    %get3A_4 = vector.load %arg2[%get3A_2, %get3A_3] : memref<2000x128xf32, #tpu.memory_space<vmem>>, vector<2000x128xf32>
    %convert_element_type3A_5 = arith.truncf %get3A_4 : vector<2000x128xf32> to vector<2000x128xbf16>
    %get3A_6 = arith.constant 0 : index
    %get3A_7 = arith.constant 0 : index
    %get3A_8 = vector.load %arg3[%get3A_6, %get3A_7] : memref<2000x128xf32, #tpu.memory_space<vmem>>, vector<2000x128xf32>
    %convert_element_type3A_9 = arith.truncf %get3A_8 : vector<2000x128xf32> to vector<2000x128xbf16>
    %concatenate3A = tpu.concatenate %convert_element_type3A, %convert_element_type3A_5, %convert_element_type3A_9 in 1 : vector<2000x128xbf16>, vector<2000x128xbf16>, vector<2000x128xbf16> -> vector<2000x384xbf16>
    %get3A_10 = arith.constant 0 : index
    %get3A_11 = arith.constant 0 : index
    %get3A_12 = vector.load %arg4[%get3A_10, %get3A_11] : memref<384x1024xbf16, #tpu.memory_space<vmem>>, vector<384x1024xbf16>
    %dot_general3A = arith.constant dense<0.000000e+00> : vector<2000x1024xf32>
    %dot_general3A_13 = tpu.matmul %concatenate3A, %get3A_12, %dot_general3A {dimension_numbers = #tpu.dot_dimension_numbers<[1], [0], [0], [1], [0, 0, 1, 1], [], []>, transpose_lhs_hint = false} : vector<2000x384xbf16>, vector<384x1024xbf16>, vector<2000x1024xf32> -> vector<2000x1024xf32>
    %convert_element_type3A_14 = arith.truncf %dot_general3A_13 : vector<2000x1024xf32> to vector<2000x1024xbf16>
    %get3A_15 = arith.constant 0 : index
    %get3A_16 = arith.constant 0 : index
    %get3A_17 = vector.load %arg5[%get3A_15, %get3A_16] : memref<1x1024xf32, #tpu.memory_space<vmem>>, vector<1x1024xf32>
    %convert_element_type3A_18 = arith.truncf %get3A_17 : vector<1x1024xf32> to vector<1x1024xbf16>
    %add3A = vector.broadcast %convert_element_type3A_18 : vector<1x1024xbf16> to vector<2000x1024xbf16>
    %add3A_19 = arith.addf %convert_element_type3A_14, %add3A : vector<2000x1024xbf16>
    %max3A = arith.constant 0.000000e+00 : bf16
    %max3A_20 = vector.broadcast %max3A : bf16 to vector<2000x1024xbf16>
    %max3A_21 = arith.maximumf %add3A_19, %max3A_20 : vector<2000x1024xbf16>
    %get3A_22 = arith.constant 0 : index
    %get3A_23 = arith.constant 0 : index
    %get3A_24 = vector.load %arg6[%get3A_22, %get3A_23] : memref<1024x128xbf16, #tpu.memory_space<vmem>>, vector<1024x128xbf16>
    %dot_general3A_25 = arith.constant dense<0.000000e+00> : vector<2000x128xf32>
    %dot_general3A_26 = tpu.matmul %max3A_21, %get3A_24, %dot_general3A_25 {dimension_numbers = #tpu.dot_dimension_numbers<[1], [0], [0], [1], [0, 0, 1, 1], [], []>, transpose_lhs_hint = false} : vector<2000x1024xbf16>, vector<1024x128xbf16>, vector<2000x128xf32> -> vector<2000x128xf32>
    %get3A_27 = arith.constant 0 : index
    %get3A_28 = arith.constant 0 : index
    %get3A_29 = vector.load %arg7[%get3A_27, %get3A_28] : memref<1x128xf32, #tpu.memory_space<vmem>>, vector<1x128xf32>
    %add3A_30 = vector.broadcast %get3A_29 : vector<1x128xf32> to vector<2000x128xf32>
    %add3A_31 = arith.addf %dot_general3A_26, %add3A_30 : vector<2000x128xf32>
    %swap3A = arith.constant 0 : index
    %swap3A_32 = arith.constant 0 : index
    %swap3A_33 = vector.load %arg8[%swap3A, %swap3A_32] : memref<2000x128xf32, #tpu.memory_space<vmem>>, vector<2000x128xf32>
    tpu.vector_store %arg8[%swap3A, %swap3A_32], %add3A_31 {strides = array<i32>} : memref<2000x128xf32, #tpu.memory_space<vmem>>, vector<2000x128xf32>,
    return
  }
  func.func @transform_0(%arg0: i32) -> (i32, i32) {
    %c0_i32 = arith.constant 0 : i32
    %c0_i32_0 = arith.constant 0 : i32
    return %arg0, %c0_i32 : i32, i32
  }
  func.func @transform_1(%arg0: i32) -> (i32, i32) {
    %c0_i32 = arith.constant 0 : i32
    %c0_i32_0 = arith.constant 0 : i32
    return %arg0, %c0_i32 : i32, i32
  }
  func.func @transform_2(%arg0: i32) -> (i32, i32) {
    %c0_i32 = arith.constant 0 : i32
    %c0_i32_0 = arith.constant 0 : i32
    return %arg0, %c0_i32 : i32, i32
  }
  func.func @transform_3(%arg0: i32) -> (i32, i32) {
    %c0_i32 = arith.constant 0 : i32
    %c0_i32_0 = arith.constant 0 : i32
    %c0_i32_1 = arith.constant 0 : i32
    return %c0_i32, %c0_i32_0 : i32, i32
  }
  func.func @transform_4(%arg0: i32) -> (i32, i32) {
    %c0_i32 = arith.constant 0 : i32
    %c0_i32_0 = arith.constant 0 : i32
    %c0_i32_1 = arith.constant 0 : i32
    return %c0_i32, %c0_i32_0 : i32, i32
  }
  func.func @transform_5(%arg0: i32) -> (i32, i32) {
    %c0_i32 = arith.constant 0 : i32
    %c0_i32_0 = arith.constant 0 : i32
    %c0_i32_1 = arith.constant 0 : i32
    return %c0_i32, %c0_i32_0 : i32, i32
  }
  func.func @transform_6(%arg0: i32) -> (i32, i32) {
    %c0_i32 = arith.constant 0 : i32
    %c0_i32_0 = arith.constant 0 : i32
    %c0_i32_1 = arith.constant 0 : i32
    return %c0_i32, %c0_i32_0 : i32, i32
  }
  func.func @transform_7(%arg0: i32) -> (i32, i32) {
    %c0_i32 = arith.constant 0 : i32
    %c0_i32_0 = arith.constant 0 : i32
    return %arg0, %c0_i32 : i32, i32
  }
}

module attributes {stable_mosaic.version = 14 : i64} {
  func.func @_mlp_body(%arg0: i32, %arg1: memref<2000x16xf32, #tpu.memory_space<vmem>>, %arg2: memref<2000x16xf32, #tpu.memory_space<vmem>>, %arg3: memref<2000x16xf32, #tpu.memory_space<vmem>>, %arg4: memref<2000x16xf32, #tpu.memory_space<vmem>>, %arg5: memref<2000x128xf32, #tpu.memory_space<vmem>>, %arg6: memref<2000x128xf32, #tpu.memory_space<vmem>>, %arg7: memref<2000x128xf32, #tpu.memory_space<vmem>>, %arg8: memref<448x640xbf16, #tpu.memory_space<vmem>>, %arg9: memref<1x640xf32, #tpu.memory_space<vmem>>, %arg10: memref<640x16xbf16, #tpu.memory_space<vmem>>, %arg11: memref<1x16xf32, #tpu.memory_space<vmem>>, %arg12: memref<2000x16xf32, #tpu.memory_space<vmem>>) attributes {dimension_semantics = [#tpu.dimension_semantics<arbitrary>], iteration_bounds = array<i64: 10>, scalar_prefetch = 0 : i64, scratch_operands = 0 : i64, tpu.core_type = #tpu.core_type<tc>, window_params = [{transform_indices = @transform_0, window_bounds = array<i64: 2000, 16>}, {transform_indices = @transform_1, window_bounds = array<i64: 2000, 16>}, {transform_indices = @transform_2, window_bounds = array<i64: 2000, 16>}, {transform_indices = @transform_3, window_bounds = array<i64: 2000, 16>}, {transform_indices = @transform_4, window_bounds = array<i64: 2000, 128>}, {transform_indices = @transform_5, window_bounds = array<i64: 2000, 128>}, {transform_indices = @transform_6, window_bounds = array<i64: 2000, 128>}, {pipeline_mode = #tpu.pipeline_mode<synchronous>, transform_indices = @transform_7, window_bounds = array<i64: 448, 640>}, {pipeline_mode = #tpu.pipeline_mode<synchronous>, transform_indices = @transform_8, window_bounds = array<i64: 1, 640>}, {pipeline_mode = #tpu.pipeline_mode<synchronous>, transform_indices = @transform_9, window_bounds = array<i64: 640, 16>}, {pipeline_mode = #tpu.pipeline_mode<synchronous>, transform_indices = @transform_10, window_bounds = array<i64: 1, 16>}, {transform_indices = @transform_11, window_bounds = array<i64: 2000, 16>}]} {
    %get3A = arith.constant 0 : index
    %get3A_0 = arith.constant 0 : index
    %get3A_1 = vector.load %arg1[%get3A, %get3A_0] : memref<2000x16xf32, #tpu.memory_space<vmem>>, vector<2000x16xf32>
    %convert_element_type3A = arith.truncf %get3A_1 : vector<2000x16xf32> to vector<2000x16xbf16>
    %get3A_2 = arith.constant 0 : index
    %get3A_3 = arith.constant 0 : index
    %get3A_4 = vector.load %arg2[%get3A_2, %get3A_3] : memref<2000x16xf32, #tpu.memory_space<vmem>>, vector<2000x16xf32>
    %convert_element_type3A_5 = arith.truncf %get3A_4 : vector<2000x16xf32> to vector<2000x16xbf16>
    %get3A_6 = arith.constant 0 : index
    %get3A_7 = arith.constant 0 : index
    %get3A_8 = vector.load %arg3[%get3A_6, %get3A_7] : memref<2000x16xf32, #tpu.memory_space<vmem>>, vector<2000x16xf32>
    %convert_element_type3A_9 = arith.truncf %get3A_8 : vector<2000x16xf32> to vector<2000x16xbf16>
    %get3A_10 = arith.constant 0 : index
    %get3A_11 = arith.constant 0 : index
    %get3A_12 = vector.load %arg4[%get3A_10, %get3A_11] : memref<2000x16xf32, #tpu.memory_space<vmem>>, vector<2000x16xf32>
    %convert_element_type3A_13 = arith.truncf %get3A_12 : vector<2000x16xf32> to vector<2000x16xbf16>
    %get3A_14 = arith.constant 0 : index
    %get3A_15 = arith.constant 0 : index
    %get3A_16 = vector.load %arg5[%get3A_14, %get3A_15] : memref<2000x128xf32, #tpu.memory_space<vmem>>, vector<2000x128xf32>
    %convert_element_type3A_17 = arith.truncf %get3A_16 : vector<2000x128xf32> to vector<2000x128xbf16>
    %get3A_18 = arith.constant 0 : index
    %get3A_19 = arith.constant 0 : index
    %get3A_20 = vector.load %arg6[%get3A_18, %get3A_19] : memref<2000x128xf32, #tpu.memory_space<vmem>>, vector<2000x128xf32>
    %convert_element_type3A_21 = arith.truncf %get3A_20 : vector<2000x128xf32> to vector<2000x128xbf16>
    %get3A_22 = arith.constant 0 : index
    %get3A_23 = arith.constant 0 : index
    %get3A_24 = vector.load %arg7[%get3A_22, %get3A_23] : memref<2000x128xf32, #tpu.memory_space<vmem>>, vector<2000x128xf32>
    %convert_element_type3A_25 = arith.truncf %get3A_24 : vector<2000x128xf32> to vector<2000x128xbf16>
    %concatenate3A = tpu.concatenate %convert_element_type3A, %convert_element_type3A_5, %convert_element_type3A_9, %convert_element_type3A_13, %convert_element_type3A_17, %convert_element_type3A_21, %convert_element_type3A_25 in 1 : vector<2000x16xbf16>, vector<2000x16xbf16>, vector<2000x16xbf16>, vector<2000x16xbf16>, vector<2000x128xbf16>, vector<2000x128xbf16>, vector<2000x128xbf16> -> vector<2000x448xbf16>
    %get3A_26 = arith.constant 0 : index
    %get3A_27 = arith.constant 0 : index
    %get3A_28 = vector.load %arg8[%get3A_26, %get3A_27] : memref<448x640xbf16, #tpu.memory_space<vmem>>, vector<448x640xbf16>
    %dot_general3A = arith.constant dense<0.000000e+00> : vector<2000x640xf32>
    %dot_general3A_29 = tpu.matmul %concatenate3A, %get3A_28, %dot_general3A {dimension_numbers = #tpu.dot_dimension_numbers<[1], [0], [0], [1], [0, 0, 1, 1], [], []>, transpose_lhs_hint = false} : vector<2000x448xbf16>, vector<448x640xbf16>, vector<2000x640xf32> -> vector<2000x640xf32>
    %convert_element_type3A_30 = arith.truncf %dot_general3A_29 : vector<2000x640xf32> to vector<2000x640xbf16>
    %get3A_31 = arith.constant 0 : index
    %get3A_32 = arith.constant 0 : index
    %get3A_33 = vector.load %arg9[%get3A_31, %get3A_32] : memref<1x640xf32, #tpu.memory_space<vmem>>, vector<1x640xf32>
    %convert_element_type3A_34 = arith.truncf %get3A_33 : vector<1x640xf32> to vector<1x640xbf16>
    %add3A = vector.broadcast %convert_element_type3A_34 : vector<1x640xbf16> to vector<2000x640xbf16>
    %add3A_35 = arith.addf %convert_element_type3A_30, %add3A : vector<2000x640xbf16>
    %max3A = arith.constant 0.000000e+00 : bf16
    %max3A_36 = vector.broadcast %max3A : bf16 to vector<2000x640xbf16>
    %max3A_37 = arith.maximumf %add3A_35, %max3A_36 : vector<2000x640xbf16>
    %get3A_38 = arith.constant 0 : index
    %get3A_39 = arith.constant 0 : index
    %get3A_40 = vector.load %arg10[%get3A_38, %get3A_39] : memref<640x16xbf16, #tpu.memory_space<vmem>>, vector<640x16xbf16>
    %dot_general3A_41 = arith.constant dense<0.000000e+00> : vector<2000x16xf32>
    %dot_general3A_42 = tpu.matmul %max3A_37, %get3A_40, %dot_general3A_41 {dimension_numbers = #tpu.dot_dimension_numbers<[1], [0], [0], [1], [0, 0, 1, 1], [], []>, transpose_lhs_hint = false} : vector<2000x640xbf16>, vector<640x16xbf16>, vector<2000x16xf32> -> vector<2000x16xf32>
    %get3A_43 = arith.constant 0 : index
    %get3A_44 = arith.constant 0 : index
    %get3A_45 = vector.load %arg11[%get3A_43, %get3A_44] : memref<1x16xf32, #tpu.memory_space<vmem>>, vector<1x16xf32>
    %add3A_46 = vector.broadcast %get3A_45 : vector<1x16xf32> to vector<2000x16xf32>
    %add3A_47 = arith.addf %dot_general3A_42, %add3A_46 : vector<2000x16xf32>
    %logistic3A = arith.negf %add3A_47 : vector<2000x16xf32>
    %logistic3A_48 = math.exp %logistic3A : vector<2000x16xf32>
    %logistic3A_49 = arith.constant 1.000000e+00 : f32
    %logistic3A_50 = vector.broadcast %logistic3A_49 : f32 to vector<2000x16xf32>
    %logistic3A_51 = arith.addf %logistic3A_50, %logistic3A_48 : vector<2000x16xf32>
    %logistic3A_52 = arith.divf %logistic3A_50, %logistic3A_51 : vector<2000x16xf32>
    %swap3A = arith.constant 0 : index
    %swap3A_53 = arith.constant 0 : index
    %swap3A_54 = vector.load %arg12[%swap3A, %swap3A_53] : memref<2000x16xf32, #tpu.memory_space<vmem>>, vector<2000x16xf32>
    tpu.vector_store %arg12[%swap3A, %swap3A_53], %logistic3A_52 {strides = array<i32>} : memref<2000x16xf32, #tpu.memory_space<vmem>>, vector<2000x16xf32>,
    return
  }
  func.func @transform_0(%arg0: i32) -> (i32, i32) {
    %c0_i32 = arith.constant 0 : i32
    %c0_i32_0 = arith.constant 0 : i32
    return %arg0, %c0_i32 : i32, i32
  }
  func.func @transform_1(%arg0: i32) -> (i32, i32) {
    %c0_i32 = arith.constant 0 : i32
    %c0_i32_0 = arith.constant 0 : i32
    return %arg0, %c0_i32 : i32, i32
  }
  func.func @transform_2(%arg0: i32) -> (i32, i32) {
    %c0_i32 = arith.constant 0 : i32
    %c0_i32_0 = arith.constant 0 : i32
    return %arg0, %c0_i32 : i32, i32
  }
  func.func @transform_3(%arg0: i32) -> (i32, i32) {
    %c0_i32 = arith.constant 0 : i32
    %c0_i32_0 = arith.constant 0 : i32
    return %arg0, %c0_i32 : i32, i32
  }
  func.func @transform_4(%arg0: i32) -> (i32, i32) {
    %c0_i32 = arith.constant 0 : i32
    %c0_i32_0 = arith.constant 0 : i32
    return %arg0, %c0_i32 : i32, i32
  }
  func.func @transform_5(%arg0: i32) -> (i32, i32) {
    %c0_i32 = arith.constant 0 : i32
    %c0_i32_0 = arith.constant 0 : i32
    return %arg0, %c0_i32 : i32, i32
  }
  func.func @transform_6(%arg0: i32) -> (i32, i32) {
    %c0_i32 = arith.constant 0 : i32
    %c0_i32_0 = arith.constant 0 : i32
    return %arg0, %c0_i32 : i32, i32
  }
  func.func @transform_7(%arg0: i32) -> (i32, i32) {
    %c0_i32 = arith.constant 0 : i32
    %c0_i32_0 = arith.constant 0 : i32
    %c0_i32_1 = arith.constant 0 : i32
    return %c0_i32, %c0_i32_0 : i32, i32
  }
  func.func @transform_8(%arg0: i32) -> (i32, i32) {
    %c0_i32 = arith.constant 0 : i32
    %c0_i32_0 = arith.constant 0 : i32
    %c0_i32_1 = arith.constant 0 : i32
    return %c0_i32, %c0_i32_0 : i32, i32
  }
  func.func @transform_9(%arg0: i32) -> (i32, i32) {
    %c0_i32 = arith.constant 0 : i32
    %c0_i32_0 = arith.constant 0 : i32
    %c0_i32_1 = arith.constant 0 : i32
    return %c0_i32, %c0_i32_0 : i32, i32
  }
  func.func @transform_10(%arg0: i32) -> (i32, i32) {
    %c0_i32 = arith.constant 0 : i32
    %c0_i32_0 = arith.constant 0 : i32
    %c0_i32_1 = arith.constant 0 : i32
    return %c0_i32, %c0_i32_0 : i32, i32
  }
  func.func @transform_11(%arg0: i32) -> (i32, i32) {
    %c0_i32 = arith.constant 0 : i32
    %c0_i32_0 = arith.constant 0 : i32
    return %arg0, %c0_i32 : i32, i32
  }
}

module attributes {stable_mosaic.version = 14 : i64} {
  func.func @_mlp_body(%arg0: i32, %arg1: memref<2000x128xf32, #tpu.memory_space<vmem>>, %arg2: memref<2000x128xf32, #tpu.memory_space<vmem>>, %arg3: memref<2000x16xf32, #tpu.memory_space<vmem>>, %arg4: memref<2000x16xf32, #tpu.memory_space<vmem>>, %arg5: memref<2000x16xf32, #tpu.memory_space<vmem>>, %arg6: memref<2000x16xf32, #tpu.memory_space<vmem>>, %arg7: memref<2000x16xf32, #tpu.memory_space<vmem>>, %arg8: memref<2000x128xf32, #tpu.memory_space<vmem>>, %arg9: memref<2000x128xf32, #tpu.memory_space<vmem>>, %arg10: memref<2000x128xf32, #tpu.memory_space<vmem>>, %arg11: memref<720x1024xbf16, #tpu.memory_space<vmem>>, %arg12: memref<1x1024xf32, #tpu.memory_space<vmem>>, %arg13: memref<1024x128xbf16, #tpu.memory_space<vmem>>, %arg14: memref<1x128xf32, #tpu.memory_space<vmem>>, %arg15: memref<2000x128xf32, #tpu.memory_space<vmem>>) attributes {dimension_semantics = [#tpu.dimension_semantics<arbitrary>], iteration_bounds = array<i64: 10>, scalar_prefetch = 0 : i64, scratch_operands = 0 : i64, tpu.core_type = #tpu.core_type<tc>, window_params = [{transform_indices = @transform_0, window_bounds = array<i64: 2000, 128>}, {transform_indices = @transform_1, window_bounds = array<i64: 2000, 128>}, {transform_indices = @transform_2, window_bounds = array<i64: 2000, 16>}, {transform_indices = @transform_3, window_bounds = array<i64: 2000, 16>}, {transform_indices = @transform_4, window_bounds = array<i64: 2000, 16>}, {transform_indices = @transform_5, window_bounds = array<i64: 2000, 16>}, {transform_indices = @transform_6, window_bounds = array<i64: 2000, 16>}, {transform_indices = @transform_7, window_bounds = array<i64: 2000, 128>}, {transform_indices = @transform_8, window_bounds = array<i64: 2000, 128>}, {transform_indices = @transform_9, window_bounds = array<i64: 2000, 128>}, {pipeline_mode = #tpu.pipeline_mode<synchronous>, transform_indices = @transform_10, window_bounds = array<i64: 720, 1024>}, {pipeline_mode = #tpu.pipeline_mode<synchronous>, transform_indices = @transform_11, window_bounds = array<i64: 1, 1024>}, {pipeline_mode = #tpu.pipeline_mode<synchronous>, transform_indices = @transform_12, window_bounds = array<i64: 1024, 128>}, {pipeline_mode = #tpu.pipeline_mode<synchronous>, transform_indices = @transform_13, window_bounds = array<i64: 1, 128>}, {transform_indices = @transform_14, window_bounds = array<i64: 2000, 128>}]} {
    %get3A = arith.constant 0 : index
    %get3A_0 = arith.constant 0 : index
    %get3A_1 = vector.load %arg1[%get3A, %get3A_0] : memref<2000x128xf32, #tpu.memory_space<vmem>>, vector<2000x128xf32>
    %convert_element_type3A = arith.truncf %get3A_1 : vector<2000x128xf32> to vector<2000x128xbf16>
    %get3A_2 = arith.constant 0 : index
    %get3A_3 = arith.constant 0 : index
    %get3A_4 = vector.load %arg2[%get3A_2, %get3A_3] : memref<2000x128xf32, #tpu.memory_space<vmem>>, vector<2000x128xf32>
    %convert_element_type3A_5 = arith.truncf %get3A_4 : vector<2000x128xf32> to vector<2000x128xbf16>
    %get3A_6 = arith.constant 0 : index
    %get3A_7 = arith.constant 0 : index
    %get3A_8 = vector.load %arg3[%get3A_6, %get3A_7] : memref<2000x16xf32, #tpu.memory_space<vmem>>, vector<2000x16xf32>
    %convert_element_type3A_9 = arith.truncf %get3A_8 : vector<2000x16xf32> to vector<2000x16xbf16>
    %get3A_10 = arith.constant 0 : index
    %get3A_11 = arith.constant 0 : index
    %get3A_12 = vector.load %arg4[%get3A_10, %get3A_11] : memref<2000x16xf32, #tpu.memory_space<vmem>>, vector<2000x16xf32>
    %convert_element_type3A_13 = arith.truncf %get3A_12 : vector<2000x16xf32> to vector<2000x16xbf16>
    %get3A_14 = arith.constant 0 : index
    %get3A_15 = arith.constant 0 : index
    %get3A_16 = vector.load %arg5[%get3A_14, %get3A_15] : memref<2000x16xf32, #tpu.memory_space<vmem>>, vector<2000x16xf32>
    %convert_element_type3A_17 = arith.truncf %get3A_16 : vector<2000x16xf32> to vector<2000x16xbf16>
    %get3A_18 = arith.constant 0 : index
    %get3A_19 = arith.constant 0 : index
    %get3A_20 = vector.load %arg6[%get3A_18, %get3A_19] : memref<2000x16xf32, #tpu.memory_space<vmem>>, vector<2000x16xf32>
    %convert_element_type3A_21 = arith.truncf %get3A_20 : vector<2000x16xf32> to vector<2000x16xbf16>
    %get3A_22 = arith.constant 0 : index
    %get3A_23 = arith.constant 0 : index
    %get3A_24 = vector.load %arg7[%get3A_22, %get3A_23] : memref<2000x16xf32, #tpu.memory_space<vmem>>, vector<2000x16xf32>
    %convert_element_type3A_25 = arith.truncf %get3A_24 : vector<2000x16xf32> to vector<2000x16xbf16>
    %get3A_26 = arith.constant 0 : index
    %get3A_27 = arith.constant 0 : index
    %get3A_28 = vector.load %arg8[%get3A_26, %get3A_27] : memref<2000x128xf32, #tpu.memory_space<vmem>>, vector<2000x128xf32>
    %convert_element_type3A_29 = arith.truncf %get3A_28 : vector<2000x128xf32> to vector<2000x128xbf16>
    %get3A_30 = arith.constant 0 : index
    %get3A_31 = arith.constant 0 : index
    %get3A_32 = vector.load %arg9[%get3A_30, %get3A_31] : memref<2000x128xf32, #tpu.memory_space<vmem>>, vector<2000x128xf32>
    %convert_element_type3A_33 = arith.truncf %get3A_32 : vector<2000x128xf32> to vector<2000x128xbf16>
    %get3A_34 = arith.constant 0 : index
    %get3A_35 = arith.constant 0 : index
    %get3A_36 = vector.load %arg10[%get3A_34, %get3A_35] : memref<2000x128xf32, #tpu.memory_space<vmem>>, vector<2000x128xf32>
    %convert_element_type3A_37 = arith.truncf %get3A_36 : vector<2000x128xf32> to vector<2000x128xbf16>
    %concatenate3A = tpu.concatenate %convert_element_type3A, %convert_element_type3A_5, %convert_element_type3A_9, %convert_element_type3A_13, %convert_element_type3A_17, %convert_element_type3A_21, %convert_element_type3A_25, %convert_element_type3A_29, %convert_element_type3A_33, %convert_element_type3A_37 in 1 : vector<2000x128xbf16>, vector<2000x128xbf16>, vector<2000x16xbf16>, vector<2000x16xbf16>, vector<2000x16xbf16>, vector<2000x16xbf16>, vector<2000x16xbf16>, vector<2000x128xbf16>, vector<2000x128xbf16>, vector<2000x128xbf16> -> vector<2000x720xbf16>
    %get3A_38 = arith.constant 0 : index
    %get3A_39 = arith.constant 0 : index
    %get3A_40 = vector.load %arg11[%get3A_38, %get3A_39] : memref<720x1024xbf16, #tpu.memory_space<vmem>>, vector<720x1024xbf16>
    %dot_general3A = arith.constant dense<0.000000e+00> : vector<2000x1024xf32>
    %dot_general3A_41 = tpu.matmul %concatenate3A, %get3A_40, %dot_general3A {dimension_numbers = #tpu.dot_dimension_numbers<[1], [0], [0], [1], [0, 0, 1, 1], [], []>, transpose_lhs_hint = false} : vector<2000x720xbf16>, vector<720x1024xbf16>, vector<2000x1024xf32> -> vector<2000x1024xf32>
    %convert_element_type3A_42 = arith.truncf %dot_general3A_41 : vector<2000x1024xf32> to vector<2000x1024xbf16>
    %get3A_43 = arith.constant 0 : index
    %get3A_44 = arith.constant 0 : index
    %get3A_45 = vector.load %arg12[%get3A_43, %get3A_44] : memref<1x1024xf32, #tpu.memory_space<vmem>>, vector<1x1024xf32>
    %convert_element_type3A_46 = arith.truncf %get3A_45 : vector<1x1024xf32> to vector<1x1024xbf16>
    %add3A = vector.broadcast %convert_element_type3A_46 : vector<1x1024xbf16> to vector<2000x1024xbf16>
    %add3A_47 = arith.addf %convert_element_type3A_42, %add3A : vector<2000x1024xbf16>
    %max3A = arith.constant 0.000000e+00 : bf16
    %max3A_48 = vector.broadcast %max3A : bf16 to vector<2000x1024xbf16>
    %max3A_49 = arith.maximumf %add3A_47, %max3A_48 : vector<2000x1024xbf16>
    %get3A_50 = arith.constant 0 : index
    %get3A_51 = arith.constant 0 : index
    %get3A_52 = vector.load %arg13[%get3A_50, %get3A_51] : memref<1024x128xbf16, #tpu.memory_space<vmem>>, vector<1024x128xbf16>
    %dot_general3A_53 = arith.constant dense<0.000000e+00> : vector<2000x128xf32>
    %dot_general3A_54 = tpu.matmul %max3A_49, %get3A_52, %dot_general3A_53 {dimension_numbers = #tpu.dot_dimension_numbers<[1], [0], [0], [1], [0, 0, 1, 1], [], []>, transpose_lhs_hint = false} : vector<2000x1024xbf16>, vector<1024x128xbf16>, vector<2000x128xf32> -> vector<2000x128xf32>
    %get3A_55 = arith.constant 0 : index
    %get3A_56 = arith.constant 0 : index
    %get3A_57 = vector.load %arg14[%get3A_55, %get3A_56] : memref<1x128xf32, #tpu.memory_space<vmem>>, vector<1x128xf32>
    %add3A_58 = vector.broadcast %get3A_57 : vector<1x128xf32> to vector<2000x128xf32>
    %add3A_59 = arith.addf %dot_general3A_54, %add3A_58 : vector<2000x128xf32>
    %swap3A = arith.constant 0 : index
    %swap3A_60 = arith.constant 0 : index
    %swap3A_61 = vector.load %arg15[%swap3A, %swap3A_60] : memref<2000x128xf32, #tpu.memory_space<vmem>>, vector<2000x128xf32>
    tpu.vector_store %arg15[%swap3A, %swap3A_60], %add3A_59 {strides = array<i32>} : memref<2000x128xf32, #tpu.memory_space<vmem>>, vector<2000x128xf32>,
    return
  }
  func.func @transform_0(%arg0: i32) -> (i32, i32) {
    %c0_i32 = arith.constant 0 : i32
    %c0_i32_0 = arith.constant 0 : i32
    return %arg0, %c0_i32 : i32, i32
  }
  func.func @transform_1(%arg0: i32) -> (i32, i32) {
    %c0_i32 = arith.constant 0 : i32
    %c0_i32_0 = arith.constant 0 : i32
    return %arg0, %c0_i32 : i32, i32
  }
  func.func @transform_2(%arg0: i32) -> (i32, i32) {
    %c0_i32 = arith.constant 0 : i32
    %c0_i32_0 = arith.constant 0 : i32
    return %arg0, %c0_i32 : i32, i32
  }
  func.func @transform_3(%arg0: i32) -> (i32, i32) {
    %c0_i32 = arith.constant 0 : i32
    %c0_i32_0 = arith.constant 0 : i32
    return %arg0, %c0_i32 : i32, i32
  }
  func.func @transform_4(%arg0: i32) -> (i32, i32) {
    %c0_i32 = arith.constant 0 : i32
    %c0_i32_0 = arith.constant 0 : i32
    return %arg0, %c0_i32 : i32, i32
  }
  func.func @transform_5(%arg0: i32) -> (i32, i32) {
    %c0_i32 = arith.constant 0 : i32
    %c0_i32_0 = arith.constant 0 : i32
    return %arg0, %c0_i32 : i32, i32
  }
  func.func @transform_6(%arg0: i32) -> (i32, i32) {
    %c0_i32 = arith.constant 0 : i32
    %c0_i32_0 = arith.constant 0 : i32
    return %arg0, %c0_i32 : i32, i32
  }
  func.func @transform_7(%arg0: i32) -> (i32, i32) {
    %c0_i32 = arith.constant 0 : i32
    %c0_i32_0 = arith.constant 0 : i32
    return %arg0, %c0_i32 : i32, i32
  }
  func.func @transform_8(%arg0: i32) -> (i32, i32) {
    %c0_i32 = arith.constant 0 : i32
    %c0_i32_0 = arith.constant 0 : i32
    return %arg0, %c0_i32 : i32, i32
  }
  func.func @transform_9(%arg0: i32) -> (i32, i32) {
    %c0_i32 = arith.constant 0 : i32
    %c0_i32_0 = arith.constant 0 : i32
    return %arg0, %c0_i32 : i32, i32
  }
  func.func @transform_10(%arg0: i32) -> (i32, i32) {
    %c0_i32 = arith.constant 0 : i32
    %c0_i32_0 = arith.constant 0 : i32
    %c0_i32_1 = arith.constant 0 : i32
    return %c0_i32, %c0_i32_0 : i32, i32
  }
  func.func @transform_11(%arg0: i32) -> (i32, i32) {
    %c0_i32 = arith.constant 0 : i32
    %c0_i32_0 = arith.constant 0 : i32
    %c0_i32_1 = arith.constant 0 : i32
    return %c0_i32, %c0_i32_0 : i32, i32
  }
  func.func @transform_12(%arg0: i32) -> (i32, i32) {
    %c0_i32 = arith.constant 0 : i32
    %c0_i32_0 = arith.constant 0 : i32
    %c0_i32_1 = arith.constant 0 : i32
    return %c0_i32, %c0_i32_0 : i32, i32
  }
  func.func @transform_13(%arg0: i32) -> (i32, i32) {
    %c0_i32 = arith.constant 0 : i32
    %c0_i32_0 = arith.constant 0 : i32
    %c0_i32_1 = arith.constant 0 : i32
    return %c0_i32, %c0_i32_0 : i32, i32
  }
  func.func @transform_14(%arg0: i32) -> (i32, i32) {
    %c0_i32 = arith.constant 0 : i32
    %c0_i32_0 = arith.constant 0 : i32
    return %arg0, %c0_i32 : i32, i32
  }
}

module attributes {stable_mosaic.version = 14 : i64} {
  func.func @_final_body(%arg0: i32, %arg1: memref<625x128xf32, #tpu.memory_space<vmem>>, %arg2: memref<128x960xf32, #tpu.memory_space<vmem>>, %arg3: memref<1x960xf32, #tpu.memory_space<vmem>>, %arg4: memref<960x16xf32, #tpu.memory_space<vmem>>, %arg5: memref<1x16xf32, #tpu.memory_space<vmem>>, %arg6: memref<128x1280xf32, #tpu.memory_space<vmem>>, %arg7: memref<1x1280xf32, #tpu.memory_space<vmem>>, %arg8: memref<1280x48xf32, #tpu.memory_space<vmem>>, %arg9: memref<1x48xf32, #tpu.memory_space<vmem>>, %arg10: memref<625x16xf32, #tpu.memory_space<vmem>>, %arg11: memref<625x48xf32, #tpu.memory_space<vmem>>) attributes {dimension_semantics = [#tpu.dimension_semantics<arbitrary>], iteration_bounds = array<i64: 1>, scalar_prefetch = 0 : i64, scratch_operands = 0 : i64, tpu.core_type = #tpu.core_type<tc>, window_params = [{transform_indices = @transform_0, window_bounds = array<i64: 625, 128>}, {pipeline_mode = #tpu.pipeline_mode<synchronous>, transform_indices = @transform_1, window_bounds = array<i64: 128, 960>}, {pipeline_mode = #tpu.pipeline_mode<synchronous>, transform_indices = @transform_2, window_bounds = array<i64: 1, 960>}, {pipeline_mode = #tpu.pipeline_mode<synchronous>, transform_indices = @transform_3, window_bounds = array<i64: 960, 16>}, {pipeline_mode = #tpu.pipeline_mode<synchronous>, transform_indices = @transform_4, window_bounds = array<i64: 1, 16>}, {pipeline_mode = #tpu.pipeline_mode<synchronous>, transform_indices = @transform_5, window_bounds = array<i64: 128, 1280>}, {pipeline_mode = #tpu.pipeline_mode<synchronous>, transform_indices = @transform_6, window_bounds = array<i64: 1, 1280>}, {pipeline_mode = #tpu.pipeline_mode<synchronous>, transform_indices = @transform_7, window_bounds = array<i64: 1280, 48>}, {pipeline_mode = #tpu.pipeline_mode<synchronous>, transform_indices = @transform_8, window_bounds = array<i64: 1, 48>}, {transform_indices = @transform_9, window_bounds = array<i64: 625, 16>}, {transform_indices = @transform_10, window_bounds = array<i64: 625, 48>}]} {
    %get3A = arith.constant 0 : index
    %get3A_0 = arith.constant 0 : index
    %get3A_1 = vector.load %arg1[%get3A, %get3A_0] : memref<625x128xf32, #tpu.memory_space<vmem>>, vector<625x128xf32>
    %get3A_2 = arith.constant 0 : index
    %get3A_3 = arith.constant 0 : index
    %get3A_4 = vector.load %arg2[%get3A_2, %get3A_3] : memref<128x960xf32, #tpu.memory_space<vmem>>, vector<128x960xf32>
    %dot_general3A = arith.constant dense<0.000000e+00> : vector<625x960xf32>
    %dot_general3A_5 = tpu.matmul %get3A_1, %get3A_4, %dot_general3A {dimension_numbers = #tpu.dot_dimension_numbers<[1], [0], [0], [1], [0, 0, 1, 1], [], []>, transpose_lhs_hint = false} : vector<625x128xf32>, vector<128x960xf32>, vector<625x960xf32> -> vector<625x960xf32>
    %get3A_6 = arith.constant 0 : index
    %get3A_7 = arith.constant 0 : index
    %get3A_8 = vector.load %arg3[%get3A_6, %get3A_7] : memref<1x960xf32, #tpu.memory_space<vmem>>, vector<1x960xf32>
    %add3A = vector.broadcast %get3A_8 : vector<1x960xf32> to vector<625x960xf32>
    %add3A_9 = arith.addf %dot_general3A_5, %add3A : vector<625x960xf32>
    %max3A = arith.constant 0.000000e+00 : f32
    %max3A_10 = vector.broadcast %max3A : f32 to vector<625x960xf32>
    %max3A_11 = arith.maximumf %add3A_9, %max3A_10 : vector<625x960xf32>
    %get3A_12 = arith.constant 0 : index
    %get3A_13 = arith.constant 0 : index
    %get3A_14 = vector.load %arg4[%get3A_12, %get3A_13] : memref<960x16xf32, #tpu.memory_space<vmem>>, vector<960x16xf32>
    %dot_general3A_15 = arith.constant dense<0.000000e+00> : vector<625x16xf32>
    %dot_general3A_16 = tpu.matmul %max3A_11, %get3A_14, %dot_general3A_15 {dimension_numbers = #tpu.dot_dimension_numbers<[1], [0], [0], [1], [0, 0, 1, 1], [], []>, transpose_lhs_hint = false} : vector<625x960xf32>, vector<960x16xf32>, vector<625x16xf32> -> vector<625x16xf32>
    %get3A_17 = arith.constant 0 : index
    %get3A_18 = arith.constant 0 : index
    %get3A_19 = vector.load %arg5[%get3A_17, %get3A_18] : memref<1x16xf32, #tpu.memory_space<vmem>>, vector<1x16xf32>
    %add3A_20 = vector.broadcast %get3A_19 : vector<1x16xf32> to vector<625x16xf32>
    %add3A_21 = arith.addf %dot_general3A_16, %add3A_20 : vector<625x16xf32>
    %logistic3A = arith.negf %add3A_21 : vector<625x16xf32>
    %logistic3A_22 = math.exp %logistic3A : vector<625x16xf32>
    %logistic3A_23 = arith.constant 1.000000e+00 : f32
    %logistic3A_24 = vector.broadcast %logistic3A_23 : f32 to vector<625x16xf32>
    %logistic3A_25 = arith.addf %logistic3A_24, %logistic3A_22 : vector<625x16xf32>
    %logistic3A_26 = arith.divf %logistic3A_24, %logistic3A_25 : vector<625x16xf32>
    %swap3A = arith.constant 0 : index
    %swap3A_27 = arith.constant 0 : index
    %swap3A_28 = vector.load %arg10[%swap3A, %swap3A_27] : memref<625x16xf32, #tpu.memory_space<vmem>>, vector<625x16xf32>
    tpu.vector_store %arg10[%swap3A, %swap3A_27], %logistic3A_26 {strides = array<i32>} : memref<625x16xf32, #tpu.memory_space<vmem>>, vector<625x16xf32>,
    %get3A_29 = arith.constant 0 : index
    %get3A_30 = arith.constant 0 : index
    %get3A_31 = vector.load %arg6[%get3A_29, %get3A_30] : memref<128x1280xf32, #tpu.memory_space<vmem>>, vector<128x1280xf32>
    %dot_general3A_32 = arith.constant dense<0.000000e+00> : vector<625x1280xf32>
    %dot_general3A_33 = tpu.matmul %get3A_1, %get3A_31, %dot_general3A_32 {dimension_numbers = #tpu.dot_dimension_numbers<[1], [0], [0], [1], [0, 0, 1, 1], [], []>, transpose_lhs_hint = false} : vector<625x128xf32>, vector<128x1280xf32>, vector<625x1280xf32> -> vector<625x1280xf32>
    %get3A_34 = arith.constant 0 : index
    %get3A_35 = arith.constant 0 : index
    %get3A_36 = vector.load %arg7[%get3A_34, %get3A_35] : memref<1x1280xf32, #tpu.memory_space<vmem>>, vector<1x1280xf32>
    %add3A_37 = vector.broadcast %get3A_36 : vector<1x1280xf32> to vector<625x1280xf32>
    %add3A_38 = arith.addf %dot_general3A_33, %add3A_37 : vector<625x1280xf32>
    %max3A_39 = arith.constant 0.000000e+00 : f32
    %max3A_40 = vector.broadcast %max3A_39 : f32 to vector<625x1280xf32>
    %max3A_41 = arith.maximumf %add3A_38, %max3A_40 : vector<625x1280xf32>
    %get3A_42 = arith.constant 0 : index
    %get3A_43 = arith.constant 0 : index
    %get3A_44 = vector.load %arg8[%get3A_42, %get3A_43] : memref<1280x48xf32, #tpu.memory_space<vmem>>, vector<1280x48xf32>
    %dot_general3A_45 = arith.constant dense<0.000000e+00> : vector<625x48xf32>
    %dot_general3A_46 = tpu.matmul %max3A_41, %get3A_44, %dot_general3A_45 {dimension_numbers = #tpu.dot_dimension_numbers<[1], [0], [0], [1], [0, 0, 1, 1], [], []>, transpose_lhs_hint = false} : vector<625x1280xf32>, vector<1280x48xf32>, vector<625x48xf32> -> vector<625x48xf32>
    %get3A_47 = arith.constant 0 : index
    %get3A_48 = arith.constant 0 : index
    %get3A_49 = vector.load %arg9[%get3A_47, %get3A_48] : memref<1x48xf32, #tpu.memory_space<vmem>>, vector<1x48xf32>
    %add3A_50 = vector.broadcast %get3A_49 : vector<1x48xf32> to vector<625x48xf32>
    %add3A_51 = arith.addf %dot_general3A_46, %add3A_50 : vector<625x48xf32>
    %swap3A_52 = arith.constant 0 : index
    %swap3A_53 = arith.constant 0 : index
    %swap3A_54 = vector.load %arg11[%swap3A_52, %swap3A_53] : memref<625x48xf32, #tpu.memory_space<vmem>>, vector<625x48xf32>
    tpu.vector_store %arg11[%swap3A_52, %swap3A_53], %add3A_51 {strides = array<i32>} : memref<625x48xf32, #tpu.memory_space<vmem>>, vector<625x48xf32>,
    return
  }
  func.func @transform_0(%arg0: i32) -> (i32, i32) {
    %c0_i32 = arith.constant 0 : i32
    %c0_i32_0 = arith.constant 0 : i32
    return %arg0, %c0_i32 : i32, i32
  }
  func.func @transform_1(%arg0: i32) -> (i32, i32) {
    %c0_i32 = arith.constant 0 : i32
    %c0_i32_0 = arith.constant 0 : i32
    %c0_i32_1 = arith.constant 0 : i32
    return %c0_i32, %c0_i32_0 : i32, i32
  }
  func.func @transform_2(%arg0: i32) -> (i32, i32) {
    %c0_i32 = arith.constant 0 : i32
    %c0_i32_0 = arith.constant 0 : i32
    %c0_i32_1 = arith.constant 0 : i32
    return %c0_i32, %c0_i32_0 : i32, i32
  }
  func.func @transform_3(%arg0: i32) -> (i32, i32) {
    %c0_i32 = arith.constant 0 : i32
    %c0_i32_0 = arith.constant 0 : i32
    %c0_i32_1 = arith.constant 0 : i32
    return %c0_i32, %c0_i32_0 : i32, i32
  }
  func.func @transform_4(%arg0: i32) -> (i32, i32) {
    %c0_i32 = arith.constant 0 : i32
    %c0_i32_0 = arith.constant 0 : i32
    %c0_i32_1 = arith.constant 0 : i32
    return %c0_i32, %c0_i32_0 : i32, i32
  }
  func.func @transform_5(%arg0: i32) -> (i32, i32) {
    %c0_i32 = arith.constant 0 : i32
    %c0_i32_0 = arith.constant 0 : i32
    %c0_i32_1 = arith.constant 0 : i32
    return %c0_i32, %c0_i32_0 : i32, i32
  }
  func.func @transform_6(%arg0: i32) -> (i32, i32) {
    %c0_i32 = arith.constant 0 : i32
    %c0_i32_0 = arith.constant 0 : i32
    %c0_i32_1 = arith.constant 0 : i32
    return %c0_i32, %c0_i32_0 : i32, i32
  }
  func.func @transform_7(%arg0: i32) -> (i32, i32) {
    %c0_i32 = arith.constant 0 : i32
    %c0_i32_0 = arith.constant 0 : i32
    %c0_i32_1 = arith.constant 0 : i32
    return %c0_i32, %c0_i32_0 : i32, i32
  }
  func.func @transform_8(%arg0: i32) -> (i32, i32) {
    %c0_i32 = arith.constant 0 : i32
    %c0_i32_0 = arith.constant 0 : i32
    %c0_i32_1 = arith.constant 0 : i32
    return %c0_i32, %c0_i32_0 : i32, i32
  }
  func.func @transform_9(%arg0: i32) -> (i32, i32) {
    %c0_i32 = arith.constant 0 : i32
    %c0_i32_0 = arith.constant 0 : i32
    return %arg0, %c0_i32 : i32, i32
  }
  func.func @transform_10(%arg0: i32) -> (i32, i32) {
    %c0_i32 = arith.constant 0 : i32
    %c0_i32_0 = arith.constant 0 : i32
    return %arg0, %c0_i32 : i32, i32
  }
}

</mosaic_0001>

<sc_bundles>
// kernel: kernel.29.cloned.1.call-start
scs
__scs_entry_jumppad:
0x0: {  	(pc) =	sbr.rel $0x88, $3  }
0x1: {  	(tag) =	ssettag $0x0;
	lr =	simm.s32 $0x1  }
0x2: {  	[smem:$0x3F60] =	sst lr;
	_ =	strace $0xD0000000  }
0x3: {  	_ = 	snop  }
0x4: {  	_ = 	snop  }
0x5: {  	_ = 	snop  }
0x6: {  	_ = 	snop  }
0x7: {  	_ = 	snop  }
__scs_overlays_trampoline_lowered:
0x8: {  	[smem:$0x3F6F] =	sst s0  }
0x9: {  	[smem:$0x3F70] =	sst s1  }
0xa: {  	[smem:$0x3F71] =	sst s2  }
0xb: {  	[smem:$0x3F72] =	sst s3  }
0xc: {  	[smem:$0x3F73] =	sst s4  }
0xd: {  	[smem:$0x3F74] =	sst s5  }
0xe: {  	[smem:$0x3F75] =	sst s6  }
0xf: {  	[smem:$0x3F76] =	sst s7  }
0x10: {  	[smem:$0x3F77] =	sst s8  }
0x11: {  	[smem:$0x3F78] =	sst s9;
	s0 =	simm.s32 @!p0 $0x0  }
0x12: {  	s1 =	sld [smem:$0x3F5E];
	s0 =	simm.s32 @p0 $0x1  }
0x13: {  	[smem:$0x3F79] =	sst s0;
	s0 =	simm.s32 @!p1 $0x0  }
0x14: {  	s2 =	sld [smem:$0x3F5D];
	s0 =	simm.s32 @p1 $0x1  }
0x15: {  	[smem:$0x3F7A] =	sst s0;
	s0 =	simm.s32 @!p2 $0x0  }
0x16: {  	s3 =	sld [smem:$0x3FDB];
	s0 =	simm.s32 @p2 $0x1  }
0x17: {  	s4 =	simm.s32 $0x1BF5;
	[smem:$0x3F7C] =	sst s0  }
0x18: {  	s0 =	sld [smem:$0x3F5F];
	_ =	swait.ge [sflag:s4], $0x0  }
0x19: {  	s7 =	sld [smem:$0x3F60]  }
0x1a: {  	s8 =	sadd.s32 $0xFFFFE003, lr  }
0x1b: {  	s9 =	sadd.s32 $0xFFFFFEF7, lr;
	s5 =	simm.s32 $0xFFFFFFFF;
	p2 =	slt.u32 s8, $0xFFFFF086  }
0x1c: {  	p1 =	slt.u32 s9, $0xF7A;
	s5 =	simm.s32 @!p2 $0x0  }
0x1d: {  	s5 =	simm.s32 @p1 $0x1;
	p0 =	seq.s32 s7, s2  }
0x1e: {  	s7 =	smul.u32 @!p0 $0xF7A, s2;
	p2 =	seq.s32 @!p0 s5, $0x0  }
0x1f: {  	s9 =	smul.u32 $0xF7A, s1;
	s8 =	simm.s32 @!p0 $0x1BF5;
	p2 =	por !p2, p0  }
0x20: {  	[sflag:s8] =	ssyncset.s32 @!p0 $0xFFFFF086;
	s6 =	sadd.s32 @!p0 s3, s7;
	s7 =	simm.s32 @!p0 $0x108  }
0x21: {  	s3 =	sadd.s32 s3, s9;
	s6 =	sadd.s32 @!p0 $0x88, s6;
	s7 =	simm.s32 @p2 $0x1082  }
0x22: {  	[simem:s7], [sflag:s8] =	dma.local @!p0 [hbm:s6], $0xF7A  }
0x23: {  	s9 =	sor.u32 $0xD0000000, s2;
	s6 =	simm.s32 $0x108;
	_ =	swait.ge @!p0 [sflag:s8], $0x0  }
0x24: {  	s3 =	sadd.s32 $0x88, s3;
	s6 =	simm.s32 @!p1 $0x1082;
	[sflag:s4] =	ssyncset.s32 $0xFFFFF086  }
0x25: {  	[simem:s6], [sflag:s4] =	dma.local [hbm:s3], $0xF7A  }
0x26: {  	[smem:$0x3F60] =	sst s1;
	(tag) =	ssettag s2;
	_ =	strace s9  }
0x27: {  	s1 =	sld [smem:$0x3F70]  }
0x28: {  	s2 =	sld [smem:$0x3F71]  }
0x29: {  	s4 =	sld [smem:$0x3F73]  }
0x2a: {  	p0 =	seq.s32 s5, $0x0;
	s5 =	sld [smem:$0x3F74]  }
0x2b: {  	s6 =	sld [smem:$0x3F75]  }
0x2c: {  	s7 =	sld [smem:$0x3F76]  }
0x2d: {  	s3 =	simm.s32 $0x108;
	s8 =	sld [smem:$0x3F77]  }
0x2e: {  	s3 =	simm.s32 @!p0 $0x1082;
	s9 =	sld [smem:$0x3F78]  }
0x2f: {  	lr =	sadd.s32 s0, s3;
	s0 =	sld [smem:$0x3F6F]  }
0x30: {  	s3 =	sld [smem:$0x3F72]  }
0x31: {  	[smem:$0x3F7B] =	sst s10  }
0x32: {  	s10 =	sld [smem:$0x3F79];
	_ =	sdelay $0x3  }
0x33: {  	p0 =	seq.s32 s10, $0x1;
	s10 =	sld [smem:$0x3F7B];
	_ =	sdelay $0x3  }
0x34: {  	[smem:$0x3F7B] =	sst s10  }
0x35: {  	s10 =	sld [smem:$0x3F7A];
	_ =	sdelay $0x3  }
0x36: {  	p1 =	seq.s32 s10, $0x1;
	s10 =	sld [smem:$0x3F7B];
	_ =	sdelay $0x3  }
0x37: {  	[smem:$0x3F7B] =	sst s10  }
0x38: {  	s10 =	sld [smem:$0x3F7C]  }
0x39: {  	_ = 	snop;
	(pc) =	sbr.ind lr, $3  }
0x3a: {  	_ = 	snop  }
0x3b: {  	_ = 	snop  }
0x3c: {  	p2 =	seq.s32 s10, $0x1;
	s10 =	sld [smem:$0x3F7B]  }
0x3d: {  	_ =	shalt  }
0x3e: {  	_ =	shalt  }
0x3f: {  	_ =	shalt  }
0x40: {  	_ =	shalt  }
0x41: {  	_ =	shalt  }
0x42: {  	_ =	shalt  }
0x43: {  	_ =	shalt  }
0x44: {  	_ =	shalt  }
0x45: {  	_ =	shalt  }
0x46: {  	_ =	shalt  }
0x47: {  	_ =	shalt  }
0x48: {  	_ =	shalt  }
0x49: {  	_ =	shalt  }
0x4a: {  	_ =	shalt  }
0x4b: {  	_ =	shalt  }
0x4c: {  	_ =	shalt  }
0x4d: {  	_ =	shalt  }
0x4e: {  	_ =	shalt  }
0x4f: {  	_ =	shalt  }
0x50: {  	_ =	shalt  }
0x51: {  	_ =	shalt  }
0x52: {  	_ =	shalt  }
0x53: {  	_ =	shalt  }
0x54: {  	_ =	shalt  }
0x55: {  	_ =	shalt  }
0x56: {  	_ =	shalt  }
0x57: {  	_ =	shalt  }
0x58: {  	_ =	shalt  }
0x59: {  	_ =	shalt  }
0x5a: {  	_ =	shalt  }
0x5b: {  	_ =	shalt  }
0x5c: {  	_ =	shalt  }
0x5d: {  	_ =	shalt  }
0x5e: {  	_ =	shalt  }
0x5f: {  	_ =	shalt  }
0x60: {  	_ =	shalt  }
0x61: {  	_ =	shalt  }
0x62: {  	_ =	shalt  }
0x63: {  	_ =	shalt  }
0x64: {  	_ =	shalt  }
0x65: {  	_ =	shalt  }
0x66: {  	_ =	shalt  }
0x67: {  	_ =	shalt  }
0x68: {  	_ =	shalt  }
0x69: {  	_ =	shalt  }
0x6a: {  	_ =	shalt  }
0x6b: {  	_ =	shalt  }
0x6c: {  	_ =	shalt  }
0x6d: {  	_ =	shalt  }
0x6e: {  	_ =	shalt  }
0x6f: {  	_ =	shalt  }
0x70: {  	_ =	shalt  }
0x71: {  	_ =	shalt  }
0x72: {  	_ =	shalt  }
0x73: {  	_ =	shalt  }
0x74: {  	_ =	shalt  }
0x75: {  	_ =	shalt  }
0x76: {  	_ =	shalt  }
0x77: {  	_ =	shalt  }
0x78: {  	_ =	shalt  }
0x79: {  	_ =	shalt  }
0x7a: {  	_ =	shalt  }
0x7b: {  	_ =	shalt  }
0x7c: {  	_ =	shalt  }
0x7d: {  	_ =	shalt  }
0x7e: {  	_ =	shalt  }
0x7f: {  	_ =	shalt  }
0x80: {  	_ =	shalt  }
0x81: {  	_ =	shalt  }
0x82: {  	_ =	shalt  }
0x83: {  	_ =	shalt  }
0x84: {  	_ =	shalt  }
0x85: {  	_ =	shalt  }
0x86: {  	_ =	shalt  }
0x87: {  	_ =	shalt  }
.Lfunc_end0:
.L_simem_size_0:
called_computation_lowered:
.L_overlay_start_0:
0x88: {  	s2 =	sld [smem:$0x3FD9]  }
0x89: {  	s3 =	sld [smem:$0x3FFE];
	_ =	sdelay $0x1  }
0x8a: {  	s1 =	srdreg.scid  }
0x8b: {  	s0 =	sand.u32 $0x1, s1  }
0x8c: {  	s16 =	sshll.u32 s0, $0xA;
	s2 =	sadd.s32 s3, s2  }
0x8d: {  	s2 =	sadd.s32 s2, s16  }
0x8e: {  	[smem:$0x3F87] =	sst s2  }
0x8f: {  	_ = 	snop  }
0x90: {  	(tm) =	ssettm $0x1  }
0x91: {  	s17 =	sld [smem:$0x3FFB];
	_ =	sdelay $0x3  }
0x92: {  	_ =	strace s17  }
0x93: {  	s2 =	sld [smem:$0x3FFC];
	_ =	sdelay $0x3  }
0x94: {  	_ =	strace s2  }
0x95: {  	s2 =	sld [smem:$0x3FFD];
	_ =	sdelay $0x3  }
0x96: {  	_ =	strace s2  }
0x97: {  	_ =	strace $0x8FFFFFFF  }
0x98: {  	s18 =	sld [smem:$0x3FDB];
	_ =	sdelay $0x1  }
0x99: {  	s19 =	simm.s32 $_scs_section_size  }
0x9a: {  	s4 =	simm.s32 $_size__tile_overlayer_lowered;
	s5 =	simm.s32 $_tile_overlayer_lowered  }
0x9b: {  	s22 =	simm.s32 $0x1BFF;
	s21 =	sshll.u32 s5, $0x1;
	s2 =	sadd.s32 s19, s18  }
0x9c: {  	s6 =	simm.s32 $0x0;
	s20 =	sshll.u32 s4, $0x1;
	s4 =	sadd.s32 s21, s2  }
0x9d: {  	[timem:s6], [sflag:s22] =	dma.local [hbm:s4], s20  }
0x9e: {  	_ =	swait.ge [sflag:s22], s20  }
0x9f: {  	s3 =	ssub.s32 $0x0, s20;
	[sflag:s22] =	ssyncset.done $0x0  }
0xa0: {  	[sflag:s22] =	ssyncadd.s32 s3;
	_ =	sdelay $0x1  }
0xa1: {  	s23 =	simm.s32 $0x1B8B  }
0xa2: {  	_ =	swait.ge [sflag:s23], $0x1  }
0xa3: {  	[sflag:s23] =	ssyncset.done $0x0  }
0xa4: {  	s25 =	simm.s32 $0x1B8E;
	s24 =	sld [smem:$0x3FFE];
	[sflag:s23] =	ssyncadd.s32 $0xFFFFFFFF  }
0xa5: {  	s26 =	simm.s32 $execute0_lowered;
	[smem:$0x3FD2] =	sst s25  }
0xa6: {  	s4 =	sshll.u32 s26, $0x1;
	_ =	strace $0x80000046;
	[dreg:$0x1] =	wrdreg $0xFFFFFFFF  }
0xa7: {  	s28 =	simm.s32 $_size_execute0_lowered;
	s2 =	sadd.s32 s2, s4;
	[dreg:$0x0] =	wrdreg $0x0  }
0xa8: {  	s4 =	sshll.u32 s28, $0x1;
	[dreg:$0x2] =	wrdreg s2  }
0xa9: {  	[dreg:$0x3] =	wrdreg s4  }
0xaa: {  	[dreg:$0x4] =	wrdreg $0xC0  }
0xab: {  	_ =	task [dreg:s6], $0x5FFFF  }
0xac: {  	[dreg:$0x1] =	wrdreg $0xFFFFFFFF  }
0xad: {  	[dreg:$0x0] =	wrdreg $0x60  }
0xae: {  	[dreg:$0x2] =	wrdreg s24  }
0xaf: {  	[dreg:$0x3] =	wrdreg $0x173180  }
0xb0: {  	[dreg:$0x4] =	wrdreg $0x9  }
0xb1: {  	_ =	task.clear_ibuf [dreg:s6], $0x5FFFF;
	_ =	strace $0x90000046  }
0xb2: {  	s29 =	simm.s32 $0x9;
	_ =	strace $0x80000048  }
0xb3: {  	_ =	swait.ge [sflag:s29], $0x1  }
0xb4: {  	[sflag:s29] =	ssyncadd.s32 $0xFFFFFFFF  }
0xb5: {  	_ =	strace $0x90000048  }
0xb6: {  	_ =	sfence  }
0xb7: {  	s30 =	sld [smem:$0x0];
	_ =	sdelay $0x2  }
0xb8: {  	s31 =	sshll.u32 s1, $0xD;
	s1 =	sshrl.u32 s1, $0x2  }
0xb9: {  	s3 =	sand.u32 $0x4000, s31;
	s1 =	sadd.s32 s1, s30  }
0xba: {  	s0 =	sor.u32 s3, s0;
	s1 =	sshll.u32 s1, $0x11  }
0xbb: {  	s0 =	sor.u32 s1, s0  }
0xbc: {  	s0 =	sadd.s32 $0x8F2B, s0  }
0xbd: {  	[sflag:s0] =	ssyncadd.remote.s32 $0x1  }
0xbe: {  	_ =	sfence.sel $0xFFFF  }
0xbf: {  	[dreg:$0x0] =	wrdreg $0xFFFFFFFF;
	(pc) =	sbr.abs _section_cstart, $3  }
0xc0: {  	[dreg:$0x1] =	wrdreg $0xFFFFFFFF  }
0xc1: {  	_ =	task.clear_ibuf [dreg:s6], $0x2FFFF;
	_ =	strace $0x9FFFFFFF  }
0xc2: {  	(tm) =	ssettm $0x7FFFFFFF  }
0xc3: {  	_ =	shalt  }
tec
execute0_lowered:
.L_overlay_start_1:
0x0: {  	(tag) =	ssettag $0x1  }
0x1: {  	s11 =	rddreg [dreg:$0x0];
	s0 =	stileid.u32  }
0x2: {  	s2 =	rddreg [dreg:$0x1];
	s7 =	smul.u32 $0x1388, s0  }
0x3: {  	s1 =	rddreg [dreg:$0x2]  }
0x4: {  	s3 =	simm.s32 $0x0;
	s8 =	srdreg.scid;
	s4 =	sshrl.u32 s7, $0x3  }
0x5: {  	s6 =	simm.s32 $0x15F90;
	[smem:$0x7FF] =	sst s3;
	s4 =	sadd.s32 s4, s11  }
0x6: {  	s5 =	simm.s32 $0x2;
	_ =	strace $0x80000047;
	s4 =	sadd.s32 $0x28E00, s4  }
0x7: {  	[tilespmem:s6], [sflag:$0x2] =	stream.linear.gather [hbm4b:s4+s3], $0x1388, $0x38;
	[tilespmem:$0x186A0] =	vst v63  }
0x8: {  	s13 =	sand.u32 $0x1, s8;
	s30 =	sshll.u32 s0, $0x1;
	_ =	swait.ge [sflag:s5], $0x1388  }
0x9: {  	s8 =	sor.u32 s13, s30;
	[sflag:s5] =	ssyncset.done $0x0  }
0xa: {  	s12 =	smul.u32 $0x2710, s8;
	s7 =	sadd.s32 s7, s2;
	[sflag:s5] =	ssyncadd.s32 $0xFFFFEC78  }
0xb: {  	[spmem:s7] =	stream.linear.scatter [tilespmem:s6], [sflag:$0x2], $0x1388, $0x38;
	[tilespmem:$0x186A0] =	vst v63  }
0xc: {  	_ =	swait.ge [sflag:s5], $0x1388  }
0xd: {  	s8 =	sshrl.u32 s12, $0x3;
	[sflag:s5] =	ssyncset.done $0x0  }
0xe: {  	s14 =	sadd.s32 s8, s11;
	[sflag:s5] =	ssyncadd.s32 $0xFFFFEC78  }
0xf: {  	s8 =	sadd.s32 $0x1F040, s14;
	[bflag:$0x0] =	sbarrier.arrive $0xFFFF  }
0x10: {  	[tilespmem:s3], [sflag:$0x2] =	stream.linear.gather [hbm4b:s8+s3], $0x2710, $0x38;
	[tilespmem:$0x186A0] =	vst v63  }
0x11: {  	_ =	swait.ge [sflag:s5], $0x2710  }
0x12: {  	[sflag:s5] =	ssyncset.done $0x0  }
0x13: {  	s9 =	simm.s32 $0x2710;
	s10 =	simm.s32 $0x1;
	[sflag:s5] =	ssyncadd.s32 $0xFFFFD8F0  }
0x14: {  	[tilespmem:s9], [sflag:$0x1] =	stream.indirect.gather [spmem:s2], $0x8, s3, s9, $0xb8;
	[tilespmem:$0x186A0] =	vst v63  }
0x15: {  	_ =	swait.ge [sflag:s10], $0x13880  }
0x16: {  	s15 =	sadd.s32 s12, s11;
	[sflag:s10] =	ssyncset.done $0x0  }
0x17: {  	s11 =	sadd.s32 $0x2B600, s15;
	[sflag:s10] =	ssyncadd.s32 $0xFFFEC780  }
0x18: {  	[hbm4b:s11+s3] =	stream.linear.scatter [tilespmem:s9], [sflag:$0x2], $0x13880, $0x38;
	[tilespmem:$0x186A0] =	vst v63  }
0x19: {  	_ =	swait.ge [sflag:s5], $0x13880  }
0x1a: {  	[sflag:s5] =	ssyncset.done $0x0  }
0x1b: {  	s13 =	ssub.s32 $0x2, s13;
	s12 =	sadd.s32 $0x15400, s14;
	[sflag:s5] =	ssyncadd.s32 $0xFFFEC780  }
0x1c: {  	[tilespmem:s3], [sflag:$0x2] =	stream.linear.gather [hbm4b:s12+s3], $0x2710, $0x38;
	[tilespmem:$0x186A0] =	vst v63  }
0x1d: {  	s31 =	sshrl.u32 s13, $0x1;
	_ =	swait.ge [sflag:s5], $0x2710  }
0x1e: {  	s14 =	ssub.s32 s13, s31;
	[sflag:s5] =	ssyncset.done $0x0  }
0x1f: {  	s14 =	smax.u32 s14, $0x1;
	[sflag:s5] =	ssyncadd.s32 $0xFFFFD8F0  }
0x20: {  	[tilespmem:s9], [sflag:$0x1] =	stream.indirect.gather [spmem:s2], $0x8, s3, s9, $0xb8;
	[tilespmem:$0x186A0] =	vst v63  }
0x21: {  	p0 =	sne.s32 s14, $0x1;
	_ =	swait.ge [sflag:s10], $0x13880  }
.Ltmp0:
0x22: {  	[sflag:s10] =	ssyncset.done $0x0;
	(pc) =	sbr.rel @!p0 .LBB2_2-.Ltmp0, $4  }
0x23: {  	s13 =	sadd.s32 $0x79800, s15;
	[sflag:s10] =	ssyncadd.s32 $0xFFFEC780  }
0x24: {  	[hbm4b:s13+s3] =	stream.linear.scatter [tilespmem:s9], [sflag:$0x2], $0x13880, $0x38;
	[tilespmem:$0x186A0] =	vst v63  }
0x25: {  	_ =	swait.ge [sflag:s5], $0x13880  }
0x26: {  	s14 =	sadd.s32 $0xFFFFFFFF, s14;
	[sflag:s5] =	ssyncset.done $0x0  }
.LBB2_1:
0x27: {  	p0 =	sne.s32 s14, $0x1;
	s14 =	sadd.s32 $0xFFFFFFFF, s14;
	[sflag:s5] =	ssyncadd.s32 $0xFFFEC780  }
0x28: {  	[tilespmem:s6], [sflag:$0x2] =	stream.linear.gather [hbm4b:s4+s3], $0x1388, $0x38;
	[tilespmem:$0x186A0] =	vst v63  }
0x29: {  	_ =	swait.ge [sflag:s5], $0x1388  }
0x2a: {  	[sflag:s5] =	ssyncset.done $0x0  }
0x2b: {  	[sflag:s5] =	ssyncadd.s32 $0xFFFFEC78  }
0x2c: {  	[spmem:s7] =	stream.linear.scatter [tilespmem:s6], [sflag:$0x2], $0x1388, $0x38;
	[tilespmem:$0x186A0] =	vst v63  }
0x2d: {  	_ =	swait.ge [sflag:s5], $0x1388  }
0x2e: {  	[sflag:s5] =	ssyncset.done $0x0  }
0x2f: {  	[sflag:s5] =	ssyncadd.s32 $0xFFFFEC78  }
0x30: {  	[bflag:$0x0] =	sbarrier.arrive $0xFFFF  }
0x31: {  	[tilespmem:s3], [sflag:$0x2] =	stream.linear.gather [hbm4b:s8+s3], $0x2710, $0x38;
	[tilespmem:$0x186A0] =	vst v63  }
0x32: {  	_ =	swait.ge [sflag:s5], $0x2710  }
0x33: {  	[sflag:s5] =	ssyncset.done $0x0  }
0x34: {  	[sflag:s5] =	ssyncadd.s32 $0xFFFFD8F0  }
0x35: {  	[tilespmem:s9], [sflag:$0x1] =	stream.indirect.gather [spmem:s2], $0x8, s3, s9, $0xb8;
	[tilespmem:$0x186A0] =	vst v63  }
0x36: {  	_ =	swait.ge [sflag:s10], $0x13880  }
0x37: {  	[sflag:s10] =	ssyncset.done $0x0  }
0x38: {  	[sflag:s10] =	ssyncadd.s32 $0xFFFEC780  }
0x39: {  	[hbm4b:s11+s3] =	stream.linear.scatter [tilespmem:s9], [sflag:$0x2], $0x13880, $0x38;
	[tilespmem:$0x186A0] =	vst v63  }
0x3a: {  	_ =	swait.ge [sflag:s5], $0x13880  }
0x3b: {  	[sflag:s5] =	ssyncset.done $0x0  }
0x3c: {  	[sflag:s5] =	ssyncadd.s32 $0xFFFEC780  }
0x3d: {  	[tilespmem:s3], [sflag:$0x2] =	stream.linear.gather [hbm4b:s12+s3], $0x2710, $0x38;
	[tilespmem:$0x186A0] =	vst v63  }
0x3e: {  	_ =	swait.ge [sflag:s5], $0x2710  }
0x3f: {  	[sflag:s5] =	ssyncset.done $0x0  }
0x40: {  	[sflag:s5] =	ssyncadd.s32 $0xFFFFD8F0  }
0x41: {  	[tilespmem:s9], [sflag:$0x1] =	stream.indirect.gather [spmem:s2], $0x8, s3, s9, $0xb8;
	[tilespmem:$0x186A0] =	vst v63  }
0x42: {  	_ =	swait.ge [sflag:s10], $0x13880  }
.Ltmp1:
0x43: {  	[sflag:s10] =	ssyncset.done $0x0;
	(pc) =	sbr.rel @p0 .LBB2_1-.Ltmp1, $4  }
0x44: {  	[sflag:s10] =	ssyncadd.s32 $0xFFFEC780  }
0x45: {  	[hbm4b:s13+s3] =	stream.linear.scatter [tilespmem:s9], [sflag:$0x2], $0x13880, $0x38;
	[tilespmem:$0x186A0] =	vst v63  }
0x46: {  	_ =	swait.ge [sflag:s5], $0x13880  }
0x47: {  	[sflag:s5] =	ssyncset.done $0x0  }
.LBB2_2:
0x48: {  	[sflag:s5] =	ssyncadd.s32 $0xFFFEC780  }
0x49: {  	_ =	sfence.sel $0x180000  }
0x4a: {  	[bflag:$0x0] =	sbarrier.arrive $0xFFFF  }
0x4b: {  	p0 =	sne.s32 s0, $0x0;
	_ =	strace $0x90000047  }
0x4c: {  	s0 =	sadd.s32 @!p0 $0x100000, s1;
	[bflag:$0x2] =	sbarrier.arrive $0xFFFF  }
0x4d: {  	[sflag:s0] =	ssyncadd.tile.s32 @!p0 $0x1;
	_ =	shalt  }
.Lfunc_end2:
_tile_overlayer_lowered:
.L_overlay_start_2:
0x4e: {  	(tag) =	ssettag $0x2  }
0x4f: {  	s0 =	rddreg [dreg:$0x0];
	s2 =	stileid.u32  }
0x50: {  	s1 =	rddreg [dreg:$0x1];
	p0 =	sne.s32 s2, $0x0  }
0x51: {  	s3 =	rddreg [dreg:$0x2];
	[bflag:$0x3] =	sbarrier.arrive $0xFFFF;
	s2 =	simm.s32 @!p0 $0x1C02  }
0x52: {  	[timem:s3], [sflag:s2] =	dma.local @!p0 [hbm:s0], s1  }
0x53: {  	s0 =	simm.s32 @!p0 $0x2  }
0x54: {  	_ =	swait.ge @!p0 [sflag:s0], s1  }
0x55: {  	s1 =	ssub.s32 @!p0 $0x0, s1;
	[sflag:s0] =	ssyncset.done @!p0 $0x0  }
0x56: {  	[sflag:s0] =	ssyncadd.s32 @!p0 s1  }
0x57: {  	[bflag:$0x3] =	sbarrier.arrive $0xFFFF  }
0x58: {  	_ =	shalt  }

// kernel: kernel.32.cloned.1.call-start
scs
__scs_entry_jumppad:
0x0: {  	(pc) =	sbr.rel $0x88, $3  }
0x1: {  	(tag) =	ssettag $0x0;
	lr =	simm.s32 $0x1  }
0x2: {  	[smem:$0x3F60] =	sst lr;
	_ =	strace $0xD0000000  }
0x3: {  	_ = 	snop  }
0x4: {  	_ = 	snop  }
0x5: {  	_ = 	snop  }
0x6: {  	_ = 	snop  }
0x7: {  	_ = 	snop  }
__scs_overlays_trampoline_lowered:
0x8: {  	[smem:$0x3F6F] =	sst s0  }
0x9: {  	[smem:$0x3F70] =	sst s1  }
0xa: {  	[smem:$0x3F71] =	sst s2  }
0xb: {  	[smem:$0x3F72] =	sst s3  }
0xc: {  	[smem:$0x3F73] =	sst s4  }
0xd: {  	[smem:$0x3F74] =	sst s5  }
0xe: {  	[smem:$0x3F75] =	sst s6  }
0xf: {  	[smem:$0x3F76] =	sst s7  }
0x10: {  	[smem:$0x3F77] =	sst s8  }
0x11: {  	[smem:$0x3F78] =	sst s9;
	s0 =	simm.s32 @!p0 $0x0  }
0x12: {  	s1 =	sld [smem:$0x3F5E];
	s0 =	simm.s32 @p0 $0x1  }
0x13: {  	[smem:$0x3F79] =	sst s0;
	s0 =	simm.s32 @!p1 $0x0  }
0x14: {  	s2 =	sld [smem:$0x3F5D];
	s0 =	simm.s32 @p1 $0x1  }
0x15: {  	[smem:$0x3F7A] =	sst s0;
	s0 =	simm.s32 @!p2 $0x0  }
0x16: {  	s3 =	sld [smem:$0x3FDB];
	s0 =	simm.s32 @p2 $0x1  }
0x17: {  	s4 =	simm.s32 $0x1BF5;
	[smem:$0x3F7C] =	sst s0  }
0x18: {  	s0 =	sld [smem:$0x3F5F];
	_ =	swait.ge [sflag:s4], $0x0  }
0x19: {  	s7 =	sld [smem:$0x3F60]  }
0x1a: {  	s8 =	sadd.s32 $0xFFFFE003, lr  }
0x1b: {  	s9 =	sadd.s32 $0xFFFFFEF7, lr;
	s5 =	simm.s32 $0xFFFFFFFF;
	p2 =	slt.u32 s8, $0xFFFFF086  }
0x1c: {  	p1 =	slt.u32 s9, $0xF7A;
	s5 =	simm.s32 @!p2 $0x0  }
0x1d: {  	s5 =	simm.s32 @p1 $0x1;
	p0 =	seq.s32 s7, s2  }
0x1e: {  	s7 =	smul.u32 @!p0 $0xF7A, s2;
	p2 =	seq.s32 @!p0 s5, $0x0  }
0x1f: {  	s9 =	smul.u32 $0xF7A, s1;
	s8 =	simm.s32 @!p0 $0x1BF5;
	p2 =	por !p2, p0  }
0x20: {  	[sflag:s8] =	ssyncset.s32 @!p0 $0xFFFFF086;
	s6 =	sadd.s32 @!p0 s3, s7;
	s7 =	simm.s32 @!p0 $0x108  }
0x21: {  	s3 =	sadd.s32 s3, s9;
	s6 =	sadd.s32 @!p0 $0x88, s6;
	s7 =	simm.s32 @p2 $0x1082  }
0x22: {  	[simem:s7], [sflag:s8] =	dma.local @!p0 [hbm:s6], $0xF7A  }
0x23: {  	s9 =	sor.u32 $0xD0000000, s2;
	s6 =	simm.s32 $0x108;
	_ =	swait.ge @!p0 [sflag:s8], $0x0  }
0x24: {  	s3 =	sadd.s32 $0x88, s3;
	s6 =	simm.s32 @!p1 $0x1082;
	[sflag:s4] =	ssyncset.s32 $0xFFFFF086  }
0x25: {  	[simem:s6], [sflag:s4] =	dma.local [hbm:s3], $0xF7A  }
0x26: {  	[smem:$0x3F60] =	sst s1;
	(tag) =	ssettag s2;
	_ =	strace s9  }
0x27: {  	s1 =	sld [smem:$0x3F70]  }
0x28: {  	s2 =	sld [smem:$0x3F71]  }
0x29: {  	s4 =	sld [smem:$0x3F73]  }
0x2a: {  	p0 =	seq.s32 s5, $0x0;
	s5 =	sld [smem:$0x3F74]  }
0x2b: {  	s6 =	sld [smem:$0x3F75]  }
0x2c: {  	s7 =	sld [smem:$0x3F76]  }
0x2d: {  	s3 =	simm.s32 $0x108;
	s8 =	sld [smem:$0x3F77]  }
0x2e: {  	s3 =	simm.s32 @!p0 $0x1082;
	s9 =	sld [smem:$0x3F78]  }
0x2f: {  	lr =	sadd.s32 s0, s3;
	s0 =	sld [smem:$0x3F6F]  }
0x30: {  	s3 =	sld [smem:$0x3F72]  }
0x31: {  	[smem:$0x3F7B] =	sst s10  }
0x32: {  	s10 =	sld [smem:$0x3F79];
	_ =	sdelay $0x3  }
0x33: {  	p0 =	seq.s32 s10, $0x1;
	s10 =	sld [smem:$0x3F7B];
	_ =	sdelay $0x3  }
0x34: {  	[smem:$0x3F7B] =	sst s10  }
0x35: {  	s10 =	sld [smem:$0x3F7A];
	_ =	sdelay $0x3  }
0x36: {  	p1 =	seq.s32 s10, $0x1;
	s10 =	sld [smem:$0x3F7B];
	_ =	sdelay $0x3  }
0x37: {  	[smem:$0x3F7B] =	sst s10  }
0x38: {  	s10 =	sld [smem:$0x3F7C]  }
0x39: {  	_ = 	snop;
	(pc) =	sbr.ind lr, $3  }
0x3a: {  	_ = 	snop  }
0x3b: {  	_ = 	snop  }
0x3c: {  	p2 =	seq.s32 s10, $0x1;
	s10 =	sld [smem:$0x3F7B]  }
0x3d: {  	_ =	shalt  }
0x3e: {  	_ =	shalt  }
0x3f: {  	_ =	shalt  }
0x40: {  	_ =	shalt  }
0x41: {  	_ =	shalt  }
0x42: {  	_ =	shalt  }
0x43: {  	_ =	shalt  }
0x44: {  	_ =	shalt  }
0x45: {  	_ =	shalt  }
0x46: {  	_ =	shalt  }
0x47: {  	_ =	shalt  }
0x48: {  	_ =	shalt  }
0x49: {  	_ =	shalt  }
0x4a: {  	_ =	shalt  }
0x4b: {  	_ =	shalt  }
0x4c: {  	_ =	shalt  }
0x4d: {  	_ =	shalt  }
0x4e: {  	_ =	shalt  }
0x4f: {  	_ =	shalt  }
0x50: {  	_ =	shalt  }
0x51: {  	_ =	shalt  }
0x52: {  	_ =	shalt  }
0x53: {  	_ =	shalt  }
0x54: {  	_ =	shalt  }
0x55: {  	_ =	shalt  }
0x56: {  	_ =	shalt  }
0x57: {  	_ =	shalt  }
0x58: {  	_ =	shalt  }
0x59: {  	_ =	shalt  }
0x5a: {  	_ =	shalt  }
0x5b: {  	_ =	shalt  }
0x5c: {  	_ =	shalt  }
0x5d: {  	_ =	shalt  }
0x5e: {  	_ =	shalt  }
0x5f: {  	_ =	shalt  }
0x60: {  	_ =	shalt  }
0x61: {  	_ =	shalt  }
0x62: {  	_ =	shalt  }
0x63: {  	_ =	shalt  }
0x64: {  	_ =	shalt  }
0x65: {  	_ =	shalt  }
0x66: {  	_ =	shalt  }
0x67: {  	_ =	shalt  }
0x68: {  	_ =	shalt  }
0x69: {  	_ =	shalt  }
0x6a: {  	_ =	shalt  }
0x6b: {  	_ =	shalt  }
0x6c: {  	_ =	shalt  }
0x6d: {  	_ =	shalt  }
0x6e: {  	_ =	shalt  }
0x6f: {  	_ =	shalt  }
0x70: {  	_ =	shalt  }
0x71: {  	_ =	shalt  }
0x72: {  	_ =	shalt  }
0x73: {  	_ =	shalt  }
0x74: {  	_ =	shalt  }
0x75: {  	_ =	shalt  }
0x76: {  	_ =	shalt  }
0x77: {  	_ =	shalt  }
0x78: {  	_ =	shalt  }
0x79: {  	_ =	shalt  }
0x7a: {  	_ =	shalt  }
0x7b: {  	_ =	shalt  }
0x7c: {  	_ =	shalt  }
0x7d: {  	_ =	shalt  }
0x7e: {  	_ =	shalt  }
0x7f: {  	_ =	shalt  }
0x80: {  	_ =	shalt  }
0x81: {  	_ =	shalt  }
0x82: {  	_ =	shalt  }
0x83: {  	_ =	shalt  }
0x84: {  	_ =	shalt  }
0x85: {  	_ =	shalt  }
0x86: {  	_ =	shalt  }
0x87: {  	_ =	shalt  }
.Lfunc_end0:
.L_simem_size_0:
called_computation.1_lowered:
.L_overlay_start_0:
0x88: {  	s2 =	sld [smem:$0x3FD9]  }
0x89: {  	s3 =	sld [smem:$0x3FFE];
	_ =	sdelay $0x1  }
0x8a: {  	s1 =	srdreg.scid  }
0x8b: {  	s0 =	sand.u32 $0x1, s1  }
0x8c: {  	s16 =	sshll.u32 s0, $0xA;
	s2 =	sadd.s32 s3, s2  }
0x8d: {  	s2 =	sadd.s32 s2, s16  }
0x8e: {  	[smem:$0x3F87] =	sst s2  }
0x8f: {  	_ = 	snop  }
0x90: {  	(tm) =	ssettm $0x1  }
0x91: {  	s17 =	sld [smem:$0x3FFB];
	_ =	sdelay $0x3  }
0x92: {  	_ =	strace s17  }
0x93: {  	s2 =	sld [smem:$0x3FFC];
	_ =	sdelay $0x3  }
0x94: {  	_ =	strace s2  }
0x95: {  	s2 =	sld [smem:$0x3FFD];
	_ =	sdelay $0x3  }
0x96: {  	_ =	strace s2  }
0x97: {  	_ =	strace $0x8FFFFFFF  }
0x98: {  	s18 =	sld [smem:$0x3FDB];
	_ =	sdelay $0x1  }
0x99: {  	s19 =	simm.s32 $_scs_section_size  }
0x9a: {  	s4 =	simm.s32 $_size__tile_overlayer_lowered;
	s5 =	simm.s32 $_tile_overlayer_lowered  }
0x9b: {  	s22 =	simm.s32 $0x1BFF;
	s21 =	sshll.u32 s5, $0x1;
	s2 =	sadd.s32 s19, s18  }
0x9c: {  	s6 =	simm.s32 $0x0;
	s20 =	sshll.u32 s4, $0x1;
	s4 =	sadd.s32 s21, s2  }
0x9d: {  	[timem:s6], [sflag:s22] =	dma.local [hbm:s4], s20  }
0x9e: {  	_ =	swait.ge [sflag:s22], s20  }
0x9f: {  	s3 =	ssub.s32 $0x0, s20;
	[sflag:s22] =	ssyncset.done $0x0  }
0xa0: {  	[sflag:s22] =	ssyncadd.s32 s3;
	_ =	sdelay $0x1  }
0xa1: {  	s23 =	simm.s32 $0x1B8B  }
0xa2: {  	_ =	swait.ge [sflag:s23], $0x1  }
0xa3: {  	[sflag:s23] =	ssyncset.done $0x0  }
0xa4: {  	s25 =	simm.s32 $0x1B8E;
	s24 =	sld [smem:$0x3FFE];
	[sflag:s23] =	ssyncadd.s32 $0xFFFFFFFF  }
0xa5: {  	s26 =	simm.s32 $execute0_lowered;
	[smem:$0x3FD2] =	sst s25  }
0xa6: {  	s4 =	sshll.u32 s26, $0x1;
	_ =	strace $0x80000049;
	[dreg:$0x1] =	wrdreg $0xFFFFFFFF  }
0xa7: {  	s28 =	simm.s32 $_size_execute0_lowered;
	s2 =	sadd.s32 s2, s4;
	[dreg:$0x0] =	wrdreg $0x0  }
0xa8: {  	s4 =	sshll.u32 s28, $0x1;
	[dreg:$0x2] =	wrdreg s2  }
0xa9: {  	[dreg:$0x3] =	wrdreg s4  }
0xaa: {  	[dreg:$0x4] =	wrdreg $0xC0  }
0xab: {  	_ =	task [dreg:s6], $0x5FFFF  }
0xac: {  	[dreg:$0x1] =	wrdreg $0xFFFFFFFF  }
0xad: {  	[dreg:$0x0] =	wrdreg $0x60  }
0xae: {  	[dreg:$0x2] =	wrdreg s24  }
0xaf: {  	[dreg:$0x3] =	wrdreg $0x173180  }
0xb0: {  	[dreg:$0x4] =	wrdreg $0x9  }
0xb1: {  	_ =	task.clear_ibuf [dreg:s6], $0x5FFFF;
	_ =	strace $0x90000049  }
0xb2: {  	s29 =	simm.s32 $0x9;
	_ =	strace $0x8000004B  }
0xb3: {  	_ =	swait.ge [sflag:s29], $0x1  }
0xb4: {  	[sflag:s29] =	ssyncadd.s32 $0xFFFFFFFF  }
0xb5: {  	_ =	strace $0x9000004B  }
0xb6: {  	_ =	sfence  }
0xb7: {  	s30 =	sld [smem:$0x0];
	_ =	sdelay $0x2  }
0xb8: {  	s31 =	sshll.u32 s1, $0xD;
	s1 =	sshrl.u32 s1, $0x2  }
0xb9: {  	s3 =	sand.u32 $0x4000, s31;
	s1 =	sadd.s32 s1, s30  }
0xba: {  	s0 =	sor.u32 s3, s0;
	s1 =	sshll.u32 s1, $0x11  }
0xbb: {  	s0 =	sor.u32 s1, s0  }
0xbc: {  	s0 =	sadd.s32 $0x8F2B, s0  }
0xbd: {  	[sflag:s0] =	ssyncadd.remote.s32 $0x1  }
0xbe: {  	_ =	sfence.sel $0xFFFF  }
0xbf: {  	[dreg:$0x0] =	wrdreg $0xFFFFFFFF;
	(pc) =	sbr.abs _section_cstart, $3  }
0xc0: {  	[dreg:$0x1] =	wrdreg $0xFFFFFFFF  }
0xc1: {  	_ =	task.clear_ibuf [dreg:s6], $0x2FFFF;
	_ =	strace $0x9FFFFFFF  }
0xc2: {  	(tm) =	ssettm $0x7FFFFFFF  }
0xc3: {  	_ =	shalt  }
tec
execute0_lowered:
.L_overlay_start_1:
0x0: {  	(tag) =	ssettag $0x1  }
0x1: {  	s11 =	rddreg [dreg:$0x0];
	s0 =	stileid.u32  }
0x2: {  	s2 =	rddreg [dreg:$0x1];
	s12 =	smul.u32 $0x1388, s0  }
0x3: {  	s1 =	rddreg [dreg:$0x2]  }
0x4: {  	s3 =	simm.s32 $0x0;
	s7 =	srdreg.scid;
	s4 =	sshrl.u32 s12, $0x3  }
0x5: {  	s6 =	simm.s32 $0x15F90;
	[smem:$0x7FF] =	sst s3;
	s4 =	sadd.s32 s4, s11  }
0x6: {  	s5 =	simm.s32 $0x1;
	_ =	strace $0x8000004A;
	s4 =	sadd.s32 $0x79800, s4  }
0x7: {  	[tilespmem:s6], [sflag:$0x1] =	stream.linear.gather [hbm4b:s4+s3], $0x1388, $0x38;
	[tilespmem:$0x186A0] =	vst v63  }
0x8: {  	s13 =	sand.u32 $0x1, s7;
	s28 =	sshll.u32 s0, $0x1;
	_ =	swait.ge [sflag:s5], $0x1388  }
0x9: {  	s7 =	sor.u32 s13, s28;
	[sflag:s5] =	ssyncset.done $0x0  }
0xa: {  	s9 =	smul.u32 $0x2710, s7;
	s7 =	sadd.s32 s12, s2;
	[sflag:s5] =	ssyncadd.s32 $0xFFFFEC78  }
0xb: {  	[spmem:s7] =	stream.linear.scatter [tilespmem:s6], [sflag:$0x1], $0x1388, $0x38;
	[tilespmem:$0x186A0] =	vst v63  }
0xc: {  	_ =	swait.ge [sflag:s5], $0x1388  }
0xd: {  	s8 =	sshrl.u32 s9, $0x3;
	[sflag:s5] =	ssyncset.done $0x0  }
0xe: {  	s8 =	sadd.s32 s11, s8;
	[sflag:s5] =	ssyncadd.s32 $0xFFFFEC78  }
0xf: {  	s8 =	sadd.s32 $0x1F040, s8;
	[bflag:$0x0] =	sbarrier.arrive $0xFFFF  }
0x10: {  	[tilespmem:s3], [sflag:$0x1] =	stream.linear.gather [hbm4b:s8+s3], $0x2710, $0x38;
	[tilespmem:$0x186A0] =	vst v63  }
0x11: {  	_ =	swait.ge [sflag:s5], $0x2710  }
0x12: {  	s10 =	simm.s32 $0x2710;
	s9 =	sadd.s32 s9, s11;
	[sflag:s5] =	ssyncset.done $0x0  }
0x13: {  	s14 =	smul.u32 $0x13880, s13;
	s9 =	sadd.s32 $0x2B600, s9;
	[sflag:s5] =	ssyncadd.s32 $0xFFFFD8F0  }
0x14: {  	[tilespmem:s10], [sflag:$0x1] =	stream.linear.gather [hbm4b:s9+s3], $0x13880, $0x38;
	[tilespmem:$0x186A0] =	vst v63  }
0x15: {  	s13 =	ssub.s32 $0x2, s13;
	s12 =	sadd.s32 s12, s14;
	_ =	swait.ge [sflag:s5], $0x13880  }
0x16: {  	s29 =	sshrl.u32 s13, $0x1;
	s12 =	sshrl.u32 s12, $0x3;
	[sflag:s5] =	ssyncset.done $0x0  }
0x17: {  	s11 =	sadd.s32 s12, s11;
	s12 =	ssub.s32 s13, s29;
	[sflag:s5] =	ssyncadd.s32 $0xFFFEC780  }
0x18: {  	[spmem:s2] =	stream.indirect.scatter.add.f32 [tilespmem:s10], [sflag:$0x1], $0x8, s3, s10, $0xb8;
	[tilespmem:$0x186A0] =	vst v63  }
0x19: {  	s30 =	smax.u32 s12, $0x1;
	_ =	swait.ge [sflag:s5], $0x13880  }
0x1a: {  	s31 =	sshll.u32 s0, $0x6;
	p0 =	sne.s32 s30, $0x1;
	[sflag:s5] =	ssyncset.done $0x0  }
.Ltmp0:
0x1b: {  	s13 =	sshrl.u32 s7, $0x3;
	[sflag:s5] =	ssyncadd.s32 $0xFFFEC780;
	(pc) =	sbr.rel @!p0 .LBB2_2-.Ltmp0, $4  }
0x1c: {  	s11 =	sadd.s32 $0x7C000, s11;
	s12 =	sor.u32 $0x1C01, s31;
	[bflag:$0x0] =	sbarrier.arrive $0xFFFF  }
0x1d: {  	[hbm:s11], [sflag:s12] =	dma.local [spmem:s13], $0x271  }
0x1e: {  	_ =	swait.ge [sflag:s5], $0x271  }
0x1f: {  	s14 =	sadd.s32 $0xFFFFFFFF, s30;
	[sflag:s5] =	ssyncset.done $0x0  }
.LBB2_1:
0x20: {  	p0 =	sne.s32 s14, $0x1;
	s14 =	sadd.s32 $0xFFFFFFFF, s14;
	[sflag:s5] =	ssyncadd.s32 $0xFFFFFD8F  }
0x21: {  	[tilespmem:s6], [sflag:$0x1] =	stream.linear.gather [hbm4b:s4+s3], $0x1388, $0x38;
	[tilespmem:$0x186A0] =	vst v63  }
0x22: {  	_ =	swait.ge [sflag:s5], $0x1388  }
0x23: {  	[sflag:s5] =	ssyncset.done $0x0  }
0x24: {  	[sflag:s5] =	ssyncadd.s32 $0xFFFFEC78  }
0x25: {  	[spmem:s7] =	stream.linear.scatter [tilespmem:s6], [sflag:$0x1], $0x1388, $0x38;
	[tilespmem:$0x186A0] =	vst v63  }
0x26: {  	_ =	swait.ge [sflag:s5], $0x1388  }
0x27: {  	[sflag:s5] =	ssyncset.done $0x0  }
0x28: {  	[sflag:s5] =	ssyncadd.s32 $0xFFFFEC78  }
0x29: {  	[bflag:$0x0] =	sbarrier.arrive $0xFFFF  }
0x2a: {  	[tilespmem:s3], [sflag:$0x1] =	stream.linear.gather [hbm4b:s8+s3], $0x2710, $0x38;
	[tilespmem:$0x186A0] =	vst v63  }
0x2b: {  	_ =	swait.ge [sflag:s5], $0x2710  }
0x2c: {  	[sflag:s5] =	ssyncset.done $0x0  }
0x2d: {  	[sflag:s5] =	ssyncadd.s32 $0xFFFFD8F0  }
0x2e: {  	[tilespmem:s10], [sflag:$0x1] =	stream.linear.gather [hbm4b:s9+s3], $0x13880, $0x38;
	[tilespmem:$0x186A0] =	vst v63  }
0x2f: {  	_ =	swait.ge [sflag:s5], $0x13880  }
0x30: {  	[sflag:s5] =	ssyncset.done $0x0  }
0x31: {  	[sflag:s5] =	ssyncadd.s32 $0xFFFEC780  }
0x32: {  	[spmem:s2] =	stream.indirect.scatter.add.f32 [tilespmem:s10], [sflag:$0x1], $0x8, s3, s10, $0xb8;
	[tilespmem:$0x186A0] =	vst v63  }
0x33: {  	_ =	swait.ge [sflag:s5], $0x13880  }
0x34: {  	[sflag:s5] =	ssyncset.done $0x0  }
.Ltmp1:
0x35: {  	[sflag:s5] =	ssyncadd.s32 $0xFFFEC780;
	(pc) =	sbr.rel @p0 .LBB2_1-.Ltmp1, $4  }
0x36: {  	[bflag:$0x0] =	sbarrier.arrive $0xFFFF  }
0x37: {  	[hbm:s11], [sflag:s12] =	dma.local [spmem:s13], $0x271  }
0x38: {  	_ =	swait.ge [sflag:s5], $0x271  }
0x39: {  	[sflag:s5] =	ssyncset.done $0x0  }
.LBB2_2:
0x3a: {  	[sflag:s5] =	ssyncadd.s32 $0xFFFFFD8F  }
0x3b: {  	_ =	sfence.sel $0x180000  }
0x3c: {  	[bflag:$0x0] =	sbarrier.arrive $0xFFFF  }
0x3d: {  	p0 =	sne.s32 s0, $0x0;
	_ =	strace $0x9000004A  }
0x3e: {  	s0 =	sadd.s32 @!p0 $0x100000, s1;
	[bflag:$0x2] =	sbarrier.arrive $0xFFFF  }
0x3f: {  	[sflag:s0] =	ssyncadd.tile.s32 @!p0 $0x1;
	_ =	shalt  }
.Lfunc_end2:
_tile_overlayer_lowered:
.L_overlay_start_2:
0x40: {  	(tag) =	ssettag $0x2  }
0x41: {  	s0 =	rddreg [dreg:$0x0];
	s2 =	stileid.u32  }
0x42: {  	s1 =	rddreg [dreg:$0x1];
	p0 =	sne.s32 s2, $0x0  }
0x43: {  	s3 =	rddreg [dreg:$0x2];
	[bflag:$0x3] =	sbarrier.arrive $0xFFFF;
	s2 =	simm.s32 @!p0 $0x1C01  }
0x44: {  	[timem:s3], [sflag:s2] =	dma.local @!p0 [hbm:s0], s1  }
0x45: {  	s0 =	simm.s32 @!p0 $0x1  }
0x46: {  	_ =	swait.ge @!p0 [sflag:s0], s1  }
0x47: {  	s1 =	ssub.s32 @!p0 $0x0, s1;
	[sflag:s0] =	ssyncset.done @!p0 $0x0  }
0x48: {  	[sflag:s0] =	ssyncadd.s32 @!p0 s1  }
0x49: {  	[bflag:$0x3] =	sbarrier.arrive $0xFFFF  }
0x4a: {  	_ =	shalt  }

// kernel: kernel.35.cloned.1.call-start
scs
__scs_entry_jumppad:
0x0: {  	(pc) =	sbr.rel $0x88, $3  }
0x1: {  	(tag) =	ssettag $0x0;
	lr =	simm.s32 $0x1  }
0x2: {  	[smem:$0x3F60] =	sst lr;
	_ =	strace $0xD0000000  }
0x3: {  	_ = 	snop  }
0x4: {  	_ = 	snop  }
0x5: {  	_ = 	snop  }
0x6: {  	_ = 	snop  }
0x7: {  	_ = 	snop  }
__scs_overlays_trampoline_lowered:
0x8: {  	[smem:$0x3F6F] =	sst s0  }
0x9: {  	[smem:$0x3F70] =	sst s1  }
0xa: {  	[smem:$0x3F71] =	sst s2  }
0xb: {  	[smem:$0x3F72] =	sst s3  }
0xc: {  	[smem:$0x3F73] =	sst s4  }
0xd: {  	[smem:$0x3F74] =	sst s5  }
0xe: {  	[smem:$0x3F75] =	sst s6  }
0xf: {  	[smem:$0x3F76] =	sst s7  }
0x10: {  	[smem:$0x3F77] =	sst s8  }
0x11: {  	[smem:$0x3F78] =	sst s9;
	s0 =	simm.s32 @!p0 $0x0  }
0x12: {  	s1 =	sld [smem:$0x3F5E];
	s0 =	simm.s32 @p0 $0x1  }
0x13: {  	[smem:$0x3F79] =	sst s0;
	s0 =	simm.s32 @!p1 $0x0  }
0x14: {  	s2 =	sld [smem:$0x3F5D];
	s0 =	simm.s32 @p1 $0x1  }
0x15: {  	[smem:$0x3F7A] =	sst s0;
	s0 =	simm.s32 @!p2 $0x0  }
0x16: {  	s3 =	sld [smem:$0x3FDB];
	s0 =	simm.s32 @p2 $0x1  }
0x17: {  	s4 =	simm.s32 $0x1BF5;
	[smem:$0x3F7C] =	sst s0  }
0x18: {  	s0 =	sld [smem:$0x3F5F];
	_ =	swait.ge [sflag:s4], $0x0  }
0x19: {  	s7 =	sld [smem:$0x3F60]  }
0x1a: {  	s8 =	sadd.s32 $0xFFFFE003, lr  }
0x1b: {  	s9 =	sadd.s32 $0xFFFFFEF7, lr;
	s5 =	simm.s32 $0xFFFFFFFF;
	p2 =	slt.u32 s8, $0xFFFFF086  }
0x1c: {  	p1 =	slt.u32 s9, $0xF7A;
	s5 =	simm.s32 @!p2 $0x0  }
0x1d: {  	s5 =	simm.s32 @p1 $0x1;
	p0 =	seq.s32 s7, s2  }
0x1e: {  	s7 =	smul.u32 @!p0 $0xF7A, s2;
	p2 =	seq.s32 @!p0 s5, $0x0  }
0x1f: {  	s9 =	smul.u32 $0xF7A, s1;
	s8 =	simm.s32 @!p0 $0x1BF5;
	p2 =	por !p2, p0  }
0x20: {  	[sflag:s8] =	ssyncset.s32 @!p0 $0xFFFFF086;
	s6 =	sadd.s32 @!p0 s3, s7;
	s7 =	simm.s32 @!p0 $0x108  }
0x21: {  	s3 =	sadd.s32 s3, s9;
	s6 =	sadd.s32 @!p0 $0x88, s6;
	s7 =	simm.s32 @p2 $0x1082  }
0x22: {  	[simem:s7], [sflag:s8] =	dma.local @!p0 [hbm:s6], $0xF7A  }
0x23: {  	s9 =	sor.u32 $0xD0000000, s2;
	s6 =	simm.s32 $0x108;
	_ =	swait.ge @!p0 [sflag:s8], $0x0  }
0x24: {  	s3 =	sadd.s32 $0x88, s3;
	s6 =	simm.s32 @!p1 $0x1082;
	[sflag:s4] =	ssyncset.s32 $0xFFFFF086  }
0x25: {  	[simem:s6], [sflag:s4] =	dma.local [hbm:s3], $0xF7A  }
0x26: {  	[smem:$0x3F60] =	sst s1;
	(tag) =	ssettag s2;
	_ =	strace s9  }
0x27: {  	s1 =	sld [smem:$0x3F70]  }
0x28: {  	s2 =	sld [smem:$0x3F71]  }
0x29: {  	s4 =	sld [smem:$0x3F73]  }
0x2a: {  	p0 =	seq.s32 s5, $0x0;
	s5 =	sld [smem:$0x3F74]  }
0x2b: {  	s6 =	sld [smem:$0x3F75]  }
0x2c: {  	s7 =	sld [smem:$0x3F76]  }
0x2d: {  	s3 =	simm.s32 $0x108;
	s8 =	sld [smem:$0x3F77]  }
0x2e: {  	s3 =	simm.s32 @!p0 $0x1082;
	s9 =	sld [smem:$0x3F78]  }
0x2f: {  	lr =	sadd.s32 s0, s3;
	s0 =	sld [smem:$0x3F6F]  }
0x30: {  	s3 =	sld [smem:$0x3F72]  }
0x31: {  	[smem:$0x3F7B] =	sst s10  }
0x32: {  	s10 =	sld [smem:$0x3F79];
	_ =	sdelay $0x3  }
0x33: {  	p0 =	seq.s32 s10, $0x1;
	s10 =	sld [smem:$0x3F7B];
	_ =	sdelay $0x3  }
0x34: {  	[smem:$0x3F7B] =	sst s10  }
0x35: {  	s10 =	sld [smem:$0x3F7A];
	_ =	sdelay $0x3  }
0x36: {  	p1 =	seq.s32 s10, $0x1;
	s10 =	sld [smem:$0x3F7B];
	_ =	sdelay $0x3  }
0x37: {  	[smem:$0x3F7B] =	sst s10  }
0x38: {  	s10 =	sld [smem:$0x3F7C]  }
0x39: {  	_ = 	snop;
	(pc) =	sbr.ind lr, $3  }
0x3a: {  	_ = 	snop  }
0x3b: {  	_ = 	snop  }
0x3c: {  	p2 =	seq.s32 s10, $0x1;
	s10 =	sld [smem:$0x3F7B]  }
0x3d: {  	_ =	shalt  }
0x3e: {  	_ =	shalt  }
0x3f: {  	_ =	shalt  }
0x40: {  	_ =	shalt  }
0x41: {  	_ =	shalt  }
0x42: {  	_ =	shalt  }
0x43: {  	_ =	shalt  }
0x44: {  	_ =	shalt  }
0x45: {  	_ =	shalt  }
0x46: {  	_ =	shalt  }
0x47: {  	_ =	shalt  }
0x48: {  	_ =	shalt  }
0x49: {  	_ =	shalt  }
0x4a: {  	_ =	shalt  }
0x4b: {  	_ =	shalt  }
0x4c: {  	_ =	shalt  }
0x4d: {  	_ =	shalt  }
0x4e: {  	_ =	shalt  }
0x4f: {  	_ =	shalt  }
0x50: {  	_ =	shalt  }
0x51: {  	_ =	shalt  }
0x52: {  	_ =	shalt  }
0x53: {  	_ =	shalt  }
0x54: {  	_ =	shalt  }
0x55: {  	_ =	shalt  }
0x56: {  	_ =	shalt  }
0x57: {  	_ =	shalt  }
0x58: {  	_ =	shalt  }
0x59: {  	_ =	shalt  }
0x5a: {  	_ =	shalt  }
0x5b: {  	_ =	shalt  }
0x5c: {  	_ =	shalt  }
0x5d: {  	_ =	shalt  }
0x5e: {  	_ =	shalt  }
0x5f: {  	_ =	shalt  }
0x60: {  	_ =	shalt  }
0x61: {  	_ =	shalt  }
0x62: {  	_ =	shalt  }
0x63: {  	_ =	shalt  }
0x64: {  	_ =	shalt  }
0x65: {  	_ =	shalt  }
0x66: {  	_ =	shalt  }
0x67: {  	_ =	shalt  }
0x68: {  	_ =	shalt  }
0x69: {  	_ =	shalt  }
0x6a: {  	_ =	shalt  }
0x6b: {  	_ =	shalt  }
0x6c: {  	_ =	shalt  }
0x6d: {  	_ =	shalt  }
0x6e: {  	_ =	shalt  }
0x6f: {  	_ =	shalt  }
0x70: {  	_ =	shalt  }
0x71: {  	_ =	shalt  }
0x72: {  	_ =	shalt  }
0x73: {  	_ =	shalt  }
0x74: {  	_ =	shalt  }
0x75: {  	_ =	shalt  }
0x76: {  	_ =	shalt  }
0x77: {  	_ =	shalt  }
0x78: {  	_ =	shalt  }
0x79: {  	_ =	shalt  }
0x7a: {  	_ =	shalt  }
0x7b: {  	_ =	shalt  }
0x7c: {  	_ =	shalt  }
0x7d: {  	_ =	shalt  }
0x7e: {  	_ =	shalt  }
0x7f: {  	_ =	shalt  }
0x80: {  	_ =	shalt  }
0x81: {  	_ =	shalt  }
0x82: {  	_ =	shalt  }
0x83: {  	_ =	shalt  }
0x84: {  	_ =	shalt  }
0x85: {  	_ =	shalt  }
0x86: {  	_ =	shalt  }
0x87: {  	_ =	shalt  }
.Lfunc_end0:
.L_simem_size_0:
called_computation.2_lowered:
.L_overlay_start_0:
0x88: {  	s2 =	sld [smem:$0x3FD9]  }
0x89: {  	s3 =	sld [smem:$0x3FFE];
	_ =	sdelay $0x1  }
0x8a: {  	s1 =	srdreg.scid  }
0x8b: {  	s0 =	sand.u32 $0x1, s1  }
0x8c: {  	s16 =	sshll.u32 s0, $0xA;
	s2 =	sadd.s32 s3, s2  }
0x8d: {  	s2 =	sadd.s32 s2, s16  }
0x8e: {  	[smem:$0x3F87] =	sst s2  }
0x8f: {  	_ = 	snop  }
0x90: {  	(tm) =	ssettm $0x1  }
0x91: {  	s17 =	sld [smem:$0x3FFB];
	_ =	sdelay $0x3  }
0x92: {  	_ =	strace s17  }
0x93: {  	s2 =	sld [smem:$0x3FFC];
	_ =	sdelay $0x3  }
0x94: {  	_ =	strace s2  }
0x95: {  	s2 =	sld [smem:$0x3FFD];
	_ =	sdelay $0x3  }
0x96: {  	_ =	strace s2  }
0x97: {  	_ =	strace $0x8FFFFFFF  }
0x98: {  	s18 =	sld [smem:$0x3FDB];
	_ =	sdelay $0x1  }
0x99: {  	s19 =	simm.s32 $_scs_section_size  }
0x9a: {  	s4 =	simm.s32 $_size__tile_overlayer_lowered;
	s5 =	simm.s32 $_tile_overlayer_lowered  }
0x9b: {  	s22 =	simm.s32 $0x1BFF;
	s21 =	sshll.u32 s5, $0x1;
	s2 =	sadd.s32 s19, s18  }
0x9c: {  	s6 =	simm.s32 $0x0;
	s20 =	sshll.u32 s4, $0x1;
	s4 =	sadd.s32 s21, s2  }
0x9d: {  	[timem:s6], [sflag:s22] =	dma.local [hbm:s4], s20  }
0x9e: {  	_ =	swait.ge [sflag:s22], s20  }
0x9f: {  	s3 =	ssub.s32 $0x0, s20;
	[sflag:s22] =	ssyncset.done $0x0  }
0xa0: {  	[sflag:s22] =	ssyncadd.s32 s3;
	_ =	sdelay $0x1  }
0xa1: {  	s23 =	simm.s32 $0x1B8B  }
0xa2: {  	_ =	swait.ge [sflag:s23], $0x1  }
0xa3: {  	[sflag:s23] =	ssyncset.done $0x0  }
0xa4: {  	s25 =	simm.s32 $0x1B8E;
	s24 =	sld [smem:$0x3FFE];
	[sflag:s23] =	ssyncadd.s32 $0xFFFFFFFF  }
0xa5: {  	s26 =	simm.s32 $execute0_lowered;
	[smem:$0x3FD2] =	sst s25  }
0xa6: {  	s4 =	sshll.u32 s26, $0x1;
	_ =	strace $0x8000004C;
	[dreg:$0x1] =	wrdreg $0xFFFFFFFF  }
0xa7: {  	s28 =	simm.s32 $_size_execute0_lowered;
	s2 =	sadd.s32 s2, s4;
	[dreg:$0x0] =	wrdreg $0x0  }
0xa8: {  	s4 =	sshll.u32 s28, $0x1;
	[dreg:$0x2] =	wrdreg s2  }
0xa9: {  	[dreg:$0x3] =	wrdreg s4  }
0xaa: {  	[dreg:$0x4] =	wrdreg $0xC0  }
0xab: {  	_ =	task [dreg:s6], $0x5FFFF  }
0xac: {  	[dreg:$0x1] =	wrdreg $0xFFFFFFFF  }
0xad: {  	[dreg:$0x0] =	wrdreg $0x60  }
0xae: {  	[dreg:$0x2] =	wrdreg s24  }
0xaf: {  	[dreg:$0x3] =	wrdreg $0x173180  }
0xb0: {  	[dreg:$0x4] =	wrdreg $0x9  }
0xb1: {  	_ =	task.clear_ibuf [dreg:s6], $0x5FFFF;
	_ =	strace $0x9000004C  }
0xb2: {  	s29 =	simm.s32 $0x9;
	_ =	strace $0x8000004E  }
0xb3: {  	_ =	swait.ge [sflag:s29], $0x1  }
0xb4: {  	[sflag:s29] =	ssyncadd.s32 $0xFFFFFFFF  }
0xb5: {  	_ =	strace $0x9000004E  }
0xb6: {  	_ =	sfence  }
0xb7: {  	s30 =	sld [smem:$0x0];
	_ =	sdelay $0x2  }
0xb8: {  	s31 =	sshll.u32 s1, $0xD;
	s1 =	sshrl.u32 s1, $0x2  }
0xb9: {  	s3 =	sand.u32 $0x4000, s31;
	s1 =	sadd.s32 s1, s30  }
0xba: {  	s0 =	sor.u32 s3, s0;
	s1 =	sshll.u32 s1, $0x11  }
0xbb: {  	s0 =	sor.u32 s1, s0  }
0xbc: {  	s0 =	sadd.s32 $0x8F2B, s0  }
0xbd: {  	[sflag:s0] =	ssyncadd.remote.s32 $0x1  }
0xbe: {  	_ =	sfence.sel $0xFFFF  }
0xbf: {  	[dreg:$0x0] =	wrdreg $0xFFFFFFFF;
	(pc) =	sbr.abs _section_cstart, $3  }
0xc0: {  	[dreg:$0x1] =	wrdreg $0xFFFFFFFF  }
0xc1: {  	_ =	task.clear_ibuf [dreg:s6], $0x2FFFF;
	_ =	strace $0x9FFFFFFF  }
0xc2: {  	(tm) =	ssettm $0x7FFFFFFF  }
0xc3: {  	_ =	shalt  }
tec
execute0_lowered:
.L_overlay_start_1:
0x0: {  	(tag) =	ssettag $0x1  }
0x1: {  	s11 =	rddreg [dreg:$0x0];
	s0 =	stileid.u32  }
0x2: {  	s2 =	rddreg [dreg:$0x1];
	s7 =	smul.u32 $0x1388, s0  }
0x3: {  	s1 =	rddreg [dreg:$0x2]  }
0x4: {  	s3 =	simm.s32 $0x0;
	s8 =	srdreg.scid;
	s4 =	sshrl.u32 s7, $0x3  }
0x5: {  	s6 =	simm.s32 $0x15F90;
	[smem:$0x7FF] =	sst s3;
	s4 =	sadd.s32 s4, s11  }
0x6: {  	s5 =	simm.s32 $0x2;
	_ =	strace $0x8000004D;
	s4 =	sadd.s32 $0x28E00, s4  }
0x7: {  	[tilespmem:s6], [sflag:$0x2] =	stream.linear.gather [hbm4b:s4+s3], $0x1388, $0x38;
	[tilespmem:$0x186A0] =	vst v63  }
0x8: {  	s13 =	sand.u32 $0x1, s8;
	s30 =	sshll.u32 s0, $0x1;
	_ =	swait.ge [sflag:s5], $0x1388  }
0x9: {  	s8 =	sor.u32 s13, s30;
	[sflag:s5] =	ssyncset.done $0x0  }
0xa: {  	s12 =	smul.u32 $0x2710, s8;
	s7 =	sadd.s32 s7, s2;
	[sflag:s5] =	ssyncadd.s32 $0xFFFFEC78  }
0xb: {  	[spmem:s7] =	stream.linear.scatter [tilespmem:s6], [sflag:$0x2], $0x1388, $0x38;
	[tilespmem:$0x186A0] =	vst v63  }
0xc: {  	_ =	swait.ge [sflag:s5], $0x1388  }
0xd: {  	s8 =	sshrl.u32 s12, $0x3;
	[sflag:s5] =	ssyncset.done $0x0  }
0xe: {  	s14 =	sadd.s32 s8, s11;
	[sflag:s5] =	ssyncadd.s32 $0xFFFFEC78  }
0xf: {  	s8 =	sadd.s32 $0x1F040, s14;
	[bflag:$0x0] =	sbarrier.arrive $0xFFFF  }
0x10: {  	[tilespmem:s3], [sflag:$0x2] =	stream.linear.gather [hbm4b:s8+s3], $0x2710, $0x38;
	[tilespmem:$0x186A0] =	vst v63  }
0x11: {  	_ =	swait.ge [sflag:s5], $0x2710  }
0x12: {  	[sflag:s5] =	ssyncset.done $0x0  }
0x13: {  	s9 =	simm.s32 $0x2710;
	s10 =	simm.s32 $0x1;
	[sflag:s5] =	ssyncadd.s32 $0xFFFFD8F0  }
0x14: {  	[tilespmem:s9], [sflag:$0x1] =	stream.indirect.gather [spmem:s2], $0x8, s3, s9, $0xb8;
	[tilespmem:$0x186A0] =	vst v63  }
0x15: {  	_ =	swait.ge [sflag:s10], $0x13880  }
0x16: {  	s15 =	sadd.s32 s12, s11;
	[sflag:s10] =	ssyncset.done $0x0  }
0x17: {  	s11 =	sadd.s32 $0x247600, s15;
	[sflag:s10] =	ssyncadd.s32 $0xFFFEC780  }
0x18: {  	[hbm4b:s11+s3] =	stream.linear.scatter [tilespmem:s9], [sflag:$0x2], $0x13880, $0x38;
	[tilespmem:$0x186A0] =	vst v63  }
0x19: {  	_ =	swait.ge [sflag:s5], $0x13880  }
0x1a: {  	[sflag:s5] =	ssyncset.done $0x0  }
0x1b: {  	s13 =	ssub.s32 $0x2, s13;
	s12 =	sadd.s32 $0x15400, s14;
	[sflag:s5] =	ssyncadd.s32 $0xFFFEC780  }
0x1c: {  	[tilespmem:s3], [sflag:$0x2] =	stream.linear.gather [hbm4b:s12+s3], $0x2710, $0x38;
	[tilespmem:$0x186A0] =	vst v63  }
0x1d: {  	s31 =	sshrl.u32 s13, $0x1;
	_ =	swait.ge [sflag:s5], $0x2710  }
0x1e: {  	s14 =	ssub.s32 s13, s31;
	[sflag:s5] =	ssyncset.done $0x0  }
0x1f: {  	s14 =	smax.u32 s14, $0x1;
	[sflag:s5] =	ssyncadd.s32 $0xFFFFD8F0  }
0x20: {  	[tilespmem:s9], [sflag:$0x1] =	stream.indirect.gather [spmem:s2], $0x8, s3, s9, $0xb8;
	[tilespmem:$0x186A0] =	vst v63  }
0x21: {  	p0 =	sne.s32 s14, $0x1;
	_ =	swait.ge [sflag:s10], $0x13880  }
.Ltmp0:
0x22: {  	[sflag:s10] =	ssyncset.done $0x0;
	(pc) =	sbr.rel @!p0 .LBB2_2-.Ltmp0, $4  }
0x23: {  	s13 =	sadd.s32 $0x295800, s15;
	[sflag:s10] =	ssyncadd.s32 $0xFFFEC780  }
0x24: {  	[hbm4b:s13+s3] =	stream.linear.scatter [tilespmem:s9], [sflag:$0x2], $0x13880, $0x38;
	[tilespmem:$0x186A0] =	vst v63  }
0x25: {  	_ =	swait.ge [sflag:s5], $0x13880  }
0x26: {  	s14 =	sadd.s32 $0xFFFFFFFF, s14;
	[sflag:s5] =	ssyncset.done $0x0  }
.LBB2_1:
0x27: {  	p0 =	sne.s32 s14, $0x1;
	s14 =	sadd.s32 $0xFFFFFFFF, s14;
	[sflag:s5] =	ssyncadd.s32 $0xFFFEC780  }
0x28: {  	[tilespmem:s6], [sflag:$0x2] =	stream.linear.gather [hbm4b:s4+s3], $0x1388, $0x38;
	[tilespmem:$0x186A0] =	vst v63  }
0x29: {  	_ =	swait.ge [sflag:s5], $0x1388  }
0x2a: {  	[sflag:s5] =	ssyncset.done $0x0  }
0x2b: {  	[sflag:s5] =	ssyncadd.s32 $0xFFFFEC78  }
0x2c: {  	[spmem:s7] =	stream.linear.scatter [tilespmem:s6], [sflag:$0x2], $0x1388, $0x38;
	[tilespmem:$0x186A0] =	vst v63  }
0x2d: {  	_ =	swait.ge [sflag:s5], $0x1388  }
0x2e: {  	[sflag:s5] =	ssyncset.done $0x0  }
0x2f: {  	[sflag:s5] =	ssyncadd.s32 $0xFFFFEC78  }
0x30: {  	[bflag:$0x0] =	sbarrier.arrive $0xFFFF  }
0x31: {  	[tilespmem:s3], [sflag:$0x2] =	stream.linear.gather [hbm4b:s8+s3], $0x2710, $0x38;
	[tilespmem:$0x186A0] =	vst v63  }
0x32: {  	_ =	swait.ge [sflag:s5], $0x2710  }
0x33: {  	[sflag:s5] =	ssyncset.done $0x0  }
0x34: {  	[sflag:s5] =	ssyncadd.s32 $0xFFFFD8F0  }
0x35: {  	[tilespmem:s9], [sflag:$0x1] =	stream.indirect.gather [spmem:s2], $0x8, s3, s9, $0xb8;
	[tilespmem:$0x186A0] =	vst v63  }
0x36: {  	_ =	swait.ge [sflag:s10], $0x13880  }
0x37: {  	[sflag:s10] =	ssyncset.done $0x0  }
0x38: {  	[sflag:s10] =	ssyncadd.s32 $0xFFFEC780  }
0x39: {  	[hbm4b:s11+s3] =	stream.linear.scatter [tilespmem:s9], [sflag:$0x2], $0x13880, $0x38;
	[tilespmem:$0x186A0] =	vst v63  }
0x3a: {  	_ =	swait.ge [sflag:s5], $0x13880  }
0x3b: {  	[sflag:s5] =	ssyncset.done $0x0  }
0x3c: {  	[sflag:s5] =	ssyncadd.s32 $0xFFFEC780  }
0x3d: {  	[tilespmem:s3], [sflag:$0x2] =	stream.linear.gather [hbm4b:s12+s3], $0x2710, $0x38;
	[tilespmem:$0x186A0] =	vst v63  }
0x3e: {  	_ =	swait.ge [sflag:s5], $0x2710  }
0x3f: {  	[sflag:s5] =	ssyncset.done $0x0  }
0x40: {  	[sflag:s5] =	ssyncadd.s32 $0xFFFFD8F0  }
0x41: {  	[tilespmem:s9], [sflag:$0x1] =	stream.indirect.gather [spmem:s2], $0x8, s3, s9, $0xb8;
	[tilespmem:$0x186A0] =	vst v63  }
0x42: {  	_ =	swait.ge [sflag:s10], $0x13880  }
.Ltmp1:
0x43: {  	[sflag:s10] =	ssyncset.done $0x0;
	(pc) =	sbr.rel @p0 .LBB2_1-.Ltmp1, $4  }
0x44: {  	[sflag:s10] =	ssyncadd.s32 $0xFFFEC780  }
0x45: {  	[hbm4b:s13+s3] =	stream.linear.scatter [tilespmem:s9], [sflag:$0x2], $0x13880, $0x38;
	[tilespmem:$0x186A0] =	vst v63  }
0x46: {  	_ =	swait.ge [sflag:s5], $0x13880  }
0x47: {  	[sflag:s5] =	ssyncset.done $0x0  }
.LBB2_2:
0x48: {  	[sflag:s5] =	ssyncadd.s32 $0xFFFEC780  }
0x49: {  	_ =	sfence.sel $0x180000  }
0x4a: {  	[bflag:$0x0] =	sbarrier.arrive $0xFFFF  }
0x4b: {  	p0 =	sne.s32 s0, $0x0;
	_ =	strace $0x9000004D  }
0x4c: {  	s0 =	sadd.s32 @!p0 $0x100000, s1;
	[bflag:$0x2] =	sbarrier.arrive $0xFFFF  }
0x4d: {  	[sflag:s0] =	ssyncadd.tile.s32 @!p0 $0x1;
	_ =	shalt  }
.Lfunc_end2:
_tile_overlayer_lowered:
.L_overlay_start_2:
0x4e: {  	(tag) =	ssettag $0x2  }
0x4f: {  	s0 =	rddreg [dreg:$0x0];
	s2 =	stileid.u32  }
0x50: {  	s1 =	rddreg [dreg:$0x1];
	p0 =	sne.s32 s2, $0x0  }
0x51: {  	s3 =	rddreg [dreg:$0x2];
	[bflag:$0x3] =	sbarrier.arrive $0xFFFF;
	s2 =	simm.s32 @!p0 $0x1C02  }
0x52: {  	[timem:s3], [sflag:s2] =	dma.local @!p0 [hbm:s0], s1  }
0x53: {  	s0 =	simm.s32 @!p0 $0x2  }
0x54: {  	_ =	swait.ge @!p0 [sflag:s0], s1  }
0x55: {  	s1 =	ssub.s32 @!p0 $0x0, s1;
	[sflag:s0] =	ssyncset.done @!p0 $0x0  }
0x56: {  	[sflag:s0] =	ssyncadd.s32 @!p0 s1  }
0x57: {  	[bflag:$0x3] =	sbarrier.arrive $0xFFFF  }
0x58: {  	_ =	shalt  }

// kernel: kernel.38.cloned.1.call-start
scs
__scs_entry_jumppad:
0x0: {  	(pc) =	sbr.rel $0x88, $3  }
0x1: {  	(tag) =	ssettag $0x0;
	lr =	simm.s32 $0x1  }
0x2: {  	[smem:$0x3F60] =	sst lr;
	_ =	strace $0xD0000000  }
0x3: {  	_ = 	snop  }
0x4: {  	_ = 	snop  }
0x5: {  	_ = 	snop  }
0x6: {  	_ = 	snop  }
0x7: {  	_ = 	snop  }
__scs_overlays_trampoline_lowered:
0x8: {  	[smem:$0x3F6F] =	sst s0  }
0x9: {  	[smem:$0x3F70] =	sst s1  }
0xa: {  	[smem:$0x3F71] =	sst s2  }
0xb: {  	[smem:$0x3F72] =	sst s3  }
0xc: {  	[smem:$0x3F73] =	sst s4  }
0xd: {  	[smem:$0x3F74] =	sst s5  }
0xe: {  	[smem:$0x3F75] =	sst s6  }
0xf: {  	[smem:$0x3F76] =	sst s7  }
0x10: {  	[smem:$0x3F77] =	sst s8  }
0x11: {  	[smem:$0x3F78] =	sst s9;
	s0 =	simm.s32 @!p0 $0x0  }
0x12: {  	s1 =	sld [smem:$0x3F5E];
	s0 =	simm.s32 @p0 $0x1  }
0x13: {  	[smem:$0x3F79] =	sst s0;
	s0 =	simm.s32 @!p1 $0x0  }
0x14: {  	s2 =	sld [smem:$0x3F5D];
	s0 =	simm.s32 @p1 $0x1  }
0x15: {  	[smem:$0x3F7A] =	sst s0;
	s0 =	simm.s32 @!p2 $0x0  }
0x16: {  	s3 =	sld [smem:$0x3FDB];
	s0 =	simm.s32 @p2 $0x1  }
0x17: {  	s4 =	simm.s32 $0x1BF5;
	[smem:$0x3F7C] =	sst s0  }
0x18: {  	s0 =	sld [smem:$0x3F5F];
	_ =	swait.ge [sflag:s4], $0x0  }
0x19: {  	s7 =	sld [smem:$0x3F60]  }
0x1a: {  	s8 =	sadd.s32 $0xFFFFE003, lr  }
0x1b: {  	s9 =	sadd.s32 $0xFFFFFEF7, lr;
	s5 =	simm.s32 $0xFFFFFFFF;
	p2 =	slt.u32 s8, $0xFFFFF086  }
0x1c: {  	p1 =	slt.u32 s9, $0xF7A;
	s5 =	simm.s32 @!p2 $0x0  }
0x1d: {  	s5 =	simm.s32 @p1 $0x1;
	p0 =	seq.s32 s7, s2  }
0x1e: {  	s7 =	smul.u32 @!p0 $0xF7A, s2;
	p2 =	seq.s32 @!p0 s5, $0x0  }
0x1f: {  	s9 =	smul.u32 $0xF7A, s1;
	s8 =	simm.s32 @!p0 $0x1BF5;
	p2 =	por !p2, p0  }
0x20: {  	[sflag:s8] =	ssyncset.s32 @!p0 $0xFFFFF086;
	s6 =	sadd.s32 @!p0 s3, s7;
	s7 =	simm.s32 @!p0 $0x108  }
0x21: {  	s3 =	sadd.s32 s3, s9;
	s6 =	sadd.s32 @!p0 $0x88, s6;
	s7 =	simm.s32 @p2 $0x1082  }
0x22: {  	[simem:s7], [sflag:s8] =	dma.local @!p0 [hbm:s6], $0xF7A  }
0x23: {  	s9 =	sor.u32 $0xD0000000, s2;
	s6 =	simm.s32 $0x108;
	_ =	swait.ge @!p0 [sflag:s8], $0x0  }
0x24: {  	s3 =	sadd.s32 $0x88, s3;
	s6 =	simm.s32 @!p1 $0x1082;
	[sflag:s4] =	ssyncset.s32 $0xFFFFF086  }
0x25: {  	[simem:s6], [sflag:s4] =	dma.local [hbm:s3], $0xF7A  }
0x26: {  	[smem:$0x3F60] =	sst s1;
	(tag) =	ssettag s2;
	_ =	strace s9  }
0x27: {  	s1 =	sld [smem:$0x3F70]  }
0x28: {  	s2 =	sld [smem:$0x3F71]  }
0x29: {  	s4 =	sld [smem:$0x3F73]  }
0x2a: {  	p0 =	seq.s32 s5, $0x0;
	s5 =	sld [smem:$0x3F74]  }
0x2b: {  	s6 =	sld [smem:$0x3F75]  }
0x2c: {  	s7 =	sld [smem:$0x3F76]  }
0x2d: {  	s3 =	simm.s32 $0x108;
	s8 =	sld [smem:$0x3F77]  }
0x2e: {  	s3 =	simm.s32 @!p0 $0x1082;
	s9 =	sld [smem:$0x3F78]  }
0x2f: {  	lr =	sadd.s32 s0, s3;
	s0 =	sld [smem:$0x3F6F]  }
0x30: {  	s3 =	sld [smem:$0x3F72]  }
0x31: {  	[smem:$0x3F7B] =	sst s10  }
0x32: {  	s10 =	sld [smem:$0x3F79];
	_ =	sdelay $0x3  }
0x33: {  	p0 =	seq.s32 s10, $0x1;
	s10 =	sld [smem:$0x3F7B];
	_ =	sdelay $0x3  }
0x34: {  	[smem:$0x3F7B] =	sst s10  }
0x35: {  	s10 =	sld [smem:$0x3F7A];
	_ =	sdelay $0x3  }
0x36: {  	p1 =	seq.s32 s10, $0x1;
	s10 =	sld [smem:$0x3F7B];
	_ =	sdelay $0x3  }
0x37: {  	[smem:$0x3F7B] =	sst s10  }
0x38: {  	s10 =	sld [smem:$0x3F7C]  }
0x39: {  	_ = 	snop;
	(pc) =	sbr.ind lr, $3  }
0x3a: {  	_ = 	snop  }
0x3b: {  	_ = 	snop  }
0x3c: {  	p2 =	seq.s32 s10, $0x1;
	s10 =	sld [smem:$0x3F7B]  }
0x3d: {  	_ =	shalt  }
0x3e: {  	_ =	shalt  }
0x3f: {  	_ =	shalt  }
0x40: {  	_ =	shalt  }
0x41: {  	_ =	shalt  }
0x42: {  	_ =	shalt  }
0x43: {  	_ =	shalt  }
0x44: {  	_ =	shalt  }
0x45: {  	_ =	shalt  }
0x46: {  	_ =	shalt  }
0x47: {  	_ =	shalt  }
0x48: {  	_ =	shalt  }
0x49: {  	_ =	shalt  }
0x4a: {  	_ =	shalt  }
0x4b: {  	_ =	shalt  }
0x4c: {  	_ =	shalt  }
0x4d: {  	_ =	shalt  }
0x4e: {  	_ =	shalt  }
0x4f: {  	_ =	shalt  }
0x50: {  	_ =	shalt  }
0x51: {  	_ =	shalt  }
0x52: {  	_ =	shalt  }
0x53: {  	_ =	shalt  }
0x54: {  	_ =	shalt  }
0x55: {  	_ =	shalt  }
0x56: {  	_ =	shalt  }
0x57: {  	_ =	shalt  }
0x58: {  	_ =	shalt  }
0x59: {  	_ =	shalt  }
0x5a: {  	_ =	shalt  }
0x5b: {  	_ =	shalt  }
0x5c: {  	_ =	shalt  }
0x5d: {  	_ =	shalt  }
0x5e: {  	_ =	shalt  }
0x5f: {  	_ =	shalt  }
0x60: {  	_ =	shalt  }
0x61: {  	_ =	shalt  }
0x62: {  	_ =	shalt  }
0x63: {  	_ =	shalt  }
0x64: {  	_ =	shalt  }
0x65: {  	_ =	shalt  }
0x66: {  	_ =	shalt  }
0x67: {  	_ =	shalt  }
0x68: {  	_ =	shalt  }
0x69: {  	_ =	shalt  }
0x6a: {  	_ =	shalt  }
0x6b: {  	_ =	shalt  }
0x6c: {  	_ =	shalt  }
0x6d: {  	_ =	shalt  }
0x6e: {  	_ =	shalt  }
0x6f: {  	_ =	shalt  }
0x70: {  	_ =	shalt  }
0x71: {  	_ =	shalt  }
0x72: {  	_ =	shalt  }
0x73: {  	_ =	shalt  }
0x74: {  	_ =	shalt  }
0x75: {  	_ =	shalt  }
0x76: {  	_ =	shalt  }
0x77: {  	_ =	shalt  }
0x78: {  	_ =	shalt  }
0x79: {  	_ =	shalt  }
0x7a: {  	_ =	shalt  }
0x7b: {  	_ =	shalt  }
0x7c: {  	_ =	shalt  }
0x7d: {  	_ =	shalt  }
0x7e: {  	_ =	shalt  }
0x7f: {  	_ =	shalt  }
0x80: {  	_ =	shalt  }
0x81: {  	_ =	shalt  }
0x82: {  	_ =	shalt  }
0x83: {  	_ =	shalt  }
0x84: {  	_ =	shalt  }
0x85: {  	_ =	shalt  }
0x86: {  	_ =	shalt  }
0x87: {  	_ =	shalt  }
.Lfunc_end0:
.L_simem_size_0:
called_computation.3_lowered:
.L_overlay_start_0:
0x88: {  	s2 =	sld [smem:$0x3FD9]  }
0x89: {  	s3 =	sld [smem:$0x3FFE];
	_ =	sdelay $0x1  }
0x8a: {  	s1 =	srdreg.scid  }
0x8b: {  	s0 =	sand.u32 $0x1, s1  }
0x8c: {  	s16 =	sshll.u32 s0, $0xA;
	s2 =	sadd.s32 s3, s2  }
0x8d: {  	s2 =	sadd.s32 s2, s16  }
0x8e: {  	[smem:$0x3F87] =	sst s2  }
0x8f: {  	_ = 	snop  }
0x90: {  	(tm) =	ssettm $0x1  }
0x91: {  	s17 =	sld [smem:$0x3FFB];
	_ =	sdelay $0x3  }
0x92: {  	_ =	strace s17  }
0x93: {  	s2 =	sld [smem:$0x3FFC];
	_ =	sdelay $0x3  }
0x94: {  	_ =	strace s2  }
0x95: {  	s2 =	sld [smem:$0x3FFD];
	_ =	sdelay $0x3  }
0x96: {  	_ =	strace s2  }
0x97: {  	_ =	strace $0x8FFFFFFF  }
0x98: {  	s18 =	sld [smem:$0x3FDB];
	_ =	sdelay $0x1  }
0x99: {  	s19 =	simm.s32 $_scs_section_size  }
0x9a: {  	s4 =	simm.s32 $_size__tile_overlayer_lowered;
	s5 =	simm.s32 $_tile_overlayer_lowered  }
0x9b: {  	s22 =	simm.s32 $0x1BFF;
	s21 =	sshll.u32 s5, $0x1;
	s2 =	sadd.s32 s19, s18  }
0x9c: {  	s6 =	simm.s32 $0x0;
	s20 =	sshll.u32 s4, $0x1;
	s4 =	sadd.s32 s21, s2  }
0x9d: {  	[timem:s6], [sflag:s22] =	dma.local [hbm:s4], s20  }
0x9e: {  	_ =	swait.ge [sflag:s22], s20  }
0x9f: {  	s3 =	ssub.s32 $0x0, s20;
	[sflag:s22] =	ssyncset.done $0x0  }
0xa0: {  	[sflag:s22] =	ssyncadd.s32 s3;
	_ =	sdelay $0x1  }
0xa1: {  	s23 =	simm.s32 $0x1B8B  }
0xa2: {  	_ =	swait.ge [sflag:s23], $0x1  }
0xa3: {  	[sflag:s23] =	ssyncset.done $0x0  }
0xa4: {  	s25 =	simm.s32 $0x1B8E;
	s24 =	sld [smem:$0x3FFE];
	[sflag:s23] =	ssyncadd.s32 $0xFFFFFFFF  }
0xa5: {  	s26 =	simm.s32 $execute0_lowered;
	[smem:$0x3FD2] =	sst s25  }
0xa6: {  	s4 =	sshll.u32 s26, $0x1;
	_ =	strace $0x8000004F;
	[dreg:$0x1] =	wrdreg $0xFFFFFFFF  }
0xa7: {  	s28 =	simm.s32 $_size_execute0_lowered;
	s2 =	sadd.s32 s2, s4;
	[dreg:$0x0] =	wrdreg $0x0  }
0xa8: {  	s4 =	sshll.u32 s28, $0x1;
	[dreg:$0x2] =	wrdreg s2  }
0xa9: {  	[dreg:$0x3] =	wrdreg s4  }
0xaa: {  	[dreg:$0x4] =	wrdreg $0xC0  }
0xab: {  	_ =	task [dreg:s6], $0x5FFFF  }
0xac: {  	[dreg:$0x1] =	wrdreg $0xFFFFFFFF  }
0xad: {  	[dreg:$0x0] =	wrdreg $0x60  }
0xae: {  	[dreg:$0x2] =	wrdreg s24  }
0xaf: {  	[dreg:$0x3] =	wrdreg $0x173180  }
0xb0: {  	[dreg:$0x4] =	wrdreg $0x9  }
0xb1: {  	_ =	task.clear_ibuf [dreg:s6], $0x5FFFF;
	_ =	strace $0x9000004F  }
0xb2: {  	s29 =	simm.s32 $0x9;
	_ =	strace $0x80000051  }
0xb3: {  	_ =	swait.ge [sflag:s29], $0x1  }
0xb4: {  	[sflag:s29] =	ssyncadd.s32 $0xFFFFFFFF  }
0xb5: {  	_ =	strace $0x90000051  }
0xb6: {  	_ =	sfence  }
0xb7: {  	s30 =	sld [smem:$0x0];
	_ =	sdelay $0x2  }
0xb8: {  	s31 =	sshll.u32 s1, $0xD;
	s1 =	sshrl.u32 s1, $0x2  }
0xb9: {  	s3 =	sand.u32 $0x4000, s31;
	s1 =	sadd.s32 s1, s30  }
0xba: {  	s0 =	sor.u32 s3, s0;
	s1 =	sshll.u32 s1, $0x11  }
0xbb: {  	s0 =	sor.u32 s1, s0  }
0xbc: {  	s0 =	sadd.s32 $0x8F2B, s0  }
0xbd: {  	[sflag:s0] =	ssyncadd.remote.s32 $0x1  }
0xbe: {  	_ =	sfence.sel $0xFFFF  }
0xbf: {  	[dreg:$0x0] =	wrdreg $0xFFFFFFFF;
	(pc) =	sbr.abs _section_cstart, $3  }
0xc0: {  	[dreg:$0x1] =	wrdreg $0xFFFFFFFF  }
0xc1: {  	_ =	task.clear_ibuf [dreg:s6], $0x2FFFF;
	_ =	strace $0x9FFFFFFF  }
0xc2: {  	(tm) =	ssettm $0x7FFFFFFF  }
0xc3: {  	_ =	shalt  }
tec
execute0_lowered:
.L_overlay_start_1:
0x0: {  	(tag) =	ssettag $0x1  }
0x1: {  	s11 =	rddreg [dreg:$0x0];
	s0 =	stileid.u32  }
0x2: {  	s2 =	rddreg [dreg:$0x1];
	s12 =	smul.u32 $0x1388, s0  }
0x3: {  	s1 =	rddreg [dreg:$0x2]  }
0x4: {  	s3 =	simm.s32 $0x0;
	s7 =	srdreg.scid;
	s4 =	sshrl.u32 s12, $0x3  }
0x5: {  	s6 =	simm.s32 $0x15F90;
	[smem:$0x7FF] =	sst s3;
	s4 =	sadd.s32 s4, s11  }
0x6: {  	s5 =	simm.s32 $0x1;
	_ =	strace $0x80000050;
	s4 =	sadd.s32 $0x79800, s4  }
0x7: {  	[tilespmem:s6], [sflag:$0x1] =	stream.linear.gather [hbm4b:s4+s3], $0x1388, $0x38;
	[tilespmem:$0x186A0] =	vst v63  }
0x8: {  	s13 =	sand.u32 $0x1, s7;
	s28 =	sshll.u32 s0, $0x1;
	_ =	swait.ge [sflag:s5], $0x1388  }
0x9: {  	s7 =	sor.u32 s13, s28;
	[sflag:s5] =	ssyncset.done $0x0  }
0xa: {  	s9 =	smul.u32 $0x2710, s7;
	s7 =	sadd.s32 s12, s2;
	[sflag:s5] =	ssyncadd.s32 $0xFFFFEC78  }
0xb: {  	[spmem:s7] =	stream.linear.scatter [tilespmem:s6], [sflag:$0x1], $0x1388, $0x38;
	[tilespmem:$0x186A0] =	vst v63  }
0xc: {  	_ =	swait.ge [sflag:s5], $0x1388  }
0xd: {  	s8 =	sshrl.u32 s9, $0x3;
	[sflag:s5] =	ssyncset.done $0x0  }
0xe: {  	s8 =	sadd.s32 s11, s8;
	[sflag:s5] =	ssyncadd.s32 $0xFFFFEC78  }
0xf: {  	s8 =	sadd.s32 $0x1F040, s8;
	[bflag:$0x0] =	sbarrier.arrive $0xFFFF  }
0x10: {  	[tilespmem:s3], [sflag:$0x1] =	stream.linear.gather [hbm4b:s8+s3], $0x2710, $0x38;
	[tilespmem:$0x186A0] =	vst v63  }
0x11: {  	_ =	swait.ge [sflag:s5], $0x2710  }
0x12: {  	s10 =	simm.s32 $0x2710;
	s9 =	sadd.s32 s9, s11;
	[sflag:s5] =	ssyncset.done $0x0  }
0x13: {  	s14 =	smul.u32 $0x13880, s13;
	s9 =	sadd.s32 $0x247600, s9;
	[sflag:s5] =	ssyncadd.s32 $0xFFFFD8F0  }
0x14: {  	[tilespmem:s10], [sflag:$0x1] =	stream.linear.gather [hbm4b:s9+s3], $0x13880, $0x38;
	[tilespmem:$0x186A0] =	vst v63  }
0x15: {  	s13 =	ssub.s32 $0x2, s13;
	s12 =	sadd.s32 s12, s14;
	_ =	swait.ge [sflag:s5], $0x13880  }
0x16: {  	s29 =	sshrl.u32 s13, $0x1;
	s12 =	sshrl.u32 s12, $0x3;
	[sflag:s5] =	ssyncset.done $0x0  }
0x17: {  	s11 =	sadd.s32 s12, s11;
	s12 =	ssub.s32 s13, s29;
	[sflag:s5] =	ssyncadd.s32 $0xFFFEC780  }
0x18: {  	[spmem:s2] =	stream.indirect.scatter.add.f32 [tilespmem:s10], [sflag:$0x1], $0x8, s3, s10, $0xb8;
	[tilespmem:$0x186A0] =	vst v63  }
0x19: {  	s30 =	smax.u32 s12, $0x1;
	_ =	swait.ge [sflag:s5], $0x13880  }
0x1a: {  	s31 =	sshll.u32 s0, $0x6;
	p0 =	sne.s32 s30, $0x1;
	[sflag:s5] =	ssyncset.done $0x0  }
.Ltmp0:
0x1b: {  	s13 =	sshrl.u32 s7, $0x3;
	[sflag:s5] =	ssyncadd.s32 $0xFFFEC780;
	(pc) =	sbr.rel @!p0 .LBB2_2-.Ltmp0, $4  }
0x1c: {  	s11 =	sadd.s32 $0x22C200, s11;
	s12 =	sor.u32 $0x1C01, s31;
	[bflag:$0x0] =	sbarrier.arrive $0xFFFF  }
0x1d: {  	[hbm:s11], [sflag:s12] =	dma.local [spmem:s13], $0x271  }
0x1e: {  	_ =	swait.ge [sflag:s5], $0x271  }
0x1f: {  	s14 =	sadd.s32 $0xFFFFFFFF, s30;
	[sflag:s5] =	ssyncset.done $0x0  }
.LBB2_1:
0x20: {  	p0 =	sne.s32 s14, $0x1;
	s14 =	sadd.s32 $0xFFFFFFFF, s14;
	[sflag:s5] =	ssyncadd.s32 $0xFFFFFD8F  }
0x21: {  	[tilespmem:s6], [sflag:$0x1] =	stream.linear.gather [hbm4b:s4+s3], $0x1388, $0x38;
	[tilespmem:$0x186A0] =	vst v63  }
0x22: {  	_ =	swait.ge [sflag:s5], $0x1388  }
0x23: {  	[sflag:s5] =	ssyncset.done $0x0  }
0x24: {  	[sflag:s5] =	ssyncadd.s32 $0xFFFFEC78  }
0x25: {  	[spmem:s7] =	stream.linear.scatter [tilespmem:s6], [sflag:$0x1], $0x1388, $0x38;
	[tilespmem:$0x186A0] =	vst v63  }
0x26: {  	_ =	swait.ge [sflag:s5], $0x1388  }
0x27: {  	[sflag:s5] =	ssyncset.done $0x0  }
0x28: {  	[sflag:s5] =	ssyncadd.s32 $0xFFFFEC78  }
0x29: {  	[bflag:$0x0] =	sbarrier.arrive $0xFFFF  }
0x2a: {  	[tilespmem:s3], [sflag:$0x1] =	stream.linear.gather [hbm4b:s8+s3], $0x2710, $0x38;
	[tilespmem:$0x186A0] =	vst v63  }
0x2b: {  	_ =	swait.ge [sflag:s5], $0x2710  }
0x2c: {  	[sflag:s5] =	ssyncset.done $0x0  }
0x2d: {  	[sflag:s5] =	ssyncadd.s32 $0xFFFFD8F0  }
0x2e: {  	[tilespmem:s10], [sflag:$0x1] =	stream.linear.gather [hbm4b:s9+s3], $0x13880, $0x38;
	[tilespmem:$0x186A0] =	vst v63  }
0x2f: {  	_ =	swait.ge [sflag:s5], $0x13880  }
0x30: {  	[sflag:s5] =	ssyncset.done $0x0  }
0x31: {  	[sflag:s5] =	ssyncadd.s32 $0xFFFEC780  }
0x32: {  	[spmem:s2] =	stream.indirect.scatter.add.f32 [tilespmem:s10], [sflag:$0x1], $0x8, s3, s10, $0xb8;
	[tilespmem:$0x186A0] =	vst v63  }
0x33: {  	_ =	swait.ge [sflag:s5], $0x13880  }
0x34: {  	[sflag:s5] =	ssyncset.done $0x0  }
.Ltmp1:
0x35: {  	[sflag:s5] =	ssyncadd.s32 $0xFFFEC780;
	(pc) =	sbr.rel @p0 .LBB2_1-.Ltmp1, $4  }
0x36: {  	[bflag:$0x0] =	sbarrier.arrive $0xFFFF  }
0x37: {  	[hbm:s11], [sflag:s12] =	dma.local [spmem:s13], $0x271  }
0x38: {  	_ =	swait.ge [sflag:s5], $0x271  }
0x39: {  	[sflag:s5] =	ssyncset.done $0x0  }
.LBB2_2:
0x3a: {  	[sflag:s5] =	ssyncadd.s32 $0xFFFFFD8F  }
0x3b: {  	_ =	sfence.sel $0x180000  }
0x3c: {  	[bflag:$0x0] =	sbarrier.arrive $0xFFFF  }
0x3d: {  	p0 =	sne.s32 s0, $0x0;
	_ =	strace $0x90000050  }
0x3e: {  	s0 =	sadd.s32 @!p0 $0x100000, s1;
	[bflag:$0x2] =	sbarrier.arrive $0xFFFF  }
0x3f: {  	[sflag:s0] =	ssyncadd.tile.s32 @!p0 $0x1;
	_ =	shalt  }
.Lfunc_end2:
_tile_overlayer_lowered:
.L_overlay_start_2:
0x40: {  	(tag) =	ssettag $0x2  }
0x41: {  	s0 =	rddreg [dreg:$0x0];
	s2 =	stileid.u32  }
0x42: {  	s1 =	rddreg [dreg:$0x1];
	p0 =	sne.s32 s2, $0x0  }
0x43: {  	s3 =	rddreg [dreg:$0x2];
	[bflag:$0x3] =	sbarrier.arrive $0xFFFF;
	s2 =	simm.s32 @!p0 $0x1C01  }
0x44: {  	[timem:s3], [sflag:s2] =	dma.local @!p0 [hbm:s0], s1  }
0x45: {  	s0 =	simm.s32 @!p0 $0x1  }
0x46: {  	_ =	swait.ge @!p0 [sflag:s0], s1  }
0x47: {  	s1 =	ssub.s32 @!p0 $0x0, s1;
	[sflag:s0] =	ssyncset.done @!p0 $0x0  }
0x48: {  	[sflag:s0] =	ssyncadd.s32 @!p0 s1  }
0x49: {  	[bflag:$0x3] =	sbarrier.arrive $0xFFFF  }
0x4a: {  	_ =	shalt  }

// kernel: kernel.41.cloned.1.call-start
scs
__scs_entry_jumppad:
0x0: {  	(pc) =	sbr.rel $0x88, $3  }
0x1: {  	(tag) =	ssettag $0x0;
	lr =	simm.s32 $0x1  }
0x2: {  	[smem:$0x3F60] =	sst lr;
	_ =	strace $0xD0000000  }
0x3: {  	_ = 	snop  }
0x4: {  	_ = 	snop  }
0x5: {  	_ = 	snop  }
0x6: {  	_ = 	snop  }
0x7: {  	_ = 	snop  }
__scs_overlays_trampoline_lowered:
0x8: {  	[smem:$0x3F6F] =	sst s0  }
0x9: {  	[smem:$0x3F70] =	sst s1  }
0xa: {  	[smem:$0x3F71] =	sst s2  }
0xb: {  	[smem:$0x3F72] =	sst s3  }
0xc: {  	[smem:$0x3F73] =	sst s4  }
0xd: {  	[smem:$0x3F74] =	sst s5  }
0xe: {  	[smem:$0x3F75] =	sst s6  }
0xf: {  	[smem:$0x3F76] =	sst s7  }
0x10: {  	[smem:$0x3F77] =	sst s8  }
0x11: {  	[smem:$0x3F78] =	sst s9;
	s0 =	simm.s32 @!p0 $0x0  }
0x12: {  	s1 =	sld [smem:$0x3F5E];
	s0 =	simm.s32 @p0 $0x1  }
0x13: {  	[smem:$0x3F79] =	sst s0;
	s0 =	simm.s32 @!p1 $0x0  }
0x14: {  	s2 =	sld [smem:$0x3F5D];
	s0 =	simm.s32 @p1 $0x1  }
0x15: {  	[smem:$0x3F7A] =	sst s0;
	s0 =	simm.s32 @!p2 $0x0  }
0x16: {  	s3 =	sld [smem:$0x3FDB];
	s0 =	simm.s32 @p2 $0x1  }
0x17: {  	s4 =	simm.s32 $0x1BF5;
	[smem:$0x3F7C] =	sst s0  }
0x18: {  	s0 =	sld [smem:$0x3F5F];
	_ =	swait.ge [sflag:s4], $0x0  }
0x19: {  	s7 =	sld [smem:$0x3F60]  }
0x1a: {  	s8 =	sadd.s32 $0xFFFFE003, lr  }
0x1b: {  	s9 =	sadd.s32 $0xFFFFFEF7, lr;
	s5 =	simm.s32 $0xFFFFFFFF;
	p2 =	slt.u32 s8, $0xFFFFF086  }
0x1c: {  	p1 =	slt.u32 s9, $0xF7A;
	s5 =	simm.s32 @!p2 $0x0  }
0x1d: {  	s5 =	simm.s32 @p1 $0x1;
	p0 =	seq.s32 s7, s2  }
0x1e: {  	s7 =	smul.u32 @!p0 $0xF7A, s2;
	p2 =	seq.s32 @!p0 s5, $0x0  }
0x1f: {  	s9 =	smul.u32 $0xF7A, s1;
	s8 =	simm.s32 @!p0 $0x1BF5;
	p2 =	por !p2, p0  }
0x20: {  	[sflag:s8] =	ssyncset.s32 @!p0 $0xFFFFF086;
	s6 =	sadd.s32 @!p0 s3, s7;
	s7 =	simm.s32 @!p0 $0x108  }
0x21: {  	s3 =	sadd.s32 s3, s9;
	s6 =	sadd.s32 @!p0 $0x88, s6;
	s7 =	simm.s32 @p2 $0x1082  }
0x22: {  	[simem:s7], [sflag:s8] =	dma.local @!p0 [hbm:s6], $0xF7A  }
0x23: {  	s9 =	sor.u32 $0xD0000000, s2;
	s6 =	simm.s32 $0x108;
	_ =	swait.ge @!p0 [sflag:s8], $0x0  }
0x24: {  	s3 =	sadd.s32 $0x88, s3;
	s6 =	simm.s32 @!p1 $0x1082;
	[sflag:s4] =	ssyncset.s32 $0xFFFFF086  }
0x25: {  	[simem:s6], [sflag:s4] =	dma.local [hbm:s3], $0xF7A  }
0x26: {  	[smem:$0x3F60] =	sst s1;
	(tag) =	ssettag s2;
	_ =	strace s9  }
0x27: {  	s1 =	sld [smem:$0x3F70]  }
0x28: {  	s2 =	sld [smem:$0x3F71]  }
0x29: {  	s4 =	sld [smem:$0x3F73]  }
0x2a: {  	p0 =	seq.s32 s5, $0x0;
	s5 =	sld [smem:$0x3F74]  }
0x2b: {  	s6 =	sld [smem:$0x3F75]  }
0x2c: {  	s7 =	sld [smem:$0x3F76]  }
0x2d: {  	s3 =	simm.s32 $0x108;
	s8 =	sld [smem:$0x3F77]  }
0x2e: {  	s3 =	simm.s32 @!p0 $0x1082;
	s9 =	sld [smem:$0x3F78]  }
0x2f: {  	lr =	sadd.s32 s0, s3;
	s0 =	sld [smem:$0x3F6F]  }
0x30: {  	s3 =	sld [smem:$0x3F72]  }
0x31: {  	[smem:$0x3F7B] =	sst s10  }
0x32: {  	s10 =	sld [smem:$0x3F79];
	_ =	sdelay $0x3  }
0x33: {  	p0 =	seq.s32 s10, $0x1;
	s10 =	sld [smem:$0x3F7B];
	_ =	sdelay $0x3  }
0x34: {  	[smem:$0x3F7B] =	sst s10  }
0x35: {  	s10 =	sld [smem:$0x3F7A];
	_ =	sdelay $0x3  }
0x36: {  	p1 =	seq.s32 s10, $0x1;
	s10 =	sld [smem:$0x3F7B];
	_ =	sdelay $0x3  }
0x37: {  	[smem:$0x3F7B] =	sst s10  }
0x38: {  	s10 =	sld [smem:$0x3F7C]  }
0x39: {  	_ = 	snop;
	(pc) =	sbr.ind lr, $3  }
0x3a: {  	_ = 	snop  }
0x3b: {  	_ = 	snop  }
0x3c: {  	p2 =	seq.s32 s10, $0x1;
	s10 =	sld [smem:$0x3F7B]  }
0x3d: {  	_ =	shalt  }
0x3e: {  	_ =	shalt  }
0x3f: {  	_ =	shalt  }
0x40: {  	_ =	shalt  }
0x41: {  	_ =	shalt  }
0x42: {  	_ =	shalt  }
0x43: {  	_ =	shalt  }
0x44: {  	_ =	shalt  }
0x45: {  	_ =	shalt  }
0x46: {  	_ =	shalt  }
0x47: {  	_ =	shalt  }
0x48: {  	_ =	shalt  }
0x49: {  	_ =	shalt  }
0x4a: {  	_ =	shalt  }
0x4b: {  	_ =	shalt  }
0x4c: {  	_ =	shalt  }
0x4d: {  	_ =	shalt  }
0x4e: {  	_ =	shalt  }
0x4f: {  	_ =	shalt  }
0x50: {  	_ =	shalt  }
0x51: {  	_ =	shalt  }
0x52: {  	_ =	shalt  }
0x53: {  	_ =	shalt  }
0x54: {  	_ =	shalt  }
0x55: {  	_ =	shalt  }
0x56: {  	_ =	shalt  }
0x57: {  	_ =	shalt  }
0x58: {  	_ =	shalt  }
0x59: {  	_ =	shalt  }
0x5a: {  	_ =	shalt  }
0x5b: {  	_ =	shalt  }
0x5c: {  	_ =	shalt  }
0x5d: {  	_ =	shalt  }
0x5e: {  	_ =	shalt  }
0x5f: {  	_ =	shalt  }
0x60: {  	_ =	shalt  }
0x61: {  	_ =	shalt  }
0x62: {  	_ =	shalt  }
0x63: {  	_ =	shalt  }
0x64: {  	_ =	shalt  }
0x65: {  	_ =	shalt  }
0x66: {  	_ =	shalt  }
0x67: {  	_ =	shalt  }
0x68: {  	_ =	shalt  }
0x69: {  	_ =	shalt  }
0x6a: {  	_ =	shalt  }
0x6b: {  	_ =	shalt  }
0x6c: {  	_ =	shalt  }
0x6d: {  	_ =	shalt  }
0x6e: {  	_ =	shalt  }
0x6f: {  	_ =	shalt  }
0x70: {  	_ =	shalt  }
0x71: {  	_ =	shalt  }
0x72: {  	_ =	shalt  }
0x73: {  	_ =	shalt  }
0x74: {  	_ =	shalt  }
0x75: {  	_ =	shalt  }
0x76: {  	_ =	shalt  }
0x77: {  	_ =	shalt  }
0x78: {  	_ =	shalt  }
0x79: {  	_ =	shalt  }
0x7a: {  	_ =	shalt  }
0x7b: {  	_ =	shalt  }
0x7c: {  	_ =	shalt  }
0x7d: {  	_ =	shalt  }
0x7e: {  	_ =	shalt  }
0x7f: {  	_ =	shalt  }
0x80: {  	_ =	shalt  }
0x81: {  	_ =	shalt  }
0x82: {  	_ =	shalt  }
0x83: {  	_ =	shalt  }
0x84: {  	_ =	shalt  }
0x85: {  	_ =	shalt  }
0x86: {  	_ =	shalt  }
0x87: {  	_ =	shalt  }
.Lfunc_end0:
.L_simem_size_0:
called_computation.4_lowered:
.L_overlay_start_0:
0x88: {  	s2 =	sld [smem:$0x3FD9]  }
0x89: {  	s3 =	sld [smem:$0x3FFE];
	_ =	sdelay $0x1  }
0x8a: {  	s1 =	srdreg.scid  }
0x8b: {  	s0 =	sand.u32 $0x1, s1  }
0x8c: {  	s16 =	sshll.u32 s0, $0xA;
	s2 =	sadd.s32 s3, s2  }
0x8d: {  	s2 =	sadd.s32 s2, s16  }
0x8e: {  	[smem:$0x3F87] =	sst s2  }
0x8f: {  	_ = 	snop  }
0x90: {  	(tm) =	ssettm $0x1  }
0x91: {  	s17 =	sld [smem:$0x3FFB];
	_ =	sdelay $0x3  }
0x92: {  	_ =	strace s17  }
0x93: {  	s2 =	sld [smem:$0x3FFC];
	_ =	sdelay $0x3  }
0x94: {  	_ =	strace s2  }
0x95: {  	s2 =	sld [smem:$0x3FFD];
	_ =	sdelay $0x3  }
0x96: {  	_ =	strace s2  }
0x97: {  	_ =	strace $0x8FFFFFFF  }
0x98: {  	s18 =	sld [smem:$0x3FDB];
	_ =	sdelay $0x1  }
0x99: {  	s19 =	simm.s32 $_scs_section_size  }
0x9a: {  	s4 =	simm.s32 $_size__tile_overlayer_lowered;
	s5 =	simm.s32 $_tile_overlayer_lowered  }
0x9b: {  	s22 =	simm.s32 $0x1BFF;
	s21 =	sshll.u32 s5, $0x1;
	s2 =	sadd.s32 s19, s18  }
0x9c: {  	s6 =	simm.s32 $0x0;
	s20 =	sshll.u32 s4, $0x1;
	s4 =	sadd.s32 s21, s2  }
0x9d: {  	[timem:s6], [sflag:s22] =	dma.local [hbm:s4], s20  }
0x9e: {  	_ =	swait.ge [sflag:s22], s20  }
0x9f: {  	s3 =	ssub.s32 $0x0, s20;
	[sflag:s22] =	ssyncset.done $0x0  }
0xa0: {  	[sflag:s22] =	ssyncadd.s32 s3;
	_ =	sdelay $0x1  }
0xa1: {  	s23 =	simm.s32 $0x1B8B  }
0xa2: {  	_ =	swait.ge [sflag:s23], $0x1  }
0xa3: {  	[sflag:s23] =	ssyncset.done $0x0  }
0xa4: {  	s25 =	simm.s32 $0x1B8E;
	s24 =	sld [smem:$0x3FFE];
	[sflag:s23] =	ssyncadd.s32 $0xFFFFFFFF  }
0xa5: {  	s26 =	simm.s32 $execute0_lowered;
	[smem:$0x3FD2] =	sst s25  }
0xa6: {  	s4 =	sshll.u32 s26, $0x1;
	_ =	strace $0x80000052;
	[dreg:$0x1] =	wrdreg $0xFFFFFFFF  }
0xa7: {  	s28 =	simm.s32 $_size_execute0_lowered;
	s2 =	sadd.s32 s2, s4;
	[dreg:$0x0] =	wrdreg $0x0  }
0xa8: {  	s4 =	sshll.u32 s28, $0x1;
	[dreg:$0x2] =	wrdreg s2  }
0xa9: {  	[dreg:$0x3] =	wrdreg s4  }
0xaa: {  	[dreg:$0x4] =	wrdreg $0xC0  }
0xab: {  	_ =	task [dreg:s6], $0x5FFFF  }
0xac: {  	[dreg:$0x1] =	wrdreg $0xFFFFFFFF  }
0xad: {  	[dreg:$0x0] =	wrdreg $0x60  }
0xae: {  	[dreg:$0x2] =	wrdreg s24  }
0xaf: {  	[dreg:$0x3] =	wrdreg $0x173180  }
0xb0: {  	[dreg:$0x4] =	wrdreg $0x9  }
0xb1: {  	_ =	task.clear_ibuf [dreg:s6], $0x5FFFF;
	_ =	strace $0x90000052  }
0xb2: {  	s29 =	simm.s32 $0x9;
	_ =	strace $0x80000054  }
0xb3: {  	_ =	swait.ge [sflag:s29], $0x1  }
0xb4: {  	[sflag:s29] =	ssyncadd.s32 $0xFFFFFFFF  }
0xb5: {  	_ =	strace $0x90000054  }
0xb6: {  	_ =	sfence  }
0xb7: {  	s30 =	sld [smem:$0x0];
	_ =	sdelay $0x2  }
0xb8: {  	s31 =	sshll.u32 s1, $0xD;
	s1 =	sshrl.u32 s1, $0x2  }
0xb9: {  	s3 =	sand.u32 $0x4000, s31;
	s1 =	sadd.s32 s1, s30  }
0xba: {  	s0 =	sor.u32 s3, s0;
	s1 =	sshll.u32 s1, $0x11  }
0xbb: {  	s0 =	sor.u32 s1, s0  }
0xbc: {  	s0 =	sadd.s32 $0x8F2B, s0  }
0xbd: {  	[sflag:s0] =	ssyncadd.remote.s32 $0x1  }
0xbe: {  	_ =	sfence.sel $0xFFFF  }
0xbf: {  	[dreg:$0x0] =	wrdreg $0xFFFFFFFF;
	(pc) =	sbr.abs _section_cstart, $3  }
0xc0: {  	[dreg:$0x1] =	wrdreg $0xFFFFFFFF  }
0xc1: {  	_ =	task.clear_ibuf [dreg:s6], $0x2FFFF;
	_ =	strace $0x9FFFFFFF  }
0xc2: {  	(tm) =	ssettm $0x7FFFFFFF  }
0xc3: {  	_ =	shalt  }
tec
execute0_lowered:
.L_overlay_start_1:
0x0: {  	(tag) =	ssettag $0x1  }
0x1: {  	s11 =	rddreg [dreg:$0x0];
	s0 =	stileid.u32  }
0x2: {  	s2 =	rddreg [dreg:$0x1];
	s7 =	smul.u32 $0x1388, s0  }
0x3: {  	s1 =	rddreg [dreg:$0x2]  }
0x4: {  	s3 =	simm.s32 $0x0;
	s8 =	srdreg.scid;
	s4 =	sshrl.u32 s7, $0x3  }
0x5: {  	s6 =	simm.s32 $0x15F90;
	[smem:$0x7FF] =	sst s3;
	s4 =	sadd.s32 s4, s11  }
0x6: {  	s5 =	simm.s32 $0x2;
	_ =	strace $0x80000053;
	s4 =	sadd.s32 $0x28E00, s4  }
0x7: {  	[tilespmem:s6], [sflag:$0x2] =	stream.linear.gather [hbm4b:s4+s3], $0x1388, $0x38;
	[tilespmem:$0x186A0] =	vst v63  }
0x8: {  	s13 =	sand.u32 $0x1, s8;
	s30 =	sshll.u32 s0, $0x1;
	_ =	swait.ge [sflag:s5], $0x1388  }
0x9: {  	s8 =	sor.u32 s13, s30;
	[sflag:s5] =	ssyncset.done $0x0  }
0xa: {  	s12 =	smul.u32 $0x2710, s8;
	s7 =	sadd.s32 s7, s2;
	[sflag:s5] =	ssyncadd.s32 $0xFFFFEC78  }
0xb: {  	[spmem:s7] =	stream.linear.scatter [tilespmem:s6], [sflag:$0x2], $0x1388, $0x38;
	[tilespmem:$0x186A0] =	vst v63  }
0xc: {  	_ =	swait.ge [sflag:s5], $0x1388  }
0xd: {  	s8 =	sshrl.u32 s12, $0x3;
	[sflag:s5] =	ssyncset.done $0x0  }
0xe: {  	s14 =	sadd.s32 s8, s11;
	[sflag:s5] =	ssyncadd.s32 $0xFFFFEC78  }
0xf: {  	s8 =	sadd.s32 $0x1F040, s14;
	[bflag:$0x0] =	sbarrier.arrive $0xFFFF  }
0x10: {  	[tilespmem:s3], [sflag:$0x2] =	stream.linear.gather [hbm4b:s8+s3], $0x2710, $0x38;
	[tilespmem:$0x186A0] =	vst v63  }
0x11: {  	_ =	swait.ge [sflag:s5], $0x2710  }
0x12: {  	[sflag:s5] =	ssyncset.done $0x0  }
0x13: {  	s9 =	simm.s32 $0x2710;
	s10 =	simm.s32 $0x1;
	[sflag:s5] =	ssyncadd.s32 $0xFFFFD8F0  }
0x14: {  	[tilespmem:s9], [sflag:$0x1] =	stream.indirect.gather [spmem:s2], $0x8, s3, s9, $0xb8;
	[tilespmem:$0x186A0] =	vst v63  }
0x15: {  	_ =	swait.ge [sflag:s10], $0x13880  }
0x16: {  	s15 =	sadd.s32 s12, s11;
	[sflag:s10] =	ssyncset.done $0x0  }
0x17: {  	s11 =	sadd.s32 $0x295800, s15;
	[sflag:s10] =	ssyncadd.s32 $0xFFFEC780  }
0x18: {  	[hbm4b:s11+s3] =	stream.linear.scatter [tilespmem:s9], [sflag:$0x2], $0x13880, $0x38;
	[tilespmem:$0x186A0] =	vst v63  }
0x19: {  	_ =	swait.ge [sflag:s5], $0x13880  }
0x1a: {  	[sflag:s5] =	ssyncset.done $0x0  }
0x1b: {  	s13 =	ssub.s32 $0x2, s13;
	s12 =	sadd.s32 $0x15400, s14;
	[sflag:s5] =	ssyncadd.s32 $0xFFFEC780  }
0x1c: {  	[tilespmem:s3], [sflag:$0x2] =	stream.linear.gather [hbm4b:s12+s3], $0x2710, $0x38;
	[tilespmem:$0x186A0] =	vst v63  }
0x1d: {  	s31 =	sshrl.u32 s13, $0x1;
	_ =	swait.ge [sflag:s5], $0x2710  }
0x1e: {  	s14 =	ssub.s32 s13, s31;
	[sflag:s5] =	ssyncset.done $0x0  }
0x1f: {  	s14 =	smax.u32 s14, $0x1;
	[sflag:s5] =	ssyncadd.s32 $0xFFFFD8F0  }
0x20: {  	[tilespmem:s9], [sflag:$0x1] =	stream.indirect.gather [spmem:s2], $0x8, s3, s9, $0xb8;
	[tilespmem:$0x186A0] =	vst v63  }
0x21: {  	p0 =	sne.s32 s14, $0x1;
	_ =	swait.ge [sflag:s10], $0x13880  }
.Ltmp0:
0x22: {  	[sflag:s10] =	ssyncset.done $0x0;
	(pc) =	sbr.rel @!p0 .LBB2_2-.Ltmp0, $4  }
0x23: {  	s13 =	sadd.s32 $0x2E3A00, s15;
	[sflag:s10] =	ssyncadd.s32 $0xFFFEC780  }
0x24: {  	[hbm4b:s13+s3] =	stream.linear.scatter [tilespmem:s9], [sflag:$0x2], $0x13880, $0x38;
	[tilespmem:$0x186A0] =	vst v63  }
0x25: {  	_ =	swait.ge [sflag:s5], $0x13880  }
0x26: {  	s14 =	sadd.s32 $0xFFFFFFFF, s14;
	[sflag:s5] =	ssyncset.done $0x0  }
.LBB2_1:
0x27: {  	p0 =	sne.s32 s14, $0x1;
	s14 =	sadd.s32 $0xFFFFFFFF, s14;
	[sflag:s5] =	ssyncadd.s32 $0xFFFEC780  }
0x28: {  	[tilespmem:s6], [sflag:$0x2] =	stream.linear.gather [hbm4b:s4+s3], $0x1388, $0x38;
	[tilespmem:$0x186A0] =	vst v63  }
0x29: {  	_ =	swait.ge [sflag:s5], $0x1388  }
0x2a: {  	[sflag:s5] =	ssyncset.done $0x0  }
0x2b: {  	[sflag:s5] =	ssyncadd.s32 $0xFFFFEC78  }
0x2c: {  	[spmem:s7] =	stream.linear.scatter [tilespmem:s6], [sflag:$0x2], $0x1388, $0x38;
	[tilespmem:$0x186A0] =	vst v63  }
0x2d: {  	_ =	swait.ge [sflag:s5], $0x1388  }
0x2e: {  	[sflag:s5] =	ssyncset.done $0x0  }
0x2f: {  	[sflag:s5] =	ssyncadd.s32 $0xFFFFEC78  }
0x30: {  	[bflag:$0x0] =	sbarrier.arrive $0xFFFF  }
0x31: {  	[tilespmem:s3], [sflag:$0x2] =	stream.linear.gather [hbm4b:s8+s3], $0x2710, $0x38;
	[tilespmem:$0x186A0] =	vst v63  }
0x32: {  	_ =	swait.ge [sflag:s5], $0x2710  }
0x33: {  	[sflag:s5] =	ssyncset.done $0x0  }
0x34: {  	[sflag:s5] =	ssyncadd.s32 $0xFFFFD8F0  }
0x35: {  	[tilespmem:s9], [sflag:$0x1] =	stream.indirect.gather [spmem:s2], $0x8, s3, s9, $0xb8;
	[tilespmem:$0x186A0] =	vst v63  }
0x36: {  	_ =	swait.ge [sflag:s10], $0x13880  }
0x37: {  	[sflag:s10] =	ssyncset.done $0x0  }
0x38: {  	[sflag:s10] =	ssyncadd.s32 $0xFFFEC780  }
0x39: {  	[hbm4b:s11+s3] =	stream.linear.scatter [tilespmem:s9], [sflag:$0x2], $0x13880, $0x38;
	[tilespmem:$0x186A0] =	vst v63  }
0x3a: {  	_ =	swait.ge [sflag:s5], $0x13880  }
0x3b: {  	[sflag:s5] =	ssyncset.done $0x0  }
0x3c: {  	[sflag:s5] =	ssyncadd.s32 $0xFFFEC780  }
0x3d: {  	[tilespmem:s3], [sflag:$0x2] =	stream.linear.gather [hbm4b:s12+s3], $0x2710, $0x38;
	[tilespmem:$0x186A0] =	vst v63  }
0x3e: {  	_ =	swait.ge [sflag:s5], $0x2710  }
0x3f: {  	[sflag:s5] =	ssyncset.done $0x0  }
0x40: {  	[sflag:s5] =	ssyncadd.s32 $0xFFFFD8F0  }
0x41: {  	[tilespmem:s9], [sflag:$0x1] =	stream.indirect.gather [spmem:s2], $0x8, s3, s9, $0xb8;
	[tilespmem:$0x186A0] =	vst v63  }
0x42: {  	_ =	swait.ge [sflag:s10], $0x13880  }
.Ltmp1:
0x43: {  	[sflag:s10] =	ssyncset.done $0x0;
	(pc) =	sbr.rel @p0 .LBB2_1-.Ltmp1, $4  }
0x44: {  	[sflag:s10] =	ssyncadd.s32 $0xFFFEC780  }
0x45: {  	[hbm4b:s13+s3] =	stream.linear.scatter [tilespmem:s9], [sflag:$0x2], $0x13880, $0x38;
	[tilespmem:$0x186A0] =	vst v63  }
0x46: {  	_ =	swait.ge [sflag:s5], $0x13880  }
0x47: {  	[sflag:s5] =	ssyncset.done $0x0  }
.LBB2_2:
0x48: {  	[sflag:s5] =	ssyncadd.s32 $0xFFFEC780  }
0x49: {  	_ =	sfence.sel $0x180000  }
0x4a: {  	[bflag:$0x0] =	sbarrier.arrive $0xFFFF  }
0x4b: {  	p0 =	sne.s32 s0, $0x0;
	_ =	strace $0x90000053  }
0x4c: {  	s0 =	sadd.s32 @!p0 $0x100000, s1;
	[bflag:$0x2] =	sbarrier.arrive $0xFFFF  }
0x4d: {  	[sflag:s0] =	ssyncadd.tile.s32 @!p0 $0x1;
	_ =	shalt  }
.Lfunc_end2:
_tile_overlayer_lowered:
.L_overlay_start_2:
0x4e: {  	(tag) =	ssettag $0x2  }
0x4f: {  	s0 =	rddreg [dreg:$0x0];
	s2 =	stileid.u32  }
0x50: {  	s1 =	rddreg [dreg:$0x1];
	p0 =	sne.s32 s2, $0x0  }
0x51: {  	s3 =	rddreg [dreg:$0x2];
	[bflag:$0x3] =	sbarrier.arrive $0xFFFF;
	s2 =	simm.s32 @!p0 $0x1C02  }
0x52: {  	[timem:s3], [sflag:s2] =	dma.local @!p0 [hbm:s0], s1  }
0x53: {  	s0 =	simm.s32 @!p0 $0x2  }
0x54: {  	_ =	swait.ge @!p0 [sflag:s0], s1  }
0x55: {  	s1 =	ssub.s32 @!p0 $0x0, s1;
	[sflag:s0] =	ssyncset.done @!p0 $0x0  }
0x56: {  	[sflag:s0] =	ssyncadd.s32 @!p0 s1  }
0x57: {  	[bflag:$0x3] =	sbarrier.arrive $0xFFFF  }
0x58: {  	_ =	shalt  }

// kernel: kernel.44.cloned.1.call-start
scs
__scs_entry_jumppad:
0x0: {  	(pc) =	sbr.rel $0x88, $3  }
0x1: {  	(tag) =	ssettag $0x0;
	lr =	simm.s32 $0x1  }
0x2: {  	[smem:$0x3F60] =	sst lr;
	_ =	strace $0xD0000000  }
0x3: {  	_ = 	snop  }
0x4: {  	_ = 	snop  }
0x5: {  	_ = 	snop  }
0x6: {  	_ = 	snop  }
0x7: {  	_ = 	snop  }
__scs_overlays_trampoline_lowered:
0x8: {  	[smem:$0x3F6F] =	sst s0  }
0x9: {  	[smem:$0x3F70] =	sst s1  }
0xa: {  	[smem:$0x3F71] =	sst s2  }
0xb: {  	[smem:$0x3F72] =	sst s3  }
0xc: {  	[smem:$0x3F73] =	sst s4  }
0xd: {  	[smem:$0x3F74] =	sst s5  }
0xe: {  	[smem:$0x3F75] =	sst s6  }
0xf: {  	[smem:$0x3F76] =	sst s7  }
0x10: {  	[smem:$0x3F77] =	sst s8  }
0x11: {  	[smem:$0x3F78] =	sst s9;
	s0 =	simm.s32 @!p0 $0x0  }
0x12: {  	s1 =	sld [smem:$0x3F5E];
	s0 =	simm.s32 @p0 $0x1  }
0x13: {  	[smem:$0x3F79] =	sst s0;
	s0 =	simm.s32 @!p1 $0x0  }
0x14: {  	s2 =	sld [smem:$0x3F5D];
	s0 =	simm.s32 @p1 $0x1  }
0x15: {  	[smem:$0x3F7A] =	sst s0;
	s0 =	simm.s32 @!p2 $0x0  }
0x16: {  	s3 =	sld [smem:$0x3FDB];
	s0 =	simm.s32 @p2 $0x1  }
0x17: {  	s4 =	simm.s32 $0x1BF5;
	[smem:$0x3F7C] =	sst s0  }
0x18: {  	s0 =	sld [smem:$0x3F5F];
	_ =	swait.ge [sflag:s4], $0x0  }
0x19: {  	s7 =	sld [smem:$0x3F60]  }
0x1a: {  	s8 =	sadd.s32 $0xFFFFE003, lr  }
0x1b: {  	s9 =	sadd.s32 $0xFFFFFEF7, lr;
	s5 =	simm.s32 $0xFFFFFFFF;
	p2 =	slt.u32 s8, $0xFFFFF086  }
0x1c: {  	p1 =	slt.u32 s9, $0xF7A;
	s5 =	simm.s32 @!p2 $0x0  }
0x1d: {  	s5 =	simm.s32 @p1 $0x1;
	p0 =	seq.s32 s7, s2  }
0x1e: {  	s7 =	smul.u32 @!p0 $0xF7A, s2;
	p2 =	seq.s32 @!p0 s5, $0x0  }
0x1f: {  	s9 =	smul.u32 $0xF7A, s1;
	s8 =	simm.s32 @!p0 $0x1BF5;
	p2 =	por !p2, p0  }
0x20: {  	[sflag:s8] =	ssyncset.s32 @!p0 $0xFFFFF086;
	s6 =	sadd.s32 @!p0 s3, s7;
	s7 =	simm.s32 @!p0 $0x108  }
0x21: {  	s3 =	sadd.s32 s3, s9;
	s6 =	sadd.s32 @!p0 $0x88, s6;
	s7 =	simm.s32 @p2 $0x1082  }
0x22: {  	[simem:s7], [sflag:s8] =	dma.local @!p0 [hbm:s6], $0xF7A  }
0x23: {  	s9 =	sor.u32 $0xD0000000, s2;
	s6 =	simm.s32 $0x108;
	_ =	swait.ge @!p0 [sflag:s8], $0x0  }
0x24: {  	s3 =	sadd.s32 $0x88, s3;
	s6 =	simm.s32 @!p1 $0x1082;
	[sflag:s4] =	ssyncset.s32 $0xFFFFF086  }
0x25: {  	[simem:s6], [sflag:s4] =	dma.local [hbm:s3], $0xF7A  }
0x26: {  	[smem:$0x3F60] =	sst s1;
	(tag) =	ssettag s2;
	_ =	strace s9  }
0x27: {  	s1 =	sld [smem:$0x3F70]  }
0x28: {  	s2 =	sld [smem:$0x3F71]  }
0x29: {  	s4 =	sld [smem:$0x3F73]  }
0x2a: {  	p0 =	seq.s32 s5, $0x0;
	s5 =	sld [smem:$0x3F74]  }
0x2b: {  	s6 =	sld [smem:$0x3F75]  }
0x2c: {  	s7 =	sld [smem:$0x3F76]  }
0x2d: {  	s3 =	simm.s32 $0x108;
	s8 =	sld [smem:$0x3F77]  }
0x2e: {  	s3 =	simm.s32 @!p0 $0x1082;
	s9 =	sld [smem:$0x3F78]  }
0x2f: {  	lr =	sadd.s32 s0, s3;
	s0 =	sld [smem:$0x3F6F]  }
0x30: {  	s3 =	sld [smem:$0x3F72]  }
0x31: {  	[smem:$0x3F7B] =	sst s10  }
0x32: {  	s10 =	sld [smem:$0x3F79];
	_ =	sdelay $0x3  }
0x33: {  	p0 =	seq.s32 s10, $0x1;
	s10 =	sld [smem:$0x3F7B];
	_ =	sdelay $0x3  }
0x34: {  	[smem:$0x3F7B] =	sst s10  }
0x35: {  	s10 =	sld [smem:$0x3F7A];
	_ =	sdelay $0x3  }
0x36: {  	p1 =	seq.s32 s10, $0x1;
	s10 =	sld [smem:$0x3F7B];
	_ =	sdelay $0x3  }
0x37: {  	[smem:$0x3F7B] =	sst s10  }
0x38: {  	s10 =	sld [smem:$0x3F7C]  }
0x39: {  	_ = 	snop;
	(pc) =	sbr.ind lr, $3  }
0x3a: {  	_ = 	snop  }
0x3b: {  	_ = 	snop  }
0x3c: {  	p2 =	seq.s32 s10, $0x1;
	s10 =	sld [smem:$0x3F7B]  }
0x3d: {  	_ =	shalt  }
0x3e: {  	_ =	shalt  }
0x3f: {  	_ =	shalt  }
0x40: {  	_ =	shalt  }
0x41: {  	_ =	shalt  }
0x42: {  	_ =	shalt  }
0x43: {  	_ =	shalt  }
0x44: {  	_ =	shalt  }
0x45: {  	_ =	shalt  }
0x46: {  	_ =	shalt  }
0x47: {  	_ =	shalt  }
0x48: {  	_ =	shalt  }
0x49: {  	_ =	shalt  }
0x4a: {  	_ =	shalt  }
0x4b: {  	_ =	shalt  }
0x4c: {  	_ =	shalt  }
0x4d: {  	_ =	shalt  }
0x4e: {  	_ =	shalt  }
0x4f: {  	_ =	shalt  }
0x50: {  	_ =	shalt  }
0x51: {  	_ =	shalt  }
0x52: {  	_ =	shalt  }
0x53: {  	_ =	shalt  }
0x54: {  	_ =	shalt  }
0x55: {  	_ =	shalt  }
0x56: {  	_ =	shalt  }
0x57: {  	_ =	shalt  }
0x58: {  	_ =	shalt  }
0x59: {  	_ =	shalt  }
0x5a: {  	_ =	shalt  }
0x5b: {  	_ =	shalt  }
0x5c: {  	_ =	shalt  }
0x5d: {  	_ =	shalt  }
0x5e: {  	_ =	shalt  }
0x5f: {  	_ =	shalt  }
0x60: {  	_ =	shalt  }
0x61: {  	_ =	shalt  }
0x62: {  	_ =	shalt  }
0x63: {  	_ =	shalt  }
0x64: {  	_ =	shalt  }
0x65: {  	_ =	shalt  }
0x66: {  	_ =	shalt  }
0x67: {  	_ =	shalt  }
0x68: {  	_ =	shalt  }
0x69: {  	_ =	shalt  }
0x6a: {  	_ =	shalt  }
0x6b: {  	_ =	shalt  }
0x6c: {  	_ =	shalt  }
0x6d: {  	_ =	shalt  }
0x6e: {  	_ =	shalt  }
0x6f: {  	_ =	shalt  }
0x70: {  	_ =	shalt  }
0x71: {  	_ =	shalt  }
0x72: {  	_ =	shalt  }
0x73: {  	_ =	shalt  }
0x74: {  	_ =	shalt  }
0x75: {  	_ =	shalt  }
0x76: {  	_ =	shalt  }
0x77: {  	_ =	shalt  }
0x78: {  	_ =	shalt  }
0x79: {  	_ =	shalt  }
0x7a: {  	_ =	shalt  }
0x7b: {  	_ =	shalt  }
0x7c: {  	_ =	shalt  }
0x7d: {  	_ =	shalt  }
0x7e: {  	_ =	shalt  }
0x7f: {  	_ =	shalt  }
0x80: {  	_ =	shalt  }
0x81: {  	_ =	shalt  }
0x82: {  	_ =	shalt  }
0x83: {  	_ =	shalt  }
0x84: {  	_ =	shalt  }
0x85: {  	_ =	shalt  }
0x86: {  	_ =	shalt  }
0x87: {  	_ =	shalt  }
.Lfunc_end0:
.L_simem_size_0:
called_computation.5_lowered:
.L_overlay_start_0:
0x88: {  	s2 =	sld [smem:$0x3FD9]  }
0x89: {  	s3 =	sld [smem:$0x3FFE];
	_ =	sdelay $0x1  }
0x8a: {  	s1 =	srdreg.scid  }
0x8b: {  	s0 =	sand.u32 $0x1, s1  }
0x8c: {  	s16 =	sshll.u32 s0, $0xA;
	s2 =	sadd.s32 s3, s2  }
0x8d: {  	s2 =	sadd.s32 s2, s16  }
0x8e: {  	[smem:$0x3F87] =	sst s2  }
0x8f: {  	_ = 	snop  }
0x90: {  	(tm) =	ssettm $0x1  }
0x91: {  	s17 =	sld [smem:$0x3FFB];
	_ =	sdelay $0x3  }
0x92: {  	_ =	strace s17  }
0x93: {  	s2 =	sld [smem:$0x3FFC];
	_ =	sdelay $0x3  }
0x94: {  	_ =	strace s2  }
0x95: {  	s2 =	sld [smem:$0x3FFD];
	_ =	sdelay $0x3  }
0x96: {  	_ =	strace s2  }
0x97: {  	_ =	strace $0x8FFFFFFF  }
0x98: {  	s18 =	sld [smem:$0x3FDB];
	_ =	sdelay $0x1  }
0x99: {  	s19 =	simm.s32 $_scs_section_size  }
0x9a: {  	s4 =	simm.s32 $_size__tile_overlayer_lowered;
	s5 =	simm.s32 $_tile_overlayer_lowered  }
0x9b: {  	s22 =	simm.s32 $0x1BFF;
	s21 =	sshll.u32 s5, $0x1;
	s2 =	sadd.s32 s19, s18  }
0x9c: {  	s6 =	simm.s32 $0x0;
	s20 =	sshll.u32 s4, $0x1;
	s4 =	sadd.s32 s21, s2  }
0x9d: {  	[timem:s6], [sflag:s22] =	dma.local [hbm:s4], s20  }
0x9e: {  	_ =	swait.ge [sflag:s22], s20  }
0x9f: {  	s3 =	ssub.s32 $0x0, s20;
	[sflag:s22] =	ssyncset.done $0x0  }
0xa0: {  	[sflag:s22] =	ssyncadd.s32 s3;
	_ =	sdelay $0x1  }
0xa1: {  	s23 =	simm.s32 $0x1B8B  }
0xa2: {  	_ =	swait.ge [sflag:s23], $0x1  }
0xa3: {  	[sflag:s23] =	ssyncset.done $0x0  }
0xa4: {  	s25 =	simm.s32 $0x1B8E;
	s24 =	sld [smem:$0x3FFE];
	[sflag:s23] =	ssyncadd.s32 $0xFFFFFFFF  }
0xa5: {  	s26 =	simm.s32 $execute0_lowered;
	[smem:$0x3FD2] =	sst s25  }
0xa6: {  	s4 =	sshll.u32 s26, $0x1;
	_ =	strace $0x80000055;
	[dreg:$0x1] =	wrdreg $0xFFFFFFFF  }
0xa7: {  	s28 =	simm.s32 $_size_execute0_lowered;
	s2 =	sadd.s32 s2, s4;
	[dreg:$0x0] =	wrdreg $0x0  }
0xa8: {  	s4 =	sshll.u32 s28, $0x1;
	[dreg:$0x2] =	wrdreg s2  }
0xa9: {  	[dreg:$0x3] =	wrdreg s4  }
0xaa: {  	[dreg:$0x4] =	wrdreg $0xC0  }
0xab: {  	_ =	task [dreg:s6], $0x5FFFF  }
0xac: {  	[dreg:$0x1] =	wrdreg $0xFFFFFFFF  }
0xad: {  	[dreg:$0x0] =	wrdreg $0x60  }
0xae: {  	[dreg:$0x2] =	wrdreg s24  }
0xaf: {  	[dreg:$0x3] =	wrdreg $0x173180  }
0xb0: {  	[dreg:$0x4] =	wrdreg $0x9  }
0xb1: {  	_ =	task.clear_ibuf [dreg:s6], $0x5FFFF;
	_ =	strace $0x90000055  }
0xb2: {  	s29 =	simm.s32 $0x9;
	_ =	strace $0x80000057  }
0xb3: {  	_ =	swait.ge [sflag:s29], $0x1  }
0xb4: {  	[sflag:s29] =	ssyncadd.s32 $0xFFFFFFFF  }
0xb5: {  	_ =	strace $0x90000057  }
0xb6: {  	_ =	sfence  }
0xb7: {  	s30 =	sld [smem:$0x0];
	_ =	sdelay $0x2  }
0xb8: {  	s31 =	sshll.u32 s1, $0xD;
	s1 =	sshrl.u32 s1, $0x2  }
0xb9: {  	s3 =	sand.u32 $0x4000, s31;
	s1 =	sadd.s32 s1, s30  }
0xba: {  	s0 =	sor.u32 s3, s0;
	s1 =	sshll.u32 s1, $0x11  }
0xbb: {  	s0 =	sor.u32 s1, s0  }
0xbc: {  	s0 =	sadd.s32 $0x8F2B, s0  }
0xbd: {  	[sflag:s0] =	ssyncadd.remote.s32 $0x1  }
0xbe: {  	_ =	sfence.sel $0xFFFF  }
0xbf: {  	[dreg:$0x0] =	wrdreg $0xFFFFFFFF;
	(pc) =	sbr.abs _section_cstart, $3  }
0xc0: {  	[dreg:$0x1] =	wrdreg $0xFFFFFFFF  }
0xc1: {  	_ =	task.clear_ibuf [dreg:s6], $0x2FFFF;
	_ =	strace $0x9FFFFFFF  }
0xc2: {  	(tm) =	ssettm $0x7FFFFFFF  }
0xc3: {  	_ =	shalt  }
tec
execute0_lowered:
.L_overlay_start_1:
0x0: {  	(tag) =	ssettag $0x1  }
0x1: {  	s11 =	rddreg [dreg:$0x0];
	s0 =	stileid.u32  }
0x2: {  	s2 =	rddreg [dreg:$0x1];
	s12 =	smul.u32 $0x1388, s0  }
0x3: {  	s1 =	rddreg [dreg:$0x2]  }
0x4: {  	s3 =	simm.s32 $0x0;
	s7 =	srdreg.scid;
	s4 =	sshrl.u32 s12, $0x3  }
0x5: {  	s6 =	simm.s32 $0x15F90;
	[smem:$0x7FF] =	sst s3;
	s4 =	sadd.s32 s4, s11  }
0x6: {  	s5 =	simm.s32 $0x1;
	_ =	strace $0x80000056;
	s4 =	sadd.s32 $0x79800, s4  }
0x7: {  	[tilespmem:s6], [sflag:$0x1] =	stream.linear.gather [hbm4b:s4+s3], $0x1388, $0x38;
	[tilespmem:$0x186A0] =	vst v63  }
0x8: {  	s13 =	sand.u32 $0x1, s7;
	s28 =	sshll.u32 s0, $0x1;
	_ =	swait.ge [sflag:s5], $0x1388  }
0x9: {  	s7 =	sor.u32 s13, s28;
	[sflag:s5] =	ssyncset.done $0x0  }
0xa: {  	s9 =	smul.u32 $0x2710, s7;
	s7 =	sadd.s32 s12, s2;
	[sflag:s5] =	ssyncadd.s32 $0xFFFFEC78  }
0xb: {  	[spmem:s7] =	stream.linear.scatter [tilespmem:s6], [sflag:$0x1], $0x1388, $0x38;
	[tilespmem:$0x186A0] =	vst v63  }
0xc: {  	_ =	swait.ge [sflag:s5], $0x1388  }
0xd: {  	s8 =	sshrl.u32 s9, $0x3;
	[sflag:s5] =	ssyncset.done $0x0  }
0xe: {  	s8 =	sadd.s32 s11, s8;
	[sflag:s5] =	ssyncadd.s32 $0xFFFFEC78  }
0xf: {  	s8 =	sadd.s32 $0x1F040, s8;
	[bflag:$0x0] =	sbarrier.arrive $0xFFFF  }
0x10: {  	[tilespmem:s3], [sflag:$0x1] =	stream.linear.gather [hbm4b:s8+s3], $0x2710, $0x38;
	[tilespmem:$0x186A0] =	vst v63  }
0x11: {  	_ =	swait.ge [sflag:s5], $0x2710  }
0x12: {  	s10 =	simm.s32 $0x2710;
	s9 =	sadd.s32 s9, s11;
	[sflag:s5] =	ssyncset.done $0x0  }
0x13: {  	s14 =	smul.u32 $0x13880, s13;
	s9 =	sadd.s32 $0x295800, s9;
	[sflag:s5] =	ssyncadd.s32 $0xFFFFD8F0  }
0x14: {  	[tilespmem:s10], [sflag:$0x1] =	stream.linear.gather [hbm4b:s9+s3], $0x13880, $0x38;
	[tilespmem:$0x186A0] =	vst v63  }
0x15: {  	s13 =	ssub.s32 $0x2, s13;
	s12 =	sadd.s32 s12, s14;
	_ =	swait.ge [sflag:s5], $0x13880  }
0x16: {  	s29 =	sshrl.u32 s13, $0x1;
	s12 =	sshrl.u32 s12, $0x3;
	[sflag:s5] =	ssyncset.done $0x0  }
0x17: {  	s11 =	sadd.s32 s12, s11;
	s12 =	ssub.s32 s13, s29;
	[sflag:s5] =	ssyncadd.s32 $0xFFFEC780  }
0x18: {  	[spmem:s2] =	stream.indirect.scatter.add.f32 [tilespmem:s10], [sflag:$0x1], $0x8, s3, s10, $0xb8;
	[tilespmem:$0x186A0] =	vst v63  }
0x19: {  	s30 =	smax.u32 s12, $0x1;
	_ =	swait.ge [sflag:s5], $0x13880  }
0x1a: {  	s31 =	sshll.u32 s0, $0x6;
	p0 =	sne.s32 s30, $0x1;
	[sflag:s5] =	ssyncset.done $0x0  }
.Ltmp0:
0x1b: {  	s13 =	sshrl.u32 s7, $0x3;
	[sflag:s5] =	ssyncadd.s32 $0xFFFEC780;
	(pc) =	sbr.rel @!p0 .LBB2_2-.Ltmp0, $4  }
0x1c: {  	s11 =	sadd.s32 $0x115C00, s11;
	s12 =	sor.u32 $0x1C01, s31;
	[bflag:$0x0] =	sbarrier.arrive $0xFFFF  }
0x1d: {  	[hbm:s11], [sflag:s12] =	dma.local [spmem:s13], $0x271  }
0x1e: {  	_ =	swait.ge [sflag:s5], $0x271  }
0x1f: {  	s14 =	sadd.s32 $0xFFFFFFFF, s30;
	[sflag:s5] =	ssyncset.done $0x0  }
.LBB2_1:
0x20: {  	p0 =	sne.s32 s14, $0x1;
	s14 =	sadd.s32 $0xFFFFFFFF, s14;
	[sflag:s5] =	ssyncadd.s32 $0xFFFFFD8F  }
0x21: {  	[tilespmem:s6], [sflag:$0x1] =	stream.linear.gather [hbm4b:s4+s3], $0x1388, $0x38;
	[tilespmem:$0x186A0] =	vst v63  }
0x22: {  	_ =	swait.ge [sflag:s5], $0x1388  }
0x23: {  	[sflag:s5] =	ssyncset.done $0x0  }
0x24: {  	[sflag:s5] =	ssyncadd.s32 $0xFFFFEC78  }
0x25: {  	[spmem:s7] =	stream.linear.scatter [tilespmem:s6], [sflag:$0x1], $0x1388, $0x38;
	[tilespmem:$0x186A0] =	vst v63  }
0x26: {  	_ =	swait.ge [sflag:s5], $0x1388  }
0x27: {  	[sflag:s5] =	ssyncset.done $0x0  }
0x28: {  	[sflag:s5] =	ssyncadd.s32 $0xFFFFEC78  }
0x29: {  	[bflag:$0x0] =	sbarrier.arrive $0xFFFF  }
0x2a: {  	[tilespmem:s3], [sflag:$0x1] =	stream.linear.gather [hbm4b:s8+s3], $0x2710, $0x38;
	[tilespmem:$0x186A0] =	vst v63  }
0x2b: {  	_ =	swait.ge [sflag:s5], $0x2710  }
0x2c: {  	[sflag:s5] =	ssyncset.done $0x0  }
0x2d: {  	[sflag:s5] =	ssyncadd.s32 $0xFFFFD8F0  }
0x2e: {  	[tilespmem:s10], [sflag:$0x1] =	stream.linear.gather [hbm4b:s9+s3], $0x13880, $0x38;
	[tilespmem:$0x186A0] =	vst v63  }
0x2f: {  	_ =	swait.ge [sflag:s5], $0x13880  }
0x30: {  	[sflag:s5] =	ssyncset.done $0x0  }
0x31: {  	[sflag:s5] =	ssyncadd.s32 $0xFFFEC780  }
0x32: {  	[spmem:s2] =	stream.indirect.scatter.add.f32 [tilespmem:s10], [sflag:$0x1], $0x8, s3, s10, $0xb8;
	[tilespmem:$0x186A0] =	vst v63  }
0x33: {  	_ =	swait.ge [sflag:s5], $0x13880  }
0x34: {  	[sflag:s5] =	ssyncset.done $0x0  }
.Ltmp1:
0x35: {  	[sflag:s5] =	ssyncadd.s32 $0xFFFEC780;
	(pc) =	sbr.rel @p0 .LBB2_1-.Ltmp1, $4  }
0x36: {  	[bflag:$0x0] =	sbarrier.arrive $0xFFFF  }
0x37: {  	[hbm:s11], [sflag:s12] =	dma.local [spmem:s13], $0x271  }
0x38: {  	_ =	swait.ge [sflag:s5], $0x271  }
0x39: {  	[sflag:s5] =	ssyncset.done $0x0  }
.LBB2_2:
0x3a: {  	[sflag:s5] =	ssyncadd.s32 $0xFFFFFD8F  }
0x3b: {  	_ =	sfence.sel $0x180000  }
0x3c: {  	[bflag:$0x0] =	sbarrier.arrive $0xFFFF  }
0x3d: {  	p0 =	sne.s32 s0, $0x0;
	_ =	strace $0x90000056  }
0x3e: {  	s0 =	sadd.s32 @!p0 $0x100000, s1;
	[bflag:$0x2] =	sbarrier.arrive $0xFFFF  }
0x3f: {  	[sflag:s0] =	ssyncadd.tile.s32 @!p0 $0x1;
	_ =	shalt  }
.Lfunc_end2:
_tile_overlayer_lowered:
.L_overlay_start_2:
0x40: {  	(tag) =	ssettag $0x2  }
0x41: {  	s0 =	rddreg [dreg:$0x0];
	s2 =	stileid.u32  }
0x42: {  	s1 =	rddreg [dreg:$0x1];
	p0 =	sne.s32 s2, $0x0  }
0x43: {  	s3 =	rddreg [dreg:$0x2];
	[bflag:$0x3] =	sbarrier.arrive $0xFFFF;
	s2 =	simm.s32 @!p0 $0x1C01  }
0x44: {  	[timem:s3], [sflag:s2] =	dma.local @!p0 [hbm:s0], s1  }
0x45: {  	s0 =	simm.s32 @!p0 $0x1  }
0x46: {  	_ =	swait.ge @!p0 [sflag:s0], s1  }
0x47: {  	s1 =	ssub.s32 @!p0 $0x0, s1;
	[sflag:s0] =	ssyncset.done @!p0 $0x0  }
0x48: {  	[sflag:s0] =	ssyncadd.s32 @!p0 s1  }
0x49: {  	[bflag:$0x3] =	sbarrier.arrive $0xFFFF  }
0x4a: {  	_ =	shalt  }

// kernel: kernel.47.cloned.1.call-start
scs
__scs_entry_jumppad:
0x0: {  	(pc) =	sbr.rel $0x88, $3  }
0x1: {  	(tag) =	ssettag $0x0;
	lr =	simm.s32 $0x1  }
0x2: {  	[smem:$0x3F60] =	sst lr;
	_ =	strace $0xD0000000  }
0x3: {  	_ = 	snop  }
0x4: {  	_ = 	snop  }
0x5: {  	_ = 	snop  }
0x6: {  	_ = 	snop  }
0x7: {  	_ = 	snop  }
__scs_overlays_trampoline_lowered:
0x8: {  	[smem:$0x3F6F] =	sst s0  }
0x9: {  	[smem:$0x3F70] =	sst s1  }
0xa: {  	[smem:$0x3F71] =	sst s2  }
0xb: {  	[smem:$0x3F72] =	sst s3  }
0xc: {  	[smem:$0x3F73] =	sst s4  }
0xd: {  	[smem:$0x3F74] =	sst s5  }
0xe: {  	[smem:$0x3F75] =	sst s6  }
0xf: {  	[smem:$0x3F76] =	sst s7  }
0x10: {  	[smem:$0x3F77] =	sst s8  }
0x11: {  	[smem:$0x3F78] =	sst s9;
	s0 =	simm.s32 @!p0 $0x0  }
0x12: {  	s1 =	sld [smem:$0x3F5E];
	s0 =	simm.s32 @p0 $0x1  }
0x13: {  	[smem:$0x3F79] =	sst s0;
	s0 =	simm.s32 @!p1 $0x0  }
0x14: {  	s2 =	sld [smem:$0x3F5D];
	s0 =	simm.s32 @p1 $0x1  }
0x15: {  	[smem:$0x3F7A] =	sst s0;
	s0 =	simm.s32 @!p2 $0x0  }
0x16: {  	s3 =	sld [smem:$0x3FDB];
	s0 =	simm.s32 @p2 $0x1  }
0x17: {  	s4 =	simm.s32 $0x1BF5;
	[smem:$0x3F7C] =	sst s0  }
0x18: {  	s0 =	sld [smem:$0x3F5F];
	_ =	swait.ge [sflag:s4], $0x0  }
0x19: {  	s7 =	sld [smem:$0x3F60]  }
0x1a: {  	s8 =	sadd.s32 $0xFFFFE003, lr  }
0x1b: {  	s9 =	sadd.s32 $0xFFFFFEF7, lr;
	s5 =	simm.s32 $0xFFFFFFFF;
	p2 =	slt.u32 s8, $0xFFFFF086  }
0x1c: {  	p1 =	slt.u32 s9, $0xF7A;
	s5 =	simm.s32 @!p2 $0x0  }
0x1d: {  	s5 =	simm.s32 @p1 $0x1;
	p0 =	seq.s32 s7, s2  }
0x1e: {  	s7 =	smul.u32 @!p0 $0xF7A, s2;
	p2 =	seq.s32 @!p0 s5, $0x0  }
0x1f: {  	s9 =	smul.u32 $0xF7A, s1;
	s8 =	simm.s32 @!p0 $0x1BF5;
	p2 =	por !p2, p0  }
0x20: {  	[sflag:s8] =	ssyncset.s32 @!p0 $0xFFFFF086;
	s6 =	sadd.s32 @!p0 s3, s7;
	s7 =	simm.s32 @!p0 $0x108  }
0x21: {  	s3 =	sadd.s32 s3, s9;
	s6 =	sadd.s32 @!p0 $0x88, s6;
	s7 =	simm.s32 @p2 $0x1082  }
0x22: {  	[simem:s7], [sflag:s8] =	dma.local @!p0 [hbm:s6], $0xF7A  }
0x23: {  	s9 =	sor.u32 $0xD0000000, s2;
	s6 =	simm.s32 $0x108;
	_ =	swait.ge @!p0 [sflag:s8], $0x0  }
0x24: {  	s3 =	sadd.s32 $0x88, s3;
	s6 =	simm.s32 @!p1 $0x1082;
	[sflag:s4] =	ssyncset.s32 $0xFFFFF086  }
0x25: {  	[simem:s6], [sflag:s4] =	dma.local [hbm:s3], $0xF7A  }
0x26: {  	[smem:$0x3F60] =	sst s1;
	(tag) =	ssettag s2;
	_ =	strace s9  }
0x27: {  	s1 =	sld [smem:$0x3F70]  }
0x28: {  	s2 =	sld [smem:$0x3F71]  }
0x29: {  	s4 =	sld [smem:$0x3F73]  }
0x2a: {  	p0 =	seq.s32 s5, $0x0;
	s5 =	sld [smem:$0x3F74]  }
0x2b: {  	s6 =	sld [smem:$0x3F75]  }
0x2c: {  	s7 =	sld [smem:$0x3F76]  }
0x2d: {  	s3 =	simm.s32 $0x108;
	s8 =	sld [smem:$0x3F77]  }
0x2e: {  	s3 =	simm.s32 @!p0 $0x1082;
	s9 =	sld [smem:$0x3F78]  }
0x2f: {  	lr =	sadd.s32 s0, s3;
	s0 =	sld [smem:$0x3F6F]  }
0x30: {  	s3 =	sld [smem:$0x3F72]  }
0x31: {  	[smem:$0x3F7B] =	sst s10  }
0x32: {  	s10 =	sld [smem:$0x3F79];
	_ =	sdelay $0x3  }
0x33: {  	p0 =	seq.s32 s10, $0x1;
	s10 =	sld [smem:$0x3F7B];
	_ =	sdelay $0x3  }
0x34: {  	[smem:$0x3F7B] =	sst s10  }
0x35: {  	s10 =	sld [smem:$0x3F7A];
	_ =	sdelay $0x3  }
0x36: {  	p1 =	seq.s32 s10, $0x1;
	s10 =	sld [smem:$0x3F7B];
	_ =	sdelay $0x3  }
0x37: {  	[smem:$0x3F7B] =	sst s10  }
0x38: {  	s10 =	sld [smem:$0x3F7C]  }
0x39: {  	_ = 	snop;
	(pc) =	sbr.ind lr, $3  }
0x3a: {  	_ = 	snop  }
0x3b: {  	_ = 	snop  }
0x3c: {  	p2 =	seq.s32 s10, $0x1;
	s10 =	sld [smem:$0x3F7B]  }
0x3d: {  	_ =	shalt  }
0x3e: {  	_ =	shalt  }
0x3f: {  	_ =	shalt  }
0x40: {  	_ =	shalt  }
0x41: {  	_ =	shalt  }
0x42: {  	_ =	shalt  }
0x43: {  	_ =	shalt  }
0x44: {  	_ =	shalt  }
0x45: {  	_ =	shalt  }
0x46: {  	_ =	shalt  }
0x47: {  	_ =	shalt  }
0x48: {  	_ =	shalt  }
0x49: {  	_ =	shalt  }
0x4a: {  	_ =	shalt  }
0x4b: {  	_ =	shalt  }
0x4c: {  	_ =	shalt  }
0x4d: {  	_ =	shalt  }
0x4e: {  	_ =	shalt  }
0x4f: {  	_ =	shalt  }
0x50: {  	_ =	shalt  }
0x51: {  	_ =	shalt  }
0x52: {  	_ =	shalt  }
0x53: {  	_ =	shalt  }
0x54: {  	_ =	shalt  }
0x55: {  	_ =	shalt  }
0x56: {  	_ =	shalt  }
0x57: {  	_ =	shalt  }
0x58: {  	_ =	shalt  }
0x59: {  	_ =	shalt  }
0x5a: {  	_ =	shalt  }
0x5b: {  	_ =	shalt  }
0x5c: {  	_ =	shalt  }
0x5d: {  	_ =	shalt  }
0x5e: {  	_ =	shalt  }
0x5f: {  	_ =	shalt  }
0x60: {  	_ =	shalt  }
0x61: {  	_ =	shalt  }
0x62: {  	_ =	shalt  }
0x63: {  	_ =	shalt  }
0x64: {  	_ =	shalt  }
0x65: {  	_ =	shalt  }
0x66: {  	_ =	shalt  }
0x67: {  	_ =	shalt  }
0x68: {  	_ =	shalt  }
0x69: {  	_ =	shalt  }
0x6a: {  	_ =	shalt  }
0x6b: {  	_ =	shalt  }
0x6c: {  	_ =	shalt  }
0x6d: {  	_ =	shalt  }
0x6e: {  	_ =	shalt  }
0x6f: {  	_ =	shalt  }
0x70: {  	_ =	shalt  }
0x71: {  	_ =	shalt  }
0x72: {  	_ =	shalt  }
0x73: {  	_ =	shalt  }
0x74: {  	_ =	shalt  }
0x75: {  	_ =	shalt  }
0x76: {  	_ =	shalt  }
0x77: {  	_ =	shalt  }
0x78: {  	_ =	shalt  }
0x79: {  	_ =	shalt  }
0x7a: {  	_ =	shalt  }
0x7b: {  	_ =	shalt  }
0x7c: {  	_ =	shalt  }
0x7d: {  	_ =	shalt  }
0x7e: {  	_ =	shalt  }
0x7f: {  	_ =	shalt  }
0x80: {  	_ =	shalt  }
0x81: {  	_ =	shalt  }
0x82: {  	_ =	shalt  }
0x83: {  	_ =	shalt  }
0x84: {  	_ =	shalt  }
0x85: {  	_ =	shalt  }
0x86: {  	_ =	shalt  }
0x87: {  	_ =	shalt  }
.Lfunc_end0:
.L_simem_size_0:
called_computation.6_lowered:
.L_overlay_start_0:
0x88: {  	s2 =	sld [smem:$0x3FD9]  }
0x89: {  	s3 =	sld [smem:$0x3FFE];
	_ =	sdelay $0x1  }
0x8a: {  	s1 =	srdreg.scid  }
0x8b: {  	s0 =	sand.u32 $0x1, s1  }
0x8c: {  	s16 =	sshll.u32 s0, $0xA;
	s2 =	sadd.s32 s3, s2  }
0x8d: {  	s2 =	sadd.s32 s2, s16  }
0x8e: {  	[smem:$0x3F87] =	sst s2  }
0x8f: {  	_ = 	snop  }
0x90: {  	(tm) =	ssettm $0x1  }
0x91: {  	s17 =	sld [smem:$0x3FFB];
	_ =	sdelay $0x3  }
0x92: {  	_ =	strace s17  }
0x93: {  	s2 =	sld [smem:$0x3FFC];
	_ =	sdelay $0x3  }
0x94: {  	_ =	strace s2  }
0x95: {  	s2 =	sld [smem:$0x3FFD];
	_ =	sdelay $0x3  }
0x96: {  	_ =	strace s2  }
0x97: {  	_ =	strace $0x8FFFFFFF  }
0x98: {  	s18 =	sld [smem:$0x3FDB];
	_ =	sdelay $0x1  }
0x99: {  	s19 =	simm.s32 $_scs_section_size  }
0x9a: {  	s4 =	simm.s32 $_size__tile_overlayer_lowered;
	s5 =	simm.s32 $_tile_overlayer_lowered  }
0x9b: {  	s22 =	simm.s32 $0x1BFF;
	s21 =	sshll.u32 s5, $0x1;
	s2 =	sadd.s32 s19, s18  }
0x9c: {  	s6 =	simm.s32 $0x0;
	s20 =	sshll.u32 s4, $0x1;
	s4 =	sadd.s32 s21, s2  }
0x9d: {  	[timem:s6], [sflag:s22] =	dma.local [hbm:s4], s20  }
0x9e: {  	_ =	swait.ge [sflag:s22], s20  }
0x9f: {  	s3 =	ssub.s32 $0x0, s20;
	[sflag:s22] =	ssyncset.done $0x0  }
0xa0: {  	[sflag:s22] =	ssyncadd.s32 s3;
	_ =	sdelay $0x1  }
0xa1: {  	s23 =	simm.s32 $0x1B8B  }
0xa2: {  	_ =	swait.ge [sflag:s23], $0x1  }
0xa3: {  	[sflag:s23] =	ssyncset.done $0x0  }
0xa4: {  	s25 =	simm.s32 $0x1B8E;
	s24 =	sld [smem:$0x3FFE];
	[sflag:s23] =	ssyncadd.s32 $0xFFFFFFFF  }
0xa5: {  	s26 =	simm.s32 $execute0_lowered;
	[smem:$0x3FD2] =	sst s25  }
0xa6: {  	s4 =	sshll.u32 s26, $0x1;
	_ =	strace $0x80000058;
	[dreg:$0x1] =	wrdreg $0xFFFFFFFF  }
0xa7: {  	s28 =	simm.s32 $_size_execute0_lowered;
	s2 =	sadd.s32 s2, s4;
	[dreg:$0x0] =	wrdreg $0x0  }
0xa8: {  	s4 =	sshll.u32 s28, $0x1;
	[dreg:$0x2] =	wrdreg s2  }
0xa9: {  	[dreg:$0x3] =	wrdreg s4  }
0xaa: {  	[dreg:$0x4] =	wrdreg $0xC0  }
0xab: {  	_ =	task [dreg:s6], $0x5FFFF  }
0xac: {  	[dreg:$0x1] =	wrdreg $0xFFFFFFFF  }
0xad: {  	[dreg:$0x0] =	wrdreg $0x60  }
0xae: {  	[dreg:$0x2] =	wrdreg s24  }
0xaf: {  	[dreg:$0x3] =	wrdreg $0x173180  }
0xb0: {  	[dreg:$0x4] =	wrdreg $0x9  }
0xb1: {  	_ =	task.clear_ibuf [dreg:s6], $0x5FFFF;
	_ =	strace $0x90000058  }
0xb2: {  	s29 =	simm.s32 $0x9;
	_ =	strace $0x8000005A  }
0xb3: {  	_ =	swait.ge [sflag:s29], $0x1  }
0xb4: {  	[sflag:s29] =	ssyncadd.s32 $0xFFFFFFFF  }
0xb5: {  	_ =	strace $0x9000005A  }
0xb6: {  	_ =	sfence  }
0xb7: {  	s30 =	sld [smem:$0x0];
	_ =	sdelay $0x2  }
0xb8: {  	s31 =	sshll.u32 s1, $0xD;
	s1 =	sshrl.u32 s1, $0x2  }
0xb9: {  	s3 =	sand.u32 $0x4000, s31;
	s1 =	sadd.s32 s1, s30  }
0xba: {  	s0 =	sor.u32 s3, s0;
	s1 =	sshll.u32 s1, $0x11  }
0xbb: {  	s0 =	sor.u32 s1, s0  }
0xbc: {  	s0 =	sadd.s32 $0x8F2B, s0  }
0xbd: {  	[sflag:s0] =	ssyncadd.remote.s32 $0x1  }
0xbe: {  	_ =	sfence.sel $0xFFFF  }
0xbf: {  	[dreg:$0x0] =	wrdreg $0xFFFFFFFF;
	(pc) =	sbr.abs _section_cstart, $3  }
0xc0: {  	[dreg:$0x1] =	wrdreg $0xFFFFFFFF  }
0xc1: {  	_ =	task.clear_ibuf [dreg:s6], $0x2FFFF;
	_ =	strace $0x9FFFFFFF  }
0xc2: {  	(tm) =	ssettm $0x7FFFFFFF  }
0xc3: {  	_ =	shalt  }
tec
execute0_lowered:
.L_overlay_start_1:
0x0: {  	(tag) =	ssettag $0x1  }
0x1: {  	s11 =	rddreg [dreg:$0x0];
	s0 =	stileid.u32  }
0x2: {  	s2 =	rddreg [dreg:$0x1];
	s7 =	smul.u32 $0x1388, s0  }
0x3: {  	s1 =	rddreg [dreg:$0x2]  }
0x4: {  	s3 =	simm.s32 $0x0;
	s8 =	srdreg.scid;
	s4 =	sshrl.u32 s7, $0x3  }
0x5: {  	s6 =	simm.s32 $0x15F90;
	[smem:$0x7FF] =	sst s3;
	s4 =	sadd.s32 s4, s11  }
0x6: {  	s5 =	simm.s32 $0x2;
	_ =	strace $0x80000059;
	s4 =	sadd.s32 $0x28E00, s4  }
0x7: {  	[tilespmem:s6], [sflag:$0x2] =	stream.linear.gather [hbm4b:s4+s3], $0x1388, $0x38;
	[tilespmem:$0x186A0] =	vst v63  }
0x8: {  	s13 =	sand.u32 $0x1, s8;
	s30 =	sshll.u32 s0, $0x1;
	_ =	swait.ge [sflag:s5], $0x1388  }
0x9: {  	s8 =	sor.u32 s13, s30;
	[sflag:s5] =	ssyncset.done $0x0  }
0xa: {  	s12 =	smul.u32 $0x2710, s8;
	s7 =	sadd.s32 s7, s2;
	[sflag:s5] =	ssyncadd.s32 $0xFFFFEC78  }
0xb: {  	[spmem:s7] =	stream.linear.scatter [tilespmem:s6], [sflag:$0x2], $0x1388, $0x38;
	[tilespmem:$0x186A0] =	vst v63  }
0xc: {  	_ =	swait.ge [sflag:s5], $0x1388  }
0xd: {  	s8 =	sshrl.u32 s12, $0x3;
	[sflag:s5] =	ssyncset.done $0x0  }
0xe: {  	s14 =	sadd.s32 s8, s11;
	[sflag:s5] =	ssyncadd.s32 $0xFFFFEC78  }
0xf: {  	s8 =	sadd.s32 $0x1F040, s14;
	[bflag:$0x0] =	sbarrier.arrive $0xFFFF  }
0x10: {  	[tilespmem:s3], [sflag:$0x2] =	stream.linear.gather [hbm4b:s8+s3], $0x2710, $0x38;
	[tilespmem:$0x186A0] =	vst v63  }
0x11: {  	_ =	swait.ge [sflag:s5], $0x2710  }
0x12: {  	[sflag:s5] =	ssyncset.done $0x0  }
0x13: {  	s9 =	simm.s32 $0x2710;
	s10 =	simm.s32 $0x1;
	[sflag:s5] =	ssyncadd.s32 $0xFFFFD8F0  }
0x14: {  	[tilespmem:s9], [sflag:$0x1] =	stream.indirect.gather [spmem:s2], $0x8, s3, s9, $0xb8;
	[tilespmem:$0x186A0] =	vst v63  }
0x15: {  	_ =	swait.ge [sflag:s10], $0x13880  }
0x16: {  	s15 =	sadd.s32 s12, s11;
	[sflag:s10] =	ssyncset.done $0x0  }
0x17: {  	s11 =	sadd.s32 $0x2E3A00, s15;
	[sflag:s10] =	ssyncadd.s32 $0xFFFEC780  }
0x18: {  	[hbm4b:s11+s3] =	stream.linear.scatter [tilespmem:s9], [sflag:$0x2], $0x13880, $0x38;
	[tilespmem:$0x186A0] =	vst v63  }
0x19: {  	_ =	swait.ge [sflag:s5], $0x13880  }
0x1a: {  	[sflag:s5] =	ssyncset.done $0x0  }
0x1b: {  	s13 =	ssub.s32 $0x2, s13;
	s12 =	sadd.s32 $0x15400, s14;
	[sflag:s5] =	ssyncadd.s32 $0xFFFEC780  }
0x1c: {  	[tilespmem:s3], [sflag:$0x2] =	stream.linear.gather [hbm4b:s12+s3], $0x2710, $0x38;
	[tilespmem:$0x186A0] =	vst v63  }
0x1d: {  	s31 =	sshrl.u32 s13, $0x1;
	_ =	swait.ge [sflag:s5], $0x2710  }
0x1e: {  	s14 =	ssub.s32 s13, s31;
	[sflag:s5] =	ssyncset.done $0x0  }
0x1f: {  	s14 =	smax.u32 s14, $0x1;
	[sflag:s5] =	ssyncadd.s32 $0xFFFFD8F0  }
0x20: {  	[tilespmem:s9], [sflag:$0x1] =	stream.indirect.gather [spmem:s2], $0x8, s3, s9, $0xb8;
	[tilespmem:$0x186A0] =	vst v63  }
0x21: {  	p0 =	sne.s32 s14, $0x1;
	_ =	swait.ge [sflag:s10], $0x13880  }
.Ltmp0:
0x22: {  	[sflag:s10] =	ssyncset.done $0x0;
	(pc) =	sbr.rel @!p0 .LBB2_2-.Ltmp0, $4  }
0x23: {  	s13 =	sadd.s32 $0x331C00, s15;
	[sflag:s10] =	ssyncadd.s32 $0xFFFEC780  }
0x24: {  	[hbm4b:s13+s3] =	stream.linear.scatter [tilespmem:s9], [sflag:$0x2], $0x13880, $0x38;
	[tilespmem:$0x186A0] =	vst v63  }
0x25: {  	_ =	swait.ge [sflag:s5], $0x13880  }
0x26: {  	s14 =	sadd.s32 $0xFFFFFFFF, s14;
	[sflag:s5] =	ssyncset.done $0x0  }
.LBB2_1:
0x27: {  	p0 =	sne.s32 s14, $0x1;
	s14 =	sadd.s32 $0xFFFFFFFF, s14;
	[sflag:s5] =	ssyncadd.s32 $0xFFFEC780  }
0x28: {  	[tilespmem:s6], [sflag:$0x2] =	stream.linear.gather [hbm4b:s4+s3], $0x1388, $0x38;
	[tilespmem:$0x186A0] =	vst v63  }
0x29: {  	_ =	swait.ge [sflag:s5], $0x1388  }
0x2a: {  	[sflag:s5] =	ssyncset.done $0x0  }
0x2b: {  	[sflag:s5] =	ssyncadd.s32 $0xFFFFEC78  }
0x2c: {  	[spmem:s7] =	stream.linear.scatter [tilespmem:s6], [sflag:$0x2], $0x1388, $0x38;
	[tilespmem:$0x186A0] =	vst v63  }
0x2d: {  	_ =	swait.ge [sflag:s5], $0x1388  }
0x2e: {  	[sflag:s5] =	ssyncset.done $0x0  }
0x2f: {  	[sflag:s5] =	ssyncadd.s32 $0xFFFFEC78  }
0x30: {  	[bflag:$0x0] =	sbarrier.arrive $0xFFFF  }
0x31: {  	[tilespmem:s3], [sflag:$0x2] =	stream.linear.gather [hbm4b:s8+s3], $0x2710, $0x38;
	[tilespmem:$0x186A0] =	vst v63  }
0x32: {  	_ =	swait.ge [sflag:s5], $0x2710  }
0x33: {  	[sflag:s5] =	ssyncset.done $0x0  }
0x34: {  	[sflag:s5] =	ssyncadd.s32 $0xFFFFD8F0  }
0x35: {  	[tilespmem:s9], [sflag:$0x1] =	stream.indirect.gather [spmem:s2], $0x8, s3, s9, $0xb8;
	[tilespmem:$0x186A0] =	vst v63  }
0x36: {  	_ =	swait.ge [sflag:s10], $0x13880  }
0x37: {  	[sflag:s10] =	ssyncset.done $0x0  }
0x38: {  	[sflag:s10] =	ssyncadd.s32 $0xFFFEC780  }
0x39: {  	[hbm4b:s11+s3] =	stream.linear.scatter [tilespmem:s9], [sflag:$0x2], $0x13880, $0x38;
	[tilespmem:$0x186A0] =	vst v63  }
0x3a: {  	_ =	swait.ge [sflag:s5], $0x13880  }
0x3b: {  	[sflag:s5] =	ssyncset.done $0x0  }
0x3c: {  	[sflag:s5] =	ssyncadd.s32 $0xFFFEC780  }
0x3d: {  	[tilespmem:s3], [sflag:$0x2] =	stream.linear.gather [hbm4b:s12+s3], $0x2710, $0x38;
	[tilespmem:$0x186A0] =	vst v63  }
0x3e: {  	_ =	swait.ge [sflag:s5], $0x2710  }
0x3f: {  	[sflag:s5] =	ssyncset.done $0x0  }
0x40: {  	[sflag:s5] =	ssyncadd.s32 $0xFFFFD8F0  }
0x41: {  	[tilespmem:s9], [sflag:$0x1] =	stream.indirect.gather [spmem:s2], $0x8, s3, s9, $0xb8;
	[tilespmem:$0x186A0] =	vst v63  }
0x42: {  	_ =	swait.ge [sflag:s10], $0x13880  }
.Ltmp1:
0x43: {  	[sflag:s10] =	ssyncset.done $0x0;
	(pc) =	sbr.rel @p0 .LBB2_1-.Ltmp1, $4  }
0x44: {  	[sflag:s10] =	ssyncadd.s32 $0xFFFEC780  }
0x45: {  	[hbm4b:s13+s3] =	stream.linear.scatter [tilespmem:s9], [sflag:$0x2], $0x13880, $0x38;
	[tilespmem:$0x186A0] =	vst v63  }
0x46: {  	_ =	swait.ge [sflag:s5], $0x13880  }
0x47: {  	[sflag:s5] =	ssyncset.done $0x0  }
.LBB2_2:
0x48: {  	[sflag:s5] =	ssyncadd.s32 $0xFFFEC780  }
0x49: {  	_ =	sfence.sel $0x180000  }
0x4a: {  	[bflag:$0x0] =	sbarrier.arrive $0xFFFF  }
0x4b: {  	p0 =	sne.s32 s0, $0x0;
	_ =	strace $0x90000059  }
0x4c: {  	s0 =	sadd.s32 @!p0 $0x100000, s1;
	[bflag:$0x2] =	sbarrier.arrive $0xFFFF  }
0x4d: {  	[sflag:s0] =	ssyncadd.tile.s32 @!p0 $0x1;
	_ =	shalt  }
.Lfunc_end2:
_tile_overlayer_lowered:
.L_overlay_start_2:
0x4e: {  	(tag) =	ssettag $0x2  }
0x4f: {  	s0 =	rddreg [dreg:$0x0];
	s2 =	stileid.u32  }
0x50: {  	s1 =	rddreg [dreg:$0x1];
	p0 =	sne.s32 s2, $0x0  }
0x51: {  	s3 =	rddreg [dreg:$0x2];
	[bflag:$0x3] =	sbarrier.arrive $0xFFFF;
	s2 =	simm.s32 @!p0 $0x1C02  }
0x52: {  	[timem:s3], [sflag:s2] =	dma.local @!p0 [hbm:s0], s1  }
0x53: {  	s0 =	simm.s32 @!p0 $0x2  }
0x54: {  	_ =	swait.ge @!p0 [sflag:s0], s1  }
0x55: {  	s1 =	ssub.s32 @!p0 $0x0, s1;
	[sflag:s0] =	ssyncset.done @!p0 $0x0  }
0x56: {  	[sflag:s0] =	ssyncadd.s32 @!p0 s1  }
0x57: {  	[bflag:$0x3] =	sbarrier.arrive $0xFFFF  }
0x58: {  	_ =	shalt  }

// kernel: kernel.50.cloned.1.call-start
scs
__scs_entry_jumppad:
0x0: {  	(pc) =	sbr.rel $0x88, $3  }
0x1: {  	(tag) =	ssettag $0x0;
	lr =	simm.s32 $0x1  }
0x2: {  	[smem:$0x3F60] =	sst lr;
	_ =	strace $0xD0000000  }
0x3: {  	_ = 	snop  }
0x4: {  	_ = 	snop  }
0x5: {  	_ = 	snop  }
0x6: {  	_ = 	snop  }
0x7: {  	_ = 	snop  }
__scs_overlays_trampoline_lowered:
0x8: {  	[smem:$0x3F6F] =	sst s0  }
0x9: {  	[smem:$0x3F70] =	sst s1  }
0xa: {  	[smem:$0x3F71] =	sst s2  }
0xb: {  	[smem:$0x3F72] =	sst s3  }
0xc: {  	[smem:$0x3F73] =	sst s4  }
0xd: {  	[smem:$0x3F74] =	sst s5  }
0xe: {  	[smem:$0x3F75] =	sst s6  }
0xf: {  	[smem:$0x3F76] =	sst s7  }
0x10: {  	[smem:$0x3F77] =	sst s8  }
0x11: {  	[smem:$0x3F78] =	sst s9;
	s0 =	simm.s32 @!p0 $0x0  }
0x12: {  	s1 =	sld [smem:$0x3F5E];
	s0 =	simm.s32 @p0 $0x1  }
0x13: {  	[smem:$0x3F79] =	sst s0;
	s0 =	simm.s32 @!p1 $0x0  }
0x14: {  	s2 =	sld [smem:$0x3F5D];
	s0 =	simm.s32 @p1 $0x1  }
0x15: {  	[smem:$0x3F7A] =	sst s0;
	s0 =	simm.s32 @!p2 $0x0  }
0x16: {  	s3 =	sld [smem:$0x3FDB];
	s0 =	simm.s32 @p2 $0x1  }
0x17: {  	s4 =	simm.s32 $0x1BF5;
	[smem:$0x3F7C] =	sst s0  }
0x18: {  	s0 =	sld [smem:$0x3F5F];
	_ =	swait.ge [sflag:s4], $0x0  }
0x19: {  	s7 =	sld [smem:$0x3F60]  }
0x1a: {  	s8 =	sadd.s32 $0xFFFFE003, lr  }
0x1b: {  	s9 =	sadd.s32 $0xFFFFFEF7, lr;
	s5 =	simm.s32 $0xFFFFFFFF;
	p2 =	slt.u32 s8, $0xFFFFF086  }
0x1c: {  	p1 =	slt.u32 s9, $0xF7A;
	s5 =	simm.s32 @!p2 $0x0  }
0x1d: {  	s5 =	simm.s32 @p1 $0x1;
	p0 =	seq.s32 s7, s2  }
0x1e: {  	s7 =	smul.u32 @!p0 $0xF7A, s2;
	p2 =	seq.s32 @!p0 s5, $0x0  }
0x1f: {  	s9 =	smul.u32 $0xF7A, s1;
	s8 =	simm.s32 @!p0 $0x1BF5;
	p2 =	por !p2, p0  }
0x20: {  	[sflag:s8] =	ssyncset.s32 @!p0 $0xFFFFF086;
	s6 =	sadd.s32 @!p0 s3, s7;
	s7 =	simm.s32 @!p0 $0x108  }
0x21: {  	s3 =	sadd.s32 s3, s9;
	s6 =	sadd.s32 @!p0 $0x88, s6;
	s7 =	simm.s32 @p2 $0x1082  }
0x22: {  	[simem:s7], [sflag:s8] =	dma.local @!p0 [hbm:s6], $0xF7A  }
0x23: {  	s9 =	sor.u32 $0xD0000000, s2;
	s6 =	simm.s32 $0x108;
	_ =	swait.ge @!p0 [sflag:s8], $0x0  }
0x24: {  	s3 =	sadd.s32 $0x88, s3;
	s6 =	simm.s32 @!p1 $0x1082;
	[sflag:s4] =	ssyncset.s32 $0xFFFFF086  }
0x25: {  	[simem:s6], [sflag:s4] =	dma.local [hbm:s3], $0xF7A  }
0x26: {  	[smem:$0x3F60] =	sst s1;
	(tag) =	ssettag s2;
	_ =	strace s9  }
0x27: {  	s1 =	sld [smem:$0x3F70]  }
0x28: {  	s2 =	sld [smem:$0x3F71]  }
0x29: {  	s4 =	sld [smem:$0x3F73]  }
0x2a: {  	p0 =	seq.s32 s5, $0x0;
	s5 =	sld [smem:$0x3F74]  }
0x2b: {  	s6 =	sld [smem:$0x3F75]  }
0x2c: {  	s7 =	sld [smem:$0x3F76]  }
0x2d: {  	s3 =	simm.s32 $0x108;
	s8 =	sld [smem:$0x3F77]  }
0x2e: {  	s3 =	simm.s32 @!p0 $0x1082;
	s9 =	sld [smem:$0x3F78]  }
0x2f: {  	lr =	sadd.s32 s0, s3;
	s0 =	sld [smem:$0x3F6F]  }
0x30: {  	s3 =	sld [smem:$0x3F72]  }
0x31: {  	[smem:$0x3F7B] =	sst s10  }
0x32: {  	s10 =	sld [smem:$0x3F79];
	_ =	sdelay $0x3  }
0x33: {  	p0 =	seq.s32 s10, $0x1;
	s10 =	sld [smem:$0x3F7B];
	_ =	sdelay $0x3  }
0x34: {  	[smem:$0x3F7B] =	sst s10  }
0x35: {  	s10 =	sld [smem:$0x3F7A];
	_ =	sdelay $0x3  }
0x36: {  	p1 =	seq.s32 s10, $0x1;
	s10 =	sld [smem:$0x3F7B];
	_ =	sdelay $0x3  }
0x37: {  	[smem:$0x3F7B] =	sst s10  }
0x38: {  	s10 =	sld [smem:$0x3F7C]  }
0x39: {  	_ = 	snop;
	(pc) =	sbr.ind lr, $3  }
0x3a: {  	_ = 	snop  }
0x3b: {  	_ = 	snop  }
0x3c: {  	p2 =	seq.s32 s10, $0x1;
	s10 =	sld [smem:$0x3F7B]  }
0x3d: {  	_ =	shalt  }
0x3e: {  	_ =	shalt  }
0x3f: {  	_ =	shalt  }
0x40: {  	_ =	shalt  }
0x41: {  	_ =	shalt  }
0x42: {  	_ =	shalt  }
0x43: {  	_ =	shalt  }
0x44: {  	_ =	shalt  }
0x45: {  	_ =	shalt  }
0x46: {  	_ =	shalt  }
0x47: {  	_ =	shalt  }
0x48: {  	_ =	shalt  }
0x49: {  	_ =	shalt  }
0x4a: {  	_ =	shalt  }
0x4b: {  	_ =	shalt  }
0x4c: {  	_ =	shalt  }
0x4d: {  	_ =	shalt  }
0x4e: {  	_ =	shalt  }
0x4f: {  	_ =	shalt  }
0x50: {  	_ =	shalt  }
0x51: {  	_ =	shalt  }
0x52: {  	_ =	shalt  }
0x53: {  	_ =	shalt  }
0x54: {  	_ =	shalt  }
0x55: {  	_ =	shalt  }
0x56: {  	_ =	shalt  }
0x57: {  	_ =	shalt  }
0x58: {  	_ =	shalt  }
0x59: {  	_ =	shalt  }
0x5a: {  	_ =	shalt  }
0x5b: {  	_ =	shalt  }
0x5c: {  	_ =	shalt  }
0x5d: {  	_ =	shalt  }
0x5e: {  	_ =	shalt  }
0x5f: {  	_ =	shalt  }
0x60: {  	_ =	shalt  }
0x61: {  	_ =	shalt  }
0x62: {  	_ =	shalt  }
0x63: {  	_ =	shalt  }
0x64: {  	_ =	shalt  }
0x65: {  	_ =	shalt  }
0x66: {  	_ =	shalt  }
0x67: {  	_ =	shalt  }
0x68: {  	_ =	shalt  }
0x69: {  	_ =	shalt  }
0x6a: {  	_ =	shalt  }
0x6b: {  	_ =	shalt  }
0x6c: {  	_ =	shalt  }
0x6d: {  	_ =	shalt  }
0x6e: {  	_ =	shalt  }
0x6f: {  	_ =	shalt  }
0x70: {  	_ =	shalt  }
0x71: {  	_ =	shalt  }
0x72: {  	_ =	shalt  }
0x73: {  	_ =	shalt  }
0x74: {  	_ =	shalt  }
0x75: {  	_ =	shalt  }
0x76: {  	_ =	shalt  }
0x77: {  	_ =	shalt  }
0x78: {  	_ =	shalt  }
0x79: {  	_ =	shalt  }
0x7a: {  	_ =	shalt  }
0x7b: {  	_ =	shalt  }
0x7c: {  	_ =	shalt  }
0x7d: {  	_ =	shalt  }
0x7e: {  	_ =	shalt  }
0x7f: {  	_ =	shalt  }
0x80: {  	_ =	shalt  }
0x81: {  	_ =	shalt  }
0x82: {  	_ =	shalt  }
0x83: {  	_ =	shalt  }
0x84: {  	_ =	shalt  }
0x85: {  	_ =	shalt  }
0x86: {  	_ =	shalt  }
0x87: {  	_ =	shalt  }
.Lfunc_end0:
.L_simem_size_0:
called_computation.7_lowered:
.L_overlay_start_0:
0x88: {  	s2 =	sld [smem:$0x3FD9]  }
0x89: {  	s3 =	sld [smem:$0x3FFE];
	_ =	sdelay $0x1  }
0x8a: {  	s1 =	srdreg.scid  }
0x8b: {  	s0 =	sand.u32 $0x1, s1  }
0x8c: {  	s16 =	sshll.u32 s0, $0xA;
	s2 =	sadd.s32 s3, s2  }
0x8d: {  	s2 =	sadd.s32 s2, s16  }
0x8e: {  	[smem:$0x3F87] =	sst s2  }
0x8f: {  	_ = 	snop  }
0x90: {  	(tm) =	ssettm $0x1  }
0x91: {  	s17 =	sld [smem:$0x3FFB];
	_ =	sdelay $0x3  }
0x92: {  	_ =	strace s17  }
0x93: {  	s2 =	sld [smem:$0x3FFC];
	_ =	sdelay $0x3  }
0x94: {  	_ =	strace s2  }
0x95: {  	s2 =	sld [smem:$0x3FFD];
	_ =	sdelay $0x3  }
0x96: {  	_ =	strace s2  }
0x97: {  	_ =	strace $0x8FFFFFFF  }
0x98: {  	s18 =	sld [smem:$0x3FDB];
	_ =	sdelay $0x1  }
0x99: {  	s19 =	simm.s32 $_scs_section_size  }
0x9a: {  	s4 =	simm.s32 $_size__tile_overlayer_lowered;
	s5 =	simm.s32 $_tile_overlayer_lowered  }
0x9b: {  	s22 =	simm.s32 $0x1BFF;
	s21 =	sshll.u32 s5, $0x1;
	s2 =	sadd.s32 s19, s18  }
0x9c: {  	s6 =	simm.s32 $0x0;
	s20 =	sshll.u32 s4, $0x1;
	s4 =	sadd.s32 s21, s2  }
0x9d: {  	[timem:s6], [sflag:s22] =	dma.local [hbm:s4], s20  }
0x9e: {  	_ =	swait.ge [sflag:s22], s20  }
0x9f: {  	s3 =	ssub.s32 $0x0, s20;
	[sflag:s22] =	ssyncset.done $0x0  }
0xa0: {  	[sflag:s22] =	ssyncadd.s32 s3;
	_ =	sdelay $0x1  }
0xa1: {  	s23 =	simm.s32 $0x1B8B  }
0xa2: {  	_ =	swait.ge [sflag:s23], $0x1  }
0xa3: {  	[sflag:s23] =	ssyncset.done $0x0  }
0xa4: {  	s25 =	simm.s32 $0x1B8E;
	s24 =	sld [smem:$0x3FFE];
	[sflag:s23] =	ssyncadd.s32 $0xFFFFFFFF  }
0xa5: {  	s26 =	simm.s32 $execute0_lowered;
	[smem:$0x3FD2] =	sst s25  }
0xa6: {  	s4 =	sshll.u32 s26, $0x1;
	_ =	strace $0x8000005B;
	[dreg:$0x1] =	wrdreg $0xFFFFFFFF  }
0xa7: {  	s28 =	simm.s32 $_size_execute0_lowered;
	s2 =	sadd.s32 s2, s4;
	[dreg:$0x0] =	wrdreg $0x0  }
0xa8: {  	s4 =	sshll.u32 s28, $0x1;
	[dreg:$0x2] =	wrdreg s2  }
0xa9: {  	[dreg:$0x3] =	wrdreg s4  }
0xaa: {  	[dreg:$0x4] =	wrdreg $0xC0  }
0xab: {  	_ =	task [dreg:s6], $0x5FFFF  }
0xac: {  	[dreg:$0x1] =	wrdreg $0xFFFFFFFF  }
0xad: {  	[dreg:$0x0] =	wrdreg $0x60  }
0xae: {  	[dreg:$0x2] =	wrdreg s24  }
0xaf: {  	[dreg:$0x3] =	wrdreg $0x173180  }
0xb0: {  	[dreg:$0x4] =	wrdreg $0x9  }
0xb1: {  	_ =	task.clear_ibuf [dreg:s6], $0x5FFFF;
	_ =	strace $0x9000005B  }
0xb2: {  	s29 =	simm.s32 $0x9;
	_ =	strace $0x8000005D  }
0xb3: {  	_ =	swait.ge [sflag:s29], $0x1  }
0xb4: {  	[sflag:s29] =	ssyncadd.s32 $0xFFFFFFFF  }
0xb5: {  	_ =	strace $0x9000005D  }
0xb6: {  	_ =	sfence  }
0xb7: {  	s30 =	sld [smem:$0x0];
	_ =	sdelay $0x2  }
0xb8: {  	s31 =	sshll.u32 s1, $0xD;
	s1 =	sshrl.u32 s1, $0x2  }
0xb9: {  	s3 =	sand.u32 $0x4000, s31;
	s1 =	sadd.s32 s1, s30  }
0xba: {  	s0 =	sor.u32 s3, s0;
	s1 =	sshll.u32 s1, $0x11  }
0xbb: {  	s0 =	sor.u32 s1, s0  }
0xbc: {  	s0 =	sadd.s32 $0x8F2B, s0  }
0xbd: {  	[sflag:s0] =	ssyncadd.remote.s32 $0x1  }
0xbe: {  	_ =	sfence.sel $0xFFFF  }
0xbf: {  	[dreg:$0x0] =	wrdreg $0xFFFFFFFF;
	(pc) =	sbr.abs _section_cstart, $3  }
0xc0: {  	[dreg:$0x1] =	wrdreg $0xFFFFFFFF  }
0xc1: {  	_ =	task.clear_ibuf [dreg:s6], $0x2FFFF;
	_ =	strace $0x9FFFFFFF  }
0xc2: {  	(tm) =	ssettm $0x7FFFFFFF  }
0xc3: {  	_ =	shalt  }
tec
execute0_lowered:
.L_overlay_start_1:
0x0: {  	(tag) =	ssettag $0x1  }
0x1: {  	s11 =	rddreg [dreg:$0x0];
	s0 =	stileid.u32  }
0x2: {  	s2 =	rddreg [dreg:$0x1];
	s12 =	smul.u32 $0x1388, s0  }
0x3: {  	s1 =	rddreg [dreg:$0x2]  }
0x4: {  	s3 =	simm.s32 $0x0;
	s7 =	srdreg.scid;
	s4 =	sshrl.u32 s12, $0x3  }
0x5: {  	s6 =	simm.s32 $0x15F90;
	[smem:$0x7FF] =	sst s3;
	s4 =	sadd.s32 s4, s11  }
0x6: {  	s5 =	simm.s32 $0x1;
	_ =	strace $0x8000005C;
	s4 =	sadd.s32 $0x79800, s4  }
0x7: {  	[tilespmem:s6], [sflag:$0x1] =	stream.linear.gather [hbm4b:s4+s3], $0x1388, $0x38;
	[tilespmem:$0x186A0] =	vst v63  }
0x8: {  	s13 =	sand.u32 $0x1, s7;
	s28 =	sshll.u32 s0, $0x1;
	_ =	swait.ge [sflag:s5], $0x1388  }
0x9: {  	s7 =	sor.u32 s13, s28;
	[sflag:s5] =	ssyncset.done $0x0  }
0xa: {  	s9 =	smul.u32 $0x2710, s7;
	s7 =	sadd.s32 s12, s2;
	[sflag:s5] =	ssyncadd.s32 $0xFFFFEC78  }
0xb: {  	[spmem:s7] =	stream.linear.scatter [tilespmem:s6], [sflag:$0x1], $0x1388, $0x38;
	[tilespmem:$0x186A0] =	vst v63  }
0xc: {  	_ =	swait.ge [sflag:s5], $0x1388  }
0xd: {  	s8 =	sshrl.u32 s9, $0x3;
	[sflag:s5] =	ssyncset.done $0x0  }
0xe: {  	s8 =	sadd.s32 s11, s8;
	[sflag:s5] =	ssyncadd.s32 $0xFFFFEC78  }
0xf: {  	s8 =	sadd.s32 $0x1F040, s8;
	[bflag:$0x0] =	sbarrier.arrive $0xFFFF  }
0x10: {  	[tilespmem:s3], [sflag:$0x1] =	stream.linear.gather [hbm4b:s8+s3], $0x2710, $0x38;
	[tilespmem:$0x186A0] =	vst v63  }
0x11: {  	_ =	swait.ge [sflag:s5], $0x2710  }
0x12: {  	s10 =	simm.s32 $0x2710;
	s9 =	sadd.s32 s9, s11;
	[sflag:s5] =	ssyncset.done $0x0  }
0x13: {  	s14 =	smul.u32 $0x13880, s13;
	s9 =	sadd.s32 $0x2B600, s9;
	[sflag:s5] =	ssyncadd.s32 $0xFFFFD8F0  }
0x14: {  	[tilespmem:s10], [sflag:$0x1] =	stream.linear.gather [hbm4b:s9+s3], $0x13880, $0x38;
	[tilespmem:$0x186A0] =	vst v63  }
0x15: {  	s13 =	ssub.s32 $0x2, s13;
	s12 =	sadd.s32 s12, s14;
	_ =	swait.ge [sflag:s5], $0x13880  }
0x16: {  	s29 =	sshrl.u32 s13, $0x1;
	s12 =	sshrl.u32 s12, $0x3;
	[sflag:s5] =	ssyncset.done $0x0  }
0x17: {  	s11 =	sadd.s32 s12, s11;
	s12 =	ssub.s32 s13, s29;
	[sflag:s5] =	ssyncadd.s32 $0xFFFEC780  }
0x18: {  	[spmem:s2] =	stream.indirect.scatter.add.f32 [tilespmem:s10], [sflag:$0x1], $0x8, s3, s10, $0xb8;
	[tilespmem:$0x186A0] =	vst v63  }
0x19: {  	s30 =	smax.u32 s12, $0x1;
	_ =	swait.ge [sflag:s5], $0x13880  }
0x1a: {  	s31 =	sshll.u32 s0, $0x6;
	p0 =	sne.s32 s30, $0x1;
	[sflag:s5] =	ssyncset.done $0x0  }
.Ltmp0:
0x1b: {  	s13 =	sshrl.u32 s7, $0x3;
	[sflag:s5] =	ssyncadd.s32 $0xFFFEC780;
	(pc) =	sbr.rel @!p0 .LBB2_2-.Ltmp0, $4  }
0x1c: {  	s11 =	sadd.s32 $0xA4000, s11;
	s12 =	sor.u32 $0x1C01, s31;
	[bflag:$0x0] =	sbarrier.arrive $0xFFFF  }
0x1d: {  	[hbm:s11], [sflag:s12] =	dma.local [spmem:s13], $0x271  }
0x1e: {  	_ =	swait.ge [sflag:s5], $0x271  }
0x1f: {  	s14 =	sadd.s32 $0xFFFFFFFF, s30;
	[sflag:s5] =	ssyncset.done $0x0  }
.LBB2_1:
0x20: {  	p0 =	sne.s32 s14, $0x1;
	s14 =	sadd.s32 $0xFFFFFFFF, s14;
	[sflag:s5] =	ssyncadd.s32 $0xFFFFFD8F  }
0x21: {  	[tilespmem:s6], [sflag:$0x1] =	stream.linear.gather [hbm4b:s4+s3], $0x1388, $0x38;
	[tilespmem:$0x186A0] =	vst v63  }
0x22: {  	_ =	swait.ge [sflag:s5], $0x1388  }
0x23: {  	[sflag:s5] =	ssyncset.done $0x0  }
0x24: {  	[sflag:s5] =	ssyncadd.s32 $0xFFFFEC78  }
0x25: {  	[spmem:s7] =	stream.linear.scatter [tilespmem:s6], [sflag:$0x1], $0x1388, $0x38;
	[tilespmem:$0x186A0] =	vst v63  }
0x26: {  	_ =	swait.ge [sflag:s5], $0x1388  }
0x27: {  	[sflag:s5] =	ssyncset.done $0x0  }
0x28: {  	[sflag:s5] =	ssyncadd.s32 $0xFFFFEC78  }
0x29: {  	[bflag:$0x0] =	sbarrier.arrive $0xFFFF  }
0x2a: {  	[tilespmem:s3], [sflag:$0x1] =	stream.linear.gather [hbm4b:s8+s3], $0x2710, $0x38;
	[tilespmem:$0x186A0] =	vst v63  }
0x2b: {  	_ =	swait.ge [sflag:s5], $0x2710  }
0x2c: {  	[sflag:s5] =	ssyncset.done $0x0  }
0x2d: {  	[sflag:s5] =	ssyncadd.s32 $0xFFFFD8F0  }
0x2e: {  	[tilespmem:s10], [sflag:$0x1] =	stream.linear.gather [hbm4b:s9+s3], $0x13880, $0x38;
	[tilespmem:$0x186A0] =	vst v63  }
0x2f: {  	_ =	swait.ge [sflag:s5], $0x13880  }
0x30: {  	[sflag:s5] =	ssyncset.done $0x0  }
0x31: {  	[sflag:s5] =	ssyncadd.s32 $0xFFFEC780  }
0x32: {  	[spmem:s2] =	stream.indirect.scatter.add.f32 [tilespmem:s10], [sflag:$0x1], $0x8, s3, s10, $0xb8;
	[tilespmem:$0x186A0] =	vst v63  }
0x33: {  	_ =	swait.ge [sflag:s5], $0x13880  }
0x34: {  	[sflag:s5] =	ssyncset.done $0x0  }
.Ltmp1:
0x35: {  	[sflag:s5] =	ssyncadd.s32 $0xFFFEC780;
	(pc) =	sbr.rel @p0 .LBB2_1-.Ltmp1, $4  }
0x36: {  	[bflag:$0x0] =	sbarrier.arrive $0xFFFF  }
0x37: {  	[hbm:s11], [sflag:s12] =	dma.local [spmem:s13], $0x271  }
0x38: {  	_ =	swait.ge [sflag:s5], $0x271  }
0x39: {  	[sflag:s5] =	ssyncset.done $0x0  }
.LBB2_2:
0x3a: {  	[sflag:s5] =	ssyncadd.s32 $0xFFFFFD8F  }
0x3b: {  	_ =	sfence.sel $0x180000  }
0x3c: {  	[bflag:$0x0] =	sbarrier.arrive $0xFFFF  }
0x3d: {  	p0 =	sne.s32 s0, $0x0;
	_ =	strace $0x9000005C  }
0x3e: {  	s0 =	sadd.s32 @!p0 $0x100000, s1;
	[bflag:$0x2] =	sbarrier.arrive $0xFFFF  }
0x3f: {  	[sflag:s0] =	ssyncadd.tile.s32 @!p0 $0x1;
	_ =	shalt  }
.Lfunc_end2:
_tile_overlayer_lowered:
.L_overlay_start_2:
0x40: {  	(tag) =	ssettag $0x2  }
0x41: {  	s0 =	rddreg [dreg:$0x0];
	s2 =	stileid.u32  }
0x42: {  	s1 =	rddreg [dreg:$0x1];
	p0 =	sne.s32 s2, $0x0  }
0x43: {  	s3 =	rddreg [dreg:$0x2];
	[bflag:$0x3] =	sbarrier.arrive $0xFFFF;
	s2 =	simm.s32 @!p0 $0x1C01  }
0x44: {  	[timem:s3], [sflag:s2] =	dma.local @!p0 [hbm:s0], s1  }
0x45: {  	s0 =	simm.s32 @!p0 $0x1  }
0x46: {  	_ =	swait.ge @!p0 [sflag:s0], s1  }
0x47: {  	s1 =	ssub.s32 @!p0 $0x0, s1;
	[sflag:s0] =	ssyncset.done @!p0 $0x0  }
0x48: {  	[sflag:s0] =	ssyncadd.s32 @!p0 s1  }
0x49: {  	[bflag:$0x3] =	sbarrier.arrive $0xFFFF  }
0x4a: {  	_ =	shalt  }

// kernel: kernel.53.cloned.1.call-start
scs
__scs_entry_jumppad:
0x0: {  	(pc) =	sbr.rel $0x88, $3  }
0x1: {  	(tag) =	ssettag $0x0;
	lr =	simm.s32 $0x1  }
0x2: {  	[smem:$0x3F60] =	sst lr;
	_ =	strace $0xD0000000  }
0x3: {  	_ = 	snop  }
0x4: {  	_ = 	snop  }
0x5: {  	_ = 	snop  }
0x6: {  	_ = 	snop  }
0x7: {  	_ = 	snop  }
__scs_overlays_trampoline_lowered:
0x8: {  	[smem:$0x3F6F] =	sst s0  }
0x9: {  	[smem:$0x3F70] =	sst s1  }
0xa: {  	[smem:$0x3F71] =	sst s2  }
0xb: {  	[smem:$0x3F72] =	sst s3  }
0xc: {  	[smem:$0x3F73] =	sst s4  }
0xd: {  	[smem:$0x3F74] =	sst s5  }
0xe: {  	[smem:$0x3F75] =	sst s6  }
0xf: {  	[smem:$0x3F76] =	sst s7  }
0x10: {  	[smem:$0x3F77] =	sst s8  }
0x11: {  	[smem:$0x3F78] =	sst s9;
	s0 =	simm.s32 @!p0 $0x0  }
0x12: {  	s1 =	sld [smem:$0x3F5E];
	s0 =	simm.s32 @p0 $0x1  }
0x13: {  	[smem:$0x3F79] =	sst s0;
	s0 =	simm.s32 @!p1 $0x0  }
0x14: {  	s2 =	sld [smem:$0x3F5D];
	s0 =	simm.s32 @p1 $0x1  }
0x15: {  	[smem:$0x3F7A] =	sst s0;
	s0 =	simm.s32 @!p2 $0x0  }
0x16: {  	s3 =	sld [smem:$0x3FDB];
	s0 =	simm.s32 @p2 $0x1  }
0x17: {  	s4 =	simm.s32 $0x1BF5;
	[smem:$0x3F7C] =	sst s0  }
0x18: {  	s0 =	sld [smem:$0x3F5F];
	_ =	swait.ge [sflag:s4], $0x0  }
0x19: {  	s7 =	sld [smem:$0x3F60]  }
0x1a: {  	s8 =	sadd.s32 $0xFFFFE003, lr  }
0x1b: {  	s9 =	sadd.s32 $0xFFFFFEF7, lr;
	s5 =	simm.s32 $0xFFFFFFFF;
	p2 =	slt.u32 s8, $0xFFFFF086  }
0x1c: {  	p1 =	slt.u32 s9, $0xF7A;
	s5 =	simm.s32 @!p2 $0x0  }
0x1d: {  	s5 =	simm.s32 @p1 $0x1;
	p0 =	seq.s32 s7, s2  }
0x1e: {  	s7 =	smul.u32 @!p0 $0xF7A, s2;
	p2 =	seq.s32 @!p0 s5, $0x0  }
0x1f: {  	s9 =	smul.u32 $0xF7A, s1;
	s8 =	simm.s32 @!p0 $0x1BF5;
	p2 =	por !p2, p0  }
0x20: {  	[sflag:s8] =	ssyncset.s32 @!p0 $0xFFFFF086;
	s6 =	sadd.s32 @!p0 s3, s7;
	s7 =	simm.s32 @!p0 $0x108  }
0x21: {  	s3 =	sadd.s32 s3, s9;
	s6 =	sadd.s32 @!p0 $0x88, s6;
	s7 =	simm.s32 @p2 $0x1082  }
0x22: {  	[simem:s7], [sflag:s8] =	dma.local @!p0 [hbm:s6], $0xF7A  }
0x23: {  	s9 =	sor.u32 $0xD0000000, s2;
	s6 =	simm.s32 $0x108;
	_ =	swait.ge @!p0 [sflag:s8], $0x0  }
0x24: {  	s3 =	sadd.s32 $0x88, s3;
	s6 =	simm.s32 @!p1 $0x1082;
	[sflag:s4] =	ssyncset.s32 $0xFFFFF086  }
0x25: {  	[simem:s6], [sflag:s4] =	dma.local [hbm:s3], $0xF7A  }
0x26: {  	[smem:$0x3F60] =	sst s1;
	(tag) =	ssettag s2;
	_ =	strace s9  }
0x27: {  	s1 =	sld [smem:$0x3F70]  }
0x28: {  	s2 =	sld [smem:$0x3F71]  }
0x29: {  	s4 =	sld [smem:$0x3F73]  }
0x2a: {  	p0 =	seq.s32 s5, $0x0;
	s5 =	sld [smem:$0x3F74]  }
0x2b: {  	s6 =	sld [smem:$0x3F75]  }
0x2c: {  	s7 =	sld [smem:$0x3F76]  }
0x2d: {  	s3 =	simm.s32 $0x108;
	s8 =	sld [smem:$0x3F77]  }
0x2e: {  	s3 =	simm.s32 @!p0 $0x1082;
	s9 =	sld [smem:$0x3F78]  }
0x2f: {  	lr =	sadd.s32 s0, s3;
	s0 =	sld [smem:$0x3F6F]  }
0x30: {  	s3 =	sld [smem:$0x3F72]  }
0x31: {  	[smem:$0x3F7B] =	sst s10  }
0x32: {  	s10 =	sld [smem:$0x3F79];
	_ =	sdelay $0x3  }
0x33: {  	p0 =	seq.s32 s10, $0x1;
	s10 =	sld [smem:$0x3F7B];
	_ =	sdelay $0x3  }
0x34: {  	[smem:$0x3F7B] =	sst s10  }
0x35: {  	s10 =	sld [smem:$0x3F7A];
	_ =	sdelay $0x3  }
0x36: {  	p1 =	seq.s32 s10, $0x1;
	s10 =	sld [smem:$0x3F7B];
	_ =	sdelay $0x3  }
0x37: {  	[smem:$0x3F7B] =	sst s10  }
0x38: {  	s10 =	sld [smem:$0x3F7C]  }
0x39: {  	_ = 	snop;
	(pc) =	sbr.ind lr, $3  }
0x3a: {  	_ = 	snop  }
0x3b: {  	_ = 	snop  }
0x3c: {  	p2 =	seq.s32 s10, $0x1;
	s10 =	sld [smem:$0x3F7B]  }
0x3d: {  	_ =	shalt  }
0x3e: {  	_ =	shalt  }
0x3f: {  	_ =	shalt  }
0x40: {  	_ =	shalt  }
0x41: {  	_ =	shalt  }
0x42: {  	_ =	shalt  }
0x43: {  	_ =	shalt  }
0x44: {  	_ =	shalt  }
0x45: {  	_ =	shalt  }
0x46: {  	_ =	shalt  }
0x47: {  	_ =	shalt  }
0x48: {  	_ =	shalt  }
0x49: {  	_ =	shalt  }
0x4a: {  	_ =	shalt  }
0x4b: {  	_ =	shalt  }
0x4c: {  	_ =	shalt  }
0x4d: {  	_ =	shalt  }
0x4e: {  	_ =	shalt  }
0x4f: {  	_ =	shalt  }
0x50: {  	_ =	shalt  }
0x51: {  	_ =	shalt  }
0x52: {  	_ =	shalt  }
0x53: {  	_ =	shalt  }
0x54: {  	_ =	shalt  }
0x55: {  	_ =	shalt  }
0x56: {  	_ =	shalt  }
0x57: {  	_ =	shalt  }
0x58: {  	_ =	shalt  }
0x59: {  	_ =	shalt  }
0x5a: {  	_ =	shalt  }
0x5b: {  	_ =	shalt  }
0x5c: {  	_ =	shalt  }
0x5d: {  	_ =	shalt  }
0x5e: {  	_ =	shalt  }
0x5f: {  	_ =	shalt  }
0x60: {  	_ =	shalt  }
0x61: {  	_ =	shalt  }
0x62: {  	_ =	shalt  }
0x63: {  	_ =	shalt  }
0x64: {  	_ =	shalt  }
0x65: {  	_ =	shalt  }
0x66: {  	_ =	shalt  }
0x67: {  	_ =	shalt  }
0x68: {  	_ =	shalt  }
0x69: {  	_ =	shalt  }
0x6a: {  	_ =	shalt  }
0x6b: {  	_ =	shalt  }
0x6c: {  	_ =	shalt  }
0x6d: {  	_ =	shalt  }
0x6e: {  	_ =	shalt  }
0x6f: {  	_ =	shalt  }
0x70: {  	_ =	shalt  }
0x71: {  	_ =	shalt  }
0x72: {  	_ =	shalt  }
0x73: {  	_ =	shalt  }
0x74: {  	_ =	shalt  }
0x75: {  	_ =	shalt  }
0x76: {  	_ =	shalt  }
0x77: {  	_ =	shalt  }
0x78: {  	_ =	shalt  }
0x79: {  	_ =	shalt  }
0x7a: {  	_ =	shalt  }
0x7b: {  	_ =	shalt  }
0x7c: {  	_ =	shalt  }
0x7d: {  	_ =	shalt  }
0x7e: {  	_ =	shalt  }
0x7f: {  	_ =	shalt  }
0x80: {  	_ =	shalt  }
0x81: {  	_ =	shalt  }
0x82: {  	_ =	shalt  }
0x83: {  	_ =	shalt  }
0x84: {  	_ =	shalt  }
0x85: {  	_ =	shalt  }
0x86: {  	_ =	shalt  }
0x87: {  	_ =	shalt  }
.Lfunc_end0:
.L_simem_size_0:
called_computation.8_lowered:
.L_overlay_start_0:
0x88: {  	s2 =	sld [smem:$0x3FD9]  }
0x89: {  	s3 =	sld [smem:$0x3FFE];
	_ =	sdelay $0x1  }
0x8a: {  	s1 =	srdreg.scid  }
0x8b: {  	s0 =	sand.u32 $0x1, s1  }
0x8c: {  	s16 =	sshll.u32 s0, $0xA;
	s2 =	sadd.s32 s3, s2  }
0x8d: {  	s2 =	sadd.s32 s2, s16  }
0x8e: {  	[smem:$0x3F87] =	sst s2  }
0x8f: {  	_ = 	snop  }
0x90: {  	(tm) =	ssettm $0x1  }
0x91: {  	s17 =	sld [smem:$0x3FFB];
	_ =	sdelay $0x3  }
0x92: {  	_ =	strace s17  }
0x93: {  	s2 =	sld [smem:$0x3FFC];
	_ =	sdelay $0x3  }
0x94: {  	_ =	strace s2  }
0x95: {  	s2 =	sld [smem:$0x3FFD];
	_ =	sdelay $0x3  }
0x96: {  	_ =	strace s2  }
0x97: {  	_ =	strace $0x8FFFFFFF  }
0x98: {  	s18 =	sld [smem:$0x3FDB];
	_ =	sdelay $0x1  }
0x99: {  	s19 =	simm.s32 $_scs_section_size  }
0x9a: {  	s4 =	simm.s32 $_size__tile_overlayer_lowered;
	s5 =	simm.s32 $_tile_overlayer_lowered  }
0x9b: {  	s22 =	simm.s32 $0x1BFF;
	s21 =	sshll.u32 s5, $0x1;
	s2 =	sadd.s32 s19, s18  }
0x9c: {  	s6 =	simm.s32 $0x0;
	s20 =	sshll.u32 s4, $0x1;
	s4 =	sadd.s32 s21, s2  }
0x9d: {  	[timem:s6], [sflag:s22] =	dma.local [hbm:s4], s20  }
0x9e: {  	_ =	swait.ge [sflag:s22], s20  }
0x9f: {  	s3 =	ssub.s32 $0x0, s20;
	[sflag:s22] =	ssyncset.done $0x0  }
0xa0: {  	[sflag:s22] =	ssyncadd.s32 s3;
	_ =	sdelay $0x1  }
0xa1: {  	s23 =	simm.s32 $0x1B8B  }
0xa2: {  	_ =	swait.ge [sflag:s23], $0x1  }
0xa3: {  	[sflag:s23] =	ssyncset.done $0x0  }
0xa4: {  	s25 =	simm.s32 $0x1B8E;
	s24 =	sld [smem:$0x3FFE];
	[sflag:s23] =	ssyncadd.s32 $0xFFFFFFFF  }
0xa5: {  	s26 =	simm.s32 $execute0_lowered;
	[smem:$0x3FD2] =	sst s25  }
0xa6: {  	s4 =	sshll.u32 s26, $0x1;
	_ =	strace $0x8000005E;
	[dreg:$0x1] =	wrdreg $0xFFFFFFFF  }
0xa7: {  	s28 =	simm.s32 $_size_execute0_lowered;
	s2 =	sadd.s32 s2, s4;
	[dreg:$0x0] =	wrdreg $0x0  }
0xa8: {  	s4 =	sshll.u32 s28, $0x1;
	[dreg:$0x2] =	wrdreg s2  }
0xa9: {  	[dreg:$0x3] =	wrdreg s4  }
0xaa: {  	[dreg:$0x4] =	wrdreg $0xC0  }
0xab: {  	_ =	task [dreg:s6], $0x5FFFF  }
0xac: {  	[dreg:$0x1] =	wrdreg $0xFFFFFFFF  }
0xad: {  	[dreg:$0x0] =	wrdreg $0x60  }
0xae: {  	[dreg:$0x2] =	wrdreg s24  }
0xaf: {  	[dreg:$0x3] =	wrdreg $0x173180  }
0xb0: {  	[dreg:$0x4] =	wrdreg $0x9  }
0xb1: {  	_ =	task.clear_ibuf [dreg:s6], $0x5FFFF;
	_ =	strace $0x9000005E  }
0xb2: {  	s29 =	simm.s32 $0x9;
	_ =	strace $0x80000060  }
0xb3: {  	_ =	swait.ge [sflag:s29], $0x1  }
0xb4: {  	[sflag:s29] =	ssyncadd.s32 $0xFFFFFFFF  }
0xb5: {  	_ =	strace $0x90000060  }
0xb6: {  	_ =	sfence  }
0xb7: {  	s30 =	sld [smem:$0x0];
	_ =	sdelay $0x2  }
0xb8: {  	s31 =	sshll.u32 s1, $0xD;
	s1 =	sshrl.u32 s1, $0x2  }
0xb9: {  	s3 =	sand.u32 $0x4000, s31;
	s1 =	sadd.s32 s1, s30  }
0xba: {  	s0 =	sor.u32 s3, s0;
	s1 =	sshll.u32 s1, $0x11  }
0xbb: {  	s0 =	sor.u32 s1, s0  }
0xbc: {  	s0 =	sadd.s32 $0x8F2B, s0  }
0xbd: {  	[sflag:s0] =	ssyncadd.remote.s32 $0x1  }
0xbe: {  	_ =	sfence.sel $0xFFFF  }
0xbf: {  	[dreg:$0x0] =	wrdreg $0xFFFFFFFF;
	(pc) =	sbr.abs _section_cstart, $3  }
0xc0: {  	[dreg:$0x1] =	wrdreg $0xFFFFFFFF  }
0xc1: {  	_ =	task.clear_ibuf [dreg:s6], $0x2FFFF;
	_ =	strace $0x9FFFFFFF  }
0xc2: {  	(tm) =	ssettm $0x7FFFFFFF  }
0xc3: {  	_ =	shalt  }
tec
execute0_lowered:
.L_overlay_start_1:
0x0: {  	(tag) =	ssettag $0x1  }
0x1: {  	s11 =	rddreg [dreg:$0x0];
	s0 =	stileid.u32  }
0x2: {  	s2 =	rddreg [dreg:$0x1];
	s7 =	smul.u32 $0x1388, s0  }
0x3: {  	s1 =	rddreg [dreg:$0x2]  }
0x4: {  	s3 =	simm.s32 $0x0;
	s8 =	srdreg.scid;
	s4 =	sshrl.u32 s7, $0x3  }
0x5: {  	s6 =	simm.s32 $0x15F90;
	[smem:$0x7FF] =	sst s3;
	s4 =	sadd.s32 s4, s11  }
0x6: {  	s5 =	simm.s32 $0x2;
	_ =	strace $0x8000005F;
	s4 =	sadd.s32 $0x28E00, s4  }
0x7: {  	[tilespmem:s6], [sflag:$0x2] =	stream.linear.gather [hbm4b:s4+s3], $0x1388, $0x38;
	[tilespmem:$0x186A0] =	vst v63  }
0x8: {  	s13 =	sand.u32 $0x1, s8;
	s30 =	sshll.u32 s0, $0x1;
	_ =	swait.ge [sflag:s5], $0x1388  }
0x9: {  	s8 =	sor.u32 s13, s30;
	[sflag:s5] =	ssyncset.done $0x0  }
0xa: {  	s12 =	smul.u32 $0x2710, s8;
	s7 =	sadd.s32 s7, s2;
	[sflag:s5] =	ssyncadd.s32 $0xFFFFEC78  }
0xb: {  	[spmem:s7] =	stream.linear.scatter [tilespmem:s6], [sflag:$0x2], $0x1388, $0x38;
	[tilespmem:$0x186A0] =	vst v63  }
0xc: {  	_ =	swait.ge [sflag:s5], $0x1388  }
0xd: {  	s8 =	sshrl.u32 s12, $0x3;
	[sflag:s5] =	ssyncset.done $0x0  }
0xe: {  	s14 =	sadd.s32 s8, s11;
	[sflag:s5] =	ssyncadd.s32 $0xFFFFEC78  }
0xf: {  	s8 =	sadd.s32 $0x1F040, s14;
	[bflag:$0x0] =	sbarrier.arrive $0xFFFF  }
0x10: {  	[tilespmem:s3], [sflag:$0x2] =	stream.linear.gather [hbm4b:s8+s3], $0x2710, $0x38;
	[tilespmem:$0x186A0] =	vst v63  }
0x11: {  	_ =	swait.ge [sflag:s5], $0x2710  }
0x12: {  	[sflag:s5] =	ssyncset.done $0x0  }
0x13: {  	s9 =	simm.s32 $0x2710;
	s10 =	simm.s32 $0x1;
	[sflag:s5] =	ssyncadd.s32 $0xFFFFD8F0  }
0x14: {  	[tilespmem:s9], [sflag:$0x1] =	stream.indirect.gather [spmem:s2], $0x8, s3, s9, $0xb8;
	[tilespmem:$0x186A0] =	vst v63  }
0x15: {  	_ =	swait.ge [sflag:s10], $0x13880  }
0x16: {  	s15 =	sadd.s32 s12, s11;
	[sflag:s10] =	ssyncset.done $0x0  }
0x17: {  	s11 =	sadd.s32 $0xA4000, s15;
	[sflag:s10] =	ssyncadd.s32 $0xFFFEC780  }
0x18: {  	[hbm4b:s11+s3] =	stream.linear.scatter [tilespmem:s9], [sflag:$0x2], $0x13880, $0x38;
	[tilespmem:$0x186A0] =	vst v63  }
0x19: {  	_ =	swait.ge [sflag:s5], $0x13880  }
0x1a: {  	[sflag:s5] =	ssyncset.done $0x0  }
0x1b: {  	s13 =	ssub.s32 $0x2, s13;
	s12 =	sadd.s32 $0x15400, s14;
	[sflag:s5] =	ssyncadd.s32 $0xFFFEC780  }
0x1c: {  	[tilespmem:s3], [sflag:$0x2] =	stream.linear.gather [hbm4b:s12+s3], $0x2710, $0x38;
	[tilespmem:$0x186A0] =	vst v63  }
0x1d: {  	s31 =	sshrl.u32 s13, $0x1;
	_ =	swait.ge [sflag:s5], $0x2710  }
0x1e: {  	s14 =	ssub.s32 s13, s31;
	[sflag:s5] =	ssyncset.done $0x0  }
0x1f: {  	s14 =	smax.u32 s14, $0x1;
	[sflag:s5] =	ssyncadd.s32 $0xFFFFD8F0  }
0x20: {  	[tilespmem:s9], [sflag:$0x1] =	stream.indirect.gather [spmem:s2], $0x8, s3, s9, $0xb8;
	[tilespmem:$0x186A0] =	vst v63  }
0x21: {  	p0 =	sne.s32 s14, $0x1;
	_ =	swait.ge [sflag:s10], $0x13880  }
.Ltmp0:
0x22: {  	[sflag:s10] =	ssyncset.done $0x0;
	(pc) =	sbr.rel @!p0 .LBB2_2-.Ltmp0, $4  }
0x23: {  	s13 =	sadd.s32 $0x141C00, s15;
	[sflag:s10] =	ssyncadd.s32 $0xFFFEC780  }
0x24: {  	[hbm4b:s13+s3] =	stream.linear.scatter [tilespmem:s9], [sflag:$0x2], $0x13880, $0x38;
	[tilespmem:$0x186A0] =	vst v63  }
0x25: {  	_ =	swait.ge [sflag:s5], $0x13880  }
0x26: {  	s14 =	sadd.s32 $0xFFFFFFFF, s14;
	[sflag:s5] =	ssyncset.done $0x0  }
.LBB2_1:
0x27: {  	p0 =	sne.s32 s14, $0x1;
	s14 =	sadd.s32 $0xFFFFFFFF, s14;
	[sflag:s5] =	ssyncadd.s32 $0xFFFEC780  }
0x28: {  	[tilespmem:s6], [sflag:$0x2] =	stream.linear.gather [hbm4b:s4+s3], $0x1388, $0x38;
	[tilespmem:$0x186A0] =	vst v63  }
0x29: {  	_ =	swait.ge [sflag:s5], $0x1388  }
0x2a: {  	[sflag:s5] =	ssyncset.done $0x0  }
0x2b: {  	[sflag:s5] =	ssyncadd.s32 $0xFFFFEC78  }
0x2c: {  	[spmem:s7] =	stream.linear.scatter [tilespmem:s6], [sflag:$0x2], $0x1388, $0x38;
	[tilespmem:$0x186A0] =	vst v63  }
0x2d: {  	_ =	swait.ge [sflag:s5], $0x1388  }
0x2e: {  	[sflag:s5] =	ssyncset.done $0x0  }
0x2f: {  	[sflag:s5] =	ssyncadd.s32 $0xFFFFEC78  }
0x30: {  	[bflag:$0x0] =	sbarrier.arrive $0xFFFF  }
0x31: {  	[tilespmem:s3], [sflag:$0x2] =	stream.linear.gather [hbm4b:s8+s3], $0x2710, $0x38;
	[tilespmem:$0x186A0] =	vst v63  }
0x32: {  	_ =	swait.ge [sflag:s5], $0x2710  }
0x33: {  	[sflag:s5] =	ssyncset.done $0x0  }
0x34: {  	[sflag:s5] =	ssyncadd.s32 $0xFFFFD8F0  }
0x35: {  	[tilespmem:s9], [sflag:$0x1] =	stream.indirect.gather [spmem:s2], $0x8, s3, s9, $0xb8;
	[tilespmem:$0x186A0] =	vst v63  }
0x36: {  	_ =	swait.ge [sflag:s10], $0x13880  }
0x37: {  	[sflag:s10] =	ssyncset.done $0x0  }
0x38: {  	[sflag:s10] =	ssyncadd.s32 $0xFFFEC780  }
0x39: {  	[hbm4b:s11+s3] =	stream.linear.scatter [tilespmem:s9], [sflag:$0x2], $0x13880, $0x38;
	[tilespmem:$0x186A0] =	vst v63  }
0x3a: {  	_ =	swait.ge [sflag:s5], $0x13880  }
0x3b: {  	[sflag:s5] =	ssyncset.done $0x0  }
0x3c: {  	[sflag:s5] =	ssyncadd.s32 $0xFFFEC780  }
0x3d: {  	[tilespmem:s3], [sflag:$0x2] =	stream.linear.gather [hbm4b:s12+s3], $0x2710, $0x38;
	[tilespmem:$0x186A0] =	vst v63  }
0x3e: {  	_ =	swait.ge [sflag:s5], $0x2710  }
0x3f: {  	[sflag:s5] =	ssyncset.done $0x0  }
0x40: {  	[sflag:s5] =	ssyncadd.s32 $0xFFFFD8F0  }
0x41: {  	[tilespmem:s9], [sflag:$0x1] =	stream.indirect.gather [spmem:s2], $0x8, s3, s9, $0xb8;
	[tilespmem:$0x186A0] =	vst v63  }
0x42: {  	_ =	swait.ge [sflag:s10], $0x13880  }
.Ltmp1:
0x43: {  	[sflag:s10] =	ssyncset.done $0x0;
	(pc) =	sbr.rel @p0 .LBB2_1-.Ltmp1, $4  }
0x44: {  	[sflag:s10] =	ssyncadd.s32 $0xFFFEC780  }
0x45: {  	[hbm4b:s13+s3] =	stream.linear.scatter [tilespmem:s9], [sflag:$0x2], $0x13880, $0x38;
	[tilespmem:$0x186A0] =	vst v63  }
0x46: {  	_ =	swait.ge [sflag:s5], $0x13880  }
0x47: {  	[sflag:s5] =	ssyncset.done $0x0  }
.LBB2_2:
0x48: {  	[sflag:s5] =	ssyncadd.s32 $0xFFFEC780  }
0x49: {  	_ =	sfence.sel $0x180000  }
0x4a: {  	[bflag:$0x0] =	sbarrier.arrive $0xFFFF  }
0x4b: {  	p0 =	sne.s32 s0, $0x0;
	_ =	strace $0x9000005F  }
0x4c: {  	s0 =	sadd.s32 @!p0 $0x100000, s1;
	[bflag:$0x2] =	sbarrier.arrive $0xFFFF  }
0x4d: {  	[sflag:s0] =	ssyncadd.tile.s32 @!p0 $0x1;
	_ =	shalt  }
.Lfunc_end2:
_tile_overlayer_lowered:
.L_overlay_start_2:
0x4e: {  	(tag) =	ssettag $0x2  }
0x4f: {  	s0 =	rddreg [dreg:$0x0];
	s2 =	stileid.u32  }
0x50: {  	s1 =	rddreg [dreg:$0x1];
	p0 =	sne.s32 s2, $0x0  }
0x51: {  	s3 =	rddreg [dreg:$0x2];
	[bflag:$0x3] =	sbarrier.arrive $0xFFFF;
	s2 =	simm.s32 @!p0 $0x1C02  }
0x52: {  	[timem:s3], [sflag:s2] =	dma.local @!p0 [hbm:s0], s1  }
0x53: {  	s0 =	simm.s32 @!p0 $0x2  }
0x54: {  	_ =	swait.ge @!p0 [sflag:s0], s1  }
0x55: {  	s1 =	ssub.s32 @!p0 $0x0, s1;
	[sflag:s0] =	ssyncset.done @!p0 $0x0  }
0x56: {  	[sflag:s0] =	ssyncadd.s32 @!p0 s1  }
0x57: {  	[bflag:$0x3] =	sbarrier.arrive $0xFFFF  }
0x58: {  	_ =	shalt  }

// kernel: kernel.56.cloned.1.call-start
scs
__scs_entry_jumppad:
0x0: {  	(pc) =	sbr.rel $0x88, $3  }
0x1: {  	(tag) =	ssettag $0x0;
	lr =	simm.s32 $0x1  }
0x2: {  	[smem:$0x3F60] =	sst lr;
	_ =	strace $0xD0000000  }
0x3: {  	_ = 	snop  }
0x4: {  	_ = 	snop  }
0x5: {  	_ = 	snop  }
0x6: {  	_ = 	snop  }
0x7: {  	_ = 	snop  }
__scs_overlays_trampoline_lowered:
0x8: {  	[smem:$0x3F6F] =	sst s0  }
0x9: {  	[smem:$0x3F70] =	sst s1  }
0xa: {  	[smem:$0x3F71] =	sst s2  }
0xb: {  	[smem:$0x3F72] =	sst s3  }
0xc: {  	[smem:$0x3F73] =	sst s4  }
0xd: {  	[smem:$0x3F74] =	sst s5  }
0xe: {  	[smem:$0x3F75] =	sst s6  }
0xf: {  	[smem:$0x3F76] =	sst s7  }
0x10: {  	[smem:$0x3F77] =	sst s8  }
0x11: {  	[smem:$0x3F78] =	sst s9;
	s0 =	simm.s32 @!p0 $0x0  }
0x12: {  	s1 =	sld [smem:$0x3F5E];
	s0 =	simm.s32 @p0 $0x1  }
0x13: {  	[smem:$0x3F79] =	sst s0;
	s0 =	simm.s32 @!p1 $0x0  }
0x14: {  	s2 =	sld [smem:$0x3F5D];
	s0 =	simm.s32 @p1 $0x1  }
0x15: {  	[smem:$0x3F7A] =	sst s0;
	s0 =	simm.s32 @!p2 $0x0  }
0x16: {  	s3 =	sld [smem:$0x3FDB];
	s0 =	simm.s32 @p2 $0x1  }
0x17: {  	s4 =	simm.s32 $0x1BF5;
	[smem:$0x3F7C] =	sst s0  }
0x18: {  	s0 =	sld [smem:$0x3F5F];
	_ =	swait.ge [sflag:s4], $0x0  }
0x19: {  	s7 =	sld [smem:$0x3F60]  }
0x1a: {  	s8 =	sadd.s32 $0xFFFFE003, lr  }
0x1b: {  	s9 =	sadd.s32 $0xFFFFFEF7, lr;
	s5 =	simm.s32 $0xFFFFFFFF;
	p2 =	slt.u32 s8, $0xFFFFF086  }
0x1c: {  	p1 =	slt.u32 s9, $0xF7A;
	s5 =	simm.s32 @!p2 $0x0  }
0x1d: {  	s5 =	simm.s32 @p1 $0x1;
	p0 =	seq.s32 s7, s2  }
0x1e: {  	s7 =	smul.u32 @!p0 $0xF7A, s2;
	p2 =	seq.s32 @!p0 s5, $0x0  }
0x1f: {  	s9 =	smul.u32 $0xF7A, s1;
	s8 =	simm.s32 @!p0 $0x1BF5;
	p2 =	por !p2, p0  }
0x20: {  	[sflag:s8] =	ssyncset.s32 @!p0 $0xFFFFF086;
	s6 =	sadd.s32 @!p0 s3, s7;
	s7 =	simm.s32 @!p0 $0x108  }
0x21: {  	s3 =	sadd.s32 s3, s9;
	s6 =	sadd.s32 @!p0 $0x88, s6;
	s7 =	simm.s32 @p2 $0x1082  }
0x22: {  	[simem:s7], [sflag:s8] =	dma.local @!p0 [hbm:s6], $0xF7A  }
0x23: {  	s9 =	sor.u32 $0xD0000000, s2;
	s6 =	simm.s32 $0x108;
	_ =	swait.ge @!p0 [sflag:s8], $0x0  }
0x24: {  	s3 =	sadd.s32 $0x88, s3;
	s6 =	simm.s32 @!p1 $0x1082;
	[sflag:s4] =	ssyncset.s32 $0xFFFFF086  }
0x25: {  	[simem:s6], [sflag:s4] =	dma.local [hbm:s3], $0xF7A  }
0x26: {  	[smem:$0x3F60] =	sst s1;
	(tag) =	ssettag s2;
	_ =	strace s9  }
0x27: {  	s1 =	sld [smem:$0x3F70]  }
0x28: {  	s2 =	sld [smem:$0x3F71]  }
0x29: {  	s4 =	sld [smem:$0x3F73]  }
0x2a: {  	p0 =	seq.s32 s5, $0x0;
	s5 =	sld [smem:$0x3F74]  }
0x2b: {  	s6 =	sld [smem:$0x3F75]  }
0x2c: {  	s7 =	sld [smem:$0x3F76]  }
0x2d: {  	s3 =	simm.s32 $0x108;
	s8 =	sld [smem:$0x3F77]  }
0x2e: {  	s3 =	simm.s32 @!p0 $0x1082;
	s9 =	sld [smem:$0x3F78]  }
0x2f: {  	lr =	sadd.s32 s0, s3;
	s0 =	sld [smem:$0x3F6F]  }
0x30: {  	s3 =	sld [smem:$0x3F72]  }
0x31: {  	[smem:$0x3F7B] =	sst s10  }
0x32: {  	s10 =	sld [smem:$0x3F79];
	_ =	sdelay $0x3  }
0x33: {  	p0 =	seq.s32 s10, $0x1;
	s10 =	sld [smem:$0x3F7B];
	_ =	sdelay $0x3  }
0x34: {  	[smem:$0x3F7B] =	sst s10  }
0x35: {  	s10 =	sld [smem:$0x3F7A];
	_ =	sdelay $0x3  }
0x36: {  	p1 =	seq.s32 s10, $0x1;
	s10 =	sld [smem:$0x3F7B];
	_ =	sdelay $0x3  }
0x37: {  	[smem:$0x3F7B] =	sst s10  }
0x38: {  	s10 =	sld [smem:$0x3F7C]  }
0x39: {  	_ = 	snop;
	(pc) =	sbr.ind lr, $3  }
0x3a: {  	_ = 	snop  }
0x3b: {  	_ = 	snop  }
0x3c: {  	p2 =	seq.s32 s10, $0x1;
	s10 =	sld [smem:$0x3F7B]  }
0x3d: {  	_ =	shalt  }
0x3e: {  	_ =	shalt  }
0x3f: {  	_ =	shalt  }
0x40: {  	_ =	shalt  }
0x41: {  	_ =	shalt  }
0x42: {  	_ =	shalt  }
0x43: {  	_ =	shalt  }
0x44: {  	_ =	shalt  }
0x45: {  	_ =	shalt  }
0x46: {  	_ =	shalt  }
0x47: {  	_ =	shalt  }
0x48: {  	_ =	shalt  }
0x49: {  	_ =	shalt  }
0x4a: {  	_ =	shalt  }
0x4b: {  	_ =	shalt  }
0x4c: {  	_ =	shalt  }
0x4d: {  	_ =	shalt  }
0x4e: {  	_ =	shalt  }
0x4f: {  	_ =	shalt  }
0x50: {  	_ =	shalt  }
0x51: {  	_ =	shalt  }
0x52: {  	_ =	shalt  }
0x53: {  	_ =	shalt  }
0x54: {  	_ =	shalt  }
0x55: {  	_ =	shalt  }
0x56: {  	_ =	shalt  }
0x57: {  	_ =	shalt  }
0x58: {  	_ =	shalt  }
0x59: {  	_ =	shalt  }
0x5a: {  	_ =	shalt  }
0x5b: {  	_ =	shalt  }
0x5c: {  	_ =	shalt  }
0x5d: {  	_ =	shalt  }
0x5e: {  	_ =	shalt  }
0x5f: {  	_ =	shalt  }
0x60: {  	_ =	shalt  }
0x61: {  	_ =	shalt  }
0x62: {  	_ =	shalt  }
0x63: {  	_ =	shalt  }
0x64: {  	_ =	shalt  }
0x65: {  	_ =	shalt  }
0x66: {  	_ =	shalt  }
0x67: {  	_ =	shalt  }
0x68: {  	_ =	shalt  }
0x69: {  	_ =	shalt  }
0x6a: {  	_ =	shalt  }
0x6b: {  	_ =	shalt  }
0x6c: {  	_ =	shalt  }
0x6d: {  	_ =	shalt  }
0x6e: {  	_ =	shalt  }
0x6f: {  	_ =	shalt  }
0x70: {  	_ =	shalt  }
0x71: {  	_ =	shalt  }
0x72: {  	_ =	shalt  }
0x73: {  	_ =	shalt  }
0x74: {  	_ =	shalt  }
0x75: {  	_ =	shalt  }
0x76: {  	_ =	shalt  }
0x77: {  	_ =	shalt  }
0x78: {  	_ =	shalt  }
0x79: {  	_ =	shalt  }
0x7a: {  	_ =	shalt  }
0x7b: {  	_ =	shalt  }
0x7c: {  	_ =	shalt  }
0x7d: {  	_ =	shalt  }
0x7e: {  	_ =	shalt  }
0x7f: {  	_ =	shalt  }
0x80: {  	_ =	shalt  }
0x81: {  	_ =	shalt  }
0x82: {  	_ =	shalt  }
0x83: {  	_ =	shalt  }
0x84: {  	_ =	shalt  }
0x85: {  	_ =	shalt  }
0x86: {  	_ =	shalt  }
0x87: {  	_ =	shalt  }
.Lfunc_end0:
.L_simem_size_0:
called_computation.9_lowered:
.L_overlay_start_0:
0x88: {  	s2 =	sld [smem:$0x3FD9]  }
0x89: {  	s3 =	sld [smem:$0x3FFE];
	_ =	sdelay $0x1  }
0x8a: {  	s1 =	srdreg.scid  }
0x8b: {  	s0 =	sand.u32 $0x1, s1  }
0x8c: {  	s16 =	sshll.u32 s0, $0xA;
	s2 =	sadd.s32 s3, s2  }
0x8d: {  	s2 =	sadd.s32 s2, s16  }
0x8e: {  	[smem:$0x3F87] =	sst s2  }
0x8f: {  	_ = 	snop  }
0x90: {  	(tm) =	ssettm $0x1  }
0x91: {  	s17 =	sld [smem:$0x3FFB];
	_ =	sdelay $0x3  }
0x92: {  	_ =	strace s17  }
0x93: {  	s2 =	sld [smem:$0x3FFC];
	_ =	sdelay $0x3  }
0x94: {  	_ =	strace s2  }
0x95: {  	s2 =	sld [smem:$0x3FFD];
	_ =	sdelay $0x3  }
0x96: {  	_ =	strace s2  }
0x97: {  	_ =	strace $0x8FFFFFFF  }
0x98: {  	s18 =	sld [smem:$0x3FDB];
	_ =	sdelay $0x1  }
0x99: {  	s19 =	simm.s32 $_scs_section_size  }
0x9a: {  	s4 =	simm.s32 $_size__tile_overlayer_lowered;
	s5 =	simm.s32 $_tile_overlayer_lowered  }
0x9b: {  	s22 =	simm.s32 $0x1BFF;
	s21 =	sshll.u32 s5, $0x1;
	s2 =	sadd.s32 s19, s18  }
0x9c: {  	s6 =	simm.s32 $0x0;
	s20 =	sshll.u32 s4, $0x1;
	s4 =	sadd.s32 s21, s2  }
0x9d: {  	[timem:s6], [sflag:s22] =	dma.local [hbm:s4], s20  }
0x9e: {  	_ =	swait.ge [sflag:s22], s20  }
0x9f: {  	s3 =	ssub.s32 $0x0, s20;
	[sflag:s22] =	ssyncset.done $0x0  }
0xa0: {  	[sflag:s22] =	ssyncadd.s32 s3;
	_ =	sdelay $0x1  }
0xa1: {  	s23 =	simm.s32 $0x1B8B  }
0xa2: {  	_ =	swait.ge [sflag:s23], $0x1  }
0xa3: {  	[sflag:s23] =	ssyncset.done $0x0  }
0xa4: {  	s25 =	simm.s32 $0x1B8E;
	s24 =	sld [smem:$0x3FFE];
	[sflag:s23] =	ssyncadd.s32 $0xFFFFFFFF  }
0xa5: {  	s26 =	simm.s32 $execute0_lowered;
	[smem:$0x3FD2] =	sst s25  }
0xa6: {  	s4 =	sshll.u32 s26, $0x1;
	_ =	strace $0x80000061;
	[dreg:$0x1] =	wrdreg $0xFFFFFFFF  }
0xa7: {  	s28 =	simm.s32 $_size_execute0_lowered;
	s2 =	sadd.s32 s2, s4;
	[dreg:$0x0] =	wrdreg $0x0  }
0xa8: {  	s4 =	sshll.u32 s28, $0x1;
	[dreg:$0x2] =	wrdreg s2  }
0xa9: {  	[dreg:$0x3] =	wrdreg s4  }
0xaa: {  	[dreg:$0x4] =	wrdreg $0xC0  }
0xab: {  	_ =	task [dreg:s6], $0x5FFFF  }
0xac: {  	[dreg:$0x1] =	wrdreg $0xFFFFFFFF  }
0xad: {  	[dreg:$0x0] =	wrdreg $0x60  }
0xae: {  	[dreg:$0x2] =	wrdreg s24  }
0xaf: {  	[dreg:$0x3] =	wrdreg $0x173180  }
0xb0: {  	[dreg:$0x4] =	wrdreg $0x9  }
0xb1: {  	_ =	task.clear_ibuf [dreg:s6], $0x5FFFF;
	_ =	strace $0x90000061  }
0xb2: {  	s29 =	simm.s32 $0x9;
	_ =	strace $0x80000063  }
0xb3: {  	_ =	swait.ge [sflag:s29], $0x1  }
0xb4: {  	[sflag:s29] =	ssyncadd.s32 $0xFFFFFFFF  }
0xb5: {  	_ =	strace $0x90000063  }
0xb6: {  	_ =	sfence  }
0xb7: {  	s30 =	sld [smem:$0x0];
	_ =	sdelay $0x2  }
0xb8: {  	s31 =	sshll.u32 s1, $0xD;
	s1 =	sshrl.u32 s1, $0x2  }
0xb9: {  	s3 =	sand.u32 $0x4000, s31;
	s1 =	sadd.s32 s1, s30  }
0xba: {  	s0 =	sor.u32 s3, s0;
	s1 =	sshll.u32 s1, $0x11  }
0xbb: {  	s0 =	sor.u32 s1, s0  }
0xbc: {  	s0 =	sadd.s32 $0x8F2B, s0  }
0xbd: {  	[sflag:s0] =	ssyncadd.remote.s32 $0x1  }
0xbe: {  	_ =	sfence.sel $0xFFFF  }
0xbf: {  	[dreg:$0x0] =	wrdreg $0xFFFFFFFF;
	(pc) =	sbr.abs _section_cstart, $3  }
0xc0: {  	[dreg:$0x1] =	wrdreg $0xFFFFFFFF  }
0xc1: {  	_ =	task.clear_ibuf [dreg:s6], $0x2FFFF;
	_ =	strace $0x9FFFFFFF  }
0xc2: {  	(tm) =	ssettm $0x7FFFFFFF  }
0xc3: {  	_ =	shalt  }
tec
execute0_lowered:
.L_overlay_start_1:
0x0: {  	(tag) =	ssettag $0x1  }
0x1: {  	s11 =	rddreg [dreg:$0x0];
	s0 =	stileid.u32  }
0x2: {  	s2 =	rddreg [dreg:$0x1];
	s12 =	smul.u32 $0x1388, s0  }
0x3: {  	s1 =	rddreg [dreg:$0x2]  }
0x4: {  	s3 =	simm.s32 $0x0;
	s7 =	srdreg.scid;
	s4 =	sshrl.u32 s12, $0x3  }
0x5: {  	s6 =	simm.s32 $0x15F90;
	[smem:$0x7FF] =	sst s3;
	s4 =	sadd.s32 s4, s11  }
0x6: {  	s5 =	simm.s32 $0x1;
	_ =	strace $0x80000062;
	s4 =	sadd.s32 $0x79800, s4  }
0x7: {  	[tilespmem:s6], [sflag:$0x1] =	stream.linear.gather [hbm4b:s4+s3], $0x1388, $0x38;
	[tilespmem:$0x186A0] =	vst v63  }
0x8: {  	s13 =	sand.u32 $0x1, s7;
	s28 =	sshll.u32 s0, $0x1;
	_ =	swait.ge [sflag:s5], $0x1388  }
0x9: {  	s7 =	sor.u32 s13, s28;
	[sflag:s5] =	ssyncset.done $0x0  }
0xa: {  	s9 =	smul.u32 $0x2710, s7;
	s7 =	sadd.s32 s12, s2;
	[sflag:s5] =	ssyncadd.s32 $0xFFFFEC78  }
0xb: {  	[spmem:s7] =	stream.linear.scatter [tilespmem:s6], [sflag:$0x1], $0x1388, $0x38;
	[tilespmem:$0x186A0] =	vst v63  }
0xc: {  	_ =	swait.ge [sflag:s5], $0x1388  }
0xd: {  	s8 =	sshrl.u32 s9, $0x3;
	[sflag:s5] =	ssyncset.done $0x0  }
0xe: {  	s8 =	sadd.s32 s11, s8;
	[sflag:s5] =	ssyncadd.s32 $0xFFFFEC78  }
0xf: {  	s8 =	sadd.s32 $0x1F040, s8;
	[bflag:$0x0] =	sbarrier.arrive $0xFFFF  }
0x10: {  	[tilespmem:s3], [sflag:$0x1] =	stream.linear.gather [hbm4b:s8+s3], $0x2710, $0x38;
	[tilespmem:$0x186A0] =	vst v63  }
0x11: {  	_ =	swait.ge [sflag:s5], $0x2710  }
0x12: {  	s10 =	simm.s32 $0x2710;
	s9 =	sadd.s32 s9, s11;
	[sflag:s5] =	ssyncset.done $0x0  }
0x13: {  	s14 =	smul.u32 $0x13880, s13;
	s9 =	sadd.s32 $0x2B600, s9;
	[sflag:s5] =	ssyncadd.s32 $0xFFFFD8F0  }
0x14: {  	[tilespmem:s10], [sflag:$0x1] =	stream.linear.gather [hbm4b:s9+s3], $0x13880, $0x38;
	[tilespmem:$0x186A0] =	vst v63  }
0x15: {  	s13 =	ssub.s32 $0x2, s13;
	s12 =	sadd.s32 s12, s14;
	_ =	swait.ge [sflag:s5], $0x13880  }
0x16: {  	s29 =	sshrl.u32 s13, $0x1;
	s12 =	sshrl.u32 s12, $0x3;
	[sflag:s5] =	ssyncset.done $0x0  }
0x17: {  	s11 =	sadd.s32 s12, s11;
	s12 =	ssub.s32 s13, s29;
	[sflag:s5] =	ssyncadd.s32 $0xFFFEC780  }
0x18: {  	[spmem:s2] =	stream.indirect.scatter.add.f32 [tilespmem:s10], [sflag:$0x1], $0x8, s3, s10, $0xb8;
	[tilespmem:$0x186A0] =	vst v63  }
0x19: {  	s30 =	smax.u32 s12, $0x1;
	_ =	swait.ge [sflag:s5], $0x13880  }
0x1a: {  	s31 =	sshll.u32 s0, $0x6;
	p0 =	sne.s32 s30, $0x1;
	[sflag:s5] =	ssyncset.done $0x0  }
.Ltmp0:
0x1b: {  	s13 =	sshrl.u32 s7, $0x3;
	[sflag:s5] =	ssyncadd.s32 $0xFFFEC780;
	(pc) =	sbr.rel @!p0 .LBB2_2-.Ltmp0, $4  }
0x1c: {  	s11 =	sadd.s32 $0xA4000, s11;
	s12 =	sor.u32 $0x1C01, s31;
	[bflag:$0x0] =	sbarrier.arrive $0xFFFF  }
0x1d: {  	[hbm:s11], [sflag:s12] =	dma.local [spmem:s13], $0x271  }
0x1e: {  	_ =	swait.ge [sflag:s5], $0x271  }
0x1f: {  	s14 =	sadd.s32 $0xFFFFFFFF, s30;
	[sflag:s5] =	ssyncset.done $0x0  }
.LBB2_1:
0x20: {  	p0 =	sne.s32 s14, $0x1;
	s14 =	sadd.s32 $0xFFFFFFFF, s14;
	[sflag:s5] =	ssyncadd.s32 $0xFFFFFD8F  }
0x21: {  	[tilespmem:s6], [sflag:$0x1] =	stream.linear.gather [hbm4b:s4+s3], $0x1388, $0x38;
	[tilespmem:$0x186A0] =	vst v63  }
0x22: {  	_ =	swait.ge [sflag:s5], $0x1388  }
0x23: {  	[sflag:s5] =	ssyncset.done $0x0  }
0x24: {  	[sflag:s5] =	ssyncadd.s32 $0xFFFFEC78  }
0x25: {  	[spmem:s7] =	stream.linear.scatter [tilespmem:s6], [sflag:$0x1], $0x1388, $0x38;
	[tilespmem:$0x186A0] =	vst v63  }
0x26: {  	_ =	swait.ge [sflag:s5], $0x1388  }
0x27: {  	[sflag:s5] =	ssyncset.done $0x0  }
0x28: {  	[sflag:s5] =	ssyncadd.s32 $0xFFFFEC78  }
0x29: {  	[bflag:$0x0] =	sbarrier.arrive $0xFFFF  }
0x2a: {  	[tilespmem:s3], [sflag:$0x1] =	stream.linear.gather [hbm4b:s8+s3], $0x2710, $0x38;
	[tilespmem:$0x186A0] =	vst v63  }
0x2b: {  	_ =	swait.ge [sflag:s5], $0x2710  }
0x2c: {  	[sflag:s5] =	ssyncset.done $0x0  }
0x2d: {  	[sflag:s5] =	ssyncadd.s32 $0xFFFFD8F0  }
0x2e: {  	[tilespmem:s10], [sflag:$0x1] =	stream.linear.gather [hbm4b:s9+s3], $0x13880, $0x38;
	[tilespmem:$0x186A0] =	vst v63  }
0x2f: {  	_ =	swait.ge [sflag:s5], $0x13880  }
0x30: {  	[sflag:s5] =	ssyncset.done $0x0  }
0x31: {  	[sflag:s5] =	ssyncadd.s32 $0xFFFEC780  }
0x32: {  	[spmem:s2] =	stream.indirect.scatter.add.f32 [tilespmem:s10], [sflag:$0x1], $0x8, s3, s10, $0xb8;
	[tilespmem:$0x186A0] =	vst v63  }
0x33: {  	_ =	swait.ge [sflag:s5], $0x13880  }
0x34: {  	[sflag:s5] =	ssyncset.done $0x0  }
.Ltmp1:
0x35: {  	[sflag:s5] =	ssyncadd.s32 $0xFFFEC780;
	(pc) =	sbr.rel @p0 .LBB2_1-.Ltmp1, $4  }
0x36: {  	[bflag:$0x0] =	sbarrier.arrive $0xFFFF  }
0x37: {  	[hbm:s11], [sflag:s12] =	dma.local [spmem:s13], $0x271  }
0x38: {  	_ =	swait.ge [sflag:s5], $0x271  }
0x39: {  	[sflag:s5] =	ssyncset.done $0x0  }
.LBB2_2:
0x3a: {  	[sflag:s5] =	ssyncadd.s32 $0xFFFFFD8F  }
0x3b: {  	_ =	sfence.sel $0x180000  }
0x3c: {  	[bflag:$0x0] =	sbarrier.arrive $0xFFFF  }
0x3d: {  	p0 =	sne.s32 s0, $0x0;
	_ =	strace $0x90000062  }
0x3e: {  	s0 =	sadd.s32 @!p0 $0x100000, s1;
	[bflag:$0x2] =	sbarrier.arrive $0xFFFF  }
0x3f: {  	[sflag:s0] =	ssyncadd.tile.s32 @!p0 $0x1;
	_ =	shalt  }
.Lfunc_end2:
_tile_overlayer_lowered:
.L_overlay_start_2:
0x40: {  	(tag) =	ssettag $0x2  }
0x41: {  	s0 =	rddreg [dreg:$0x0];
	s2 =	stileid.u32  }
0x42: {  	s1 =	rddreg [dreg:$0x1];
	p0 =	sne.s32 s2, $0x0  }
0x43: {  	s3 =	rddreg [dreg:$0x2];
	[bflag:$0x3] =	sbarrier.arrive $0xFFFF;
	s2 =	simm.s32 @!p0 $0x1C01  }
0x44: {  	[timem:s3], [sflag:s2] =	dma.local @!p0 [hbm:s0], s1  }
0x45: {  	s0 =	simm.s32 @!p0 $0x1  }
0x46: {  	_ =	swait.ge @!p0 [sflag:s0], s1  }
0x47: {  	s1 =	ssub.s32 @!p0 $0x0, s1;
	[sflag:s0] =	ssyncset.done @!p0 $0x0  }
0x48: {  	[sflag:s0] =	ssyncadd.s32 @!p0 s1  }
0x49: {  	[bflag:$0x3] =	sbarrier.arrive $0xFFFF  }
0x4a: {  	_ =	shalt  }

// kernel: kernel.59.cloned.1.call-start
scs
__scs_entry_jumppad:
0x0: {  	(pc) =	sbr.rel $0x88, $3  }
0x1: {  	(tag) =	ssettag $0x0;
	lr =	simm.s32 $0x1  }
0x2: {  	[smem:$0x3F60] =	sst lr;
	_ =	strace $0xD0000000  }
0x3: {  	_ = 	snop  }
0x4: {  	_ = 	snop  }
0x5: {  	_ = 	snop  }
0x6: {  	_ = 	snop  }
0x7: {  	_ = 	snop  }
__scs_overlays_trampoline_lowered:
0x8: {  	[smem:$0x3F6F] =	sst s0  }
0x9: {  	[smem:$0x3F70] =	sst s1  }
0xa: {  	[smem:$0x3F71] =	sst s2  }
0xb: {  	[smem:$0x3F72] =	sst s3  }
0xc: {  	[smem:$0x3F73] =	sst s4  }
0xd: {  	[smem:$0x3F74] =	sst s5  }
0xe: {  	[smem:$0x3F75] =	sst s6  }
0xf: {  	[smem:$0x3F76] =	sst s7  }
0x10: {  	[smem:$0x3F77] =	sst s8  }
0x11: {  	[smem:$0x3F78] =	sst s9;
	s0 =	simm.s32 @!p0 $0x0  }
0x12: {  	s1 =	sld [smem:$0x3F5E];
	s0 =	simm.s32 @p0 $0x1  }
0x13: {  	[smem:$0x3F79] =	sst s0;
	s0 =	simm.s32 @!p1 $0x0  }
0x14: {  	s2 =	sld [smem:$0x3F5D];
	s0 =	simm.s32 @p1 $0x1  }
0x15: {  	[smem:$0x3F7A] =	sst s0;
	s0 =	simm.s32 @!p2 $0x0  }
0x16: {  	s3 =	sld [smem:$0x3FDB];
	s0 =	simm.s32 @p2 $0x1  }
0x17: {  	s4 =	simm.s32 $0x1BF5;
	[smem:$0x3F7C] =	sst s0  }
0x18: {  	s0 =	sld [smem:$0x3F5F];
	_ =	swait.ge [sflag:s4], $0x0  }
0x19: {  	s7 =	sld [smem:$0x3F60]  }
0x1a: {  	s8 =	sadd.s32 $0xFFFFE003, lr  }
0x1b: {  	s9 =	sadd.s32 $0xFFFFFEF7, lr;
	s5 =	simm.s32 $0xFFFFFFFF;
	p2 =	slt.u32 s8, $0xFFFFF086  }
0x1c: {  	p1 =	slt.u32 s9, $0xF7A;
	s5 =	simm.s32 @!p2 $0x0  }
0x1d: {  	s5 =	simm.s32 @p1 $0x1;
	p0 =	seq.s32 s7, s2  }
0x1e: {  	s7 =	smul.u32 @!p0 $0xF7A, s2;
	p2 =	seq.s32 @!p0 s5, $0x0  }
0x1f: {  	s9 =	smul.u32 $0xF7A, s1;
	s8 =	simm.s32 @!p0 $0x1BF5;
	p2 =	por !p2, p0  }
0x20: {  	[sflag:s8] =	ssyncset.s32 @!p0 $0xFFFFF086;
	s6 =	sadd.s32 @!p0 s3, s7;
	s7 =	simm.s32 @!p0 $0x108  }
0x21: {  	s3 =	sadd.s32 s3, s9;
	s6 =	sadd.s32 @!p0 $0x88, s6;
	s7 =	simm.s32 @p2 $0x1082  }
0x22: {  	[simem:s7], [sflag:s8] =	dma.local @!p0 [hbm:s6], $0xF7A  }
0x23: {  	s9 =	sor.u32 $0xD0000000, s2;
	s6 =	simm.s32 $0x108;
	_ =	swait.ge @!p0 [sflag:s8], $0x0  }
0x24: {  	s3 =	sadd.s32 $0x88, s3;
	s6 =	simm.s32 @!p1 $0x1082;
	[sflag:s4] =	ssyncset.s32 $0xFFFFF086  }
0x25: {  	[simem:s6], [sflag:s4] =	dma.local [hbm:s3], $0xF7A  }
0x26: {  	[smem:$0x3F60] =	sst s1;
	(tag) =	ssettag s2;
	_ =	strace s9  }
0x27: {  	s1 =	sld [smem:$0x3F70]  }
0x28: {  	s2 =	sld [smem:$0x3F71]  }
0x29: {  	s4 =	sld [smem:$0x3F73]  }
0x2a: {  	p0 =	seq.s32 s5, $0x0;
	s5 =	sld [smem:$0x3F74]  }
0x2b: {  	s6 =	sld [smem:$0x3F75]  }
0x2c: {  	s7 =	sld [smem:$0x3F76]  }
0x2d: {  	s3 =	simm.s32 $0x108;
	s8 =	sld [smem:$0x3F77]  }
0x2e: {  	s3 =	simm.s32 @!p0 $0x1082;
	s9 =	sld [smem:$0x3F78]  }
0x2f: {  	lr =	sadd.s32 s0, s3;
	s0 =	sld [smem:$0x3F6F]  }
0x30: {  	s3 =	sld [smem:$0x3F72]  }
0x31: {  	[smem:$0x3F7B] =	sst s10  }
0x32: {  	s10 =	sld [smem:$0x3F79];
	_ =	sdelay $0x3  }
0x33: {  	p0 =	seq.s32 s10, $0x1;
	s10 =	sld [smem:$0x3F7B];
	_ =	sdelay $0x3  }
0x34: {  	[smem:$0x3F7B] =	sst s10  }
0x35: {  	s10 =	sld [smem:$0x3F7A];
	_ =	sdelay $0x3  }
0x36: {  	p1 =	seq.s32 s10, $0x1;
	s10 =	sld [smem:$0x3F7B];
	_ =	sdelay $0x3  }
0x37: {  	[smem:$0x3F7B] =	sst s10  }
0x38: {  	s10 =	sld [smem:$0x3F7C]  }
0x39: {  	_ = 	snop;
	(pc) =	sbr.ind lr, $3  }
0x3a: {  	_ = 	snop  }
0x3b: {  	_ = 	snop  }
0x3c: {  	p2 =	seq.s32 s10, $0x1;
	s10 =	sld [smem:$0x3F7B]  }
0x3d: {  	_ =	shalt  }
0x3e: {  	_ =	shalt  }
0x3f: {  	_ =	shalt  }
0x40: {  	_ =	shalt  }
0x41: {  	_ =	shalt  }
0x42: {  	_ =	shalt  }
0x43: {  	_ =	shalt  }
0x44: {  	_ =	shalt  }
0x45: {  	_ =	shalt  }
0x46: {  	_ =	shalt  }
0x47: {  	_ =	shalt  }
0x48: {  	_ =	shalt  }
0x49: {  	_ =	shalt  }
0x4a: {  	_ =	shalt  }
0x4b: {  	_ =	shalt  }
0x4c: {  	_ =	shalt  }
0x4d: {  	_ =	shalt  }
0x4e: {  	_ =	shalt  }
0x4f: {  	_ =	shalt  }
0x50: {  	_ =	shalt  }
0x51: {  	_ =	shalt  }
0x52: {  	_ =	shalt  }
0x53: {  	_ =	shalt  }
0x54: {  	_ =	shalt  }
0x55: {  	_ =	shalt  }
0x56: {  	_ =	shalt  }
0x57: {  	_ =	shalt  }
0x58: {  	_ =	shalt  }
0x59: {  	_ =	shalt  }
0x5a: {  	_ =	shalt  }
0x5b: {  	_ =	shalt  }
0x5c: {  	_ =	shalt  }
0x5d: {  	_ =	shalt  }
0x5e: {  	_ =	shalt  }
0x5f: {  	_ =	shalt  }
0x60: {  	_ =	shalt  }
0x61: {  	_ =	shalt  }
0x62: {  	_ =	shalt  }
0x63: {  	_ =	shalt  }
0x64: {  	_ =	shalt  }
0x65: {  	_ =	shalt  }
0x66: {  	_ =	shalt  }
0x67: {  	_ =	shalt  }
0x68: {  	_ =	shalt  }
0x69: {  	_ =	shalt  }
0x6a: {  	_ =	shalt  }
0x6b: {  	_ =	shalt  }
0x6c: {  	_ =	shalt  }
0x6d: {  	_ =	shalt  }
0x6e: {  	_ =	shalt  }
0x6f: {  	_ =	shalt  }
0x70: {  	_ =	shalt  }
0x71: {  	_ =	shalt  }
0x72: {  	_ =	shalt  }
0x73: {  	_ =	shalt  }
0x74: {  	_ =	shalt  }
0x75: {  	_ =	shalt  }
0x76: {  	_ =	shalt  }
0x77: {  	_ =	shalt  }
0x78: {  	_ =	shalt  }
0x79: {  	_ =	shalt  }
0x7a: {  	_ =	shalt  }
0x7b: {  	_ =	shalt  }
0x7c: {  	_ =	shalt  }
0x7d: {  	_ =	shalt  }
0x7e: {  	_ =	shalt  }
0x7f: {  	_ =	shalt  }
0x80: {  	_ =	shalt  }
0x81: {  	_ =	shalt  }
0x82: {  	_ =	shalt  }
0x83: {  	_ =	shalt  }
0x84: {  	_ =	shalt  }
0x85: {  	_ =	shalt  }
0x86: {  	_ =	shalt  }
0x87: {  	_ =	shalt  }
.Lfunc_end0:
.L_simem_size_0:
called_computation.10_lowered:
.L_overlay_start_0:
0x88: {  	s2 =	sld [smem:$0x3FD9]  }
0x89: {  	s3 =	sld [smem:$0x3FFE];
	_ =	sdelay $0x1  }
0x8a: {  	s1 =	srdreg.scid  }
0x8b: {  	s0 =	sand.u32 $0x1, s1  }
0x8c: {  	s16 =	sshll.u32 s0, $0xA;
	s2 =	sadd.s32 s3, s2  }
0x8d: {  	s2 =	sadd.s32 s2, s16  }
0x8e: {  	[smem:$0x3F87] =	sst s2  }
0x8f: {  	_ = 	snop  }
0x90: {  	(tm) =	ssettm $0x1  }
0x91: {  	s17 =	sld [smem:$0x3FFB];
	_ =	sdelay $0x3  }
0x92: {  	_ =	strace s17  }
0x93: {  	s2 =	sld [smem:$0x3FFC];
	_ =	sdelay $0x3  }
0x94: {  	_ =	strace s2  }
0x95: {  	s2 =	sld [smem:$0x3FFD];
	_ =	sdelay $0x3  }
0x96: {  	_ =	strace s2  }
0x97: {  	_ =	strace $0x8FFFFFFF  }
0x98: {  	s18 =	sld [smem:$0x3FDB];
	_ =	sdelay $0x1  }
0x99: {  	s19 =	simm.s32 $_scs_section_size  }
0x9a: {  	s4 =	simm.s32 $_size__tile_overlayer_lowered;
	s5 =	simm.s32 $_tile_overlayer_lowered  }
0x9b: {  	s22 =	simm.s32 $0x1BFF;
	s21 =	sshll.u32 s5, $0x1;
	s2 =	sadd.s32 s19, s18  }
0x9c: {  	s6 =	simm.s32 $0x0;
	s20 =	sshll.u32 s4, $0x1;
	s4 =	sadd.s32 s21, s2  }
0x9d: {  	[timem:s6], [sflag:s22] =	dma.local [hbm:s4], s20  }
0x9e: {  	_ =	swait.ge [sflag:s22], s20  }
0x9f: {  	s3 =	ssub.s32 $0x0, s20;
	[sflag:s22] =	ssyncset.done $0x0  }
0xa0: {  	[sflag:s22] =	ssyncadd.s32 s3;
	_ =	sdelay $0x1  }
0xa1: {  	s23 =	simm.s32 $0x1B8B  }
0xa2: {  	_ =	swait.ge [sflag:s23], $0x1  }
0xa3: {  	[sflag:s23] =	ssyncset.done $0x0  }
0xa4: {  	s25 =	simm.s32 $0x1B8E;
	s24 =	sld [smem:$0x3FFE];
	[sflag:s23] =	ssyncadd.s32 $0xFFFFFFFF  }
0xa5: {  	s26 =	simm.s32 $execute0_lowered;
	[smem:$0x3FD2] =	sst s25  }
0xa6: {  	s4 =	sshll.u32 s26, $0x1;
	_ =	strace $0x80000064;
	[dreg:$0x1] =	wrdreg $0xFFFFFFFF  }
0xa7: {  	s28 =	simm.s32 $_size_execute0_lowered;
	s2 =	sadd.s32 s2, s4;
	[dreg:$0x0] =	wrdreg $0x0  }
0xa8: {  	s4 =	sshll.u32 s28, $0x1;
	[dreg:$0x2] =	wrdreg s2  }
0xa9: {  	[dreg:$0x3] =	wrdreg s4  }
0xaa: {  	[dreg:$0x4] =	wrdreg $0xC0  }
0xab: {  	_ =	task [dreg:s6], $0x5FFFF  }
0xac: {  	[dreg:$0x1] =	wrdreg $0xFFFFFFFF  }
0xad: {  	[dreg:$0x0] =	wrdreg $0x60  }
0xae: {  	[dreg:$0x2] =	wrdreg s24  }
0xaf: {  	[dreg:$0x3] =	wrdreg $0x173180  }
0xb0: {  	[dreg:$0x4] =	wrdreg $0x9  }
0xb1: {  	_ =	task.clear_ibuf [dreg:s6], $0x5FFFF;
	_ =	strace $0x90000064  }
0xb2: {  	s29 =	simm.s32 $0x9;
	_ =	strace $0x80000066  }
0xb3: {  	_ =	swait.ge [sflag:s29], $0x1  }
0xb4: {  	[sflag:s29] =	ssyncadd.s32 $0xFFFFFFFF  }
0xb5: {  	_ =	strace $0x90000066  }
0xb6: {  	_ =	sfence  }
0xb7: {  	s30 =	sld [smem:$0x0];
	_ =	sdelay $0x2  }
0xb8: {  	s31 =	sshll.u32 s1, $0xD;
	s1 =	sshrl.u32 s1, $0x2  }
0xb9: {  	s3 =	sand.u32 $0x4000, s31;
	s1 =	sadd.s32 s1, s30  }
0xba: {  	s0 =	sor.u32 s3, s0;
	s1 =	sshll.u32 s1, $0x11  }
0xbb: {  	s0 =	sor.u32 s1, s0  }
0xbc: {  	s0 =	sadd.s32 $0x8F2B, s0  }
0xbd: {  	[sflag:s0] =	ssyncadd.remote.s32 $0x1  }
0xbe: {  	_ =	sfence.sel $0xFFFF  }
0xbf: {  	[dreg:$0x0] =	wrdreg $0xFFFFFFFF;
	(pc) =	sbr.abs _section_cstart, $3  }
0xc0: {  	[dreg:$0x1] =	wrdreg $0xFFFFFFFF  }
0xc1: {  	_ =	task.clear_ibuf [dreg:s6], $0x2FFFF;
	_ =	strace $0x9FFFFFFF  }
0xc2: {  	(tm) =	ssettm $0x7FFFFFFF  }
0xc3: {  	_ =	shalt  }
tec
execute0_lowered:
.L_overlay_start_1:
0x0: {  	(tag) =	ssettag $0x1  }
0x1: {  	s11 =	rddreg [dreg:$0x0];
	s0 =	stileid.u32  }
0x2: {  	s2 =	rddreg [dreg:$0x1];
	s7 =	smul.u32 $0x1388, s0  }
0x3: {  	s1 =	rddreg [dreg:$0x2]  }
0x4: {  	s3 =	simm.s32 $0x0;
	s8 =	srdreg.scid;
	s4 =	sshrl.u32 s7, $0x3  }
0x5: {  	s6 =	simm.s32 $0x15F90;
	[smem:$0x7FF] =	sst s3;
	s4 =	sadd.s32 s4, s11  }
0x6: {  	s5 =	simm.s32 $0x2;
	_ =	strace $0x80000065;
	s4 =	sadd.s32 $0x28E00, s4  }
0x7: {  	[tilespmem:s6], [sflag:$0x2] =	stream.linear.gather [hbm4b:s4+s3], $0x1388, $0x38;
	[tilespmem:$0x186A0] =	vst v63  }
0x8: {  	s13 =	sand.u32 $0x1, s8;
	s30 =	sshll.u32 s0, $0x1;
	_ =	swait.ge [sflag:s5], $0x1388  }
0x9: {  	s8 =	sor.u32 s13, s30;
	[sflag:s5] =	ssyncset.done $0x0  }
0xa: {  	s12 =	smul.u32 $0x2710, s8;
	s7 =	sadd.s32 s7, s2;
	[sflag:s5] =	ssyncadd.s32 $0xFFFFEC78  }
0xb: {  	[spmem:s7] =	stream.linear.scatter [tilespmem:s6], [sflag:$0x2], $0x1388, $0x38;
	[tilespmem:$0x186A0] =	vst v63  }
0xc: {  	_ =	swait.ge [sflag:s5], $0x1388  }
0xd: {  	s8 =	sshrl.u32 s12, $0x3;
	[sflag:s5] =	ssyncset.done $0x0  }
0xe: {  	s14 =	sadd.s32 s8, s11;
	[sflag:s5] =	ssyncadd.s32 $0xFFFFEC78  }
0xf: {  	s8 =	sadd.s32 $0x1F040, s14;
	[bflag:$0x0] =	sbarrier.arrive $0xFFFF  }
0x10: {  	[tilespmem:s3], [sflag:$0x2] =	stream.linear.gather [hbm4b:s8+s3], $0x2710, $0x38;
	[tilespmem:$0x186A0] =	vst v63  }
0x11: {  	_ =	swait.ge [sflag:s5], $0x2710  }
0x12: {  	[sflag:s5] =	ssyncset.done $0x0  }
0x13: {  	s9 =	simm.s32 $0x2710;
	s10 =	simm.s32 $0x1;
	[sflag:s5] =	ssyncadd.s32 $0xFFFFD8F0  }
0x14: {  	[tilespmem:s9], [sflag:$0x1] =	stream.indirect.gather [spmem:s2], $0x8, s3, s9, $0xb8;
	[tilespmem:$0x186A0] =	vst v63  }
0x15: {  	_ =	swait.ge [sflag:s10], $0x13880  }
0x16: {  	s15 =	sadd.s32 s12, s11;
	[sflag:s10] =	ssyncset.done $0x0  }
0x17: {  	s11 =	sadd.s32 $0xA4000, s15;
	[sflag:s10] =	ssyncadd.s32 $0xFFFEC780  }
0x18: {  	[hbm4b:s11+s3] =	stream.linear.scatter [tilespmem:s9], [sflag:$0x2], $0x13880, $0x38;
	[tilespmem:$0x186A0] =	vst v63  }
0x19: {  	_ =	swait.ge [sflag:s5], $0x13880  }
0x1a: {  	[sflag:s5] =	ssyncset.done $0x0  }
0x1b: {  	s13 =	ssub.s32 $0x2, s13;
	s12 =	sadd.s32 $0x15400, s14;
	[sflag:s5] =	ssyncadd.s32 $0xFFFEC780  }
0x1c: {  	[tilespmem:s3], [sflag:$0x2] =	stream.linear.gather [hbm4b:s12+s3], $0x2710, $0x38;
	[tilespmem:$0x186A0] =	vst v63  }
0x1d: {  	s31 =	sshrl.u32 s13, $0x1;
	_ =	swait.ge [sflag:s5], $0x2710  }
0x1e: {  	s14 =	ssub.s32 s13, s31;
	[sflag:s5] =	ssyncset.done $0x0  }
0x1f: {  	s14 =	smax.u32 s14, $0x1;
	[sflag:s5] =	ssyncadd.s32 $0xFFFFD8F0  }
0x20: {  	[tilespmem:s9], [sflag:$0x1] =	stream.indirect.gather [spmem:s2], $0x8, s3, s9, $0xb8;
	[tilespmem:$0x186A0] =	vst v63  }
0x21: {  	p0 =	sne.s32 s14, $0x1;
	_ =	swait.ge [sflag:s10], $0x13880  }
.Ltmp0:
0x22: {  	[sflag:s10] =	ssyncset.done $0x0;
	(pc) =	sbr.rel @!p0 .LBB2_2-.Ltmp0, $4  }
0x23: {  	s13 =	sadd.s32 $0x141C00, s15;
	[sflag:s10] =	ssyncadd.s32 $0xFFFEC780  }
0x24: {  	[hbm4b:s13+s3] =	stream.linear.scatter [tilespmem:s9], [sflag:$0x2], $0x13880, $0x38;
	[tilespmem:$0x186A0] =	vst v63  }
0x25: {  	_ =	swait.ge [sflag:s5], $0x13880  }
0x26: {  	s14 =	sadd.s32 $0xFFFFFFFF, s14;
	[sflag:s5] =	ssyncset.done $0x0  }
.LBB2_1:
0x27: {  	p0 =	sne.s32 s14, $0x1;
	s14 =	sadd.s32 $0xFFFFFFFF, s14;
	[sflag:s5] =	ssyncadd.s32 $0xFFFEC780  }
0x28: {  	[tilespmem:s6], [sflag:$0x2] =	stream.linear.gather [hbm4b:s4+s3], $0x1388, $0x38;
	[tilespmem:$0x186A0] =	vst v63  }
0x29: {  	_ =	swait.ge [sflag:s5], $0x1388  }
0x2a: {  	[sflag:s5] =	ssyncset.done $0x0  }
0x2b: {  	[sflag:s5] =	ssyncadd.s32 $0xFFFFEC78  }
0x2c: {  	[spmem:s7] =	stream.linear.scatter [tilespmem:s6], [sflag:$0x2], $0x1388, $0x38;
	[tilespmem:$0x186A0] =	vst v63  }
0x2d: {  	_ =	swait.ge [sflag:s5], $0x1388  }
0x2e: {  	[sflag:s5] =	ssyncset.done $0x0  }
0x2f: {  	[sflag:s5] =	ssyncadd.s32 $0xFFFFEC78  }
0x30: {  	[bflag:$0x0] =	sbarrier.arrive $0xFFFF  }
0x31: {  	[tilespmem:s3], [sflag:$0x2] =	stream.linear.gather [hbm4b:s8+s3], $0x2710, $0x38;
	[tilespmem:$0x186A0] =	vst v63  }
0x32: {  	_ =	swait.ge [sflag:s5], $0x2710  }
0x33: {  	[sflag:s5] =	ssyncset.done $0x0  }
0x34: {  	[sflag:s5] =	ssyncadd.s32 $0xFFFFD8F0  }
0x35: {  	[tilespmem:s9], [sflag:$0x1] =	stream.indirect.gather [spmem:s2], $0x8, s3, s9, $0xb8;
	[tilespmem:$0x186A0] =	vst v63  }
0x36: {  	_ =	swait.ge [sflag:s10], $0x13880  }
0x37: {  	[sflag:s10] =	ssyncset.done $0x0  }
0x38: {  	[sflag:s10] =	ssyncadd.s32 $0xFFFEC780  }
0x39: {  	[hbm4b:s11+s3] =	stream.linear.scatter [tilespmem:s9], [sflag:$0x2], $0x13880, $0x38;
	[tilespmem:$0x186A0] =	vst v63  }
0x3a: {  	_ =	swait.ge [sflag:s5], $0x13880  }
0x3b: {  	[sflag:s5] =	ssyncset.done $0x0  }
0x3c: {  	[sflag:s5] =	ssyncadd.s32 $0xFFFEC780  }
0x3d: {  	[tilespmem:s3], [sflag:$0x2] =	stream.linear.gather [hbm4b:s12+s3], $0x2710, $0x38;
	[tilespmem:$0x186A0] =	vst v63  }
0x3e: {  	_ =	swait.ge [sflag:s5], $0x2710  }
0x3f: {  	[sflag:s5] =	ssyncset.done $0x0  }
0x40: {  	[sflag:s5] =	ssyncadd.s32 $0xFFFFD8F0  }
0x41: {  	[tilespmem:s9], [sflag:$0x1] =	stream.indirect.gather [spmem:s2], $0x8, s3, s9, $0xb8;
	[tilespmem:$0x186A0] =	vst v63  }
0x42: {  	_ =	swait.ge [sflag:s10], $0x13880  }
.Ltmp1:
0x43: {  	[sflag:s10] =	ssyncset.done $0x0;
	(pc) =	sbr.rel @p0 .LBB2_1-.Ltmp1, $4  }
0x44: {  	[sflag:s10] =	ssyncadd.s32 $0xFFFEC780  }
0x45: {  	[hbm4b:s13+s3] =	stream.linear.scatter [tilespmem:s9], [sflag:$0x2], $0x13880, $0x38;
	[tilespmem:$0x186A0] =	vst v63  }
0x46: {  	_ =	swait.ge [sflag:s5], $0x13880  }
0x47: {  	[sflag:s5] =	ssyncset.done $0x0  }
.LBB2_2:
0x48: {  	[sflag:s5] =	ssyncadd.s32 $0xFFFEC780  }
0x49: {  	_ =	sfence.sel $0x180000  }
0x4a: {  	[bflag:$0x0] =	sbarrier.arrive $0xFFFF  }
0x4b: {  	p0 =	sne.s32 s0, $0x0;
	_ =	strace $0x90000065  }
0x4c: {  	s0 =	sadd.s32 @!p0 $0x100000, s1;
	[bflag:$0x2] =	sbarrier.arrive $0xFFFF  }
0x4d: {  	[sflag:s0] =	ssyncadd.tile.s32 @!p0 $0x1;
	_ =	shalt  }
.Lfunc_end2:
_tile_overlayer_lowered:
.L_overlay_start_2:
0x4e: {  	(tag) =	ssettag $0x2  }
0x4f: {  	s0 =	rddreg [dreg:$0x0];
	s2 =	stileid.u32  }
0x50: {  	s1 =	rddreg [dreg:$0x1];
	p0 =	sne.s32 s2, $0x0  }
0x51: {  	s3 =	rddreg [dreg:$0x2];
	[bflag:$0x3] =	sbarrier.arrive $0xFFFF;
	s2 =	simm.s32 @!p0 $0x1C02  }
0x52: {  	[timem:s3], [sflag:s2] =	dma.local @!p0 [hbm:s0], s1  }
0x53: {  	s0 =	simm.s32 @!p0 $0x2  }
0x54: {  	_ =	swait.ge @!p0 [sflag:s0], s1  }
0x55: {  	s1 =	ssub.s32 @!p0 $0x0, s1;
	[sflag:s0] =	ssyncset.done @!p0 $0x0  }
0x56: {  	[sflag:s0] =	ssyncadd.s32 @!p0 s1  }
0x57: {  	[bflag:$0x3] =	sbarrier.arrive $0xFFFF  }
0x58: {  	_ =	shalt  }

// kernel: kernel.62.cloned.1.call-start
scs
__scs_entry_jumppad:
0x0: {  	(pc) =	sbr.rel $0x88, $3  }
0x1: {  	(tag) =	ssettag $0x0;
	lr =	simm.s32 $0x1  }
0x2: {  	[smem:$0x3F60] =	sst lr;
	_ =	strace $0xD0000000  }
0x3: {  	_ = 	snop  }
0x4: {  	_ = 	snop  }
0x5: {  	_ = 	snop  }
0x6: {  	_ = 	snop  }
0x7: {  	_ = 	snop  }
__scs_overlays_trampoline_lowered:
0x8: {  	[smem:$0x3F6F] =	sst s0  }
0x9: {  	[smem:$0x3F70] =	sst s1  }
0xa: {  	[smem:$0x3F71] =	sst s2  }
0xb: {  	[smem:$0x3F72] =	sst s3  }
0xc: {  	[smem:$0x3F73] =	sst s4  }
0xd: {  	[smem:$0x3F74] =	sst s5  }
0xe: {  	[smem:$0x3F75] =	sst s6  }
0xf: {  	[smem:$0x3F76] =	sst s7  }
0x10: {  	[smem:$0x3F77] =	sst s8  }
0x11: {  	[smem:$0x3F78] =	sst s9;
	s0 =	simm.s32 @!p0 $0x0  }
0x12: {  	s1 =	sld [smem:$0x3F5E];
	s0 =	simm.s32 @p0 $0x1  }
0x13: {  	[smem:$0x3F79] =	sst s0;
	s0 =	simm.s32 @!p1 $0x0  }
0x14: {  	s2 =	sld [smem:$0x3F5D];
	s0 =	simm.s32 @p1 $0x1  }
0x15: {  	[smem:$0x3F7A] =	sst s0;
	s0 =	simm.s32 @!p2 $0x0  }
0x16: {  	s3 =	sld [smem:$0x3FDB];
	s0 =	simm.s32 @p2 $0x1  }
0x17: {  	s4 =	simm.s32 $0x1BF5;
	[smem:$0x3F7C] =	sst s0  }
0x18: {  	s0 =	sld [smem:$0x3F5F];
	_ =	swait.ge [sflag:s4], $0x0  }
0x19: {  	s7 =	sld [smem:$0x3F60]  }
0x1a: {  	s8 =	sadd.s32 $0xFFFFE003, lr  }
0x1b: {  	s9 =	sadd.s32 $0xFFFFFEF7, lr;
	s5 =	simm.s32 $0xFFFFFFFF;
	p2 =	slt.u32 s8, $0xFFFFF086  }
0x1c: {  	p1 =	slt.u32 s9, $0xF7A;
	s5 =	simm.s32 @!p2 $0x0  }
0x1d: {  	s5 =	simm.s32 @p1 $0x1;
	p0 =	seq.s32 s7, s2  }
0x1e: {  	s7 =	smul.u32 @!p0 $0xF7A, s2;
	p2 =	seq.s32 @!p0 s5, $0x0  }
0x1f: {  	s9 =	smul.u32 $0xF7A, s1;
	s8 =	simm.s32 @!p0 $0x1BF5;
	p2 =	por !p2, p0  }
0x20: {  	[sflag:s8] =	ssyncset.s32 @!p0 $0xFFFFF086;
	s6 =	sadd.s32 @!p0 s3, s7;
	s7 =	simm.s32 @!p0 $0x108  }
0x21: {  	s3 =	sadd.s32 s3, s9;
	s6 =	sadd.s32 @!p0 $0x88, s6;
	s7 =	simm.s32 @p2 $0x1082  }
0x22: {  	[simem:s7], [sflag:s8] =	dma.local @!p0 [hbm:s6], $0xF7A  }
0x23: {  	s9 =	sor.u32 $0xD0000000, s2;
	s6 =	simm.s32 $0x108;
	_ =	swait.ge @!p0 [sflag:s8], $0x0  }
0x24: {  	s3 =	sadd.s32 $0x88, s3;
	s6 =	simm.s32 @!p1 $0x1082;
	[sflag:s4] =	ssyncset.s32 $0xFFFFF086  }
0x25: {  	[simem:s6], [sflag:s4] =	dma.local [hbm:s3], $0xF7A  }
0x26: {  	[smem:$0x3F60] =	sst s1;
	(tag) =	ssettag s2;
	_ =	strace s9  }
0x27: {  	s1 =	sld [smem:$0x3F70]  }
0x28: {  	s2 =	sld [smem:$0x3F71]  }
0x29: {  	s4 =	sld [smem:$0x3F73]  }
0x2a: {  	p0 =	seq.s32 s5, $0x0;
	s5 =	sld [smem:$0x3F74]  }
0x2b: {  	s6 =	sld [smem:$0x3F75]  }
0x2c: {  	s7 =	sld [smem:$0x3F76]  }
0x2d: {  	s3 =	simm.s32 $0x108;
	s8 =	sld [smem:$0x3F77]  }
0x2e: {  	s3 =	simm.s32 @!p0 $0x1082;
	s9 =	sld [smem:$0x3F78]  }
0x2f: {  	lr =	sadd.s32 s0, s3;
	s0 =	sld [smem:$0x3F6F]  }
0x30: {  	s3 =	sld [smem:$0x3F72]  }
0x31: {  	[smem:$0x3F7B] =	sst s10  }
0x32: {  	s10 =	sld [smem:$0x3F79];
	_ =	sdelay $0x3  }
0x33: {  	p0 =	seq.s32 s10, $0x1;
	s10 =	sld [smem:$0x3F7B];
	_ =	sdelay $0x3  }
0x34: {  	[smem:$0x3F7B] =	sst s10  }
0x35: {  	s10 =	sld [smem:$0x3F7A];
	_ =	sdelay $0x3  }
0x36: {  	p1 =	seq.s32 s10, $0x1;
	s10 =	sld [smem:$0x3F7B];
	_ =	sdelay $0x3  }
0x37: {  	[smem:$0x3F7B] =	sst s10  }
0x38: {  	s10 =	sld [smem:$0x3F7C]  }
0x39: {  	_ = 	snop;
	(pc) =	sbr.ind lr, $3  }
0x3a: {  	_ = 	snop  }
0x3b: {  	_ = 	snop  }
0x3c: {  	p2 =	seq.s32 s10, $0x1;
	s10 =	sld [smem:$0x3F7B]  }
0x3d: {  	_ =	shalt  }
0x3e: {  	_ =	shalt  }
0x3f: {  	_ =	shalt  }
0x40: {  	_ =	shalt  }
0x41: {  	_ =	shalt  }
0x42: {  	_ =	shalt  }
0x43: {  	_ =	shalt  }
0x44: {  	_ =	shalt  }
0x45: {  	_ =	shalt  }
0x46: {  	_ =	shalt  }
0x47: {  	_ =	shalt  }
0x48: {  	_ =	shalt  }
0x49: {  	_ =	shalt  }
0x4a: {  	_ =	shalt  }
0x4b: {  	_ =	shalt  }
0x4c: {  	_ =	shalt  }
0x4d: {  	_ =	shalt  }
0x4e: {  	_ =	shalt  }
0x4f: {  	_ =	shalt  }
0x50: {  	_ =	shalt  }
0x51: {  	_ =	shalt  }
0x52: {  	_ =	shalt  }
0x53: {  	_ =	shalt  }
0x54: {  	_ =	shalt  }
0x55: {  	_ =	shalt  }
0x56: {  	_ =	shalt  }
0x57: {  	_ =	shalt  }
0x58: {  	_ =	shalt  }
0x59: {  	_ =	shalt  }
0x5a: {  	_ =	shalt  }
0x5b: {  	_ =	shalt  }
0x5c: {  	_ =	shalt  }
0x5d: {  	_ =	shalt  }
0x5e: {  	_ =	shalt  }
0x5f: {  	_ =	shalt  }
0x60: {  	_ =	shalt  }
0x61: {  	_ =	shalt  }
0x62: {  	_ =	shalt  }
0x63: {  	_ =	shalt  }
0x64: {  	_ =	shalt  }
0x65: {  	_ =	shalt  }
0x66: {  	_ =	shalt  }
0x67: {  	_ =	shalt  }
0x68: {  	_ =	shalt  }
0x69: {  	_ =	shalt  }
0x6a: {  	_ =	shalt  }
0x6b: {  	_ =	shalt  }
0x6c: {  	_ =	shalt  }
0x6d: {  	_ =	shalt  }
0x6e: {  	_ =	shalt  }
0x6f: {  	_ =	shalt  }
0x70: {  	_ =	shalt  }
0x71: {  	_ =	shalt  }
0x72: {  	_ =	shalt  }
0x73: {  	_ =	shalt  }
0x74: {  	_ =	shalt  }
0x75: {  	_ =	shalt  }
0x76: {  	_ =	shalt  }
0x77: {  	_ =	shalt  }
0x78: {  	_ =	shalt  }
0x79: {  	_ =	shalt  }
0x7a: {  	_ =	shalt  }
0x7b: {  	_ =	shalt  }
0x7c: {  	_ =	shalt  }
0x7d: {  	_ =	shalt  }
0x7e: {  	_ =	shalt  }
0x7f: {  	_ =	shalt  }
0x80: {  	_ =	shalt  }
0x81: {  	_ =	shalt  }
0x82: {  	_ =	shalt  }
0x83: {  	_ =	shalt  }
0x84: {  	_ =	shalt  }
0x85: {  	_ =	shalt  }
0x86: {  	_ =	shalt  }
0x87: {  	_ =	shalt  }
.Lfunc_end0:
.L_simem_size_0:
called_computation.11_lowered:
.L_overlay_start_0:
0x88: {  	s2 =	sld [smem:$0x3FD9]  }
0x89: {  	s3 =	sld [smem:$0x3FFE];
	_ =	sdelay $0x1  }
0x8a: {  	s1 =	srdreg.scid  }
0x8b: {  	s0 =	sand.u32 $0x1, s1  }
0x8c: {  	s16 =	sshll.u32 s0, $0xA;
	s2 =	sadd.s32 s3, s2  }
0x8d: {  	s2 =	sadd.s32 s2, s16  }
0x8e: {  	[smem:$0x3F87] =	sst s2  }
0x8f: {  	_ = 	snop  }
0x90: {  	(tm) =	ssettm $0x1  }
0x91: {  	s17 =	sld [smem:$0x3FFB];
	_ =	sdelay $0x3  }
0x92: {  	_ =	strace s17  }
0x93: {  	s2 =	sld [smem:$0x3FFC];
	_ =	sdelay $0x3  }
0x94: {  	_ =	strace s2  }
0x95: {  	s2 =	sld [smem:$0x3FFD];
	_ =	sdelay $0x3  }
0x96: {  	_ =	strace s2  }
0x97: {  	_ =	strace $0x8FFFFFFF  }
0x98: {  	s18 =	sld [smem:$0x3FDB];
	_ =	sdelay $0x1  }
0x99: {  	s19 =	simm.s32 $_scs_section_size  }
0x9a: {  	s4 =	simm.s32 $_size__tile_overlayer_lowered;
	s5 =	simm.s32 $_tile_overlayer_lowered  }
0x9b: {  	s22 =	simm.s32 $0x1BFF;
	s21 =	sshll.u32 s5, $0x1;
	s2 =	sadd.s32 s19, s18  }
0x9c: {  	s6 =	simm.s32 $0x0;
	s20 =	sshll.u32 s4, $0x1;
	s4 =	sadd.s32 s21, s2  }
0x9d: {  	[timem:s6], [sflag:s22] =	dma.local [hbm:s4], s20  }
0x9e: {  	_ =	swait.ge [sflag:s22], s20  }
0x9f: {  	s3 =	ssub.s32 $0x0, s20;
	[sflag:s22] =	ssyncset.done $0x0  }
0xa0: {  	[sflag:s22] =	ssyncadd.s32 s3;
	_ =	sdelay $0x1  }
0xa1: {  	s23 =	simm.s32 $0x1B8B  }
0xa2: {  	_ =	swait.ge [sflag:s23], $0x1  }
0xa3: {  	[sflag:s23] =	ssyncset.done $0x0  }
0xa4: {  	s25 =	simm.s32 $0x1B8E;
	s24 =	sld [smem:$0x3FFE];
	[sflag:s23] =	ssyncadd.s32 $0xFFFFFFFF  }
0xa5: {  	s26 =	simm.s32 $execute0_lowered;
	[smem:$0x3FD2] =	sst s25  }
0xa6: {  	s4 =	sshll.u32 s26, $0x1;
	_ =	strace $0x80000067;
	[dreg:$0x1] =	wrdreg $0xFFFFFFFF  }
0xa7: {  	s28 =	simm.s32 $_size_execute0_lowered;
	s2 =	sadd.s32 s2, s4;
	[dreg:$0x0] =	wrdreg $0x0  }
0xa8: {  	s4 =	sshll.u32 s28, $0x1;
	[dreg:$0x2] =	wrdreg s2  }
0xa9: {  	[dreg:$0x3] =	wrdreg s4  }
0xaa: {  	[dreg:$0x4] =	wrdreg $0xC0  }
0xab: {  	_ =	task [dreg:s6], $0x5FFFF  }
0xac: {  	[dreg:$0x1] =	wrdreg $0xFFFFFFFF  }
0xad: {  	[dreg:$0x0] =	wrdreg $0x60  }
0xae: {  	[dreg:$0x2] =	wrdreg s24  }
0xaf: {  	[dreg:$0x3] =	wrdreg $0x173180  }
0xb0: {  	[dreg:$0x4] =	wrdreg $0x9  }
0xb1: {  	_ =	task.clear_ibuf [dreg:s6], $0x5FFFF;
	_ =	strace $0x90000067  }
0xb2: {  	s29 =	simm.s32 $0x9;
	_ =	strace $0x80000069  }
0xb3: {  	_ =	swait.ge [sflag:s29], $0x1  }
0xb4: {  	[sflag:s29] =	ssyncadd.s32 $0xFFFFFFFF  }
0xb5: {  	_ =	strace $0x90000069  }
0xb6: {  	_ =	sfence  }
0xb7: {  	s30 =	sld [smem:$0x0];
	_ =	sdelay $0x2  }
0xb8: {  	s31 =	sshll.u32 s1, $0xD;
	s1 =	sshrl.u32 s1, $0x2  }
0xb9: {  	s3 =	sand.u32 $0x4000, s31;
	s1 =	sadd.s32 s1, s30  }
0xba: {  	s0 =	sor.u32 s3, s0;
	s1 =	sshll.u32 s1, $0x11  }
0xbb: {  	s0 =	sor.u32 s1, s0  }
0xbc: {  	s0 =	sadd.s32 $0x8F2B, s0  }
0xbd: {  	[sflag:s0] =	ssyncadd.remote.s32 $0x1  }
0xbe: {  	_ =	sfence.sel $0xFFFF  }
0xbf: {  	[dreg:$0x0] =	wrdreg $0xFFFFFFFF;
	(pc) =	sbr.abs _section_cstart, $3  }
0xc0: {  	[dreg:$0x1] =	wrdreg $0xFFFFFFFF  }
0xc1: {  	_ =	task.clear_ibuf [dreg:s6], $0x2FFFF;
	_ =	strace $0x9FFFFFFF  }
0xc2: {  	(tm) =	ssettm $0x7FFFFFFF  }
0xc3: {  	_ =	shalt  }
tec
execute0_lowered:
.L_overlay_start_1:
0x0: {  	(tag) =	ssettag $0x1  }
0x1: {  	s11 =	rddreg [dreg:$0x0];
	s0 =	stileid.u32  }
0x2: {  	s2 =	rddreg [dreg:$0x1];
	s12 =	smul.u32 $0x1388, s0  }
0x3: {  	s1 =	rddreg [dreg:$0x2]  }
0x4: {  	s3 =	simm.s32 $0x0;
	s7 =	srdreg.scid;
	s4 =	sshrl.u32 s12, $0x3  }
0x5: {  	s6 =	simm.s32 $0x15F90;
	[smem:$0x7FF] =	sst s3;
	s4 =	sadd.s32 s4, s11  }
0x6: {  	s5 =	simm.s32 $0x1;
	_ =	strace $0x80000068;
	s4 =	sadd.s32 $0x79800, s4  }
0x7: {  	[tilespmem:s6], [sflag:$0x1] =	stream.linear.gather [hbm4b:s4+s3], $0x1388, $0x38;
	[tilespmem:$0x186A0] =	vst v63  }
0x8: {  	s13 =	sand.u32 $0x1, s7;
	s28 =	sshll.u32 s0, $0x1;
	_ =	swait.ge [sflag:s5], $0x1388  }
0x9: {  	s7 =	sor.u32 s13, s28;
	[sflag:s5] =	ssyncset.done $0x0  }
0xa: {  	s9 =	smul.u32 $0x2710, s7;
	s7 =	sadd.s32 s12, s2;
	[sflag:s5] =	ssyncadd.s32 $0xFFFFEC78  }
0xb: {  	[spmem:s7] =	stream.linear.scatter [tilespmem:s6], [sflag:$0x1], $0x1388, $0x38;
	[tilespmem:$0x186A0] =	vst v63  }
0xc: {  	_ =	swait.ge [sflag:s5], $0x1388  }
0xd: {  	s8 =	sshrl.u32 s9, $0x3;
	[sflag:s5] =	ssyncset.done $0x0  }
0xe: {  	s8 =	sadd.s32 s11, s8;
	[sflag:s5] =	ssyncadd.s32 $0xFFFFEC78  }
0xf: {  	s8 =	sadd.s32 $0x1F040, s8;
	[bflag:$0x0] =	sbarrier.arrive $0xFFFF  }
0x10: {  	[tilespmem:s3], [sflag:$0x1] =	stream.linear.gather [hbm4b:s8+s3], $0x2710, $0x38;
	[tilespmem:$0x186A0] =	vst v63  }
0x11: {  	_ =	swait.ge [sflag:s5], $0x2710  }
0x12: {  	s10 =	simm.s32 $0x2710;
	s9 =	sadd.s32 s9, s11;
	[sflag:s5] =	ssyncset.done $0x0  }
0x13: {  	s14 =	smul.u32 $0x13880, s13;
	s9 =	sadd.s32 $0x2B600, s9;
	[sflag:s5] =	ssyncadd.s32 $0xFFFFD8F0  }
0x14: {  	[tilespmem:s10], [sflag:$0x1] =	stream.linear.gather [hbm4b:s9+s3], $0x13880, $0x38;
	[tilespmem:$0x186A0] =	vst v63  }
0x15: {  	s13 =	ssub.s32 $0x2, s13;
	s12 =	sadd.s32 s12, s14;
	_ =	swait.ge [sflag:s5], $0x13880  }
0x16: {  	s29 =	sshrl.u32 s13, $0x1;
	s12 =	sshrl.u32 s12, $0x3;
	[sflag:s5] =	ssyncset.done $0x0  }
0x17: {  	s11 =	sadd.s32 s12, s11;
	s12 =	ssub.s32 s13, s29;
	[sflag:s5] =	ssyncadd.s32 $0xFFFEC780  }
0x18: {  	[spmem:s2] =	stream.indirect.scatter.add.f32 [tilespmem:s10], [sflag:$0x1], $0x8, s3, s10, $0xb8;
	[tilespmem:$0x186A0] =	vst v63  }
0x19: {  	s30 =	smax.u32 s12, $0x1;
	_ =	swait.ge [sflag:s5], $0x13880  }
0x1a: {  	s31 =	sshll.u32 s0, $0x6;
	p0 =	sne.s32 s30, $0x1;
	[sflag:s5] =	ssyncset.done $0x0  }
.Ltmp0:
0x1b: {  	s13 =	sshrl.u32 s7, $0x3;
	[sflag:s5] =	ssyncadd.s32 $0xFFFEC780;
	(pc) =	sbr.rel @!p0 .LBB2_2-.Ltmp0, $4  }
0x1c: {  	s11 =	sadd.s32 $0x7C000, s11;
	s12 =	sor.u32 $0x1C01, s31;
	[bflag:$0x0] =	sbarrier.arrive $0xFFFF  }
0x1d: {  	[hbm:s11], [sflag:s12] =	dma.local [spmem:s13], $0x271  }
0x1e: {  	_ =	swait.ge [sflag:s5], $0x271  }
0x1f: {  	s14 =	sadd.s32 $0xFFFFFFFF, s30;
	[sflag:s5] =	ssyncset.done $0x0  }
.LBB2_1:
0x20: {  	p0 =	sne.s32 s14, $0x1;
	s14 =	sadd.s32 $0xFFFFFFFF, s14;
	[sflag:s5] =	ssyncadd.s32 $0xFFFFFD8F  }
0x21: {  	[tilespmem:s6], [sflag:$0x1] =	stream.linear.gather [hbm4b:s4+s3], $0x1388, $0x38;
	[tilespmem:$0x186A0] =	vst v63  }
0x22: {  	_ =	swait.ge [sflag:s5], $0x1388  }
0x23: {  	[sflag:s5] =	ssyncset.done $0x0  }
0x24: {  	[sflag:s5] =	ssyncadd.s32 $0xFFFFEC78  }
0x25: {  	[spmem:s7] =	stream.linear.scatter [tilespmem:s6], [sflag:$0x1], $0x1388, $0x38;
	[tilespmem:$0x186A0] =	vst v63  }
0x26: {  	_ =	swait.ge [sflag:s5], $0x1388  }
0x27: {  	[sflag:s5] =	ssyncset.done $0x0  }
0x28: {  	[sflag:s5] =	ssyncadd.s32 $0xFFFFEC78  }
0x29: {  	[bflag:$0x0] =	sbarrier.arrive $0xFFFF  }
0x2a: {  	[tilespmem:s3], [sflag:$0x1] =	stream.linear.gather [hbm4b:s8+s3], $0x2710, $0x38;
	[tilespmem:$0x186A0] =	vst v63  }
0x2b: {  	_ =	swait.ge [sflag:s5], $0x2710  }
0x2c: {  	[sflag:s5] =	ssyncset.done $0x0  }
0x2d: {  	[sflag:s5] =	ssyncadd.s32 $0xFFFFD8F0  }
0x2e: {  	[tilespmem:s10], [sflag:$0x1] =	stream.linear.gather [hbm4b:s9+s3], $0x13880, $0x38;
	[tilespmem:$0x186A0] =	vst v63  }
0x2f: {  	_ =	swait.ge [sflag:s5], $0x13880  }
0x30: {  	[sflag:s5] =	ssyncset.done $0x0  }
0x31: {  	[sflag:s5] =	ssyncadd.s32 $0xFFFEC780  }
0x32: {  	[spmem:s2] =	stream.indirect.scatter.add.f32 [tilespmem:s10], [sflag:$0x1], $0x8, s3, s10, $0xb8;
	[tilespmem:$0x186A0] =	vst v63  }
0x33: {  	_ =	swait.ge [sflag:s5], $0x13880  }
0x34: {  	[sflag:s5] =	ssyncset.done $0x0  }
.Ltmp1:
0x35: {  	[sflag:s5] =	ssyncadd.s32 $0xFFFEC780;
	(pc) =	sbr.rel @p0 .LBB2_1-.Ltmp1, $4  }
0x36: {  	[bflag:$0x0] =	sbarrier.arrive $0xFFFF  }
0x37: {  	[hbm:s11], [sflag:s12] =	dma.local [spmem:s13], $0x271  }
0x38: {  	_ =	swait.ge [sflag:s5], $0x271  }
0x39: {  	[sflag:s5] =	ssyncset.done $0x0  }
.LBB2_2:
0x3a: {  	[sflag:s5] =	ssyncadd.s32 $0xFFFFFD8F  }
0x3b: {  	_ =	sfence.sel $0x180000  }
0x3c: {  	[bflag:$0x0] =	sbarrier.arrive $0xFFFF  }
0x3d: {  	p0 =	sne.s32 s0, $0x0;
	_ =	strace $0x90000068  }
0x3e: {  	s0 =	sadd.s32 @!p0 $0x100000, s1;
	[bflag:$0x2] =	sbarrier.arrive $0xFFFF  }
0x3f: {  	[sflag:s0] =	ssyncadd.tile.s32 @!p0 $0x1;
	_ =	shalt  }
.Lfunc_end2:
_tile_overlayer_lowered:
.L_overlay_start_2:
0x40: {  	(tag) =	ssettag $0x2  }
0x41: {  	s0 =	rddreg [dreg:$0x0];
	s2 =	stileid.u32  }
0x42: {  	s1 =	rddreg [dreg:$0x1];
	p0 =	sne.s32 s2, $0x0  }
0x43: {  	s3 =	rddreg [dreg:$0x2];
	[bflag:$0x3] =	sbarrier.arrive $0xFFFF;
	s2 =	simm.s32 @!p0 $0x1C01  }
0x44: {  	[timem:s3], [sflag:s2] =	dma.local @!p0 [hbm:s0], s1  }
0x45: {  	s0 =	simm.s32 @!p0 $0x1  }
0x46: {  	_ =	swait.ge @!p0 [sflag:s0], s1  }
0x47: {  	s1 =	ssub.s32 @!p0 $0x0, s1;
	[sflag:s0] =	ssyncset.done @!p0 $0x0  }
0x48: {  	[sflag:s0] =	ssyncadd.s32 @!p0 s1  }
0x49: {  	[bflag:$0x3] =	sbarrier.arrive $0xFFFF  }
0x4a: {  	_ =	shalt  }

</sc_bundles>
